<compile_context>
chip_gen: v7x
topology: tpu7x:2x2x1
jax: 0.10.2.dev20260603
libtpu: 0.0.44.dev20260713+nightly
codegen_flags: <defaults>
</compile_context>

<pallas_src>
import functools

import jax
import jax.numpy as jnp
from jax import lax
from jax.experimental import pallas as pl
from jax.experimental.pallas import tpu as pltpu
from jax.experimental.pallas import tpu_sc as plsc

N_NODES = 50000
N_EDGES = 800000
N_GRAPHS = 512
VOCAB = 100000
EMB_DIM = 16
TOK_PER_NODE = 4
HIDDEN = 64
OUT_DIM = 1000

NACC = 50176
SLAB = NACC // 16
E_PAD = 819200
EW_PER_TILE = 400
X_PAD = 200704
DW_PER_TILE = 200
NPAIR = NACC // 2

_mesh = plsc.VectorSubcoreMesh(core_axis_name="c", subcore_axis_name="s")
_sc_params = pltpu.CompilerParams(use_tc_tiling_on_sc=False)


@functools.partial(
    pl.kernel,
    mesh=_mesh,
    compiler_params=_sc_params,
    out_type=[
        jax.ShapeDtypeStruct((X_PAD, EMB_DIM), jnp.float32),
        jax.ShapeDtypeStruct((NACC,), jnp.float32),
        jax.ShapeDtypeStruct((NACC,), jnp.float32),
    ],
    scratch_types=[
        pltpu.VMEM((896, EMB_DIM), jnp.float32),
        pltpu.VMEM((7, 128), jnp.int32),
        pltpu.VMEM((8, 128), jnp.int32),
        pltpu.VMEM((128,), jnp.float32),
        pltpu.VMEM((SLAB,), jnp.float32),
        pltpu.VMEM_SHARED((NACC,), jnp.float32),
        pltpu.SemaphoreType.DMA,
    ],
)
def _sc_emb_deg(table, xp, dstp, h0, deg0, deg1, rows, xbuf,
                dstbuf, ones, zbuf, deg_sh, gsem):
    c = lax.axis_index("c")
    s = lax.axis_index("s")
    w = s * 2 + c

    def zf(i, _):
        zbuf[pl.ds(i * 16, 16)] = jnp.zeros((16,), jnp.float32)
        return 0
    lax.fori_loop(0, SLAB // 16, zf, 0)
    for i in range(8):
        ones[pl.ds(i * 16, 16)] = jnp.ones((16,), jnp.float32)
    pltpu.sync_copy(zbuf, deg_sh.at[pl.ds(s * SLAB, SLAB)])
    plsc.subcore_barrier()

    def emb(g, _):
        pltpu.sync_copy(xp.at[pl.ds(w * 49 + g * 7, 7)], xbuf)
        cps = []
        for j in range(7):
            cps.append(pltpu.async_copy(
                table.at[xbuf.at[j]], rows.at[pl.ds(j * 128, 128)], gsem))
        for cp in cps:
            cp.wait()
        pltpu.sync_copy(rows, h0.at[pl.ds(w * 6272 + g * 896, 896)])
        return 0
    lax.fori_loop(0, 7, emb, 0)

    def deg(g, _):
        pltpu.sync_copy(dstp.at[pl.ds(w * DW_PER_TILE + g * 8, 8)], dstbuf)
        for j in range(8):
            pltpu.sync_copy(ones, deg_sh.at[dstbuf.at[j]], add=True)
        return 0
    lax.fori_loop(0, DW_PER_TILE // 8, deg, 0)

    plsc.subcore_barrier()

    @pl.when(c == 0)
    def _():
        pltpu.sync_copy(deg_sh.at[pl.ds(s * SLAB, SLAB)],
                        deg0.at[pl.ds(s * SLAB, SLAB)])

    @pl.when(c == 1)
    def _():
        pltpu.sync_copy(deg_sh.at[pl.ds(s * SLAB, SLAB)],
                        deg1.at[pl.ds(s * SLAB, SLAB)])


_NG = EW_PER_TILE // 2
_NCHUNK = EW_PER_TILE // 8


@functools.partial(
    pl.kernel,
    mesh=_mesh,
    compiler_params=_sc_params,
    out_type=jax.ShapeDtypeStruct((NACC, 2, 32), jnp.float32),
    scratch_types=[
        pltpu.VMEM((16, 128), jnp.int32),
        pltpu.VMEM((16, 128), jnp.int32),
        pltpu.VMEM((4, 128), jnp.int32),
        pltpu.VMEM((4, 128, 32), jnp.float32),
        pltpu.VMEM((196, 32), jnp.float32),
        pltpu.VMEM_SHARED((NACC, 32), jnp.float32),
        pltpu.SemaphoreType.DMA,
        pltpu.SemaphoreType.DMA,
        pltpu.SemaphoreType.DMA,
    ],
)
def _sc_edge(hh, srcp, dstp, acc3, srcb, dstb, idxg, rows, zb, acc_sh,
             gsem, ssem, isem):
    c = lax.axis_index("c")
    s = lax.axis_index("s")
    base = s * EW_PER_TILE

    def zf(r, _):
        zb[r, pl.ds(0, 16)] = jnp.zeros((16,), jnp.float32)
        zb[r, pl.ds(16, 16)] = jnp.zeros((16,), jnp.float32)
        return 0
    lax.fori_loop(0, 196, zf, 0)
    for k in range(16):
        pltpu.sync_copy(zb, acc_sh.at[pl.ds(s * SLAB + k * 196, 196)])
    plsc.subcore_barrier()

    pltpu.sync_copy(srcp.at[pl.ds(base, 8)], srcb.at[pl.ds(0, 8)])
    pltpu.sync_copy(dstp.at[pl.ds(base, 8)], dstb.at[pl.ds(0, 8)])
    pltpu.async_copy(srcp.at[pl.ds(base + 8, 8)], srcb.at[pl.ds(8, 8)], isem)
    pltpu.async_copy(dstp.at[pl.ds(base + 8, 8)], dstb.at[pl.ds(8, 8)], isem)
    for j in range(2):
        for v in range(8):
            sl = pl.ds(v * 16, 16)
            idxg[j, sl] = srcb[j, sl] * 2 + c
    for j in range(2):
        pltpu.async_copy(hh.at[idxg.at[j]], rows.at[j], gsem)

    def step(g, _):
        slot = lax.rem(g, 2)
        sb = slot * 2
        nb = 2 - sb
        pos = lax.rem(g, 4)
        k = g // 4
        kslot = lax.rem(k, 2)

        for j in range(2):
            pltpu.make_async_copy(
                hh.at[idxg.at[sb + j]], rows.at[sb + j], gsem).wait()

        @pl.when((pos == 3) & (g < _NG - 1))
        def _():
            pltpu.make_async_copy(
                srcp.at[pl.ds(base, 8)], srcb.at[pl.ds(0, 8)], isem).wait()
            pltpu.make_async_copy(
                dstp.at[pl.ds(base, 8)], dstb.at[pl.ds(0, 8)], isem).wait()

        @pl.when(g < _NG - 1)
        def _():
            for j in range(2):
                w = (g + 1) * 2 + j
                r = lax.rem(w, 16)
                for v in range(8):
                    sl = pl.ds(v * 16, 16)
                    idxg[nb + j, sl] = srcb[r, sl] * 2 + c
            for j in range(2):
                pltpu.async_copy(hh.at[idxg.at[nb + j]], rows.at[nb + j],
                                 gsem)

        scs = []
        for j in range(2):
            w = g * 2 + j
            scs.append(pltpu.async_copy(
                rows.at[sb + j], acc_sh.at[dstb.at[lax.rem(w, 16)]], ssem,
                add=True))
        for cp in scs:
            cp.wait()

        @pl.when((pos == 3) & (k + 2 < _NCHUNK))
        def _():
            pltpu.async_copy(srcp.at[pl.ds(base + (k + 2) * 8, 8)],
                             srcb.at[pl.ds(kslot * 8, 8)], isem)
            pltpu.async_copy(dstp.at[pl.ds(base + (k + 2) * 8, 8)],
                             dstb.at[pl.ds(kslot * 8, 8)], isem)
        return 0
    lax.fori_loop(0, _NG, step, 0)

    plsc.subcore_barrier()
    pltpu.sync_copy(acc_sh.at[pl.ds(s * SLAB, SLAB)],
                    acc3.at[pl.ds(s * SLAB, SLAB), c])


_BP = 512
_GRID = NPAIR // _BP


def _dinv_pair(d_ref, e_ref):
    d2 = lax.rsqrt(d_ref[...] + e_ref[...] + 1.0)
    return jnp.concatenate(
        [jnp.broadcast_to(d2[:, 0:1], (_BP, HIDDEN)),
         jnp.broadcast_to(d2[:, 1:2], (_BP, HIDDEN))], axis=1)


def _tc_k1(h0_ref, d_ref, e_ref, w_ref, o_ref):
    hw = jnp.dot(h0_ref[...], w_ref[...], preferred_element_type=jnp.float32)
    o_ref[...] = hw * _dinv_pair(d_ref, e_ref)


def _tc_k2(acc_ref, hwp_ref, d_ref, e_ref, w_ref, b_ref, o_ref):
    dinv = _dinv_pair(d_ref, e_ref)
    h1 = jnp.maximum((acc_ref[...] + hwp_ref[...]) * dinv + b_ref[...], 0.0)
    hw = jnp.dot(h1, w_ref[...], preferred_element_type=jnp.float32)
    o_ref[...] = hw * dinv


def _tc_k3(acc_ref, hwp_ref, d_ref, e_ref, b_ref, bat_ref, w3_ref,
           b3_ref, o_ref, pooled):
    i = pl.program_id(0)

    @pl.when(i == 0)
    def _():
        pooled[...] = jnp.zeros((N_GRAPHS, HIDDEN), jnp.float32)

    dinv = _dinv_pair(d_ref, e_ref)
    h2 = jnp.maximum((acc_ref[...] + hwp_ref[...]) * dinv + b_ref[...], 0.0)
    pr = i * _BP + lax.broadcasted_iota(jnp.int32, (_BP, 1), 0)
    gid = lax.broadcasted_iota(jnp.int32, (_BP, N_GRAPHS), 1)
    bat = bat_ref[...]
    sel_e = jnp.where((bat[:, 0:1] == gid) & (2 * pr < N_NODES), 1.0, 0.0)
    sel_o = jnp.where((bat[:, 1:2] == gid) & (2 * pr + 1 < N_NODES), 1.0, 0.0)
    pooled[...] += (
        lax.dot_general(sel_e, h2[:, :HIDDEN], (((0,), (0,)), ((), ())),
                        preferred_element_type=jnp.float32)
        + lax.dot_general(sel_o, h2[:, HIDDEN:], (((0,), (0,)), ((), ())),
                          preferred_element_type=jnp.float32))

    @pl.when(i == _GRID - 1)
    def _():
        o_ref[...] = lax.dot_general(
            pooled[...], w3_ref[...], (((1,), (1,)), ((), ())),
            preferred_element_type=jnp.float32) + b3_ref[...]


_pair_spec = pl.BlockSpec((_BP, 128), lambda i: (i, 0))
_d2_spec = pl.BlockSpec((_BP, 2), lambda i: (i, 0))
_w_spec = pl.BlockSpec((128, 128), lambda i: (0, 0))
_b_spec = pl.BlockSpec((1, 128), lambda i: (0, 0))
_pair_shape = jax.ShapeDtypeStruct((NPAIR, 128), jnp.float32)


def _run_tc_k1(h0p, dp0, dp1, Wbd):
    return pl.pallas_call(
        _tc_k1,
        grid=(_GRID,),
        in_specs=[_pair_spec, _d2_spec, _d2_spec, _w_spec],
        out_specs=_pair_spec,
        out_shape=_pair_shape,
    )(h0p, dp0, dp1, Wbd)


def _run_tc_k2(accp, hwp, dp0, dp1, Wbd, bp):
    return pl.pallas_call(
        _tc_k2,
        grid=(_GRID,),
        in_specs=[_pair_spec, _pair_spec, _d2_spec, _d2_spec, _w_spec,
                  _b_spec],
        out_specs=_pair_spec,
        out_shape=_pair_shape,
    )(accp, hwp, dp0, dp1, Wbd, bp)


def _run_tc_k3(accp, hwp, dp0, dp1, bp, batp, W3, b3):
    return pl.pallas_call(
        _tc_k3,
        grid=(_GRID,),
        in_specs=[_pair_spec, _pair_spec, _d2_spec, _d2_spec, _b_spec,
                  _d2_spec,
                  pl.BlockSpec((OUT_DIM, HIDDEN), lambda i: (0, 0)),
                  pl.BlockSpec((1, OUT_DIM), lambda i: (0, 0))],
        out_specs=pl.BlockSpec((N_GRAPHS, OUT_DIM), lambda i: (0, 0)),
        out_shape=jax.ShapeDtypeStruct((N_GRAPHS, OUT_DIM), jnp.float32),
        scratch_shapes=[pltpu.VMEM((N_GRAPHS, HIDDEN), jnp.float32)],
    )(accp, hwp, dp0, dp1, bp, batp, W3, b3)


def _blockdiag2(W):
    z = jnp.zeros((HIDDEN, HIDDEN), jnp.float32)
    return jnp.concatenate(
        [jnp.concatenate([W, z], axis=1),
         jnp.concatenate([z, W], axis=1)], axis=0)


def kernel(x, edge_index, batch, table, W1, b1, W2, b2, W3, b3):
    x = x.astype(jnp.int32)
    src = edge_index[0].astype(jnp.int32)
    dst = edge_index[1].astype(jnp.int32)
    batch = batch.astype(jnp.int32)

    npx = X_PAD - N_NODES * TOK_PER_NODE
    pad_x = (jnp.arange(npx, dtype=jnp.int32) * 9973) % VOCAB
    xp = jnp.concatenate([x.reshape(-1), pad_x]).reshape(X_PAD // 128, 128)

    ne_pad = E_PAD - N_EDGES
    pad_src = (jnp.arange(ne_pad, dtype=jnp.int32) * 37) % N_NODES
    pad_dst = N_NODES + (jnp.arange(ne_pad, dtype=jnp.int32) % (NACC - N_NODES))
    srcp = jnp.concatenate([src, pad_src]).reshape(E_PAD // 128, 128)
    dstp = jnp.concatenate([dst, pad_dst]).reshape(E_PAD // 128, 128)

    batp = jnp.concatenate(
        [batch, jnp.zeros((NACC - N_NODES,), jnp.int32)]).reshape(NPAIR, 2)

    h0, deg0, deg1 = _sc_emb_deg(table, xp, dstp)
    h0p = h0.reshape(NPAIR, 128)
    dp0 = deg0.reshape(NPAIR, 2)
    dp1 = deg1.reshape(NPAIR, 2)

    Wbd1 = _blockdiag2(W1)
    Wbd2 = _blockdiag2(W2)
    bp1 = jnp.concatenate([b1, b1]).reshape(1, 128)
    bp2 = jnp.concatenate([b2, b2]).reshape(1, 128)

    hwp1 = _run_tc_k1(h0p, dp0, dp1, Wbd1)
    acc = _sc_edge(hwp1.reshape(2 * NACC, 32), srcp, dstp)
    hwp2 = _run_tc_k2(acc.reshape(NPAIR, 128), hwp1, dp0, dp1, Wbd2, bp1)
    acc = _sc_edge(hwp2.reshape(2 * NACC, 32), srcp, dstp)
    out = _run_tc_k3(acc.reshape(NPAIR, 128), hwp2, dp0, dp1, bp2, batp, W3,
                     b3.reshape(1, OUT_DIM))
    return out

# --- scband reference (transcript-rebuilt; emitter-appended) ---
"""Pipeline reference for scband-gnn-53446573031651 (READ-ONLY COPY).

The authoritative reference and input builder live on the scoring server;
editing this copy changes nothing except your own understanding.
"""

import jax, jax.numpy as jnp
import numpy as np

N_NODES = 50000
N_EDGES = 800000
N_GRAPHS = 512
VOCAB = 100000
EMB_DIM = 16
TOK_PER_NODE = 4
HIDDEN = 64
OUT_DIM = 1000


def setup_inputs(seed: int = 0) -> dict:
    key = jax.random.key(seed)
    ks = jax.random.split(key, 10)
    x = jax.random.randint(ks[0], (N_NODES, TOK_PER_NODE), 0, VOCAB, dtype=jnp.int64 if jax.config.jax_enable_x64 else jnp.int32)
    edge_index = jax.random.randint(ks[1], (2, N_EDGES), 0, N_NODES, dtype=jnp.int64 if jax.config.jax_enable_x64 else jnp.int32)
    batch = jnp.sort(jax.random.randint(ks[2], (N_NODES,), 0, N_GRAPHS, dtype=jnp.int64 if jax.config.jax_enable_x64 else jnp.int32))
    table = jax.random.normal(ks[3], (VOCAB, EMB_DIM), dtype=jnp.float32) * 0.05
    d_in = EMB_DIM * TOK_PER_NODE
    W1 = jax.random.normal(ks[4], (d_in, HIDDEN), dtype=jnp.float32) * (1.0 / np.sqrt(d_in))
    b1 = jnp.zeros((HIDDEN,), dtype=jnp.float32)
    W2 = jax.random.normal(ks[5], (HIDDEN, HIDDEN), dtype=jnp.float32) * (1.0 / np.sqrt(HIDDEN))
    b2 = jnp.zeros((HIDDEN,), dtype=jnp.float32)
    W3 = jax.random.normal(ks[6], (OUT_DIM, HIDDEN), dtype=jnp.float32) * (1.0 / np.sqrt(HIDDEN))
    b3 = jnp.zeros((OUT_DIM,), dtype=jnp.float32)
    return {"x": x, "edge_index": edge_index, "batch": batch, "table": table,
            "W1": W1, "b1": b1, "W2": W2, "b2": b2, "W3": W3, "b3": b3}


def _gcn_conv(h, src, dst, W, b, num_nodes):
    # GCNConv: h' = D^{-1/2} (A + I) D^{-1/2} (h W) + b
    hw = h @ W
    loop = jnp.arange(num_nodes, dtype=src.dtype)
    s = jnp.concatenate([src, loop])
    d = jnp.concatenate([dst, loop])
    ones = jnp.ones(s.shape[0], dtype=hw.dtype)
    deg = jax.ops.segment_sum(ones, d, num_segments=num_nodes)
    dinv = jnp.where(deg > 0, jax.lax.rsqrt(jnp.maximum(deg, 1e-12)), 0.0)
    norm = dinv[s] * dinv[d]
    msgs = hw[s] * norm[:, None]
    out = jax.ops.segment_sum(msgs, d, num_segments=num_nodes)
    return out + b


def reference(x, edge_index, batch, table, W1, b1, W2, b2, W3, b3):
    # embedding lookup then flatten per node: [N, TOK*EMB]
    emb = jnp.take(table, x, axis=0)
    h = emb.reshape(emb.shape[0], -1)
    src, dst = edge_index[0], edge_index[1]
    h = jax.nn.relu(_gcn_conv(h, src, dst, W1, b1, N_NODES))
    h = jax.nn.relu(_gcn_conv(h, src, dst, W2, b2, N_NODES))
    pooled = jax.ops.segment_sum(h, batch, num_segments=N_GRAPHS)
    out = pooled @ W3.T + b3
    return out

if __name__ == "__main__":
    import jax
    _d = setup_inputs()
    print(jax.jit(kernel)(*tuple(_d.values())))

</pallas_src>

<mosaic_0001>
#map = affine_map<(d0, d1) -> (0, 0)>
#map1 = affine_map<(d0, d1) -> (0)>
module attributes {stable_mosaic.version = 14 : i64} {
  func.func @_sc_emb_deg(%arg0: i32, %arg1: i32, %arg2: memref<100000x16xf32, #tpu.memory_space<hbm>>, %arg3: memref<1568x128xi32, #tpu.memory_space<hbm>>, %arg4: memref<6400x128xi32, #tpu.memory_space<hbm>>, %arg5: memref<200704x16xf32, #tpu.memory_space<hbm>>, %arg6: memref<50176xf32, #tpu.memory_space<hbm>>, %arg7: memref<50176xf32, #tpu.memory_space<hbm>>, %arg8: memref<896x16xf32, #tpu.memory_space<vmem>>, %arg9: memref<7x128xi32, #tpu.memory_space<vmem>>, %arg10: memref<8x128xi32, #tpu.memory_space<vmem>>, %arg11: memref<128xf32, #tpu.memory_space<vmem>>, %arg12: memref<3136xf32, #tpu.memory_space<vmem>>, %arg13: memref<50176xf32, #tpu.memory_space<vmem_shared>>, %arg14: memref<!tpu.dma_semaphore, #tpu.memory_space<semaphore_mem>>) attributes {dimension_semantics = [#tpu.dimension_semantics<core_parallel>, #tpu.dimension_semantics<subcore_parallel>], iteration_bounds = array<i64: 2, 16>, scalar_prefetch = 0 : i64, scratch_operands = 7 : i64, tpu.core_type = #tpu.core_type<sc_vector_subcore>, window_params = [{transform_indices = #map}, {transform_indices = #map}, {transform_indices = #map}, {transform_indices = #map}, {transform_indices = #map1}, {transform_indices = #map1}]} {
    %mul3A = arith.constant 2 : i32
    %mul3A_0 = arith.muli %arg1, %mul3A : i32
    %add3A = arith.addi %mul3A_0, %arg0 : i32
    %scan3A = arith.constant 0 : i32
    %scan3A_1 = arith.constant 0 : i32
    %scan3A_2 = arith.constant 196 : i32
    %scan3A_3 = arith.addi %scan3A_1, %scan3A_2 : i32
    %scan3A_4 = arith.constant 1 : i32
    %scan3A_5 = scf.for %scan3A_77 = %scan3A_1 to %scan3A_3 step %scan3A_4 iter_args(%scan3A_78 = %scan3A) -> (i32)  : i32 {
      %broadcast_in_dim3A_79 = arith.constant 0.000000e+00 : f32
      %broadcast_in_dim3A_80 = vector.broadcast %broadcast_in_dim3A_79 : f32 to vector<16xf32>
      %mul3A_81 = arith.constant 16 : i32
      %mul3A_82 = arith.muli %scan3A_77, %mul3A_81 : i32
      %swap3A_83 = arith.index_cast %mul3A_82 : i32 to index
      %swap3A_84 = tpu.vector_load %arg12[%swap3A_83] {strides = array<i32>} : memref<3136xf32, #tpu.memory_space<vmem>>, vector<16xf32>,
      %swap3A_85 = vector.shape_cast %swap3A_84 : vector<16xf32> to vector<16xf32>
      %swap3A_86 = vector.shape_cast %broadcast_in_dim3A_80 : vector<16xf32> to vector<16xf32>
      tpu.vector_store %arg12[%swap3A_83], %swap3A_86 {strides = array<i32>} : memref<3136xf32, #tpu.memory_space<vmem>>, vector<16xf32>,
      %scan3A_87 = arith.constant 0 : i32
      scf.yield %scan3A_87 : i32
    }
    %scan3A_6 = arith.constant 196 : i32
    %broadcast_in_dim3A = arith.constant 1.000000e+00 : f32
    %broadcast_in_dim3A_7 = vector.broadcast %broadcast_in_dim3A : f32 to vector<16xf32>
    %swap3A = arith.constant 0 : index
    %swap3A_8 = tpu.vector_load %arg11[%swap3A] {strides = array<i32>} : memref<128xf32, #tpu.memory_space<vmem>>, vector<16xf32>,
    %swap3A_9 = vector.shape_cast %swap3A_8 : vector<16xf32> to vector<16xf32>
    %swap3A_10 = vector.shape_cast %broadcast_in_dim3A_7 : vector<16xf32> to vector<16xf32>
    tpu.vector_store %arg11[%swap3A], %swap3A_10 {strides = array<i32>} : memref<128xf32, #tpu.memory_space<vmem>>, vector<16xf32>,
    %broadcast_in_dim3A_11 = arith.constant 1.000000e+00 : f32
    %broadcast_in_dim3A_12 = vector.broadcast %broadcast_in_dim3A_11 : f32 to vector<16xf32>
    %swap3A_13 = arith.constant 16 : index
    %swap3A_14 = tpu.vector_load %arg11[%swap3A_13] {strides = array<i32>} : memref<128xf32, #tpu.memory_space<vmem>>, vector<16xf32>,
    %swap3A_15 = vector.shape_cast %swap3A_14 : vector<16xf32> to vector<16xf32>
    %swap3A_16 = vector.shape_cast %broadcast_in_dim3A_12 : vector<16xf32> to vector<16xf32>
    tpu.vector_store %arg11[%swap3A_13], %swap3A_16 {strides = array<i32>} : memref<128xf32, #tpu.memory_space<vmem>>, vector<16xf32>,
    %broadcast_in_dim3A_17 = arith.constant 1.000000e+00 : f32
    %broadcast_in_dim3A_18 = vector.broadcast %broadcast_in_dim3A_17 : f32 to vector<16xf32>
    %swap3A_19 = arith.constant 32 : index
    %swap3A_20 = tpu.vector_load %arg11[%swap3A_19] {strides = array<i32>} : memref<128xf32, #tpu.memory_space<vmem>>, vector<16xf32>,
    %swap3A_21 = vector.shape_cast %swap3A_20 : vector<16xf32> to vector<16xf32>
    %swap3A_22 = vector.shape_cast %broadcast_in_dim3A_18 : vector<16xf32> to vector<16xf32>
    tpu.vector_store %arg11[%swap3A_19], %swap3A_22 {strides = array<i32>} : memref<128xf32, #tpu.memory_space<vmem>>, vector<16xf32>,
    %broadcast_in_dim3A_23 = arith.constant 1.000000e+00 : f32
    %broadcast_in_dim3A_24 = vector.broadcast %broadcast_in_dim3A_23 : f32 to vector<16xf32>
    %swap3A_25 = arith.constant 48 : index
    %swap3A_26 = tpu.vector_load %arg11[%swap3A_25] {strides = array<i32>} : memref<128xf32, #tpu.memory_space<vmem>>, vector<16xf32>,
    %swap3A_27 = vector.shape_cast %swap3A_26 : vector<16xf32> to vector<16xf32>
    %swap3A_28 = vector.shape_cast %broadcast_in_dim3A_24 : vector<16xf32> to vector<16xf32>
    tpu.vector_store %arg11[%swap3A_25], %swap3A_28 {strides = array<i32>} : memref<128xf32, #tpu.memory_space<vmem>>, vector<16xf32>,
    %broadcast_in_dim3A_29 = arith.constant 1.000000e+00 : f32
    %broadcast_in_dim3A_30 = vector.broadcast %broadcast_in_dim3A_29 : f32 to vector<16xf32>
    %swap3A_31 = arith.constant 64 : index
    %swap3A_32 = tpu.vector_load %arg11[%swap3A_31] {strides = array<i32>} : memref<128xf32, #tpu.memory_space<vmem>>, vector<16xf32>,
    %swap3A_33 = vector.shape_cast %swap3A_32 : vector<16xf32> to vector<16xf32>
    %swap3A_34 = vector.shape_cast %broadcast_in_dim3A_30 : vector<16xf32> to vector<16xf32>
    tpu.vector_store %arg11[%swap3A_31], %swap3A_34 {strides = array<i32>} : memref<128xf32, #tpu.memory_space<vmem>>, vector<16xf32>,
    %broadcast_in_dim3A_35 = arith.constant 1.000000e+00 : f32
    %broadcast_in_dim3A_36 = vector.broadcast %broadcast_in_dim3A_35 : f32 to vector<16xf32>
    %swap3A_37 = arith.constant 80 : index
    %swap3A_38 = tpu.vector_load %arg11[%swap3A_37] {strides = array<i32>} : memref<128xf32, #tpu.memory_space<vmem>>, vector<16xf32>,
    %swap3A_39 = vector.shape_cast %swap3A_38 : vector<16xf32> to vector<16xf32>
    %swap3A_40 = vector.shape_cast %broadcast_in_dim3A_36 : vector<16xf32> to vector<16xf32>
    tpu.vector_store %arg11[%swap3A_37], %swap3A_40 {strides = array<i32>} : memref<128xf32, #tpu.memory_space<vmem>>, vector<16xf32>,
    %broadcast_in_dim3A_41 = arith.constant 1.000000e+00 : f32
    %broadcast_in_dim3A_42 = vector.broadcast %broadcast_in_dim3A_41 : f32 to vector<16xf32>
    %swap3A_43 = arith.constant 96 : index
    %swap3A_44 = tpu.vector_load %arg11[%swap3A_43] {strides = array<i32>} : memref<128xf32, #tpu.memory_space<vmem>>, vector<16xf32>,
    %swap3A_45 = vector.shape_cast %swap3A_44 : vector<16xf32> to vector<16xf32>
    %swap3A_46 = vector.shape_cast %broadcast_in_dim3A_42 : vector<16xf32> to vector<16xf32>
    tpu.vector_store %arg11[%swap3A_43], %swap3A_46 {strides = array<i32>} : memref<128xf32, #tpu.memory_space<vmem>>, vector<16xf32>,
    %broadcast_in_dim3A_47 = arith.constant 1.000000e+00 : f32
    %broadcast_in_dim3A_48 = vector.broadcast %broadcast_in_dim3A_47 : f32 to vector<16xf32>
    %swap3A_49 = arith.constant 112 : index
    %swap3A_50 = tpu.vector_load %arg11[%swap3A_49] {strides = array<i32>} : memref<128xf32, #tpu.memory_space<vmem>>, vector<16xf32>,
    %swap3A_51 = vector.shape_cast %swap3A_50 : vector<16xf32> to vector<16xf32>
    %swap3A_52 = vector.shape_cast %broadcast_in_dim3A_48 : vector<16xf32> to vector<16xf32>
    tpu.vector_store %arg11[%swap3A_49], %swap3A_52 {strides = array<i32>} : memref<128xf32, #tpu.memory_space<vmem>>, vector<16xf32>,
    %mul3A_53 = arith.constant 3136 : i32
    %mul3A_54 = arith.muli %arg1, %mul3A_53 : i32
    "tpu.region"() ({
      %run_scoped3A = tpu.sem_alloc : memref<!tpu.dma_semaphore, #tpu.memory_space<semaphore_mem>>
      %dma_start3A = tpu.memref_slice %arg13[%mul3A_54] : memref<50176xf32, #tpu.memory_space<vmem_shared>> -> memref<3136xf32, #tpu.memory_space<vmem_shared>>
      %dma_start3A_77 = tpu.memref_slice %arg13[%mul3A_54] : memref<50176xf32, #tpu.memory_space<vmem_shared>> -> memref<3136xf32, #tpu.memory_space<vmem_shared>>
      tpu.enqueue_dma source(%arg12 : memref<3136xf32, #tpu.memory_space<vmem>>) target(%dma_start3A_77 : memref<3136xf32, #tpu.memory_space<vmem_shared>>) target_semaphore(%run_scoped3A : memref<!tpu.dma_semaphore, #tpu.memory_space<semaphore_mem>>)
      %dma_wait3A = tpu.memref_slice %arg13[%mul3A_54] : memref<50176xf32, #tpu.memory_space<vmem_shared>> -> memref<3136xf32, #tpu.memory_space<vmem_shared>>
      %dma_wait3A_78 = tpu.memref_slice %arg13[%mul3A_54] : memref<50176xf32, #tpu.memory_space<vmem_shared>> -> memref<3136xf32, #tpu.memory_space<vmem_shared>>
      tpu.wait_dma2 semaphore(%run_scoped3A : memref<!tpu.dma_semaphore, #tpu.memory_space<semaphore_mem>>) src(%arg12 : memref<3136xf32, #tpu.memory_space<vmem>>) dst(%dma_wait3A_78 : memref<3136xf32, #tpu.memory_space<vmem_shared>>)
      tpu.yield
    }) : () -> ()
    %barrier3A = arith.constant 0 : index
    tpu.barrier barrier_id(%barrier3A)
    %scan3A_55 = arith.constant 0 : i32
    %scan3A_56 = arith.constant 0 : i32
    %scan3A_57 = arith.constant 7 : i32
    %scan3A_58 = arith.addi %scan3A_56, %scan3A_57 : i32
    %scan3A_59 = arith.constant 1 : i32
    %scan3A_60 = scf.for %scan3A_77 = %scan3A_56 to %scan3A_58 step %scan3A_59 iter_args(%scan3A_78 = %scan3A_55) -> (i32)  : i32 {
      %mul3A_79 = arith.constant 49 : i32
      %mul3A_80 = arith.muli %add3A, %mul3A_79 : i32
      %mul3A_81 = arith.constant 7 : i32
      %mul3A_82 = arith.muli %scan3A_77, %mul3A_81 : i32
      %add3A_83 = arith.addi %mul3A_80, %mul3A_82 : i32
      "tpu.region"() ({
        %run_scoped3A = tpu.sem_alloc : memref<!tpu.dma_semaphore, #tpu.memory_space<semaphore_mem>>
        %dma_start3A_228 = arith.constant 0 : i32
        %dma_start3A_229 = tpu.memref_slice %arg3[%add3A_83, %dma_start3A_228] : memref<1568x128xi32, #tpu.memory_space<hbm>> -> memref<7x128xi32, #tpu.memory_space<hbm>>
        %dma_start3A_230 = arith.constant 0 : i32
        %dma_start3A_231 = tpu.memref_slice %arg3[%add3A_83, %dma_start3A_230] : memref<1568x128xi32, #tpu.memory_space<hbm>> -> memref<7x128xi32, #tpu.memory_space<hbm>>
        tpu.enqueue_dma source(%dma_start3A_231 : memref<7x128xi32, #tpu.memory_space<hbm>>) target(%arg9 : memref<7x128xi32, #tpu.memory_space<vmem>>) target_semaphore(%run_scoped3A : memref<!tpu.dma_semaphore, #tpu.memory_space<semaphore_mem>>)
        %dma_wait3A_232 = arith.constant 0 : i32
        %dma_wait3A_233 = tpu.memref_slice %arg3[%add3A_83, %dma_wait3A_232] : memref<1568x128xi32, #tpu.memory_space<hbm>> -> memref<7x128xi32, #tpu.memory_space<hbm>>
        %dma_wait3A_234 = arith.constant 0 : i32
        %dma_wait3A_235 = tpu.memref_slice %arg3[%add3A_83, %dma_wait3A_234] : memref<1568x128xi32, #tpu.memory_space<hbm>> -> memref<7x128xi32, #tpu.memory_space<hbm>>
        tpu.wait_dma2 semaphore(%run_scoped3A : memref<!tpu.dma_semaphore, #tpu.memory_space<semaphore_mem>>) src(%dma_wait3A_235 : memref<7x128xi32, #tpu.memory_space<hbm>>) dst(%arg9 : memref<7x128xi32, #tpu.memory_space<vmem>>)
        tpu.yield
      }) : () -> ()
      %dma_start3A = arith.constant 0 : i32
      %dma_start3A_84 = arith.constant 0 : i32
      %dma_start3A_85 = arith.constant 0 : i32
      %dma_start3A_86 = tpu.memref_slice %arg8[%dma_start3A_84, %dma_start3A_85] : memref<896x16xf32, #tpu.memory_space<vmem>> -> memref<128x16xf32, #tpu.memory_space<vmem>>
      %dma_start3A_87 = arith.constant 0 : i32
      %dma_start3A_88 = tpu.memref_slice %arg9[%dma_start3A, %dma_start3A_87] : memref<7x128xi32, #tpu.memory_space<vmem>> -> memref<1x128xi32, #tpu.memory_space<vmem>>
      %dma_start3A_89 = tpu.memref_squeeze %dma_start3A_88 : memref<1x128xi32, #tpu.memory_space<vmem>> -> memref<128xi32, #tpu.memory_space<vmem>>
      %dma_start3A_90 = arith.constant 0 : i32
      %dma_start3A_91 = arith.constant 0 : i32
      %dma_start3A_92 = tpu.memref_slice %arg2[%dma_start3A_90, %dma_start3A_91] : memref<100000x16xf32, #tpu.memory_space<hbm>> -> memref<100000x16xf32, #tpu.memory_space<hbm>>
      tpu.enqueue_indirect_dma source(%dma_start3A_92 : memref<100000x16xf32, #tpu.memory_space<hbm>>) target(%dma_start3A_86 : memref<128x16xf32, #tpu.memory_space<vmem>>) offsets(%dma_start3A_89 : memref<128xi32, #tpu.memory_space<vmem>>) semaphore(%arg14 : memref<!tpu.dma_semaphore, #tpu.memory_space<semaphore_mem>>)
      %dma_start3A_93 = arith.constant 1 : i32
      %dma_start3A_94 = arith.constant 128 : i32
      %dma_start3A_95 = arith.constant 0 : i32
      %dma_start3A_96 = tpu.memref_slice %arg8[%dma_start3A_94, %dma_start3A_95] : memref<896x16xf32, #tpu.memory_space<vmem>> -> memref<128x16xf32, #tpu.memory_space<vmem>>
      %dma_start3A_97 = arith.constant 0 : i32
      %dma_start3A_98 = tpu.memref_slice %arg9[%dma_start3A_93, %dma_start3A_97] : memref<7x128xi32, #tpu.memory_space<vmem>> -> memref<1x128xi32, #tpu.memory_space<vmem>>
      %dma_start3A_99 = tpu.memref_squeeze %dma_start3A_98 : memref<1x128xi32, #tpu.memory_space<vmem>> -> memref<128xi32, #tpu.memory_space<vmem>>
      %dma_start3A_100 = arith.constant 0 : i32
      %dma_start3A_101 = arith.constant 0 : i32
      %dma_start3A_102 = tpu.memref_slice %arg2[%dma_start3A_100, %dma_start3A_101] : memref<100000x16xf32, #tpu.memory_space<hbm>> -> memref<100000x16xf32, #tpu.memory_space<hbm>>
      tpu.enqueue_indirect_dma source(%dma_start3A_102 : memref<100000x16xf32, #tpu.memory_space<hbm>>) target(%dma_start3A_96 : memref<128x16xf32, #tpu.memory_space<vmem>>) offsets(%dma_start3A_99 : memref<128xi32, #tpu.memory_space<vmem>>) semaphore(%arg14 : memref<!tpu.dma_semaphore, #tpu.memory_space<semaphore_mem>>)
      %dma_start3A_103 = arith.constant 2 : i32
      %dma_start3A_104 = arith.constant 256 : i32
      %dma_start3A_105 = arith.constant 0 : i32
      %dma_start3A_106 = tpu.memref_slice %arg8[%dma_start3A_104, %dma_start3A_105] : memref<896x16xf32, #tpu.memory_space<vmem>> -> memref<128x16xf32, #tpu.memory_space<vmem>>
      %dma_start3A_107 = arith.constant 0 : i32
      %dma_start3A_108 = tpu.memref_slice %arg9[%dma_start3A_103, %dma_start3A_107] : memref<7x128xi32, #tpu.memory_space<vmem>> -> memref<1x128xi32, #tpu.memory_space<vmem>>
      %dma_start3A_109 = tpu.memref_squeeze %dma_start3A_108 : memref<1x128xi32, #tpu.memory_space<vmem>> -> memref<128xi32, #tpu.memory_space<vmem>>
      %dma_start3A_110 = arith.constant 0 : i32
      %dma_start3A_111 = arith.constant 0 : i32
      %dma_start3A_112 = tpu.memref_slice %arg2[%dma_start3A_110, %dma_start3A_111] : memref<100000x16xf32, #tpu.memory_space<hbm>> -> memref<100000x16xf32, #tpu.memory_space<hbm>>
      tpu.enqueue_indirect_dma source(%dma_start3A_112 : memref<100000x16xf32, #tpu.memory_space<hbm>>) target(%dma_start3A_106 : memref<128x16xf32, #tpu.memory_space<vmem>>) offsets(%dma_start3A_109 : memref<128xi32, #tpu.memory_space<vmem>>) semaphore(%arg14 : memref<!tpu.dma_semaphore, #tpu.memory_space<semaphore_mem>>)
      %dma_start3A_113 = arith.constant 3 : i32
      %dma_start3A_114 = arith.constant 384 : i32
      %dma_start3A_115 = arith.constant 0 : i32
      %dma_start3A_116 = tpu.memref_slice %arg8[%dma_start3A_114, %dma_start3A_115] : memref<896x16xf32, #tpu.memory_space<vmem>> -> memref<128x16xf32, #tpu.memory_space<vmem>>
      %dma_start3A_117 = arith.constant 0 : i32
      %dma_start3A_118 = tpu.memref_slice %arg9[%dma_start3A_113, %dma_start3A_117] : memref<7x128xi32, #tpu.memory_space<vmem>> -> memref<1x128xi32, #tpu.memory_space<vmem>>
      %dma_start3A_119 = tpu.memref_squeeze %dma_start3A_118 : memref<1x128xi32, #tpu.memory_space<vmem>> -> memref<128xi32, #tpu.memory_space<vmem>>
      %dma_start3A_120 = arith.constant 0 : i32
      %dma_start3A_121 = arith.constant 0 : i32
      %dma_start3A_122 = tpu.memref_slice %arg2[%dma_start3A_120, %dma_start3A_121] : memref<100000x16xf32, #tpu.memory_space<hbm>> -> memref<100000x16xf32, #tpu.memory_space<hbm>>
      tpu.enqueue_indirect_dma source(%dma_start3A_122 : memref<100000x16xf32, #tpu.memory_space<hbm>>) target(%dma_start3A_116 : memref<128x16xf32, #tpu.memory_space<vmem>>) offsets(%dma_start3A_119 : memref<128xi32, #tpu.memory_space<vmem>>) semaphore(%arg14 : memref<!tpu.dma_semaphore, #tpu.memory_space<semaphore_mem>>)
      %dma_start3A_123 = arith.constant 4 : i32
      %dma_start3A_124 = arith.constant 512 : i32
      %dma_start3A_125 = arith.constant 0 : i32
      %dma_start3A_126 = tpu.memref_slice %arg8[%dma_start3A_124, %dma_start3A_125] : memref<896x16xf32, #tpu.memory_space<vmem>> -> memref<128x16xf32, #tpu.memory_space<vmem>>
      %dma_start3A_127 = arith.constant 0 : i32
      %dma_start3A_128 = tpu.memref_slice %arg9[%dma_start3A_123, %dma_start3A_127] : memref<7x128xi32, #tpu.memory_space<vmem>> -> memref<1x128xi32, #tpu.memory_space<vmem>>
      %dma_start3A_129 = tpu.memref_squeeze %dma_start3A_128 : memref<1x128xi32, #tpu.memory_space<vmem>> -> memref<128xi32, #tpu.memory_space<vmem>>
      %dma_start3A_130 = arith.constant 0 : i32
      %dma_start3A_131 = arith.constant 0 : i32
      %dma_start3A_132 = tpu.memref_slice %arg2[%dma_start3A_130, %dma_start3A_131] : memref<100000x16xf32, #tpu.memory_space<hbm>> -> memref<100000x16xf32, #tpu.memory_space<hbm>>
      tpu.enqueue_indirect_dma source(%dma_start3A_132 : memref<100000x16xf32, #tpu.memory_space<hbm>>) target(%dma_start3A_126 : memref<128x16xf32, #tpu.memory_space<vmem>>) offsets(%dma_start3A_129 : memref<128xi32, #tpu.memory_space<vmem>>) semaphore(%arg14 : memref<!tpu.dma_semaphore, #tpu.memory_space<semaphore_mem>>)
      %dma_start3A_133 = arith.constant 5 : i32
      %dma_start3A_134 = arith.constant 640 : i32
      %dma_start3A_135 = arith.constant 0 : i32
      %dma_start3A_136 = tpu.memref_slice %arg8[%dma_start3A_134, %dma_start3A_135] : memref<896x16xf32, #tpu.memory_space<vmem>> -> memref<128x16xf32, #tpu.memory_space<vmem>>
      %dma_start3A_137 = arith.constant 0 : i32
      %dma_start3A_138 = tpu.memref_slice %arg9[%dma_start3A_133, %dma_start3A_137] : memref<7x128xi32, #tpu.memory_space<vmem>> -> memref<1x128xi32, #tpu.memory_space<vmem>>
      %dma_start3A_139 = tpu.memref_squeeze %dma_start3A_138 : memref<1x128xi32, #tpu.memory_space<vmem>> -> memref<128xi32, #tpu.memory_space<vmem>>
      %dma_start3A_140 = arith.constant 0 : i32
      %dma_start3A_141 = arith.constant 0 : i32
      %dma_start3A_142 = tpu.memref_slice %arg2[%dma_start3A_140, %dma_start3A_141] : memref<100000x16xf32, #tpu.memory_space<hbm>> -> memref<100000x16xf32, #tpu.memory_space<hbm>>
      tpu.enqueue_indirect_dma source(%dma_start3A_142 : memref<100000x16xf32, #tpu.memory_space<hbm>>) target(%dma_start3A_136 : memref<128x16xf32, #tpu.memory_space<vmem>>) offsets(%dma_start3A_139 : memref<128xi32, #tpu.memory_space<vmem>>) semaphore(%arg14 : memref<!tpu.dma_semaphore, #tpu.memory_space<semaphore_mem>>)
      %dma_start3A_143 = arith.constant 6 : i32
      %dma_start3A_144 = arith.constant 768 : i32
      %dma_start3A_145 = arith.constant 0 : i32
      %dma_start3A_146 = tpu.memref_slice %arg8[%dma_start3A_144, %dma_start3A_145] : memref<896x16xf32, #tpu.memory_space<vmem>> -> memref<128x16xf32, #tpu.memory_space<vmem>>
      %dma_start3A_147 = arith.constant 0 : i32
      %dma_start3A_148 = tpu.memref_slice %arg9[%dma_start3A_143, %dma_start3A_147] : memref<7x128xi32, #tpu.memory_space<vmem>> -> memref<1x128xi32, #tpu.memory_space<vmem>>
      %dma_start3A_149 = tpu.memref_squeeze %dma_start3A_148 : memref<1x128xi32, #tpu.memory_space<vmem>> -> memref<128xi32, #tpu.memory_space<vmem>>
      %dma_start3A_150 = arith.constant 0 : i32
      %dma_start3A_151 = arith.constant 0 : i32
      %dma_start3A_152 = tpu.memref_slice %arg2[%dma_start3A_150, %dma_start3A_151] : memref<100000x16xf32, #tpu.memory_space<hbm>> -> memref<100000x16xf32, #tpu.memory_space<hbm>>
      tpu.enqueue_indirect_dma source(%dma_start3A_152 : memref<100000x16xf32, #tpu.memory_space<hbm>>) target(%dma_start3A_146 : memref<128x16xf32, #tpu.memory_space<vmem>>) offsets(%dma_start3A_149 : memref<128xi32, #tpu.memory_space<vmem>>) semaphore(%arg14 : memref<!tpu.dma_semaphore, #tpu.memory_space<semaphore_mem>>)
      %dma_wait3A = arith.constant 0 : i32
      %dma_wait3A_153 = arith.constant 0 : i32
      %dma_wait3A_154 = arith.constant 0 : i32
      %dma_wait3A_155 = tpu.memref_slice %arg8[%dma_wait3A_153, %dma_wait3A_154] : memref<896x16xf32, #tpu.memory_space<vmem>> -> memref<128x16xf32, #tpu.memory_space<vmem>>
      %dma_wait3A_156 = arith.constant 0 : i32
      %dma_wait3A_157 = tpu.memref_slice %arg9[%dma_wait3A, %dma_wait3A_156] : memref<7x128xi32, #tpu.memory_space<vmem>> -> memref<1x128xi32, #tpu.memory_space<vmem>>
      %dma_wait3A_158 = tpu.memref_squeeze %dma_wait3A_157 : memref<1x128xi32, #tpu.memory_space<vmem>> -> memref<128xi32, #tpu.memory_space<vmem>>
      %dma_wait3A_159 = arith.constant 0 : i32
      %dma_wait3A_160 = arith.constant 0 : i32
      %dma_wait3A_161 = tpu.memref_slice %arg2[%dma_wait3A_159, %dma_wait3A_160] : memref<100000x16xf32, #tpu.memory_space<hbm>> -> memref<100000x16xf32, #tpu.memory_space<hbm>>
      tpu.wait_indirect_dma semaphore(%arg14 : memref<!tpu.dma_semaphore, #tpu.memory_space<semaphore_mem>>) src(%dma_wait3A_161 : memref<100000x16xf32, #tpu.memory_space<hbm>>) dst(%dma_wait3A_155 : memref<128x16xf32, #tpu.memory_space<vmem>>)
      %dma_wait3A_162 = arith.constant 1 : i32
      %dma_wait3A_163 = arith.constant 128 : i32
      %dma_wait3A_164 = arith.constant 0 : i32
      %dma_wait3A_165 = tpu.memref_slice %arg8[%dma_wait3A_163, %dma_wait3A_164] : memref<896x16xf32, #tpu.memory_space<vmem>> -> memref<128x16xf32, #tpu.memory_space<vmem>>
      %dma_wait3A_166 = arith.constant 0 : i32
      %dma_wait3A_167 = tpu.memref_slice %arg9[%dma_wait3A_162, %dma_wait3A_166] : memref<7x128xi32, #tpu.memory_space<vmem>> -> memref<1x128xi32, #tpu.memory_space<vmem>>
      %dma_wait3A_168 = tpu.memref_squeeze %dma_wait3A_167 : memref<1x128xi32, #tpu.memory_space<vmem>> -> memref<128xi32, #tpu.memory_space<vmem>>
      %dma_wait3A_169 = arith.constant 0 : i32
      %dma_wait3A_170 = arith.constant 0 : i32
      %dma_wait3A_171 = tpu.memref_slice %arg2[%dma_wait3A_169, %dma_wait3A_170] : memref<100000x16xf32, #tpu.memory_space<hbm>> -> memref<100000x16xf32, #tpu.memory_space<hbm>>
      tpu.wait_indirect_dma semaphore(%arg14 : memref<!tpu.dma_semaphore, #tpu.memory_space<semaphore_mem>>) src(%dma_wait3A_171 : memref<100000x16xf32, #tpu.memory_space<hbm>>) dst(%dma_wait3A_165 : memref<128x16xf32, #tpu.memory_space<vmem>>)
      %dma_wait3A_172 = arith.constant 2 : i32
      %dma_wait3A_173 = arith.constant 256 : i32
      %dma_wait3A_174 = arith.constant 0 : i32
      %dma_wait3A_175 = tpu.memref_slice %arg8[%dma_wait3A_173, %dma_wait3A_174] : memref<896x16xf32, #tpu.memory_space<vmem>> -> memref<128x16xf32, #tpu.memory_space<vmem>>
      %dma_wait3A_176 = arith.constant 0 : i32
      %dma_wait3A_177 = tpu.memref_slice %arg9[%dma_wait3A_172, %dma_wait3A_176] : memref<7x128xi32, #tpu.memory_space<vmem>> -> memref<1x128xi32, #tpu.memory_space<vmem>>
      %dma_wait3A_178 = tpu.memref_squeeze %dma_wait3A_177 : memref<1x128xi32, #tpu.memory_space<vmem>> -> memref<128xi32, #tpu.memory_space<vmem>>
      %dma_wait3A_179 = arith.constant 0 : i32
      %dma_wait3A_180 = arith.constant 0 : i32
      %dma_wait3A_181 = tpu.memref_slice %arg2[%dma_wait3A_179, %dma_wait3A_180] : memref<100000x16xf32, #tpu.memory_space<hbm>> -> memref<100000x16xf32, #tpu.memory_space<hbm>>
      tpu.wait_indirect_dma semaphore(%arg14 : memref<!tpu.dma_semaphore, #tpu.memory_space<semaphore_mem>>) src(%dma_wait3A_181 : memref<100000x16xf32, #tpu.memory_space<hbm>>) dst(%dma_wait3A_175 : memref<128x16xf32, #tpu.memory_space<vmem>>)
      %dma_wait3A_182 = arith.constant 3 : i32
      %dma_wait3A_183 = arith.constant 384 : i32
      %dma_wait3A_184 = arith.constant 0 : i32
      %dma_wait3A_185 = tpu.memref_slice %arg8[%dma_wait3A_183, %dma_wait3A_184] : memref<896x16xf32, #tpu.memory_space<vmem>> -> memref<128x16xf32, #tpu.memory_space<vmem>>
      %dma_wait3A_186 = arith.constant 0 : i32
      %dma_wait3A_187 = tpu.memref_slice %arg9[%dma_wait3A_182, %dma_wait3A_186] : memref<7x128xi32, #tpu.memory_space<vmem>> -> memref<1x128xi32, #tpu.memory_space<vmem>>
      %dma_wait3A_188 = tpu.memref_squeeze %dma_wait3A_187 : memref<1x128xi32, #tpu.memory_space<vmem>> -> memref<128xi32, #tpu.memory_space<vmem>>
      %dma_wait3A_189 = arith.constant 0 : i32
      %dma_wait3A_190 = arith.constant 0 : i32
      %dma_wait3A_191 = tpu.memref_slice %arg2[%dma_wait3A_189, %dma_wait3A_190] : memref<100000x16xf32, #tpu.memory_space<hbm>> -> memref<100000x16xf32, #tpu.memory_space<hbm>>
      tpu.wait_indirect_dma semaphore(%arg14 : memref<!tpu.dma_semaphore, #tpu.memory_space<semaphore_mem>>) src(%dma_wait3A_191 : memref<100000x16xf32, #tpu.memory_space<hbm>>) dst(%dma_wait3A_185 : memref<128x16xf32, #tpu.memory_space<vmem>>)
      %dma_wait3A_192 = arith.constant 4 : i32
      %dma_wait3A_193 = arith.constant 512 : i32
      %dma_wait3A_194 = arith.constant 0 : i32
      %dma_wait3A_195 = tpu.memref_slice %arg8[%dma_wait3A_193, %dma_wait3A_194] : memref<896x16xf32, #tpu.memory_space<vmem>> -> memref<128x16xf32, #tpu.memory_space<vmem>>
      %dma_wait3A_196 = arith.constant 0 : i32
      %dma_wait3A_197 = tpu.memref_slice %arg9[%dma_wait3A_192, %dma_wait3A_196] : memref<7x128xi32, #tpu.memory_space<vmem>> -> memref<1x128xi32, #tpu.memory_space<vmem>>
      %dma_wait3A_198 = tpu.memref_squeeze %dma_wait3A_197 : memref<1x128xi32, #tpu.memory_space<vmem>> -> memref<128xi32, #tpu.memory_space<vmem>>
      %dma_wait3A_199 = arith.constant 0 : i32
      %dma_wait3A_200 = arith.constant 0 : i32
      %dma_wait3A_201 = tpu.memref_slice %arg2[%dma_wait3A_199, %dma_wait3A_200] : memref<100000x16xf32, #tpu.memory_space<hbm>> -> memref<100000x16xf32, #tpu.memory_space<hbm>>
      tpu.wait_indirect_dma semaphore(%arg14 : memref<!tpu.dma_semaphore, #tpu.memory_space<semaphore_mem>>) src(%dma_wait3A_201 : memref<100000x16xf32, #tpu.memory_space<hbm>>) dst(%dma_wait3A_195 : memref<128x16xf32, #tpu.memory_space<vmem>>)
      %dma_wait3A_202 = arith.constant 5 : i32
      %dma_wait3A_203 = arith.constant 640 : i32
      %dma_wait3A_204 = arith.constant 0 : i32
      %dma_wait3A_205 = tpu.memref_slice %arg8[%dma_wait3A_203, %dma_wait3A_204] : memref<896x16xf32, #tpu.memory_space<vmem>> -> memref<128x16xf32, #tpu.memory_space<vmem>>
      %dma_wait3A_206 = arith.constant 0 : i32
      %dma_wait3A_207 = tpu.memref_slice %arg9[%dma_wait3A_202, %dma_wait3A_206] : memref<7x128xi32, #tpu.memory_space<vmem>> -> memref<1x128xi32, #tpu.memory_space<vmem>>
      %dma_wait3A_208 = tpu.memref_squeeze %dma_wait3A_207 : memref<1x128xi32, #tpu.memory_space<vmem>> -> memref<128xi32, #tpu.memory_space<vmem>>
      %dma_wait3A_209 = arith.constant 0 : i32
      %dma_wait3A_210 = arith.constant 0 : i32
      %dma_wait3A_211 = tpu.memref_slice %arg2[%dma_wait3A_209, %dma_wait3A_210] : memref<100000x16xf32, #tpu.memory_space<hbm>> -> memref<100000x16xf32, #tpu.memory_space<hbm>>
      tpu.wait_indirect_dma semaphore(%arg14 : memref<!tpu.dma_semaphore, #tpu.memory_space<semaphore_mem>>) src(%dma_wait3A_211 : memref<100000x16xf32, #tpu.memory_space<hbm>>) dst(%dma_wait3A_205 : memref<128x16xf32, #tpu.memory_space<vmem>>)
      %dma_wait3A_212 = arith.constant 6 : i32
      %dma_wait3A_213 = arith.constant 768 : i32
      %dma_wait3A_214 = arith.constant 0 : i32
      %dma_wait3A_215 = tpu.memref_slice %arg8[%dma_wait3A_213, %dma_wait3A_214] : memref<896x16xf32, #tpu.memory_space<vmem>> -> memref<128x16xf32, #tpu.memory_space<vmem>>
      %dma_wait3A_216 = arith.constant 0 : i32
      %dma_wait3A_217 = tpu.memref_slice %arg9[%dma_wait3A_212, %dma_wait3A_216] : memref<7x128xi32, #tpu.memory_space<vmem>> -> memref<1x128xi32, #tpu.memory_space<vmem>>
      %dma_wait3A_218 = tpu.memref_squeeze %dma_wait3A_217 : memref<1x128xi32, #tpu.memory_space<vmem>> -> memref<128xi32, #tpu.memory_space<vmem>>
      %dma_wait3A_219 = arith.constant 0 : i32
      %dma_wait3A_220 = arith.constant 0 : i32
      %dma_wait3A_221 = tpu.memref_slice %arg2[%dma_wait3A_219, %dma_wait3A_220] : memref<100000x16xf32, #tpu.memory_space<hbm>> -> memref<100000x16xf32, #tpu.memory_space<hbm>>
      tpu.wait_indirect_dma semaphore(%arg14 : memref<!tpu.dma_semaphore, #tpu.memory_space<semaphore_mem>>) src(%dma_wait3A_221 : memref<100000x16xf32, #tpu.memory_space<hbm>>) dst(%dma_wait3A_215 : memref<128x16xf32, #tpu.memory_space<vmem>>)
      %mul3A_222 = arith.constant 6272 : i32
      %mul3A_223 = arith.muli %add3A, %mul3A_222 : i32
      %mul3A_224 = arith.constant 896 : i32
      %mul3A_225 = arith.muli %scan3A_77, %mul3A_224 : i32
      %add3A_226 = arith.addi %mul3A_223, %mul3A_225 : i32
      "tpu.region"() ({
        %run_scoped3A = tpu.sem_alloc : memref<!tpu.dma_semaphore, #tpu.memory_space<semaphore_mem>>
        %dma_start3A_228 = arith.constant 0 : i32
        %dma_start3A_229 = tpu.memref_slice %arg5[%add3A_226, %dma_start3A_228] : memref<200704x16xf32, #tpu.memory_space<hbm>> -> memref<896x16xf32, #tpu.memory_space<hbm>>
        %dma_start3A_230 = arith.constant 0 : i32
        %dma_start3A_231 = tpu.memref_slice %arg5[%add3A_226, %dma_start3A_230] : memref<200704x16xf32, #tpu.memory_space<hbm>> -> memref<896x16xf32, #tpu.memory_space<hbm>>
        tpu.enqueue_dma source(%arg8 : memref<896x16xf32, #tpu.memory_space<vmem>>) target(%dma_start3A_231 : memref<896x16xf32, #tpu.memory_space<hbm>>) target_semaphore(%run_scoped3A : memref<!tpu.dma_semaphore, #tpu.memory_space<semaphore_mem>>)
        %dma_wait3A_232 = arith.constant 0 : i32
        %dma_wait3A_233 = tpu.memref_slice %arg5[%add3A_226, %dma_wait3A_232] : memref<200704x16xf32, #tpu.memory_space<hbm>> -> memref<896x16xf32, #tpu.memory_space<hbm>>
        %dma_wait3A_234 = arith.constant 0 : i32
        %dma_wait3A_235 = tpu.memref_slice %arg5[%add3A_226, %dma_wait3A_234] : memref<200704x16xf32, #tpu.memory_space<hbm>> -> memref<896x16xf32, #tpu.memory_space<hbm>>
        tpu.wait_dma2 semaphore(%run_scoped3A : memref<!tpu.dma_semaphore, #tpu.memory_space<semaphore_mem>>) src(%arg8 : memref<896x16xf32, #tpu.memory_space<vmem>>) dst(%dma_wait3A_235 : memref<896x16xf32, #tpu.memory_space<hbm>>)
        tpu.yield
      }) : () -> ()
      %scan3A_227 = arith.constant 0 : i32
      scf.yield %scan3A_227 : i32
    }
    %scan3A_61 = arith.constant 7 : i32
    %scan3A_62 = arith.constant 0 : i32
    %scan3A_63 = arith.constant 0 : i32
    %scan3A_64 = arith.constant 25 : i32
    %scan3A_65 = arith.addi %scan3A_63, %scan3A_64 : i32
    %scan3A_66 = arith.constant 1 : i32
    %scan3A_67 = scf.for %scan3A_77 = %scan3A_63 to %scan3A_65 step %scan3A_66 iter_args(%scan3A_78 = %scan3A_62) -> (i32)  : i32 {
      %mul3A_79 = arith.constant 200 : i32
      %mul3A_80 = arith.muli %add3A, %mul3A_79 : i32
      %mul3A_81 = arith.constant 8 : i32
      %mul3A_82 = arith.muli %scan3A_77, %mul3A_81 : i32
      %add3A_83 = arith.addi %mul3A_80, %mul3A_82 : i32
      "tpu.region"() ({
        %run_scoped3A_92 = tpu.sem_alloc : memref<!tpu.dma_semaphore, #tpu.memory_space<semaphore_mem>>
        %dma_start3A = arith.constant 0 : i32
        %dma_start3A_93 = tpu.memref_slice %arg4[%add3A_83, %dma_start3A] : memref<6400x128xi32, #tpu.memory_space<hbm>> -> memref<8x128xi32, #tpu.memory_space<hbm>>
        %dma_start3A_94 = arith.constant 0 : i32
        %dma_start3A_95 = tpu.memref_slice %arg4[%add3A_83, %dma_start3A_94] : memref<6400x128xi32, #tpu.memory_space<hbm>> -> memref<8x128xi32, #tpu.memory_space<hbm>>
        tpu.enqueue_dma source(%dma_start3A_95 : memref<8x128xi32, #tpu.memory_space<hbm>>) target(%arg10 : memref<8x128xi32, #tpu.memory_space<vmem>>) target_semaphore(%run_scoped3A_92 : memref<!tpu.dma_semaphore, #tpu.memory_space<semaphore_mem>>)
        %dma_wait3A = arith.constant 0 : i32
        %dma_wait3A_96 = tpu.memref_slice %arg4[%add3A_83, %dma_wait3A] : memref<6400x128xi32, #tpu.memory_space<hbm>> -> memref<8x128xi32, #tpu.memory_space<hbm>>
        %dma_wait3A_97 = arith.constant 0 : i32
        %dma_wait3A_98 = tpu.memref_slice %arg4[%add3A_83, %dma_wait3A_97] : memref<6400x128xi32, #tpu.memory_space<hbm>> -> memref<8x128xi32, #tpu.memory_space<hbm>>
        tpu.wait_dma2 semaphore(%run_scoped3A_92 : memref<!tpu.dma_semaphore, #tpu.memory_space<semaphore_mem>>) src(%dma_wait3A_98 : memref<8x128xi32, #tpu.memory_space<hbm>>) dst(%arg10 : memref<8x128xi32, #tpu.memory_space<vmem>>)
        tpu.yield
      }) : () -> ()
      %run_scoped3A = arith.constant 0 : i32
      "tpu.region"() ({
        %run_scoped3A_92 = tpu.sem_alloc : memref<!tpu.dma_semaphore, #tpu.memory_space<semaphore_mem>>
        %dma_start3A = arith.constant 0 : i32
        %dma_start3A_93 = tpu.memref_slice %arg10[%run_scoped3A, %dma_start3A] : memref<8x128xi32, #tpu.memory_space<vmem>> -> memref<1x128xi32, #tpu.memory_space<vmem>>
        %dma_start3A_94 = tpu.memref_squeeze %dma_start3A_93 : memref<1x128xi32, #tpu.memory_space<vmem>> -> memref<128xi32, #tpu.memory_space<vmem>>
        %dma_start3A_95 = arith.constant 0 : i32
        %dma_start3A_96 = tpu.memref_slice %arg13[%dma_start3A_95] : memref<50176xf32, #tpu.memory_space<vmem_shared>> -> memref<50176xf32, #tpu.memory_space<vmem_shared>>
        tpu.enqueue_indirect_dma source(%arg11 : memref<128xf32, #tpu.memory_space<vmem>>) target(%dma_start3A_96 : memref<50176xf32, #tpu.memory_space<vmem_shared>>) offsets(%dma_start3A_94 : memref<128xi32, #tpu.memory_space<vmem>>) semaphore(%run_scoped3A_92 : memref<!tpu.dma_semaphore, #tpu.memory_space<semaphore_mem>>) {add = true}
        %dma_wait3A = arith.constant 0 : i32
        %dma_wait3A_97 = tpu.memref_slice %arg10[%run_scoped3A, %dma_wait3A] : memref<8x128xi32, #tpu.memory_space<vmem>> -> memref<1x128xi32, #tpu.memory_space<vmem>>
        %dma_wait3A_98 = tpu.memref_squeeze %dma_wait3A_97 : memref<1x128xi32, #tpu.memory_space<vmem>> -> memref<128xi32, #tpu.memory_space<vmem>>
        %dma_wait3A_99 = arith.constant 0 : i32
        %dma_wait3A_100 = tpu.memref_slice %arg13[%dma_wait3A_99] : memref<50176xf32, #tpu.memory_space<vmem_shared>> -> memref<50176xf32, #tpu.memory_space<vmem_shared>>
        tpu.wait_indirect_dma semaphore(%run_scoped3A_92 : memref<!tpu.dma_semaphore, #tpu.memory_space<semaphore_mem>>) src(%arg11 : memref<128xf32, #tpu.memory_space<vmem>>) dst(%dma_wait3A_100 : memref<50176xf32, #tpu.memory_space<vmem_shared>>)
        tpu.yield
      }) : () -> ()
      %run_scoped3A_84 = arith.constant 1 : i32
      "tpu.region"() ({
        %run_scoped3A_92 = tpu.sem_alloc : memref<!tpu.dma_semaphore, #tpu.memory_space<semaphore_mem>>
        %dma_start3A = arith.constant 0 : i32
        %dma_start3A_93 = tpu.memref_slice %arg10[%run_scoped3A_84, %dma_start3A] : memref<8x128xi32, #tpu.memory_space<vmem>> -> memref<1x128xi32, #tpu.memory_space<vmem>>
        %dma_start3A_94 = tpu.memref_squeeze %dma_start3A_93 : memref<1x128xi32, #tpu.memory_space<vmem>> -> memref<128xi32, #tpu.memory_space<vmem>>
        %dma_start3A_95 = arith.constant 0 : i32
        %dma_start3A_96 = tpu.memref_slice %arg13[%dma_start3A_95] : memref<50176xf32, #tpu.memory_space<vmem_shared>> -> memref<50176xf32, #tpu.memory_space<vmem_shared>>
        tpu.enqueue_indirect_dma source(%arg11 : memref<128xf32, #tpu.memory_space<vmem>>) target(%dma_start3A_96 : memref<50176xf32, #tpu.memory_space<vmem_shared>>) offsets(%dma_start3A_94 : memref<128xi32, #tpu.memory_space<vmem>>) semaphore(%run_scoped3A_92 : memref<!tpu.dma_semaphore, #tpu.memory_space<semaphore_mem>>) {add = true}
        %dma_wait3A = arith.constant 0 : i32
        %dma_wait3A_97 = tpu.memref_slice %arg10[%run_scoped3A_84, %dma_wait3A] : memref<8x128xi32, #tpu.memory_space<vmem>> -> memref<1x128xi32, #tpu.memory_space<vmem>>
        %dma_wait3A_98 = tpu.memref_squeeze %dma_wait3A_97 : memref<1x128xi32, #tpu.memory_space<vmem>> -> memref<128xi32, #tpu.memory_space<vmem>>
        %dma_wait3A_99 = arith.constant 0 : i32
        %dma_wait3A_100 = tpu.memref_slice %arg13[%dma_wait3A_99] : memref<50176xf32, #tpu.memory_space<vmem_shared>> -> memref<50176xf32, #tpu.memory_space<vmem_shared>>
        tpu.wait_indirect_dma semaphore(%run_scoped3A_92 : memref<!tpu.dma_semaphore, #tpu.memory_space<semaphore_mem>>) src(%arg11 : memref<128xf32, #tpu.memory_space<vmem>>) dst(%dma_wait3A_100 : memref<50176xf32, #tpu.memory_space<vmem_shared>>)
        tpu.yield
      }) : () -> ()
      %run_scoped3A_85 = arith.constant 2 : i32
      "tpu.region"() ({
        %run_scoped3A_92 = tpu.sem_alloc : memref<!tpu.dma_semaphore, #tpu.memory_space<semaphore_mem>>
        %dma_start3A = arith.constant 0 : i32
        %dma_start3A_93 = tpu.memref_slice %arg10[%run_scoped3A_85, %dma_start3A] : memref<8x128xi32, #tpu.memory_space<vmem>> -> memref<1x128xi32, #tpu.memory_space<vmem>>
        %dma_start3A_94 = tpu.memref_squeeze %dma_start3A_93 : memref<1x128xi32, #tpu.memory_space<vmem>> -> memref<128xi32, #tpu.memory_space<vmem>>
        %dma_start3A_95 = arith.constant 0 : i32
        %dma_start3A_96 = tpu.memref_slice %arg13[%dma_start3A_95] : memref<50176xf32, #tpu.memory_space<vmem_shared>> -> memref<50176xf32, #tpu.memory_space<vmem_shared>>
        tpu.enqueue_indirect_dma source(%arg11 : memref<128xf32, #tpu.memory_space<vmem>>) target(%dma_start3A_96 : memref<50176xf32, #tpu.memory_space<vmem_shared>>) offsets(%dma_start3A_94 : memref<128xi32, #tpu.memory_space<vmem>>) semaphore(%run_scoped3A_92 : memref<!tpu.dma_semaphore, #tpu.memory_space<semaphore_mem>>) {add = true}
        %dma_wait3A = arith.constant 0 : i32
        %dma_wait3A_97 = tpu.memref_slice %arg10[%run_scoped3A_85, %dma_wait3A] : memref<8x128xi32, #tpu.memory_space<vmem>> -> memref<1x128xi32, #tpu.memory_space<vmem>>
        %dma_wait3A_98 = tpu.memref_squeeze %dma_wait3A_97 : memref<1x128xi32, #tpu.memory_space<vmem>> -> memref<128xi32, #tpu.memory_space<vmem>>
        %dma_wait3A_99 = arith.constant 0 : i32
        %dma_wait3A_100 = tpu.memref_slice %arg13[%dma_wait3A_99] : memref<50176xf32, #tpu.memory_space<vmem_shared>> -> memref<50176xf32, #tpu.memory_space<vmem_shared>>
        tpu.wait_indirect_dma semaphore(%run_scoped3A_92 : memref<!tpu.dma_semaphore, #tpu.memory_space<semaphore_mem>>) src(%arg11 : memref<128xf32, #tpu.memory_space<vmem>>) dst(%dma_wait3A_100 : memref<50176xf32, #tpu.memory_space<vmem_shared>>)
        tpu.yield
      }) : () -> ()
      %run_scoped3A_86 = arith.constant 3 : i32
      "tpu.region"() ({
        %run_scoped3A_92 = tpu.sem_alloc : memref<!tpu.dma_semaphore, #tpu.memory_space<semaphore_mem>>
        %dma_start3A = arith.constant 0 : i32
        %dma_start3A_93 = tpu.memref_slice %arg10[%run_scoped3A_86, %dma_start3A] : memref<8x128xi32, #tpu.memory_space<vmem>> -> memref<1x128xi32, #tpu.memory_space<vmem>>
        %dma_start3A_94 = tpu.memref_squeeze %dma_start3A_93 : memref<1x128xi32, #tpu.memory_space<vmem>> -> memref<128xi32, #tpu.memory_space<vmem>>
        %dma_start3A_95 = arith.constant 0 : i32
        %dma_start3A_96 = tpu.memref_slice %arg13[%dma_start3A_95] : memref<50176xf32, #tpu.memory_space<vmem_shared>> -> memref<50176xf32, #tpu.memory_space<vmem_shared>>
        tpu.enqueue_indirect_dma source(%arg11 : memref<128xf32, #tpu.memory_space<vmem>>) target(%dma_start3A_96 : memref<50176xf32, #tpu.memory_space<vmem_shared>>) offsets(%dma_start3A_94 : memref<128xi32, #tpu.memory_space<vmem>>) semaphore(%run_scoped3A_92 : memref<!tpu.dma_semaphore, #tpu.memory_space<semaphore_mem>>) {add = true}
        %dma_wait3A = arith.constant 0 : i32
        %dma_wait3A_97 = tpu.memref_slice %arg10[%run_scoped3A_86, %dma_wait3A] : memref<8x128xi32, #tpu.memory_space<vmem>> -> memref<1x128xi32, #tpu.memory_space<vmem>>
        %dma_wait3A_98 = tpu.memref_squeeze %dma_wait3A_97 : memref<1x128xi32, #tpu.memory_space<vmem>> -> memref<128xi32, #tpu.memory_space<vmem>>
        %dma_wait3A_99 = arith.constant 0 : i32
        %dma_wait3A_100 = tpu.memref_slice %arg13[%dma_wait3A_99] : memref<50176xf32, #tpu.memory_space<vmem_shared>> -> memref<50176xf32, #tpu.memory_space<vmem_shared>>
        tpu.wait_indirect_dma semaphore(%run_scoped3A_92 : memref<!tpu.dma_semaphore, #tpu.memory_space<semaphore_mem>>) src(%arg11 : memref<128xf32, #tpu.memory_space<vmem>>) dst(%dma_wait3A_100 : memref<50176xf32, #tpu.memory_space<vmem_shared>>)
        tpu.yield
      }) : () -> ()
      %run_scoped3A_87 = arith.constant 4 : i32
      "tpu.region"() ({
        %run_scoped3A_92 = tpu.sem_alloc : memref<!tpu.dma_semaphore, #tpu.memory_space<semaphore_mem>>
        %dma_start3A = arith.constant 0 : i32
        %dma_start3A_93 = tpu.memref_slice %arg10[%run_scoped3A_87, %dma_start3A] : memref<8x128xi32, #tpu.memory_space<vmem>> -> memref<1x128xi32, #tpu.memory_space<vmem>>
        %dma_start3A_94 = tpu.memref_squeeze %dma_start3A_93 : memref<1x128xi32, #tpu.memory_space<vmem>> -> memref<128xi32, #tpu.memory_space<vmem>>
        %dma_start3A_95 = arith.constant 0 : i32
        %dma_start3A_96 = tpu.memref_slice %arg13[%dma_start3A_95] : memref<50176xf32, #tpu.memory_space<vmem_shared>> -> memref<50176xf32, #tpu.memory_space<vmem_shared>>
        tpu.enqueue_indirect_dma source(%arg11 : memref<128xf32, #tpu.memory_space<vmem>>) target(%dma_start3A_96 : memref<50176xf32, #tpu.memory_space<vmem_shared>>) offsets(%dma_start3A_94 : memref<128xi32, #tpu.memory_space<vmem>>) semaphore(%run_scoped3A_92 : memref<!tpu.dma_semaphore, #tpu.memory_space<semaphore_mem>>) {add = true}
        %dma_wait3A = arith.constant 0 : i32
        %dma_wait3A_97 = tpu.memref_slice %arg10[%run_scoped3A_87, %dma_wait3A] : memref<8x128xi32, #tpu.memory_space<vmem>> -> memref<1x128xi32, #tpu.memory_space<vmem>>
        %dma_wait3A_98 = tpu.memref_squeeze %dma_wait3A_97 : memref<1x128xi32, #tpu.memory_space<vmem>> -> memref<128xi32, #tpu.memory_space<vmem>>
        %dma_wait3A_99 = arith.constant 0 : i32
        %dma_wait3A_100 = tpu.memref_slice %arg13[%dma_wait3A_99] : memref<50176xf32, #tpu.memory_space<vmem_shared>> -> memref<50176xf32, #tpu.memory_space<vmem_shared>>
        tpu.wait_indirect_dma semaphore(%run_scoped3A_92 : memref<!tpu.dma_semaphore, #tpu.memory_space<semaphore_mem>>) src(%arg11 : memref<128xf32, #tpu.memory_space<vmem>>) dst(%dma_wait3A_100 : memref<50176xf32, #tpu.memory_space<vmem_shared>>)
        tpu.yield
      }) : () -> ()
      %run_scoped3A_88 = arith.constant 5 : i32
      "tpu.region"() ({
        %run_scoped3A_92 = tpu.sem_alloc : memref<!tpu.dma_semaphore, #tpu.memory_space<semaphore_mem>>
        %dma_start3A = arith.constant 0 : i32
        %dma_start3A_93 = tpu.memref_slice %arg10[%run_scoped3A_88, %dma_start3A] : memref<8x128xi32, #tpu.memory_space<vmem>> -> memref<1x128xi32, #tpu.memory_space<vmem>>
        %dma_start3A_94 = tpu.memref_squeeze %dma_start3A_93 : memref<1x128xi32, #tpu.memory_space<vmem>> -> memref<128xi32, #tpu.memory_space<vmem>>
        %dma_start3A_95 = arith.constant 0 : i32
        %dma_start3A_96 = tpu.memref_slice %arg13[%dma_start3A_95] : memref<50176xf32, #tpu.memory_space<vmem_shared>> -> memref<50176xf32, #tpu.memory_space<vmem_shared>>
        tpu.enqueue_indirect_dma source(%arg11 : memref<128xf32, #tpu.memory_space<vmem>>) target(%dma_start3A_96 : memref<50176xf32, #tpu.memory_space<vmem_shared>>) offsets(%dma_start3A_94 : memref<128xi32, #tpu.memory_space<vmem>>) semaphore(%run_scoped3A_92 : memref<!tpu.dma_semaphore, #tpu.memory_space<semaphore_mem>>) {add = true}
        %dma_wait3A = arith.constant 0 : i32
        %dma_wait3A_97 = tpu.memref_slice %arg10[%run_scoped3A_88, %dma_wait3A] : memref<8x128xi32, #tpu.memory_space<vmem>> -> memref<1x128xi32, #tpu.memory_space<vmem>>
        %dma_wait3A_98 = tpu.memref_squeeze %dma_wait3A_97 : memref<1x128xi32, #tpu.memory_space<vmem>> -> memref<128xi32, #tpu.memory_space<vmem>>
        %dma_wait3A_99 = arith.constant 0 : i32
        %dma_wait3A_100 = tpu.memref_slice %arg13[%dma_wait3A_99] : memref<50176xf32, #tpu.memory_space<vmem_shared>> -> memref<50176xf32, #tpu.memory_space<vmem_shared>>
        tpu.wait_indirect_dma semaphore(%run_scoped3A_92 : memref<!tpu.dma_semaphore, #tpu.memory_space<semaphore_mem>>) src(%arg11 : memref<128xf32, #tpu.memory_space<vmem>>) dst(%dma_wait3A_100 : memref<50176xf32, #tpu.memory_space<vmem_shared>>)
        tpu.yield
      }) : () -> ()
      %run_scoped3A_89 = arith.constant 6 : i32
      "tpu.region"() ({
        %run_scoped3A_92 = tpu.sem_alloc : memref<!tpu.dma_semaphore, #tpu.memory_space<semaphore_mem>>
        %dma_start3A = arith.constant 0 : i32
        %dma_start3A_93 = tpu.memref_slice %arg10[%run_scoped3A_89, %dma_start3A] : memref<8x128xi32, #tpu.memory_space<vmem>> -> memref<1x128xi32, #tpu.memory_space<vmem>>
        %dma_start3A_94 = tpu.memref_squeeze %dma_start3A_93 : memref<1x128xi32, #tpu.memory_space<vmem>> -> memref<128xi32, #tpu.memory_space<vmem>>
        %dma_start3A_95 = arith.constant 0 : i32
        %dma_start3A_96 = tpu.memref_slice %arg13[%dma_start3A_95] : memref<50176xf32, #tpu.memory_space<vmem_shared>> -> memref<50176xf32, #tpu.memory_space<vmem_shared>>
        tpu.enqueue_indirect_dma source(%arg11 : memref<128xf32, #tpu.memory_space<vmem>>) target(%dma_start3A_96 : memref<50176xf32, #tpu.memory_space<vmem_shared>>) offsets(%dma_start3A_94 : memref<128xi32, #tpu.memory_space<vmem>>) semaphore(%run_scoped3A_92 : memref<!tpu.dma_semaphore, #tpu.memory_space<semaphore_mem>>) {add = true}
        %dma_wait3A = arith.constant 0 : i32
        %dma_wait3A_97 = tpu.memref_slice %arg10[%run_scoped3A_89, %dma_wait3A] : memref<8x128xi32, #tpu.memory_space<vmem>> -> memref<1x128xi32, #tpu.memory_space<vmem>>
        %dma_wait3A_98 = tpu.memref_squeeze %dma_wait3A_97 : memref<1x128xi32, #tpu.memory_space<vmem>> -> memref<128xi32, #tpu.memory_space<vmem>>
        %dma_wait3A_99 = arith.constant 0 : i32
        %dma_wait3A_100 = tpu.memref_slice %arg13[%dma_wait3A_99] : memref<50176xf32, #tpu.memory_space<vmem_shared>> -> memref<50176xf32, #tpu.memory_space<vmem_shared>>
        tpu.wait_indirect_dma semaphore(%run_scoped3A_92 : memref<!tpu.dma_semaphore, #tpu.memory_space<semaphore_mem>>) src(%arg11 : memref<128xf32, #tpu.memory_space<vmem>>) dst(%dma_wait3A_100 : memref<50176xf32, #tpu.memory_space<vmem_shared>>)
        tpu.yield
      }) : () -> ()
      %run_scoped3A_90 = arith.constant 7 : i32
      "tpu.region"() ({
        %run_scoped3A_92 = tpu.sem_alloc : memref<!tpu.dma_semaphore, #tpu.memory_space<semaphore_mem>>
        %dma_start3A = arith.constant 0 : i32
        %dma_start3A_93 = tpu.memref_slice %arg10[%run_scoped3A_90, %dma_start3A] : memref<8x128xi32, #tpu.memory_space<vmem>> -> memref<1x128xi32, #tpu.memory_space<vmem>>
        %dma_start3A_94 = tpu.memref_squeeze %dma_start3A_93 : memref<1x128xi32, #tpu.memory_space<vmem>> -> memref<128xi32, #tpu.memory_space<vmem>>
        %dma_start3A_95 = arith.constant 0 : i32
        %dma_start3A_96 = tpu.memref_slice %arg13[%dma_start3A_95] : memref<50176xf32, #tpu.memory_space<vmem_shared>> -> memref<50176xf32, #tpu.memory_space<vmem_shared>>
        tpu.enqueue_indirect_dma source(%arg11 : memref<128xf32, #tpu.memory_space<vmem>>) target(%dma_start3A_96 : memref<50176xf32, #tpu.memory_space<vmem_shared>>) offsets(%dma_start3A_94 : memref<128xi32, #tpu.memory_space<vmem>>) semaphore(%run_scoped3A_92 : memref<!tpu.dma_semaphore, #tpu.memory_space<semaphore_mem>>) {add = true}
        %dma_wait3A = arith.constant 0 : i32
        %dma_wait3A_97 = tpu.memref_slice %arg10[%run_scoped3A_90, %dma_wait3A] : memref<8x128xi32, #tpu.memory_space<vmem>> -> memref<1x128xi32, #tpu.memory_space<vmem>>
        %dma_wait3A_98 = tpu.memref_squeeze %dma_wait3A_97 : memref<1x128xi32, #tpu.memory_space<vmem>> -> memref<128xi32, #tpu.memory_space<vmem>>
        %dma_wait3A_99 = arith.constant 0 : i32
        %dma_wait3A_100 = tpu.memref_slice %arg13[%dma_wait3A_99] : memref<50176xf32, #tpu.memory_space<vmem_shared>> -> memref<50176xf32, #tpu.memory_space<vmem_shared>>
        tpu.wait_indirect_dma semaphore(%run_scoped3A_92 : memref<!tpu.dma_semaphore, #tpu.memory_space<semaphore_mem>>) src(%arg11 : memref<128xf32, #tpu.memory_space<vmem>>) dst(%dma_wait3A_100 : memref<50176xf32, #tpu.memory_space<vmem_shared>>)
        tpu.yield
      }) : () -> ()
      %scan3A_91 = arith.constant 0 : i32
      scf.yield %scan3A_91 : i32
    }
    %scan3A_68 = arith.constant 25 : i32
    %barrier3A_69 = arith.constant 0 : index
    tpu.barrier barrier_id(%barrier3A_69)
    %eq3A = arith.constant 0 : i32
    %eq3A_70 = arith.cmpi eq, %arg0, %eq3A : i32
    %convert_element_type3A = arith.extui %eq3A_70 : i1 to i32
    %cond3A = arith.constant 0 : i32
    %cond3A_71 = arith.cmpi ne, %convert_element_type3A, %cond3A : i32
    scf.if %cond3A_71 {
      %mul3A_77 = arith.constant 3136 : i32
      %mul3A_78 = arith.muli %arg1, %mul3A_77 : i32
      %mul3A_79 = arith.constant 3136 : i32
      %mul3A_80 = arith.muli %arg1, %mul3A_79 : i32
      "tpu.region"() ({
        %run_scoped3A = tpu.sem_alloc : memref<!tpu.dma_semaphore, #tpu.memory_space<semaphore_mem>>
        %dma_start3A = tpu.memref_slice %arg6[%mul3A_80] : memref<50176xf32, #tpu.memory_space<hbm>> -> memref<3136xf32, #tpu.memory_space<hbm>>
        %dma_start3A_81 = tpu.memref_slice %arg13[%mul3A_78] : memref<50176xf32, #tpu.memory_space<vmem_shared>> -> memref<3136xf32, #tpu.memory_space<vmem_shared>>
        tpu.enqueue_dma source(%dma_start3A_81 : memref<3136xf32, #tpu.memory_space<vmem_shared>>) target(%dma_start3A : memref<3136xf32, #tpu.memory_space<hbm>>) target_semaphore(%run_scoped3A : memref<!tpu.dma_semaphore, #tpu.memory_space<semaphore_mem>>)
        %dma_wait3A = tpu.memref_slice %arg6[%mul3A_80] : memref<50176xf32, #tpu.memory_space<hbm>> -> memref<3136xf32, #tpu.memory_space<hbm>>
        %dma_wait3A_82 = tpu.memref_slice %arg13[%mul3A_78] : memref<50176xf32, #tpu.memory_space<vmem_shared>> -> memref<3136xf32, #tpu.memory_space<vmem_shared>>
        tpu.wait_dma2 semaphore(%run_scoped3A : memref<!tpu.dma_semaphore, #tpu.memory_space<semaphore_mem>>) src(%dma_wait3A_82 : memref<3136xf32, #tpu.memory_space<vmem_shared>>) dst(%dma_wait3A : memref<3136xf32, #tpu.memory_space<hbm>>)
        tpu.yield
      }) : () -> ()
    } else {
    }
    %eq3A_72 = arith.constant 1 : i32
    %eq3A_73 = arith.cmpi eq, %arg0, %eq3A_72 : i32
    %convert_element_type3A_74 = arith.extui %eq3A_73 : i1 to i32
    %cond3A_75 = arith.constant 0 : i32
    %cond3A_76 = arith.cmpi ne, %convert_element_type3A_74, %cond3A_75 : i32
    scf.if %cond3A_76 {
      %mul3A_77 = arith.constant 3136 : i32
      %mul3A_78 = arith.muli %arg1, %mul3A_77 : i32
      %mul3A_79 = arith.constant 3136 : i32
      %mul3A_80 = arith.muli %arg1, %mul3A_79 : i32
      "tpu.region"() ({
        %run_scoped3A = tpu.sem_alloc : memref<!tpu.dma_semaphore, #tpu.memory_space<semaphore_mem>>
        %dma_start3A = tpu.memref_slice %arg7[%mul3A_80] : memref<50176xf32, #tpu.memory_space<hbm>> -> memref<3136xf32, #tpu.memory_space<hbm>>
        %dma_start3A_81 = tpu.memref_slice %arg13[%mul3A_78] : memref<50176xf32, #tpu.memory_space<vmem_shared>> -> memref<3136xf32, #tpu.memory_space<vmem_shared>>
        tpu.enqueue_dma source(%dma_start3A_81 : memref<3136xf32, #tpu.memory_space<vmem_shared>>) target(%dma_start3A : memref<3136xf32, #tpu.memory_space<hbm>>) target_semaphore(%run_scoped3A : memref<!tpu.dma_semaphore, #tpu.memory_space<semaphore_mem>>)
        %dma_wait3A = tpu.memref_slice %arg7[%mul3A_80] : memref<50176xf32, #tpu.memory_space<hbm>> -> memref<3136xf32, #tpu.memory_space<hbm>>
        %dma_wait3A_82 = tpu.memref_slice %arg13[%mul3A_78] : memref<50176xf32, #tpu.memory_space<vmem_shared>> -> memref<3136xf32, #tpu.memory_space<vmem_shared>>
        tpu.wait_dma2 semaphore(%run_scoped3A : memref<!tpu.dma_semaphore, #tpu.memory_space<semaphore_mem>>) src(%dma_wait3A_82 : memref<3136xf32, #tpu.memory_space<vmem_shared>>) dst(%dma_wait3A : memref<3136xf32, #tpu.memory_space<hbm>>)
        tpu.yield
      }) : () -> ()
    } else {
    }
    return
  }
}

#map = affine_map<(d0, d1) -> (0, 0)>
#map1 = affine_map<(d0, d1) -> (0, 0, 0)>
module attributes {stable_mosaic.version = 14 : i64} {
  func.func @_sc_edge(%arg0: i32, %arg1: i32, %arg2: memref<100352x32xf32, #tpu.memory_space<hbm>>, %arg3: memref<6400x128xi32, #tpu.memory_space<hbm>>, %arg4: memref<6400x128xi32, #tpu.memory_space<hbm>>, %arg5: memref<50176x2x32xf32, #tpu.memory_space<hbm>>, %arg6: memref<16x128xi32, #tpu.memory_space<vmem>>, %arg7: memref<16x128xi32, #tpu.memory_space<vmem>>, %arg8: memref<4x128xi32, #tpu.memory_space<vmem>>, %arg9: memref<4x128x32xf32, #tpu.memory_space<vmem>>, %arg10: memref<196x32xf32, #tpu.memory_space<vmem>>, %arg11: memref<50176x32xf32, #tpu.memory_space<vmem_shared>>, %arg12: memref<!tpu.dma_semaphore, #tpu.memory_space<semaphore_mem>>, %arg13: memref<!tpu.dma_semaphore, #tpu.memory_space<semaphore_mem>>, %arg14: memref<!tpu.dma_semaphore, #tpu.memory_space<semaphore_mem>>) attributes {dimension_semantics = [#tpu.dimension_semantics<core_parallel>, #tpu.dimension_semantics<subcore_parallel>], iteration_bounds = array<i64: 2, 16>, scalar_prefetch = 0 : i64, scratch_operands = 9 : i64, tpu.core_type = #tpu.core_type<sc_vector_subcore>, window_params = [{transform_indices = #map}, {transform_indices = #map}, {transform_indices = #map}, {transform_indices = #map1}]} {
    %mul3A = arith.constant 400 : i32
    %mul3A_0 = arith.muli %arg1, %mul3A : i32
    %scan3A = arith.constant 0 : i32
    %scan3A_1 = arith.constant 0 : i32
    %scan3A_2 = arith.constant 196 : i32
    %scan3A_3 = arith.addi %scan3A_1, %scan3A_2 : i32
    %scan3A_4 = arith.constant 1 : i32
    %scan3A_5 = scf.for %scan3A_383 = %scan3A_1 to %scan3A_3 step %scan3A_4 iter_args(%scan3A_384 = %scan3A) -> (i32)  : i32 {
      %broadcast_in_dim3A = arith.constant 0.000000e+00 : f32
      %broadcast_in_dim3A_385 = vector.broadcast %broadcast_in_dim3A : f32 to vector<16xf32>
      %swap3A_386 = arith.index_cast %scan3A_383 : i32 to index
      %swap3A_387 = arith.constant 0 : index
      %swap3A_388 = tpu.vector_load %arg10[%swap3A_386, %swap3A_387] {strides = array<i32>} : memref<196x32xf32, #tpu.memory_space<vmem>>, vector<1x16xf32>,
      %swap3A_389 = vector.shape_cast %swap3A_388 : vector<1x16xf32> to vector<16xf32>
      %swap3A_390 = vector.shape_cast %broadcast_in_dim3A_385 : vector<16xf32> to vector<1x16xf32>
      tpu.vector_store %arg10[%swap3A_386, %swap3A_387], %swap3A_390 {strides = array<i32>} : memref<196x32xf32, #tpu.memory_space<vmem>>, vector<1x16xf32>,
      %broadcast_in_dim3A_391 = arith.constant 0.000000e+00 : f32
      %broadcast_in_dim3A_392 = vector.broadcast %broadcast_in_dim3A_391 : f32 to vector<16xf32>
      %swap3A_393 = arith.index_cast %scan3A_383 : i32 to index
      %swap3A_394 = arith.constant 16 : index
      %swap3A_395 = tpu.vector_load %arg10[%swap3A_393, %swap3A_394] {strides = array<i32>} : memref<196x32xf32, #tpu.memory_space<vmem>>, vector<1x16xf32>,
      %swap3A_396 = vector.shape_cast %swap3A_395 : vector<1x16xf32> to vector<16xf32>
      %swap3A_397 = vector.shape_cast %broadcast_in_dim3A_392 : vector<16xf32> to vector<1x16xf32>
      tpu.vector_store %arg10[%swap3A_393, %swap3A_394], %swap3A_397 {strides = array<i32>} : memref<196x32xf32, #tpu.memory_space<vmem>>, vector<1x16xf32>,
      %scan3A_398 = arith.constant 0 : i32
      scf.yield %scan3A_398 : i32
    }
    %scan3A_6 = arith.constant 196 : i32
    %mul3A_7 = arith.constant 3136 : i32
    %mul3A_8 = arith.muli %arg1, %mul3A_7 : i32
    %add3A = arith.constant 0 : i32
    %add3A_9 = arith.addi %mul3A_8, %add3A : i32
    "tpu.region"() ({
      %run_scoped3A = tpu.sem_alloc : memref<!tpu.dma_semaphore, #tpu.memory_space<semaphore_mem>>
      %dma_start3A_383 = arith.constant 0 : i32
      %dma_start3A_384 = tpu.memref_slice %arg11[%add3A_9, %dma_start3A_383] : memref<50176x32xf32, #tpu.memory_space<vmem_shared>> -> memref<196x32xf32, #tpu.memory_space<vmem_shared>>
      %dma_start3A_385 = arith.constant 0 : i32
      %dma_start3A_386 = tpu.memref_slice %arg11[%add3A_9, %dma_start3A_385] : memref<50176x32xf32, #tpu.memory_space<vmem_shared>> -> memref<196x32xf32, #tpu.memory_space<vmem_shared>>
      tpu.enqueue_dma source(%arg10 : memref<196x32xf32, #tpu.memory_space<vmem>>) target(%dma_start3A_386 : memref<196x32xf32, #tpu.memory_space<vmem_shared>>) target_semaphore(%run_scoped3A : memref<!tpu.dma_semaphore, #tpu.memory_space<semaphore_mem>>)
      %dma_wait3A = arith.constant 0 : i32
      %dma_wait3A_387 = tpu.memref_slice %arg11[%add3A_9, %dma_wait3A] : memref<50176x32xf32, #tpu.memory_space<vmem_shared>> -> memref<196x32xf32, #tpu.memory_space<vmem_shared>>
      %dma_wait3A_388 = arith.constant 0 : i32
      %dma_wait3A_389 = tpu.memref_slice %arg11[%add3A_9, %dma_wait3A_388] : memref<50176x32xf32, #tpu.memory_space<vmem_shared>> -> memref<196x32xf32, #tpu.memory_space<vmem_shared>>
      tpu.wait_dma2 semaphore(%run_scoped3A : memref<!tpu.dma_semaphore, #tpu.memory_space<semaphore_mem>>) src(%arg10 : memref<196x32xf32, #tpu.memory_space<vmem>>) dst(%dma_wait3A_389 : memref<196x32xf32, #tpu.memory_space<vmem_shared>>)
      tpu.yield
    }) : () -> ()
    %mul3A_10 = arith.constant 3136 : i32
    %mul3A_11 = arith.muli %arg1, %mul3A_10 : i32
    %add3A_12 = arith.constant 196 : i32
    %add3A_13 = arith.addi %mul3A_11, %add3A_12 : i32
    "tpu.region"() ({
      %run_scoped3A = tpu.sem_alloc : memref<!tpu.dma_semaphore, #tpu.memory_space<semaphore_mem>>
      %dma_start3A_383 = arith.constant 0 : i32
      %dma_start3A_384 = tpu.memref_slice %arg11[%add3A_13, %dma_start3A_383] : memref<50176x32xf32, #tpu.memory_space<vmem_shared>> -> memref<196x32xf32, #tpu.memory_space<vmem_shared>>
      %dma_start3A_385 = arith.constant 0 : i32
      %dma_start3A_386 = tpu.memref_slice %arg11[%add3A_13, %dma_start3A_385] : memref<50176x32xf32, #tpu.memory_space<vmem_shared>> -> memref<196x32xf32, #tpu.memory_space<vmem_shared>>
      tpu.enqueue_dma source(%arg10 : memref<196x32xf32, #tpu.memory_space<vmem>>) target(%dma_start3A_386 : memref<196x32xf32, #tpu.memory_space<vmem_shared>>) target_semaphore(%run_scoped3A : memref<!tpu.dma_semaphore, #tpu.memory_space<semaphore_mem>>)
      %dma_wait3A = arith.constant 0 : i32
      %dma_wait3A_387 = tpu.memref_slice %arg11[%add3A_13, %dma_wait3A] : memref<50176x32xf32, #tpu.memory_space<vmem_shared>> -> memref<196x32xf32, #tpu.memory_space<vmem_shared>>
      %dma_wait3A_388 = arith.constant 0 : i32
      %dma_wait3A_389 = tpu.memref_slice %arg11[%add3A_13, %dma_wait3A_388] : memref<50176x32xf32, #tpu.memory_space<vmem_shared>> -> memref<196x32xf32, #tpu.memory_space<vmem_shared>>
      tpu.wait_dma2 semaphore(%run_scoped3A : memref<!tpu.dma_semaphore, #tpu.memory_space<semaphore_mem>>) src(%arg10 : memref<196x32xf32, #tpu.memory_space<vmem>>) dst(%dma_wait3A_389 : memref<196x32xf32, #tpu.memory_space<vmem_shared>>)
      tpu.yield
    }) : () -> ()
    %mul3A_14 = arith.constant 3136 : i32
    %mul3A_15 = arith.muli %arg1, %mul3A_14 : i32
    %add3A_16 = arith.constant 392 : i32
    %add3A_17 = arith.addi %mul3A_15, %add3A_16 : i32
    "tpu.region"() ({
      %run_scoped3A = tpu.sem_alloc : memref<!tpu.dma_semaphore, #tpu.memory_space<semaphore_mem>>
      %dma_start3A_383 = arith.constant 0 : i32
      %dma_start3A_384 = tpu.memref_slice %arg11[%add3A_17, %dma_start3A_383] : memref<50176x32xf32, #tpu.memory_space<vmem_shared>> -> memref<196x32xf32, #tpu.memory_space<vmem_shared>>
      %dma_start3A_385 = arith.constant 0 : i32
      %dma_start3A_386 = tpu.memref_slice %arg11[%add3A_17, %dma_start3A_385] : memref<50176x32xf32, #tpu.memory_space<vmem_shared>> -> memref<196x32xf32, #tpu.memory_space<vmem_shared>>
      tpu.enqueue_dma source(%arg10 : memref<196x32xf32, #tpu.memory_space<vmem>>) target(%dma_start3A_386 : memref<196x32xf32, #tpu.memory_space<vmem_shared>>) target_semaphore(%run_scoped3A : memref<!tpu.dma_semaphore, #tpu.memory_space<semaphore_mem>>)
      %dma_wait3A = arith.constant 0 : i32
      %dma_wait3A_387 = tpu.memref_slice %arg11[%add3A_17, %dma_wait3A] : memref<50176x32xf32, #tpu.memory_space<vmem_shared>> -> memref<196x32xf32, #tpu.memory_space<vmem_shared>>
      %dma_wait3A_388 = arith.constant 0 : i32
      %dma_wait3A_389 = tpu.memref_slice %arg11[%add3A_17, %dma_wait3A_388] : memref<50176x32xf32, #tpu.memory_space<vmem_shared>> -> memref<196x32xf32, #tpu.memory_space<vmem_shared>>
      tpu.wait_dma2 semaphore(%run_scoped3A : memref<!tpu.dma_semaphore, #tpu.memory_space<semaphore_mem>>) src(%arg10 : memref<196x32xf32, #tpu.memory_space<vmem>>) dst(%dma_wait3A_389 : memref<196x32xf32, #tpu.memory_space<vmem_shared>>)
      tpu.yield
    }) : () -> ()
    %mul3A_18 = arith.constant 3136 : i32
    %mul3A_19 = arith.muli %arg1, %mul3A_18 : i32
    %add3A_20 = arith.constant 588 : i32
    %add3A_21 = arith.addi %mul3A_19, %add3A_20 : i32
    "tpu.region"() ({
      %run_scoped3A = tpu.sem_alloc : memref<!tpu.dma_semaphore, #tpu.memory_space<semaphore_mem>>
      %dma_start3A_383 = arith.constant 0 : i32
      %dma_start3A_384 = tpu.memref_slice %arg11[%add3A_21, %dma_start3A_383] : memref<50176x32xf32, #tpu.memory_space<vmem_shared>> -> memref<196x32xf32, #tpu.memory_space<vmem_shared>>
      %dma_start3A_385 = arith.constant 0 : i32
      %dma_start3A_386 = tpu.memref_slice %arg11[%add3A_21, %dma_start3A_385] : memref<50176x32xf32, #tpu.memory_space<vmem_shared>> -> memref<196x32xf32, #tpu.memory_space<vmem_shared>>
      tpu.enqueue_dma source(%arg10 : memref<196x32xf32, #tpu.memory_space<vmem>>) target(%dma_start3A_386 : memref<196x32xf32, #tpu.memory_space<vmem_shared>>) target_semaphore(%run_scoped3A : memref<!tpu.dma_semaphore, #tpu.memory_space<semaphore_mem>>)
      %dma_wait3A = arith.constant 0 : i32
      %dma_wait3A_387 = tpu.memref_slice %arg11[%add3A_21, %dma_wait3A] : memref<50176x32xf32, #tpu.memory_space<vmem_shared>> -> memref<196x32xf32, #tpu.memory_space<vmem_shared>>
      %dma_wait3A_388 = arith.constant 0 : i32
      %dma_wait3A_389 = tpu.memref_slice %arg11[%add3A_21, %dma_wait3A_388] : memref<50176x32xf32, #tpu.memory_space<vmem_shared>> -> memref<196x32xf32, #tpu.memory_space<vmem_shared>>
      tpu.wait_dma2 semaphore(%run_scoped3A : memref<!tpu.dma_semaphore, #tpu.memory_space<semaphore_mem>>) src(%arg10 : memref<196x32xf32, #tpu.memory_space<vmem>>) dst(%dma_wait3A_389 : memref<196x32xf32, #tpu.memory_space<vmem_shared>>)
      tpu.yield
    }) : () -> ()
    %mul3A_22 = arith.constant 3136 : i32
    %mul3A_23 = arith.muli %arg1, %mul3A_22 : i32
    %add3A_24 = arith.constant 784 : i32
    %add3A_25 = arith.addi %mul3A_23, %add3A_24 : i32
    "tpu.region"() ({
      %run_scoped3A = tpu.sem_alloc : memref<!tpu.dma_semaphore, #tpu.memory_space<semaphore_mem>>
      %dma_start3A_383 = arith.constant 0 : i32
      %dma_start3A_384 = tpu.memref_slice %arg11[%add3A_25, %dma_start3A_383] : memref<50176x32xf32, #tpu.memory_space<vmem_shared>> -> memref<196x32xf32, #tpu.memory_space<vmem_shared>>
      %dma_start3A_385 = arith.constant 0 : i32
      %dma_start3A_386 = tpu.memref_slice %arg11[%add3A_25, %dma_start3A_385] : memref<50176x32xf32, #tpu.memory_space<vmem_shared>> -> memref<196x32xf32, #tpu.memory_space<vmem_shared>>
      tpu.enqueue_dma source(%arg10 : memref<196x32xf32, #tpu.memory_space<vmem>>) target(%dma_start3A_386 : memref<196x32xf32, #tpu.memory_space<vmem_shared>>) target_semaphore(%run_scoped3A : memref<!tpu.dma_semaphore, #tpu.memory_space<semaphore_mem>>)
      %dma_wait3A = arith.constant 0 : i32
      %dma_wait3A_387 = tpu.memref_slice %arg11[%add3A_25, %dma_wait3A] : memref<50176x32xf32, #tpu.memory_space<vmem_shared>> -> memref<196x32xf32, #tpu.memory_space<vmem_shared>>
      %dma_wait3A_388 = arith.constant 0 : i32
      %dma_wait3A_389 = tpu.memref_slice %arg11[%add3A_25, %dma_wait3A_388] : memref<50176x32xf32, #tpu.memory_space<vmem_shared>> -> memref<196x32xf32, #tpu.memory_space<vmem_shared>>
      tpu.wait_dma2 semaphore(%run_scoped3A : memref<!tpu.dma_semaphore, #tpu.memory_space<semaphore_mem>>) src(%arg10 : memref<196x32xf32, #tpu.memory_space<vmem>>) dst(%dma_wait3A_389 : memref<196x32xf32, #tpu.memory_space<vmem_shared>>)
      tpu.yield
    }) : () -> ()
    %mul3A_26 = arith.constant 3136 : i32
    %mul3A_27 = arith.muli %arg1, %mul3A_26 : i32
    %add3A_28 = arith.constant 980 : i32
    %add3A_29 = arith.addi %mul3A_27, %add3A_28 : i32
    "tpu.region"() ({
      %run_scoped3A = tpu.sem_alloc : memref<!tpu.dma_semaphore, #tpu.memory_space<semaphore_mem>>
      %dma_start3A_383 = arith.constant 0 : i32
      %dma_start3A_384 = tpu.memref_slice %arg11[%add3A_29, %dma_start3A_383] : memref<50176x32xf32, #tpu.memory_space<vmem_shared>> -> memref<196x32xf32, #tpu.memory_space<vmem_shared>>
      %dma_start3A_385 = arith.constant 0 : i32
      %dma_start3A_386 = tpu.memref_slice %arg11[%add3A_29, %dma_start3A_385] : memref<50176x32xf32, #tpu.memory_space<vmem_shared>> -> memref<196x32xf32, #tpu.memory_space<vmem_shared>>
      tpu.enqueue_dma source(%arg10 : memref<196x32xf32, #tpu.memory_space<vmem>>) target(%dma_start3A_386 : memref<196x32xf32, #tpu.memory_space<vmem_shared>>) target_semaphore(%run_scoped3A : memref<!tpu.dma_semaphore, #tpu.memory_space<semaphore_mem>>)
      %dma_wait3A = arith.constant 0 : i32
      %dma_wait3A_387 = tpu.memref_slice %arg11[%add3A_29, %dma_wait3A] : memref<50176x32xf32, #tpu.memory_space<vmem_shared>> -> memref<196x32xf32, #tpu.memory_space<vmem_shared>>
      %dma_wait3A_388 = arith.constant 0 : i32
      %dma_wait3A_389 = tpu.memref_slice %arg11[%add3A_29, %dma_wait3A_388] : memref<50176x32xf32, #tpu.memory_space<vmem_shared>> -> memref<196x32xf32, #tpu.memory_space<vmem_shared>>
      tpu.wait_dma2 semaphore(%run_scoped3A : memref<!tpu.dma_semaphore, #tpu.memory_space<semaphore_mem>>) src(%arg10 : memref<196x32xf32, #tpu.memory_space<vmem>>) dst(%dma_wait3A_389 : memref<196x32xf32, #tpu.memory_space<vmem_shared>>)
      tpu.yield
    }) : () -> ()
    %mul3A_30 = arith.constant 3136 : i32
    %mul3A_31 = arith.muli %arg1, %mul3A_30 : i32
    %add3A_32 = arith.constant 1176 : i32
    %add3A_33 = arith.addi %mul3A_31, %add3A_32 : i32
    "tpu.region"() ({
      %run_scoped3A = tpu.sem_alloc : memref<!tpu.dma_semaphore, #tpu.memory_space<semaphore_mem>>
      %dma_start3A_383 = arith.constant 0 : i32
      %dma_start3A_384 = tpu.memref_slice %arg11[%add3A_33, %dma_start3A_383] : memref<50176x32xf32, #tpu.memory_space<vmem_shared>> -> memref<196x32xf32, #tpu.memory_space<vmem_shared>>
      %dma_start3A_385 = arith.constant 0 : i32
      %dma_start3A_386 = tpu.memref_slice %arg11[%add3A_33, %dma_start3A_385] : memref<50176x32xf32, #tpu.memory_space<vmem_shared>> -> memref<196x32xf32, #tpu.memory_space<vmem_shared>>
      tpu.enqueue_dma source(%arg10 : memref<196x32xf32, #tpu.memory_space<vmem>>) target(%dma_start3A_386 : memref<196x32xf32, #tpu.memory_space<vmem_shared>>) target_semaphore(%run_scoped3A : memref<!tpu.dma_semaphore, #tpu.memory_space<semaphore_mem>>)
      %dma_wait3A = arith.constant 0 : i32
      %dma_wait3A_387 = tpu.memref_slice %arg11[%add3A_33, %dma_wait3A] : memref<50176x32xf32, #tpu.memory_space<vmem_shared>> -> memref<196x32xf32, #tpu.memory_space<vmem_shared>>
      %dma_wait3A_388 = arith.constant 0 : i32
      %dma_wait3A_389 = tpu.memref_slice %arg11[%add3A_33, %dma_wait3A_388] : memref<50176x32xf32, #tpu.memory_space<vmem_shared>> -> memref<196x32xf32, #tpu.memory_space<vmem_shared>>
      tpu.wait_dma2 semaphore(%run_scoped3A : memref<!tpu.dma_semaphore, #tpu.memory_space<semaphore_mem>>) src(%arg10 : memref<196x32xf32, #tpu.memory_space<vmem>>) dst(%dma_wait3A_389 : memref<196x32xf32, #tpu.memory_space<vmem_shared>>)
      tpu.yield
    }) : () -> ()
    %mul3A_34 = arith.constant 3136 : i32
    %mul3A_35 = arith.muli %arg1, %mul3A_34 : i32
    %add3A_36 = arith.constant 1372 : i32
    %add3A_37 = arith.addi %mul3A_35, %add3A_36 : i32
    "tpu.region"() ({
      %run_scoped3A = tpu.sem_alloc : memref<!tpu.dma_semaphore, #tpu.memory_space<semaphore_mem>>
      %dma_start3A_383 = arith.constant 0 : i32
      %dma_start3A_384 = tpu.memref_slice %arg11[%add3A_37, %dma_start3A_383] : memref<50176x32xf32, #tpu.memory_space<vmem_shared>> -> memref<196x32xf32, #tpu.memory_space<vmem_shared>>
      %dma_start3A_385 = arith.constant 0 : i32
      %dma_start3A_386 = tpu.memref_slice %arg11[%add3A_37, %dma_start3A_385] : memref<50176x32xf32, #tpu.memory_space<vmem_shared>> -> memref<196x32xf32, #tpu.memory_space<vmem_shared>>
      tpu.enqueue_dma source(%arg10 : memref<196x32xf32, #tpu.memory_space<vmem>>) target(%dma_start3A_386 : memref<196x32xf32, #tpu.memory_space<vmem_shared>>) target_semaphore(%run_scoped3A : memref<!tpu.dma_semaphore, #tpu.memory_space<semaphore_mem>>)
      %dma_wait3A = arith.constant 0 : i32
      %dma_wait3A_387 = tpu.memref_slice %arg11[%add3A_37, %dma_wait3A] : memref<50176x32xf32, #tpu.memory_space<vmem_shared>> -> memref<196x32xf32, #tpu.memory_space<vmem_shared>>
      %dma_wait3A_388 = arith.constant 0 : i32
      %dma_wait3A_389 = tpu.memref_slice %arg11[%add3A_37, %dma_wait3A_388] : memref<50176x32xf32, #tpu.memory_space<vmem_shared>> -> memref<196x32xf32, #tpu.memory_space<vmem_shared>>
      tpu.wait_dma2 semaphore(%run_scoped3A : memref<!tpu.dma_semaphore, #tpu.memory_space<semaphore_mem>>) src(%arg10 : memref<196x32xf32, #tpu.memory_space<vmem>>) dst(%dma_wait3A_389 : memref<196x32xf32, #tpu.memory_space<vmem_shared>>)
      tpu.yield
    }) : () -> ()
    %mul3A_38 = arith.constant 3136 : i32
    %mul3A_39 = arith.muli %arg1, %mul3A_38 : i32
    %add3A_40 = arith.constant 1568 : i32
    %add3A_41 = arith.addi %mul3A_39, %add3A_40 : i32
    "tpu.region"() ({
      %run_scoped3A = tpu.sem_alloc : memref<!tpu.dma_semaphore, #tpu.memory_space<semaphore_mem>>
      %dma_start3A_383 = arith.constant 0 : i32
      %dma_start3A_384 = tpu.memref_slice %arg11[%add3A_41, %dma_start3A_383] : memref<50176x32xf32, #tpu.memory_space<vmem_shared>> -> memref<196x32xf32, #tpu.memory_space<vmem_shared>>
      %dma_start3A_385 = arith.constant 0 : i32
      %dma_start3A_386 = tpu.memref_slice %arg11[%add3A_41, %dma_start3A_385] : memref<50176x32xf32, #tpu.memory_space<vmem_shared>> -> memref<196x32xf32, #tpu.memory_space<vmem_shared>>
      tpu.enqueue_dma source(%arg10 : memref<196x32xf32, #tpu.memory_space<vmem>>) target(%dma_start3A_386 : memref<196x32xf32, #tpu.memory_space<vmem_shared>>) target_semaphore(%run_scoped3A : memref<!tpu.dma_semaphore, #tpu.memory_space<semaphore_mem>>)
      %dma_wait3A = arith.constant 0 : i32
      %dma_wait3A_387 = tpu.memref_slice %arg11[%add3A_41, %dma_wait3A] : memref<50176x32xf32, #tpu.memory_space<vmem_shared>> -> memref<196x32xf32, #tpu.memory_space<vmem_shared>>
      %dma_wait3A_388 = arith.constant 0 : i32
      %dma_wait3A_389 = tpu.memref_slice %arg11[%add3A_41, %dma_wait3A_388] : memref<50176x32xf32, #tpu.memory_space<vmem_shared>> -> memref<196x32xf32, #tpu.memory_space<vmem_shared>>
      tpu.wait_dma2 semaphore(%run_scoped3A : memref<!tpu.dma_semaphore, #tpu.memory_space<semaphore_mem>>) src(%arg10 : memref<196x32xf32, #tpu.memory_space<vmem>>) dst(%dma_wait3A_389 : memref<196x32xf32, #tpu.memory_space<vmem_shared>>)
      tpu.yield
    }) : () -> ()
    %mul3A_42 = arith.constant 3136 : i32
    %mul3A_43 = arith.muli %arg1, %mul3A_42 : i32
    %add3A_44 = arith.constant 1764 : i32
    %add3A_45 = arith.addi %mul3A_43, %add3A_44 : i32
    "tpu.region"() ({
      %run_scoped3A = tpu.sem_alloc : memref<!tpu.dma_semaphore, #tpu.memory_space<semaphore_mem>>
      %dma_start3A_383 = arith.constant 0 : i32
      %dma_start3A_384 = tpu.memref_slice %arg11[%add3A_45, %dma_start3A_383] : memref<50176x32xf32, #tpu.memory_space<vmem_shared>> -> memref<196x32xf32, #tpu.memory_space<vmem_shared>>
      %dma_start3A_385 = arith.constant 0 : i32
      %dma_start3A_386 = tpu.memref_slice %arg11[%add3A_45, %dma_start3A_385] : memref<50176x32xf32, #tpu.memory_space<vmem_shared>> -> memref<196x32xf32, #tpu.memory_space<vmem_shared>>
      tpu.enqueue_dma source(%arg10 : memref<196x32xf32, #tpu.memory_space<vmem>>) target(%dma_start3A_386 : memref<196x32xf32, #tpu.memory_space<vmem_shared>>) target_semaphore(%run_scoped3A : memref<!tpu.dma_semaphore, #tpu.memory_space<semaphore_mem>>)
      %dma_wait3A = arith.constant 0 : i32
      %dma_wait3A_387 = tpu.memref_slice %arg11[%add3A_45, %dma_wait3A] : memref<50176x32xf32, #tpu.memory_space<vmem_shared>> -> memref<196x32xf32, #tpu.memory_space<vmem_shared>>
      %dma_wait3A_388 = arith.constant 0 : i32
      %dma_wait3A_389 = tpu.memref_slice %arg11[%add3A_45, %dma_wait3A_388] : memref<50176x32xf32, #tpu.memory_space<vmem_shared>> -> memref<196x32xf32, #tpu.memory_space<vmem_shared>>
      tpu.wait_dma2 semaphore(%run_scoped3A : memref<!tpu.dma_semaphore, #tpu.memory_space<semaphore_mem>>) src(%arg10 : memref<196x32xf32, #tpu.memory_space<vmem>>) dst(%dma_wait3A_389 : memref<196x32xf32, #tpu.memory_space<vmem_shared>>)
      tpu.yield
    }) : () -> ()
    %mul3A_46 = arith.constant 3136 : i32
    %mul3A_47 = arith.muli %arg1, %mul3A_46 : i32
    %add3A_48 = arith.constant 1960 : i32
    %add3A_49 = arith.addi %mul3A_47, %add3A_48 : i32
    "tpu.region"() ({
      %run_scoped3A = tpu.sem_alloc : memref<!tpu.dma_semaphore, #tpu.memory_space<semaphore_mem>>
      %dma_start3A_383 = arith.constant 0 : i32
      %dma_start3A_384 = tpu.memref_slice %arg11[%add3A_49, %dma_start3A_383] : memref<50176x32xf32, #tpu.memory_space<vmem_shared>> -> memref<196x32xf32, #tpu.memory_space<vmem_shared>>
      %dma_start3A_385 = arith.constant 0 : i32
      %dma_start3A_386 = tpu.memref_slice %arg11[%add3A_49, %dma_start3A_385] : memref<50176x32xf32, #tpu.memory_space<vmem_shared>> -> memref<196x32xf32, #tpu.memory_space<vmem_shared>>
      tpu.enqueue_dma source(%arg10 : memref<196x32xf32, #tpu.memory_space<vmem>>) target(%dma_start3A_386 : memref<196x32xf32, #tpu.memory_space<vmem_shared>>) target_semaphore(%run_scoped3A : memref<!tpu.dma_semaphore, #tpu.memory_space<semaphore_mem>>)
      %dma_wait3A = arith.constant 0 : i32
      %dma_wait3A_387 = tpu.memref_slice %arg11[%add3A_49, %dma_wait3A] : memref<50176x32xf32, #tpu.memory_space<vmem_shared>> -> memref<196x32xf32, #tpu.memory_space<vmem_shared>>
      %dma_wait3A_388 = arith.constant 0 : i32
      %dma_wait3A_389 = tpu.memref_slice %arg11[%add3A_49, %dma_wait3A_388] : memref<50176x32xf32, #tpu.memory_space<vmem_shared>> -> memref<196x32xf32, #tpu.memory_space<vmem_shared>>
      tpu.wait_dma2 semaphore(%run_scoped3A : memref<!tpu.dma_semaphore, #tpu.memory_space<semaphore_mem>>) src(%arg10 : memref<196x32xf32, #tpu.memory_space<vmem>>) dst(%dma_wait3A_389 : memref<196x32xf32, #tpu.memory_space<vmem_shared>>)
      tpu.yield
    }) : () -> ()
    %mul3A_50 = arith.constant 3136 : i32
    %mul3A_51 = arith.muli %arg1, %mul3A_50 : i32
    %add3A_52 = arith.constant 2156 : i32
    %add3A_53 = arith.addi %mul3A_51, %add3A_52 : i32
    "tpu.region"() ({
      %run_scoped3A = tpu.sem_alloc : memref<!tpu.dma_semaphore, #tpu.memory_space<semaphore_mem>>
      %dma_start3A_383 = arith.constant 0 : i32
      %dma_start3A_384 = tpu.memref_slice %arg11[%add3A_53, %dma_start3A_383] : memref<50176x32xf32, #tpu.memory_space<vmem_shared>> -> memref<196x32xf32, #tpu.memory_space<vmem_shared>>
      %dma_start3A_385 = arith.constant 0 : i32
      %dma_start3A_386 = tpu.memref_slice %arg11[%add3A_53, %dma_start3A_385] : memref<50176x32xf32, #tpu.memory_space<vmem_shared>> -> memref<196x32xf32, #tpu.memory_space<vmem_shared>>
      tpu.enqueue_dma source(%arg10 : memref<196x32xf32, #tpu.memory_space<vmem>>) target(%dma_start3A_386 : memref<196x32xf32, #tpu.memory_space<vmem_shared>>) target_semaphore(%run_scoped3A : memref<!tpu.dma_semaphore, #tpu.memory_space<semaphore_mem>>)
      %dma_wait3A = arith.constant 0 : i32
      %dma_wait3A_387 = tpu.memref_slice %arg11[%add3A_53, %dma_wait3A] : memref<50176x32xf32, #tpu.memory_space<vmem_shared>> -> memref<196x32xf32, #tpu.memory_space<vmem_shared>>
      %dma_wait3A_388 = arith.constant 0 : i32
      %dma_wait3A_389 = tpu.memref_slice %arg11[%add3A_53, %dma_wait3A_388] : memref<50176x32xf32, #tpu.memory_space<vmem_shared>> -> memref<196x32xf32, #tpu.memory_space<vmem_shared>>
      tpu.wait_dma2 semaphore(%run_scoped3A : memref<!tpu.dma_semaphore, #tpu.memory_space<semaphore_mem>>) src(%arg10 : memref<196x32xf32, #tpu.memory_space<vmem>>) dst(%dma_wait3A_389 : memref<196x32xf32, #tpu.memory_space<vmem_shared>>)
      tpu.yield
    }) : () -> ()
    %mul3A_54 = arith.constant 3136 : i32
    %mul3A_55 = arith.muli %arg1, %mul3A_54 : i32
    %add3A_56 = arith.constant 2352 : i32
    %add3A_57 = arith.addi %mul3A_55, %add3A_56 : i32
    "tpu.region"() ({
      %run_scoped3A = tpu.sem_alloc : memref<!tpu.dma_semaphore, #tpu.memory_space<semaphore_mem>>
      %dma_start3A_383 = arith.constant 0 : i32
      %dma_start3A_384 = tpu.memref_slice %arg11[%add3A_57, %dma_start3A_383] : memref<50176x32xf32, #tpu.memory_space<vmem_shared>> -> memref<196x32xf32, #tpu.memory_space<vmem_shared>>
      %dma_start3A_385 = arith.constant 0 : i32
      %dma_start3A_386 = tpu.memref_slice %arg11[%add3A_57, %dma_start3A_385] : memref<50176x32xf32, #tpu.memory_space<vmem_shared>> -> memref<196x32xf32, #tpu.memory_space<vmem_shared>>
      tpu.enqueue_dma source(%arg10 : memref<196x32xf32, #tpu.memory_space<vmem>>) target(%dma_start3A_386 : memref<196x32xf32, #tpu.memory_space<vmem_shared>>) target_semaphore(%run_scoped3A : memref<!tpu.dma_semaphore, #tpu.memory_space<semaphore_mem>>)
      %dma_wait3A = arith.constant 0 : i32
      %dma_wait3A_387 = tpu.memref_slice %arg11[%add3A_57, %dma_wait3A] : memref<50176x32xf32, #tpu.memory_space<vmem_shared>> -> memref<196x32xf32, #tpu.memory_space<vmem_shared>>
      %dma_wait3A_388 = arith.constant 0 : i32
      %dma_wait3A_389 = tpu.memref_slice %arg11[%add3A_57, %dma_wait3A_388] : memref<50176x32xf32, #tpu.memory_space<vmem_shared>> -> memref<196x32xf32, #tpu.memory_space<vmem_shared>>
      tpu.wait_dma2 semaphore(%run_scoped3A : memref<!tpu.dma_semaphore, #tpu.memory_space<semaphore_mem>>) src(%arg10 : memref<196x32xf32, #tpu.memory_space<vmem>>) dst(%dma_wait3A_389 : memref<196x32xf32, #tpu.memory_space<vmem_shared>>)
      tpu.yield
    }) : () -> ()
    %mul3A_58 = arith.constant 3136 : i32
    %mul3A_59 = arith.muli %arg1, %mul3A_58 : i32
    %add3A_60 = arith.constant 2548 : i32
    %add3A_61 = arith.addi %mul3A_59, %add3A_60 : i32
    "tpu.region"() ({
      %run_scoped3A = tpu.sem_alloc : memref<!tpu.dma_semaphore, #tpu.memory_space<semaphore_mem>>
      %dma_start3A_383 = arith.constant 0 : i32
      %dma_start3A_384 = tpu.memref_slice %arg11[%add3A_61, %dma_start3A_383] : memref<50176x32xf32, #tpu.memory_space<vmem_shared>> -> memref<196x32xf32, #tpu.memory_space<vmem_shared>>
      %dma_start3A_385 = arith.constant 0 : i32
      %dma_start3A_386 = tpu.memref_slice %arg11[%add3A_61, %dma_start3A_385] : memref<50176x32xf32, #tpu.memory_space<vmem_shared>> -> memref<196x32xf32, #tpu.memory_space<vmem_shared>>
      tpu.enqueue_dma source(%arg10 : memref<196x32xf32, #tpu.memory_space<vmem>>) target(%dma_start3A_386 : memref<196x32xf32, #tpu.memory_space<vmem_shared>>) target_semaphore(%run_scoped3A : memref<!tpu.dma_semaphore, #tpu.memory_space<semaphore_mem>>)
      %dma_wait3A = arith.constant 0 : i32
      %dma_wait3A_387 = tpu.memref_slice %arg11[%add3A_61, %dma_wait3A] : memref<50176x32xf32, #tpu.memory_space<vmem_shared>> -> memref<196x32xf32, #tpu.memory_space<vmem_shared>>
      %dma_wait3A_388 = arith.constant 0 : i32
      %dma_wait3A_389 = tpu.memref_slice %arg11[%add3A_61, %dma_wait3A_388] : memref<50176x32xf32, #tpu.memory_space<vmem_shared>> -> memref<196x32xf32, #tpu.memory_space<vmem_shared>>
      tpu.wait_dma2 semaphore(%run_scoped3A : memref<!tpu.dma_semaphore, #tpu.memory_space<semaphore_mem>>) src(%arg10 : memref<196x32xf32, #tpu.memory_space<vmem>>) dst(%dma_wait3A_389 : memref<196x32xf32, #tpu.memory_space<vmem_shared>>)
      tpu.yield
    }) : () -> ()
    %mul3A_62 = arith.constant 3136 : i32
    %mul3A_63 = arith.muli %arg1, %mul3A_62 : i32
    %add3A_64 = arith.constant 2744 : i32
    %add3A_65 = arith.addi %mul3A_63, %add3A_64 : i32
    "tpu.region"() ({
      %run_scoped3A = tpu.sem_alloc : memref<!tpu.dma_semaphore, #tpu.memory_space<semaphore_mem>>
      %dma_start3A_383 = arith.constant 0 : i32
      %dma_start3A_384 = tpu.memref_slice %arg11[%add3A_65, %dma_start3A_383] : memref<50176x32xf32, #tpu.memory_space<vmem_shared>> -> memref<196x32xf32, #tpu.memory_space<vmem_shared>>
      %dma_start3A_385 = arith.constant 0 : i32
      %dma_start3A_386 = tpu.memref_slice %arg11[%add3A_65, %dma_start3A_385] : memref<50176x32xf32, #tpu.memory_space<vmem_shared>> -> memref<196x32xf32, #tpu.memory_space<vmem_shared>>
      tpu.enqueue_dma source(%arg10 : memref<196x32xf32, #tpu.memory_space<vmem>>) target(%dma_start3A_386 : memref<196x32xf32, #tpu.memory_space<vmem_shared>>) target_semaphore(%run_scoped3A : memref<!tpu.dma_semaphore, #tpu.memory_space<semaphore_mem>>)
      %dma_wait3A = arith.constant 0 : i32
      %dma_wait3A_387 = tpu.memref_slice %arg11[%add3A_65, %dma_wait3A] : memref<50176x32xf32, #tpu.memory_space<vmem_shared>> -> memref<196x32xf32, #tpu.memory_space<vmem_shared>>
      %dma_wait3A_388 = arith.constant 0 : i32
      %dma_wait3A_389 = tpu.memref_slice %arg11[%add3A_65, %dma_wait3A_388] : memref<50176x32xf32, #tpu.memory_space<vmem_shared>> -> memref<196x32xf32, #tpu.memory_space<vmem_shared>>
      tpu.wait_dma2 semaphore(%run_scoped3A : memref<!tpu.dma_semaphore, #tpu.memory_space<semaphore_mem>>) src(%arg10 : memref<196x32xf32, #tpu.memory_space<vmem>>) dst(%dma_wait3A_389 : memref<196x32xf32, #tpu.memory_space<vmem_shared>>)
      tpu.yield
    }) : () -> ()
    %mul3A_66 = arith.constant 3136 : i32
    %mul3A_67 = arith.muli %arg1, %mul3A_66 : i32
    %add3A_68 = arith.constant 2940 : i32
    %add3A_69 = arith.addi %mul3A_67, %add3A_68 : i32
    "tpu.region"() ({
      %run_scoped3A = tpu.sem_alloc : memref<!tpu.dma_semaphore, #tpu.memory_space<semaphore_mem>>
      %dma_start3A_383 = arith.constant 0 : i32
      %dma_start3A_384 = tpu.memref_slice %arg11[%add3A_69, %dma_start3A_383] : memref<50176x32xf32, #tpu.memory_space<vmem_shared>> -> memref<196x32xf32, #tpu.memory_space<vmem_shared>>
      %dma_start3A_385 = arith.constant 0 : i32
      %dma_start3A_386 = tpu.memref_slice %arg11[%add3A_69, %dma_start3A_385] : memref<50176x32xf32, #tpu.memory_space<vmem_shared>> -> memref<196x32xf32, #tpu.memory_space<vmem_shared>>
      tpu.enqueue_dma source(%arg10 : memref<196x32xf32, #tpu.memory_space<vmem>>) target(%dma_start3A_386 : memref<196x32xf32, #tpu.memory_space<vmem_shared>>) target_semaphore(%run_scoped3A : memref<!tpu.dma_semaphore, #tpu.memory_space<semaphore_mem>>)
      %dma_wait3A = arith.constant 0 : i32
      %dma_wait3A_387 = tpu.memref_slice %arg11[%add3A_69, %dma_wait3A] : memref<50176x32xf32, #tpu.memory_space<vmem_shared>> -> memref<196x32xf32, #tpu.memory_space<vmem_shared>>
      %dma_wait3A_388 = arith.constant 0 : i32
      %dma_wait3A_389 = tpu.memref_slice %arg11[%add3A_69, %dma_wait3A_388] : memref<50176x32xf32, #tpu.memory_space<vmem_shared>> -> memref<196x32xf32, #tpu.memory_space<vmem_shared>>
      tpu.wait_dma2 semaphore(%run_scoped3A : memref<!tpu.dma_semaphore, #tpu.memory_space<semaphore_mem>>) src(%arg10 : memref<196x32xf32, #tpu.memory_space<vmem>>) dst(%dma_wait3A_389 : memref<196x32xf32, #tpu.memory_space<vmem_shared>>)
      tpu.yield
    }) : () -> ()
    %barrier3A = arith.constant 0 : index
    tpu.barrier barrier_id(%barrier3A)
    "tpu.region"() ({
      %run_scoped3A = tpu.sem_alloc : memref<!tpu.dma_semaphore, #tpu.memory_space<semaphore_mem>>
      %dma_start3A_383 = arith.constant 0 : i32
      %dma_start3A_384 = arith.constant 0 : i32
      %dma_start3A_385 = tpu.memref_slice %arg6[%dma_start3A_383, %dma_start3A_384] : memref<16x128xi32, #tpu.memory_space<vmem>> -> memref<8x128xi32, #tpu.memory_space<vmem>>
      %dma_start3A_386 = arith.constant 0 : i32
      %dma_start3A_387 = tpu.memref_slice %arg3[%mul3A_0, %dma_start3A_386] : memref<6400x128xi32, #tpu.memory_space<hbm>> -> memref<8x128xi32, #tpu.memory_space<hbm>>
      %dma_start3A_388 = arith.constant 0 : i32
      %dma_start3A_389 = arith.constant 0 : i32
      %dma_start3A_390 = tpu.memref_slice %arg6[%dma_start3A_388, %dma_start3A_389] : memref<16x128xi32, #tpu.memory_space<vmem>> -> memref<8x128xi32, #tpu.memory_space<vmem>>
      %dma_start3A_391 = arith.constant 0 : i32
      %dma_start3A_392 = tpu.memref_slice %arg3[%mul3A_0, %dma_start3A_391] : memref<6400x128xi32, #tpu.memory_space<hbm>> -> memref<8x128xi32, #tpu.memory_space<hbm>>
      tpu.enqueue_dma source(%dma_start3A_392 : memref<8x128xi32, #tpu.memory_space<hbm>>) target(%dma_start3A_390 : memref<8x128xi32, #tpu.memory_space<vmem>>) target_semaphore(%run_scoped3A : memref<!tpu.dma_semaphore, #tpu.memory_space<semaphore_mem>>)
      %dma_wait3A = arith.constant 0 : i32
      %dma_wait3A_393 = arith.constant 0 : i32
      %dma_wait3A_394 = tpu.memref_slice %arg6[%dma_wait3A, %dma_wait3A_393] : memref<16x128xi32, #tpu.memory_space<vmem>> -> memref<8x128xi32, #tpu.memory_space<vmem>>
      %dma_wait3A_395 = arith.constant 0 : i32
      %dma_wait3A_396 = tpu.memref_slice %arg3[%mul3A_0, %dma_wait3A_395] : memref<6400x128xi32, #tpu.memory_space<hbm>> -> memref<8x128xi32, #tpu.memory_space<hbm>>
      %dma_wait3A_397 = arith.constant 0 : i32
      %dma_wait3A_398 = arith.constant 0 : i32
      %dma_wait3A_399 = tpu.memref_slice %arg6[%dma_wait3A_397, %dma_wait3A_398] : memref<16x128xi32, #tpu.memory_space<vmem>> -> memref<8x128xi32, #tpu.memory_space<vmem>>
      %dma_wait3A_400 = arith.constant 0 : i32
      %dma_wait3A_401 = tpu.memref_slice %arg3[%mul3A_0, %dma_wait3A_400] : memref<6400x128xi32, #tpu.memory_space<hbm>> -> memref<8x128xi32, #tpu.memory_space<hbm>>
      tpu.wait_dma2 semaphore(%run_scoped3A : memref<!tpu.dma_semaphore, #tpu.memory_space<semaphore_mem>>) src(%dma_wait3A_401 : memref<8x128xi32, #tpu.memory_space<hbm>>) dst(%dma_wait3A_399 : memref<8x128xi32, #tpu.memory_space<vmem>>)
      tpu.yield
    }) : () -> ()
    "tpu.region"() ({
      %run_scoped3A = tpu.sem_alloc : memref<!tpu.dma_semaphore, #tpu.memory_space<semaphore_mem>>
      %dma_start3A_383 = arith.constant 0 : i32
      %dma_start3A_384 = arith.constant 0 : i32
      %dma_start3A_385 = tpu.memref_slice %arg7[%dma_start3A_383, %dma_start3A_384] : memref<16x128xi32, #tpu.memory_space<vmem>> -> memref<8x128xi32, #tpu.memory_space<vmem>>
      %dma_start3A_386 = arith.constant 0 : i32
      %dma_start3A_387 = tpu.memref_slice %arg4[%mul3A_0, %dma_start3A_386] : memref<6400x128xi32, #tpu.memory_space<hbm>> -> memref<8x128xi32, #tpu.memory_space<hbm>>
      %dma_start3A_388 = arith.constant 0 : i32
      %dma_start3A_389 = arith.constant 0 : i32
      %dma_start3A_390 = tpu.memref_slice %arg7[%dma_start3A_388, %dma_start3A_389] : memref<16x128xi32, #tpu.memory_space<vmem>> -> memref<8x128xi32, #tpu.memory_space<vmem>>
      %dma_start3A_391 = arith.constant 0 : i32
      %dma_start3A_392 = tpu.memref_slice %arg4[%mul3A_0, %dma_start3A_391] : memref<6400x128xi32, #tpu.memory_space<hbm>> -> memref<8x128xi32, #tpu.memory_space<hbm>>
      tpu.enqueue_dma source(%dma_start3A_392 : memref<8x128xi32, #tpu.memory_space<hbm>>) target(%dma_start3A_390 : memref<8x128xi32, #tpu.memory_space<vmem>>) target_semaphore(%run_scoped3A : memref<!tpu.dma_semaphore, #tpu.memory_space<semaphore_mem>>)
      %dma_wait3A = arith.constant 0 : i32
      %dma_wait3A_393 = arith.constant 0 : i32
      %dma_wait3A_394 = tpu.memref_slice %arg7[%dma_wait3A, %dma_wait3A_393] : memref<16x128xi32, #tpu.memory_space<vmem>> -> memref<8x128xi32, #tpu.memory_space<vmem>>
      %dma_wait3A_395 = arith.constant 0 : i32
      %dma_wait3A_396 = tpu.memref_slice %arg4[%mul3A_0, %dma_wait3A_395] : memref<6400x128xi32, #tpu.memory_space<hbm>> -> memref<8x128xi32, #tpu.memory_space<hbm>>
      %dma_wait3A_397 = arith.constant 0 : i32
      %dma_wait3A_398 = arith.constant 0 : i32
      %dma_wait3A_399 = tpu.memref_slice %arg7[%dma_wait3A_397, %dma_wait3A_398] : memref<16x128xi32, #tpu.memory_space<vmem>> -> memref<8x128xi32, #tpu.memory_space<vmem>>
      %dma_wait3A_400 = arith.constant 0 : i32
      %dma_wait3A_401 = tpu.memref_slice %arg4[%mul3A_0, %dma_wait3A_400] : memref<6400x128xi32, #tpu.memory_space<hbm>> -> memref<8x128xi32, #tpu.memory_space<hbm>>
      tpu.wait_dma2 semaphore(%run_scoped3A : memref<!tpu.dma_semaphore, #tpu.memory_space<semaphore_mem>>) src(%dma_wait3A_401 : memref<8x128xi32, #tpu.memory_space<hbm>>) dst(%dma_wait3A_399 : memref<8x128xi32, #tpu.memory_space<vmem>>)
      tpu.yield
    }) : () -> ()
    %add3A_70 = arith.constant 8 : i32
    %add3A_71 = arith.addi %mul3A_0, %add3A_70 : i32
    %dma_start3A = arith.constant 8 : i32
    %dma_start3A_72 = arith.constant 0 : i32
    %dma_start3A_73 = tpu.memref_slice %arg6[%dma_start3A, %dma_start3A_72] : memref<16x128xi32, #tpu.memory_space<vmem>> -> memref<8x128xi32, #tpu.memory_space<vmem>>
    %dma_start3A_74 = arith.constant 0 : i32
    %dma_start3A_75 = tpu.memref_slice %arg3[%add3A_71, %dma_start3A_74] : memref<6400x128xi32, #tpu.memory_space<hbm>> -> memref<8x128xi32, #tpu.memory_space<hbm>>
    %dma_start3A_76 = arith.constant 8 : i32
    %dma_start3A_77 = arith.constant 0 : i32
    %dma_start3A_78 = tpu.memref_slice %arg6[%dma_start3A_76, %dma_start3A_77] : memref<16x128xi32, #tpu.memory_space<vmem>> -> memref<8x128xi32, #tpu.memory_space<vmem>>
    %dma_start3A_79 = arith.constant 0 : i32
    %dma_start3A_80 = tpu.memref_slice %arg3[%add3A_71, %dma_start3A_79] : memref<6400x128xi32, #tpu.memory_space<hbm>> -> memref<8x128xi32, #tpu.memory_space<hbm>>
    tpu.enqueue_dma source(%dma_start3A_80 : memref<8x128xi32, #tpu.memory_space<hbm>>) target(%dma_start3A_78 : memref<8x128xi32, #tpu.memory_space<vmem>>) target_semaphore(%arg14 : memref<!tpu.dma_semaphore, #tpu.memory_space<semaphore_mem>>)
    %add3A_81 = arith.constant 8 : i32
    %add3A_82 = arith.addi %mul3A_0, %add3A_81 : i32
    %dma_start3A_83 = arith.constant 8 : i32
    %dma_start3A_84 = arith.constant 0 : i32
    %dma_start3A_85 = tpu.memref_slice %arg7[%dma_start3A_83, %dma_start3A_84] : memref<16x128xi32, #tpu.memory_space<vmem>> -> memref<8x128xi32, #tpu.memory_space<vmem>>
    %dma_start3A_86 = arith.constant 0 : i32
    %dma_start3A_87 = tpu.memref_slice %arg4[%add3A_82, %dma_start3A_86] : memref<6400x128xi32, #tpu.memory_space<hbm>> -> memref<8x128xi32, #tpu.memory_space<hbm>>
    %dma_start3A_88 = arith.constant 8 : i32
    %dma_start3A_89 = arith.constant 0 : i32
    %dma_start3A_90 = tpu.memref_slice %arg7[%dma_start3A_88, %dma_start3A_89] : memref<16x128xi32, #tpu.memory_space<vmem>> -> memref<8x128xi32, #tpu.memory_space<vmem>>
    %dma_start3A_91 = arith.constant 0 : i32
    %dma_start3A_92 = tpu.memref_slice %arg4[%add3A_82, %dma_start3A_91] : memref<6400x128xi32, #tpu.memory_space<hbm>> -> memref<8x128xi32, #tpu.memory_space<hbm>>
    tpu.enqueue_dma source(%dma_start3A_92 : memref<8x128xi32, #tpu.memory_space<hbm>>) target(%dma_start3A_90 : memref<8x128xi32, #tpu.memory_space<vmem>>) target_semaphore(%arg14 : memref<!tpu.dma_semaphore, #tpu.memory_space<semaphore_mem>>)
    %get3A = arith.constant 0 : i32
    %get3A_93 = arith.index_cast %get3A : i32 to index
    %get3A_94 = arith.constant 0 : index
    %get3A_95 = tpu.vector_load %arg6[%get3A_93, %get3A_94] {strides = array<i32>} : memref<16x128xi32, #tpu.memory_space<vmem>>, vector<1x16xi32>,
    %get3A_96 = vector.shape_cast %get3A_95 : vector<1x16xi32> to vector<16xi32>
    %mul3A_97 = arith.constant 2 : i32
    %mul3A_98 = vector.broadcast %mul3A_97 : i32 to vector<16xi32>
    %mul3A_99 = arith.muli %get3A_96, %mul3A_98 : vector<16xi32>
    %add3A_100 = vector.broadcast %arg0 : i32 to vector<16xi32>
    %add3A_101 = arith.addi %mul3A_99, %add3A_100 : vector<16xi32>
    %swap3A = arith.constant 0 : i32
    %swap3A_102 = arith.index_cast %swap3A : i32 to index
    %swap3A_103 = arith.constant 0 : index
    %swap3A_104 = tpu.vector_load %arg8[%swap3A_102, %swap3A_103] {strides = array<i32>} : memref<4x128xi32, #tpu.memory_space<vmem>>, vector<1x16xi32>,
    %swap3A_105 = vector.shape_cast %swap3A_104 : vector<1x16xi32> to vector<16xi32>
    %swap3A_106 = vector.shape_cast %add3A_101 : vector<16xi32> to vector<1x16xi32>
    tpu.vector_store %arg8[%swap3A_102, %swap3A_103], %swap3A_106 {strides = array<i32>} : memref<4x128xi32, #tpu.memory_space<vmem>>, vector<1x16xi32>,
    %get3A_107 = arith.constant 0 : i32
    %get3A_108 = arith.index_cast %get3A_107 : i32 to index
    %get3A_109 = arith.constant 16 : index
    %get3A_110 = tpu.vector_load %arg6[%get3A_108, %get3A_109] {strides = array<i32>} : memref<16x128xi32, #tpu.memory_space<vmem>>, vector<1x16xi32>,
    %get3A_111 = vector.shape_cast %get3A_110 : vector<1x16xi32> to vector<16xi32>
    %mul3A_112 = arith.constant 2 : i32
    %mul3A_113 = vector.broadcast %mul3A_112 : i32 to vector<16xi32>
    %mul3A_114 = arith.muli %get3A_111, %mul3A_113 : vector<16xi32>
    %add3A_115 = vector.broadcast %arg0 : i32 to vector<16xi32>
    %add3A_116 = arith.addi %mul3A_114, %add3A_115 : vector<16xi32>
    %swap3A_117 = arith.constant 0 : i32
    %swap3A_118 = arith.index_cast %swap3A_117 : i32 to index
    %swap3A_119 = arith.constant 16 : index
    %swap3A_120 = tpu.vector_load %arg8[%swap3A_118, %swap3A_119] {strides = array<i32>} : memref<4x128xi32, #tpu.memory_space<vmem>>, vector<1x16xi32>,
    %swap3A_121 = vector.shape_cast %swap3A_120 : vector<1x16xi32> to vector<16xi32>
    %swap3A_122 = vector.shape_cast %add3A_116 : vector<16xi32> to vector<1x16xi32>
    tpu.vector_store %arg8[%swap3A_118, %swap3A_119], %swap3A_122 {strides = array<i32>} : memref<4x128xi32, #tpu.memory_space<vmem>>, vector<1x16xi32>,
    %get3A_123 = arith.constant 0 : i32
    %get3A_124 = arith.index_cast %get3A_123 : i32 to index
    %get3A_125 = arith.constant 32 : index
    %get3A_126 = tpu.vector_load %arg6[%get3A_124, %get3A_125] {strides = array<i32>} : memref<16x128xi32, #tpu.memory_space<vmem>>, vector<1x16xi32>,
    %get3A_127 = vector.shape_cast %get3A_126 : vector<1x16xi32> to vector<16xi32>
    %mul3A_128 = arith.constant 2 : i32
    %mul3A_129 = vector.broadcast %mul3A_128 : i32 to vector<16xi32>
    %mul3A_130 = arith.muli %get3A_127, %mul3A_129 : vector<16xi32>
    %add3A_131 = vector.broadcast %arg0 : i32 to vector<16xi32>
    %add3A_132 = arith.addi %mul3A_130, %add3A_131 : vector<16xi32>
    %swap3A_133 = arith.constant 0 : i32
    %swap3A_134 = arith.index_cast %swap3A_133 : i32 to index
    %swap3A_135 = arith.constant 32 : index
    %swap3A_136 = tpu.vector_load %arg8[%swap3A_134, %swap3A_135] {strides = array<i32>} : memref<4x128xi32, #tpu.memory_space<vmem>>, vector<1x16xi32>,
    %swap3A_137 = vector.shape_cast %swap3A_136 : vector<1x16xi32> to vector<16xi32>
    %swap3A_138 = vector.shape_cast %add3A_132 : vector<16xi32> to vector<1x16xi32>
    tpu.vector_store %arg8[%swap3A_134, %swap3A_135], %swap3A_138 {strides = array<i32>} : memref<4x128xi32, #tpu.memory_space<vmem>>, vector<1x16xi32>,
    %get3A_139 = arith.constant 0 : i32
    %get3A_140 = arith.index_cast %get3A_139 : i32 to index
    %get3A_141 = arith.constant 48 : index
    %get3A_142 = tpu.vector_load %arg6[%get3A_140, %get3A_141] {strides = array<i32>} : memref<16x128xi32, #tpu.memory_space<vmem>>, vector<1x16xi32>,
    %get3A_143 = vector.shape_cast %get3A_142 : vector<1x16xi32> to vector<16xi32>
    %mul3A_144 = arith.constant 2 : i32
    %mul3A_145 = vector.broadcast %mul3A_144 : i32 to vector<16xi32>
    %mul3A_146 = arith.muli %get3A_143, %mul3A_145 : vector<16xi32>
    %add3A_147 = vector.broadcast %arg0 : i32 to vector<16xi32>
    %add3A_148 = arith.addi %mul3A_146, %add3A_147 : vector<16xi32>
    %swap3A_149 = arith.constant 0 : i32
    %swap3A_150 = arith.index_cast %swap3A_149 : i32 to index
    %swap3A_151 = arith.constant 48 : index
    %swap3A_152 = tpu.vector_load %arg8[%swap3A_150, %swap3A_151] {strides = array<i32>} : memref<4x128xi32, #tpu.memory_space<vmem>>, vector<1x16xi32>,
    %swap3A_153 = vector.shape_cast %swap3A_152 : vector<1x16xi32> to vector<16xi32>
    %swap3A_154 = vector.shape_cast %add3A_148 : vector<16xi32> to vector<1x16xi32>
    tpu.vector_store %arg8[%swap3A_150, %swap3A_151], %swap3A_154 {strides = array<i32>} : memref<4x128xi32, #tpu.memory_space<vmem>>, vector<1x16xi32>,
    %get3A_155 = arith.constant 0 : i32
    %get3A_156 = arith.index_cast %get3A_155 : i32 to index
    %get3A_157 = arith.constant 64 : index
    %get3A_158 = tpu.vector_load %arg6[%get3A_156, %get3A_157] {strides = array<i32>} : memref<16x128xi32, #tpu.memory_space<vmem>>, vector<1x16xi32>,
    %get3A_159 = vector.shape_cast %get3A_158 : vector<1x16xi32> to vector<16xi32>
    %mul3A_160 = arith.constant 2 : i32
    %mul3A_161 = vector.broadcast %mul3A_160 : i32 to vector<16xi32>
    %mul3A_162 = arith.muli %get3A_159, %mul3A_161 : vector<16xi32>
    %add3A_163 = vector.broadcast %arg0 : i32 to vector<16xi32>
    %add3A_164 = arith.addi %mul3A_162, %add3A_163 : vector<16xi32>
    %swap3A_165 = arith.constant 0 : i32
    %swap3A_166 = arith.index_cast %swap3A_165 : i32 to index
    %swap3A_167 = arith.constant 64 : index
    %swap3A_168 = tpu.vector_load %arg8[%swap3A_166, %swap3A_167] {strides = array<i32>} : memref<4x128xi32, #tpu.memory_space<vmem>>, vector<1x16xi32>,
    %swap3A_169 = vector.shape_cast %swap3A_168 : vector<1x16xi32> to vector<16xi32>
    %swap3A_170 = vector.shape_cast %add3A_164 : vector<16xi32> to vector<1x16xi32>
    tpu.vector_store %arg8[%swap3A_166, %swap3A_167], %swap3A_170 {strides = array<i32>} : memref<4x128xi32, #tpu.memory_space<vmem>>, vector<1x16xi32>,
    %get3A_171 = arith.constant 0 : i32
    %get3A_172 = arith.index_cast %get3A_171 : i32 to index
    %get3A_173 = arith.constant 80 : index
    %get3A_174 = tpu.vector_load %arg6[%get3A_172, %get3A_173] {strides = array<i32>} : memref<16x128xi32, #tpu.memory_space<vmem>>, vector<1x16xi32>,
    %get3A_175 = vector.shape_cast %get3A_174 : vector<1x16xi32> to vector<16xi32>
    %mul3A_176 = arith.constant 2 : i32
    %mul3A_177 = vector.broadcast %mul3A_176 : i32 to vector<16xi32>
    %mul3A_178 = arith.muli %get3A_175, %mul3A_177 : vector<16xi32>
    %add3A_179 = vector.broadcast %arg0 : i32 to vector<16xi32>
    %add3A_180 = arith.addi %mul3A_178, %add3A_179 : vector<16xi32>
    %swap3A_181 = arith.constant 0 : i32
    %swap3A_182 = arith.index_cast %swap3A_181 : i32 to index
    %swap3A_183 = arith.constant 80 : index
    %swap3A_184 = tpu.vector_load %arg8[%swap3A_182, %swap3A_183] {strides = array<i32>} : memref<4x128xi32, #tpu.memory_space<vmem>>, vector<1x16xi32>,
    %swap3A_185 = vector.shape_cast %swap3A_184 : vector<1x16xi32> to vector<16xi32>
    %swap3A_186 = vector.shape_cast %add3A_180 : vector<16xi32> to vector<1x16xi32>
    tpu.vector_store %arg8[%swap3A_182, %swap3A_183], %swap3A_186 {strides = array<i32>} : memref<4x128xi32, #tpu.memory_space<vmem>>, vector<1x16xi32>,
    %get3A_187 = arith.constant 0 : i32
    %get3A_188 = arith.index_cast %get3A_187 : i32 to index
    %get3A_189 = arith.constant 96 : index
    %get3A_190 = tpu.vector_load %arg6[%get3A_188, %get3A_189] {strides = array<i32>} : memref<16x128xi32, #tpu.memory_space<vmem>>, vector<1x16xi32>,
    %get3A_191 = vector.shape_cast %get3A_190 : vector<1x16xi32> to vector<16xi32>
    %mul3A_192 = arith.constant 2 : i32
    %mul3A_193 = vector.broadcast %mul3A_192 : i32 to vector<16xi32>
    %mul3A_194 = arith.muli %get3A_191, %mul3A_193 : vector<16xi32>
    %add3A_195 = vector.broadcast %arg0 : i32 to vector<16xi32>
    %add3A_196 = arith.addi %mul3A_194, %add3A_195 : vector<16xi32>
    %swap3A_197 = arith.constant 0 : i32
    %swap3A_198 = arith.index_cast %swap3A_197 : i32 to index
    %swap3A_199 = arith.constant 96 : index
    %swap3A_200 = tpu.vector_load %arg8[%swap3A_198, %swap3A_199] {strides = array<i32>} : memref<4x128xi32, #tpu.memory_space<vmem>>, vector<1x16xi32>,
    %swap3A_201 = vector.shape_cast %swap3A_200 : vector<1x16xi32> to vector<16xi32>
    %swap3A_202 = vector.shape_cast %add3A_196 : vector<16xi32> to vector<1x16xi32>
    tpu.vector_store %arg8[%swap3A_198, %swap3A_199], %swap3A_202 {strides = array<i32>} : memref<4x128xi32, #tpu.memory_space<vmem>>, vector<1x16xi32>,
    %get3A_203 = arith.constant 0 : i32
    %get3A_204 = arith.index_cast %get3A_203 : i32 to index
    %get3A_205 = arith.constant 112 : index
    %get3A_206 = tpu.vector_load %arg6[%get3A_204, %get3A_205] {strides = array<i32>} : memref<16x128xi32, #tpu.memory_space<vmem>>, vector<1x16xi32>,
    %get3A_207 = vector.shape_cast %get3A_206 : vector<1x16xi32> to vector<16xi32>
    %mul3A_208 = arith.constant 2 : i32
    %mul3A_209 = vector.broadcast %mul3A_208 : i32 to vector<16xi32>
    %mul3A_210 = arith.muli %get3A_207, %mul3A_209 : vector<16xi32>
    %add3A_211 = vector.broadcast %arg0 : i32 to vector<16xi32>
    %add3A_212 = arith.addi %mul3A_210, %add3A_211 : vector<16xi32>
    %swap3A_213 = arith.constant 0 : i32
    %swap3A_214 = arith.index_cast %swap3A_213 : i32 to index
    %swap3A_215 = arith.constant 112 : index
    %swap3A_216 = tpu.vector_load %arg8[%swap3A_214, %swap3A_215] {strides = array<i32>} : memref<4x128xi32, #tpu.memory_space<vmem>>, vector<1x16xi32>,
    %swap3A_217 = vector.shape_cast %swap3A_216 : vector<1x16xi32> to vector<16xi32>
    %swap3A_218 = vector.shape_cast %add3A_212 : vector<16xi32> to vector<1x16xi32>
    tpu.vector_store %arg8[%swap3A_214, %swap3A_215], %swap3A_218 {strides = array<i32>} : memref<4x128xi32, #tpu.memory_space<vmem>>, vector<1x16xi32>,
    %get3A_219 = arith.constant 1 : i32
    %get3A_220 = arith.index_cast %get3A_219 : i32 to index
    %get3A_221 = arith.constant 0 : index
    %get3A_222 = tpu.vector_load %arg6[%get3A_220, %get3A_221] {strides = array<i32>} : memref<16x128xi32, #tpu.memory_space<vmem>>, vector<1x16xi32>,
    %get3A_223 = vector.shape_cast %get3A_222 : vector<1x16xi32> to vector<16xi32>
    %mul3A_224 = arith.constant 2 : i32
    %mul3A_225 = vector.broadcast %mul3A_224 : i32 to vector<16xi32>
    %mul3A_226 = arith.muli %get3A_223, %mul3A_225 : vector<16xi32>
    %add3A_227 = vector.broadcast %arg0 : i32 to vector<16xi32>
    %add3A_228 = arith.addi %mul3A_226, %add3A_227 : vector<16xi32>
    %swap3A_229 = arith.constant 1 : i32
    %swap3A_230 = arith.index_cast %swap3A_229 : i32 to index
    %swap3A_231 = arith.constant 0 : index
    %swap3A_232 = tpu.vector_load %arg8[%swap3A_230, %swap3A_231] {strides = array<i32>} : memref<4x128xi32, #tpu.memory_space<vmem>>, vector<1x16xi32>,
    %swap3A_233 = vector.shape_cast %swap3A_232 : vector<1x16xi32> to vector<16xi32>
    %swap3A_234 = vector.shape_cast %add3A_228 : vector<16xi32> to vector<1x16xi32>
    tpu.vector_store %arg8[%swap3A_230, %swap3A_231], %swap3A_234 {strides = array<i32>} : memref<4x128xi32, #tpu.memory_space<vmem>>, vector<1x16xi32>,
    %get3A_235 = arith.constant 1 : i32
    %get3A_236 = arith.index_cast %get3A_235 : i32 to index
    %get3A_237 = arith.constant 16 : index
    %get3A_238 = tpu.vector_load %arg6[%get3A_236, %get3A_237] {strides = array<i32>} : memref<16x128xi32, #tpu.memory_space<vmem>>, vector<1x16xi32>,
    %get3A_239 = vector.shape_cast %get3A_238 : vector<1x16xi32> to vector<16xi32>
    %mul3A_240 = arith.constant 2 : i32
    %mul3A_241 = vector.broadcast %mul3A_240 : i32 to vector<16xi32>
    %mul3A_242 = arith.muli %get3A_239, %mul3A_241 : vector<16xi32>
    %add3A_243 = vector.broadcast %arg0 : i32 to vector<16xi32>
    %add3A_244 = arith.addi %mul3A_242, %add3A_243 : vector<16xi32>
    %swap3A_245 = arith.constant 1 : i32
    %swap3A_246 = arith.index_cast %swap3A_245 : i32 to index
    %swap3A_247 = arith.constant 16 : index
    %swap3A_248 = tpu.vector_load %arg8[%swap3A_246, %swap3A_247] {strides = array<i32>} : memref<4x128xi32, #tpu.memory_space<vmem>>, vector<1x16xi32>,
    %swap3A_249 = vector.shape_cast %swap3A_248 : vector<1x16xi32> to vector<16xi32>
    %swap3A_250 = vector.shape_cast %add3A_244 : vector<16xi32> to vector<1x16xi32>
    tpu.vector_store %arg8[%swap3A_246, %swap3A_247], %swap3A_250 {strides = array<i32>} : memref<4x128xi32, #tpu.memory_space<vmem>>, vector<1x16xi32>,
    %get3A_251 = arith.constant 1 : i32
    %get3A_252 = arith.index_cast %get3A_251 : i32 to index
    %get3A_253 = arith.constant 32 : index
    %get3A_254 = tpu.vector_load %arg6[%get3A_252, %get3A_253] {strides = array<i32>} : memref<16x128xi32, #tpu.memory_space<vmem>>, vector<1x16xi32>,
    %get3A_255 = vector.shape_cast %get3A_254 : vector<1x16xi32> to vector<16xi32>
    %mul3A_256 = arith.constant 2 : i32
    %mul3A_257 = vector.broadcast %mul3A_256 : i32 to vector<16xi32>
    %mul3A_258 = arith.muli %get3A_255, %mul3A_257 : vector<16xi32>
    %add3A_259 = vector.broadcast %arg0 : i32 to vector<16xi32>
    %add3A_260 = arith.addi %mul3A_258, %add3A_259 : vector<16xi32>
    %swap3A_261 = arith.constant 1 : i32
    %swap3A_262 = arith.index_cast %swap3A_261 : i32 to index
    %swap3A_263 = arith.constant 32 : index
    %swap3A_264 = tpu.vector_load %arg8[%swap3A_262, %swap3A_263] {strides = array<i32>} : memref<4x128xi32, #tpu.memory_space<vmem>>, vector<1x16xi32>,
    %swap3A_265 = vector.shape_cast %swap3A_264 : vector<1x16xi32> to vector<16xi32>
    %swap3A_266 = vector.shape_cast %add3A_260 : vector<16xi32> to vector<1x16xi32>
    tpu.vector_store %arg8[%swap3A_262, %swap3A_263], %swap3A_266 {strides = array<i32>} : memref<4x128xi32, #tpu.memory_space<vmem>>, vector<1x16xi32>,
    %get3A_267 = arith.constant 1 : i32
    %get3A_268 = arith.index_cast %get3A_267 : i32 to index
    %get3A_269 = arith.constant 48 : index
    %get3A_270 = tpu.vector_load %arg6[%get3A_268, %get3A_269] {strides = array<i32>} : memref<16x128xi32, #tpu.memory_space<vmem>>, vector<1x16xi32>,
    %get3A_271 = vector.shape_cast %get3A_270 : vector<1x16xi32> to vector<16xi32>
    %mul3A_272 = arith.constant 2 : i32
    %mul3A_273 = vector.broadcast %mul3A_272 : i32 to vector<16xi32>
    %mul3A_274 = arith.muli %get3A_271, %mul3A_273 : vector<16xi32>
    %add3A_275 = vector.broadcast %arg0 : i32 to vector<16xi32>
    %add3A_276 = arith.addi %mul3A_274, %add3A_275 : vector<16xi32>
    %swap3A_277 = arith.constant 1 : i32
    %swap3A_278 = arith.index_cast %swap3A_277 : i32 to index
    %swap3A_279 = arith.constant 48 : index
    %swap3A_280 = tpu.vector_load %arg8[%swap3A_278, %swap3A_279] {strides = array<i32>} : memref<4x128xi32, #tpu.memory_space<vmem>>, vector<1x16xi32>,
    %swap3A_281 = vector.shape_cast %swap3A_280 : vector<1x16xi32> to vector<16xi32>
    %swap3A_282 = vector.shape_cast %add3A_276 : vector<16xi32> to vector<1x16xi32>
    tpu.vector_store %arg8[%swap3A_278, %swap3A_279], %swap3A_282 {strides = array<i32>} : memref<4x128xi32, #tpu.memory_space<vmem>>, vector<1x16xi32>,
    %get3A_283 = arith.constant 1 : i32
    %get3A_284 = arith.index_cast %get3A_283 : i32 to index
    %get3A_285 = arith.constant 64 : index
    %get3A_286 = tpu.vector_load %arg6[%get3A_284, %get3A_285] {strides = array<i32>} : memref<16x128xi32, #tpu.memory_space<vmem>>, vector<1x16xi32>,
    %get3A_287 = vector.shape_cast %get3A_286 : vector<1x16xi32> to vector<16xi32>
    %mul3A_288 = arith.constant 2 : i32
    %mul3A_289 = vector.broadcast %mul3A_288 : i32 to vector<16xi32>
    %mul3A_290 = arith.muli %get3A_287, %mul3A_289 : vector<16xi32>
    %add3A_291 = vector.broadcast %arg0 : i32 to vector<16xi32>
    %add3A_292 = arith.addi %mul3A_290, %add3A_291 : vector<16xi32>
    %swap3A_293 = arith.constant 1 : i32
    %swap3A_294 = arith.index_cast %swap3A_293 : i32 to index
    %swap3A_295 = arith.constant 64 : index
    %swap3A_296 = tpu.vector_load %arg8[%swap3A_294, %swap3A_295] {strides = array<i32>} : memref<4x128xi32, #tpu.memory_space<vmem>>, vector<1x16xi32>,
    %swap3A_297 = vector.shape_cast %swap3A_296 : vector<1x16xi32> to vector<16xi32>
    %swap3A_298 = vector.shape_cast %add3A_292 : vector<16xi32> to vector<1x16xi32>
    tpu.vector_store %arg8[%swap3A_294, %swap3A_295], %swap3A_298 {strides = array<i32>} : memref<4x128xi32, #tpu.memory_space<vmem>>, vector<1x16xi32>,
    %get3A_299 = arith.constant 1 : i32
    %get3A_300 = arith.index_cast %get3A_299 : i32 to index
    %get3A_301 = arith.constant 80 : index
    %get3A_302 = tpu.vector_load %arg6[%get3A_300, %get3A_301] {strides = array<i32>} : memref<16x128xi32, #tpu.memory_space<vmem>>, vector<1x16xi32>,
    %get3A_303 = vector.shape_cast %get3A_302 : vector<1x16xi32> to vector<16xi32>
    %mul3A_304 = arith.constant 2 : i32
    %mul3A_305 = vector.broadcast %mul3A_304 : i32 to vector<16xi32>
    %mul3A_306 = arith.muli %get3A_303, %mul3A_305 : vector<16xi32>
    %add3A_307 = vector.broadcast %arg0 : i32 to vector<16xi32>
    %add3A_308 = arith.addi %mul3A_306, %add3A_307 : vector<16xi32>
    %swap3A_309 = arith.constant 1 : i32
    %swap3A_310 = arith.index_cast %swap3A_309 : i32 to index
    %swap3A_311 = arith.constant 80 : index
    %swap3A_312 = tpu.vector_load %arg8[%swap3A_310, %swap3A_311] {strides = array<i32>} : memref<4x128xi32, #tpu.memory_space<vmem>>, vector<1x16xi32>,
    %swap3A_313 = vector.shape_cast %swap3A_312 : vector<1x16xi32> to vector<16xi32>
    %swap3A_314 = vector.shape_cast %add3A_308 : vector<16xi32> to vector<1x16xi32>
    tpu.vector_store %arg8[%swap3A_310, %swap3A_311], %swap3A_314 {strides = array<i32>} : memref<4x128xi32, #tpu.memory_space<vmem>>, vector<1x16xi32>,
    %get3A_315 = arith.constant 1 : i32
    %get3A_316 = arith.index_cast %get3A_315 : i32 to index
    %get3A_317 = arith.constant 96 : index
    %get3A_318 = tpu.vector_load %arg6[%get3A_316, %get3A_317] {strides = array<i32>} : memref<16x128xi32, #tpu.memory_space<vmem>>, vector<1x16xi32>,
    %get3A_319 = vector.shape_cast %get3A_318 : vector<1x16xi32> to vector<16xi32>
    %mul3A_320 = arith.constant 2 : i32
    %mul3A_321 = vector.broadcast %mul3A_320 : i32 to vector<16xi32>
    %mul3A_322 = arith.muli %get3A_319, %mul3A_321 : vector<16xi32>
    %add3A_323 = vector.broadcast %arg0 : i32 to vector<16xi32>
    %add3A_324 = arith.addi %mul3A_322, %add3A_323 : vector<16xi32>
    %swap3A_325 = arith.constant 1 : i32
    %swap3A_326 = arith.index_cast %swap3A_325 : i32 to index
    %swap3A_327 = arith.constant 96 : index
    %swap3A_328 = tpu.vector_load %arg8[%swap3A_326, %swap3A_327] {strides = array<i32>} : memref<4x128xi32, #tpu.memory_space<vmem>>, vector<1x16xi32>,
    %swap3A_329 = vector.shape_cast %swap3A_328 : vector<1x16xi32> to vector<16xi32>
    %swap3A_330 = vector.shape_cast %add3A_324 : vector<16xi32> to vector<1x16xi32>
    tpu.vector_store %arg8[%swap3A_326, %swap3A_327], %swap3A_330 {strides = array<i32>} : memref<4x128xi32, #tpu.memory_space<vmem>>, vector<1x16xi32>,
    %get3A_331 = arith.constant 1 : i32
    %get3A_332 = arith.index_cast %get3A_331 : i32 to index
    %get3A_333 = arith.constant 112 : index
    %get3A_334 = tpu.vector_load %arg6[%get3A_332, %get3A_333] {strides = array<i32>} : memref<16x128xi32, #tpu.memory_space<vmem>>, vector<1x16xi32>,
    %get3A_335 = vector.shape_cast %get3A_334 : vector<1x16xi32> to vector<16xi32>
    %mul3A_336 = arith.constant 2 : i32
    %mul3A_337 = vector.broadcast %mul3A_336 : i32 to vector<16xi32>
    %mul3A_338 = arith.muli %get3A_335, %mul3A_337 : vector<16xi32>
    %add3A_339 = vector.broadcast %arg0 : i32 to vector<16xi32>
    %add3A_340 = arith.addi %mul3A_338, %add3A_339 : vector<16xi32>
    %swap3A_341 = arith.constant 1 : i32
    %swap3A_342 = arith.index_cast %swap3A_341 : i32 to index
    %swap3A_343 = arith.constant 112 : index
    %swap3A_344 = tpu.vector_load %arg8[%swap3A_342, %swap3A_343] {strides = array<i32>} : memref<4x128xi32, #tpu.memory_space<vmem>>, vector<1x16xi32>,
    %swap3A_345 = vector.shape_cast %swap3A_344 : vector<1x16xi32> to vector<16xi32>
    %swap3A_346 = vector.shape_cast %add3A_340 : vector<16xi32> to vector<1x16xi32>
    tpu.vector_store %arg8[%swap3A_342, %swap3A_343], %swap3A_346 {strides = array<i32>} : memref<4x128xi32, #tpu.memory_space<vmem>>, vector<1x16xi32>,
    %dma_start3A_347 = arith.constant 0 : i32
    %dma_start3A_348 = arith.constant 0 : i32
    %dma_start3A_349 = arith.constant 0 : i32
    %dma_start3A_350 = arith.constant 0 : i32
    %dma_start3A_351 = tpu.memref_slice %arg9[%dma_start3A_348, %dma_start3A_349, %dma_start3A_350] : memref<4x128x32xf32, #tpu.memory_space<vmem>> -> memref<1x128x32xf32, #tpu.memory_space<vmem>>
    %dma_start3A_352 = tpu.memref_squeeze %dma_start3A_351 : memref<1x128x32xf32, #tpu.memory_space<vmem>> -> memref<128x32xf32, #tpu.memory_space<vmem>>
    %dma_start3A_353 = arith.constant 0 : i32
    %dma_start3A_354 = tpu.memref_slice %arg8[%dma_start3A_347, %dma_start3A_353] : memref<4x128xi32, #tpu.memory_space<vmem>> -> memref<1x128xi32, #tpu.memory_space<vmem>>
    %dma_start3A_355 = tpu.memref_squeeze %dma_start3A_354 : memref<1x128xi32, #tpu.memory_space<vmem>> -> memref<128xi32, #tpu.memory_space<vmem>>
    %dma_start3A_356 = arith.constant 0 : i32
    %dma_start3A_357 = arith.constant 0 : i32
    %dma_start3A_358 = tpu.memref_slice %arg2[%dma_start3A_356, %dma_start3A_357] : memref<100352x32xf32, #tpu.memory_space<hbm>> -> memref<100352x32xf32, #tpu.memory_space<hbm>>
    tpu.enqueue_indirect_dma source(%dma_start3A_358 : memref<100352x32xf32, #tpu.memory_space<hbm>>) target(%dma_start3A_352 : memref<128x32xf32, #tpu.memory_space<vmem>>) offsets(%dma_start3A_355 : memref<128xi32, #tpu.memory_space<vmem>>) semaphore(%arg12 : memref<!tpu.dma_semaphore, #tpu.memory_space<semaphore_mem>>)
    %dma_start3A_359 = arith.constant 1 : i32
    %dma_start3A_360 = arith.constant 1 : i32
    %dma_start3A_361 = arith.constant 0 : i32
    %dma_start3A_362 = arith.constant 0 : i32
    %dma_start3A_363 = tpu.memref_slice %arg9[%dma_start3A_360, %dma_start3A_361, %dma_start3A_362] : memref<4x128x32xf32, #tpu.memory_space<vmem>> -> memref<1x128x32xf32, #tpu.memory_space<vmem>>
    %dma_start3A_364 = tpu.memref_squeeze %dma_start3A_363 : memref<1x128x32xf32, #tpu.memory_space<vmem>> -> memref<128x32xf32, #tpu.memory_space<vmem>>
    %dma_start3A_365 = arith.constant 0 : i32
    %dma_start3A_366 = tpu.memref_slice %arg8[%dma_start3A_359, %dma_start3A_365] : memref<4x128xi32, #tpu.memory_space<vmem>> -> memref<1x128xi32, #tpu.memory_space<vmem>>
    %dma_start3A_367 = tpu.memref_squeeze %dma_start3A_366 : memref<1x128xi32, #tpu.memory_space<vmem>> -> memref<128xi32, #tpu.memory_space<vmem>>
    %dma_start3A_368 = arith.constant 0 : i32
    %dma_start3A_369 = arith.constant 0 : i32
    %dma_start3A_370 = tpu.memref_slice %arg2[%dma_start3A_368, %dma_start3A_369] : memref<100352x32xf32, #tpu.memory_space<hbm>> -> memref<100352x32xf32, #tpu.memory_space<hbm>>
    tpu.enqueue_indirect_dma source(%dma_start3A_370 : memref<100352x32xf32, #tpu.memory_space<hbm>>) target(%dma_start3A_364 : memref<128x32xf32, #tpu.memory_space<vmem>>) offsets(%dma_start3A_367 : memref<128xi32, #tpu.memory_space<vmem>>) semaphore(%arg12 : memref<!tpu.dma_semaphore, #tpu.memory_space<semaphore_mem>>)
    %scan3A_371 = arith.constant 0 : i32
    %scan3A_372 = arith.constant 0 : i32
    %scan3A_373 = arith.constant 200 : i32
    %scan3A_374 = arith.addi %scan3A_372, %scan3A_373 : i32
    %scan3A_375 = arith.constant 1 : i32
    %scan3A_376 = scf.for %scan3A_383 = %scan3A_372 to %scan3A_374 step %scan3A_375 iter_args(%scan3A_384 = %scan3A_371) -> (i32)  : i32 {
      %rem3A = arith.constant 2 : i32
      %rem3A_385 = arith.remsi %scan3A_383, %rem3A : i32
      %mul3A_386 = arith.constant 2 : i32
      %mul3A_387 = arith.muli %rem3A_385, %mul3A_386 : i32
      %sub3A = arith.constant 2 : i32
      %sub3A_388 = arith.subi %sub3A, %mul3A_387 : i32
      %rem3A_389 = arith.constant 4 : i32
      %rem3A_390 = arith.remsi %scan3A_383, %rem3A_389 : i32
      %jit3A = arith.constant 4 : i32
      %div3A = arith.divsi %scan3A_383, %jit3A : i32
      %sign3A = arith.constant 0 : i32
      %sign3A_391 = arith.cmpi sgt, %scan3A_383, %sign3A : i32
      %sign3A_392 = arith.extui %sign3A_391 : i1 to i32
      %sign3A_393 = arith.constant 0 : i32
      %sign3A_394 = arith.cmpi slt, %scan3A_383, %sign3A_393 : i32
      %sign3A_395 = arith.extui %sign3A_394 : i1 to i32
      %sign3A_396 = arith.subi %sign3A_392, %sign3A_395 : i32
      %sign3A_397 = arith.constant 0 : i32
      %sign3A_398 = arith.cmpi sgt, %jit3A, %sign3A_397 : i32
      %sign3A_399 = arith.extui %sign3A_398 : i1 to i32
      %sign3A_400 = arith.constant 0 : i32
      %sign3A_401 = arith.cmpi slt, %jit3A, %sign3A_400 : i32
      %sign3A_402 = arith.extui %sign3A_401 : i1 to i32
      %sign3A_403 = arith.subi %sign3A_399, %sign3A_402 : i32
      %ne3A = arith.cmpi ne, %sign3A_396, %sign3A_403 : i32
      %rem3A_404 = arith.remsi %scan3A_383, %jit3A : i32
      %ne3A_405 = arith.constant 0 : i32
      %ne3A_406 = arith.cmpi ne, %rem3A_404, %ne3A_405 : i32
      %and3A = arith.andi %ne3A, %ne3A_406 : i1
      %sub3A_407 = arith.constant 1 : i32
      %sub3A_408 = arith.subi %div3A, %sub3A_407 : i32
      %select_n3A = arith.select %and3A, %sub3A_408, %div3A : i32
      %rem3A_409 = arith.constant 2 : i32
      %rem3A_410 = arith.remsi %select_n3A, %rem3A_409 : i32
      %add3A_411 = arith.constant 0 : i32
      %add3A_412 = arith.addi %mul3A_387, %add3A_411 : i32
      %add3A_413 = arith.constant 0 : i32
      %add3A_414 = arith.addi %mul3A_387, %add3A_413 : i32
      %dma_wait3A = arith.constant 0 : i32
      %dma_wait3A_415 = arith.constant 0 : i32
      %dma_wait3A_416 = tpu.memref_slice %arg9[%add3A_414, %dma_wait3A, %dma_wait3A_415] : memref<4x128x32xf32, #tpu.memory_space<vmem>> -> memref<1x128x32xf32, #tpu.memory_space<vmem>>
      %dma_wait3A_417 = tpu.memref_squeeze %dma_wait3A_416 : memref<1x128x32xf32, #tpu.memory_space<vmem>> -> memref<128x32xf32, #tpu.memory_space<vmem>>
      %dma_wait3A_418 = arith.constant 0 : i32
      %dma_wait3A_419 = tpu.memref_slice %arg8[%add3A_412, %dma_wait3A_418] : memref<4x128xi32, #tpu.memory_space<vmem>> -> memref<1x128xi32, #tpu.memory_space<vmem>>
      %dma_wait3A_420 = tpu.memref_squeeze %dma_wait3A_419 : memref<1x128xi32, #tpu.memory_space<vmem>> -> memref<128xi32, #tpu.memory_space<vmem>>
      %dma_wait3A_421 = arith.constant 0 : i32
      %dma_wait3A_422 = arith.constant 0 : i32
      %dma_wait3A_423 = tpu.memref_slice %arg2[%dma_wait3A_421, %dma_wait3A_422] : memref<100352x32xf32, #tpu.memory_space<hbm>> -> memref<100352x32xf32, #tpu.memory_space<hbm>>
      tpu.wait_indirect_dma semaphore(%arg12 : memref<!tpu.dma_semaphore, #tpu.memory_space<semaphore_mem>>) src(%dma_wait3A_423 : memref<100352x32xf32, #tpu.memory_space<hbm>>) dst(%dma_wait3A_417 : memref<128x32xf32, #tpu.memory_space<vmem>>)
      %add3A_424 = arith.constant 1 : i32
      %add3A_425 = arith.addi %mul3A_387, %add3A_424 : i32
      %add3A_426 = arith.constant 1 : i32
      %add3A_427 = arith.addi %mul3A_387, %add3A_426 : i32
      %dma_wait3A_428 = arith.constant 0 : i32
      %dma_wait3A_429 = arith.constant 0 : i32
      %dma_wait3A_430 = tpu.memref_slice %arg9[%add3A_427, %dma_wait3A_428, %dma_wait3A_429] : memref<4x128x32xf32, #tpu.memory_space<vmem>> -> memref<1x128x32xf32, #tpu.memory_space<vmem>>
      %dma_wait3A_431 = tpu.memref_squeeze %dma_wait3A_430 : memref<1x128x32xf32, #tpu.memory_space<vmem>> -> memref<128x32xf32, #tpu.memory_space<vmem>>
      %dma_wait3A_432 = arith.constant 0 : i32
      %dma_wait3A_433 = tpu.memref_slice %arg8[%add3A_425, %dma_wait3A_432] : memref<4x128xi32, #tpu.memory_space<vmem>> -> memref<1x128xi32, #tpu.memory_space<vmem>>
      %dma_wait3A_434 = tpu.memref_squeeze %dma_wait3A_433 : memref<1x128xi32, #tpu.memory_space<vmem>> -> memref<128xi32, #tpu.memory_space<vmem>>
      %dma_wait3A_435 = arith.constant 0 : i32
      %dma_wait3A_436 = arith.constant 0 : i32
      %dma_wait3A_437 = tpu.memref_slice %arg2[%dma_wait3A_435, %dma_wait3A_436] : memref<100352x32xf32, #tpu.memory_space<hbm>> -> memref<100352x32xf32, #tpu.memory_space<hbm>>
      tpu.wait_indirect_dma semaphore(%arg12 : memref<!tpu.dma_semaphore, #tpu.memory_space<semaphore_mem>>) src(%dma_wait3A_437 : memref<100352x32xf32, #tpu.memory_space<hbm>>) dst(%dma_wait3A_431 : memref<128x32xf32, #tpu.memory_space<vmem>>)
      %eq3A = arith.constant 3 : i32
      %eq3A_438 = arith.cmpi eq, %rem3A_390, %eq3A : i32
      %lt3A = arith.constant 199 : i32
      %lt3A_439 = arith.cmpi slt, %scan3A_383, %lt3A : i32
      %and3A_440 = arith.andi %eq3A_438, %lt3A_439 : i1
      %convert_element_type3A = arith.extui %and3A_440 : i1 to i32
      %cond3A = arith.constant 0 : i32
      %cond3A_441 = arith.cmpi ne, %convert_element_type3A, %cond3A : i32
      scf.if %cond3A_441 {
        %dma_wait3A_514 = arith.constant 0 : i32
        %dma_wait3A_515 = arith.constant 0 : i32
        %dma_wait3A_516 = tpu.memref_slice %arg6[%dma_wait3A_514, %dma_wait3A_515] : memref<16x128xi32, #tpu.memory_space<vmem>> -> memref<8x128xi32, #tpu.memory_space<vmem>>
        %dma_wait3A_517 = arith.constant 0 : i32
        %dma_wait3A_518 = tpu.memref_slice %arg3[%mul3A_0, %dma_wait3A_517] : memref<6400x128xi32, #tpu.memory_space<hbm>> -> memref<8x128xi32, #tpu.memory_space<hbm>>
        %dma_wait3A_519 = arith.constant 0 : i32
        %dma_wait3A_520 = arith.constant 0 : i32
        %dma_wait3A_521 = tpu.memref_slice %arg6[%dma_wait3A_519, %dma_wait3A_520] : memref<16x128xi32, #tpu.memory_space<vmem>> -> memref<8x128xi32, #tpu.memory_space<vmem>>
        %dma_wait3A_522 = arith.constant 0 : i32
        %dma_wait3A_523 = tpu.memref_slice %arg3[%mul3A_0, %dma_wait3A_522] : memref<6400x128xi32, #tpu.memory_space<hbm>> -> memref<8x128xi32, #tpu.memory_space<hbm>>
        tpu.wait_dma2 semaphore(%arg14 : memref<!tpu.dma_semaphore, #tpu.memory_space<semaphore_mem>>) src(%dma_wait3A_523 : memref<8x128xi32, #tpu.memory_space<hbm>>) dst(%dma_wait3A_521 : memref<8x128xi32, #tpu.memory_space<vmem>>)
        %dma_wait3A_524 = arith.constant 0 : i32
        %dma_wait3A_525 = arith.constant 0 : i32
        %dma_wait3A_526 = tpu.memref_slice %arg7[%dma_wait3A_524, %dma_wait3A_525] : memref<16x128xi32, #tpu.memory_space<vmem>> -> memref<8x128xi32, #tpu.memory_space<vmem>>
        %dma_wait3A_527 = arith.constant 0 : i32
        %dma_wait3A_528 = tpu.memref_slice %arg4[%mul3A_0, %dma_wait3A_527] : memref<6400x128xi32, #tpu.memory_space<hbm>> -> memref<8x128xi32, #tpu.memory_space<hbm>>
        %dma_wait3A_529 = arith.constant 0 : i32
        %dma_wait3A_530 = arith.constant 0 : i32
        %dma_wait3A_531 = tpu.memref_slice %arg7[%dma_wait3A_529, %dma_wait3A_530] : memref<16x128xi32, #tpu.memory_space<vmem>> -> memref<8x128xi32, #tpu.memory_space<vmem>>
        %dma_wait3A_532 = arith.constant 0 : i32
        %dma_wait3A_533 = tpu.memref_slice %arg4[%mul3A_0, %dma_wait3A_532] : memref<6400x128xi32, #tpu.memory_space<hbm>> -> memref<8x128xi32, #tpu.memory_space<hbm>>
        tpu.wait_dma2 semaphore(%arg14 : memref<!tpu.dma_semaphore, #tpu.memory_space<semaphore_mem>>) src(%dma_wait3A_533 : memref<8x128xi32, #tpu.memory_space<hbm>>) dst(%dma_wait3A_531 : memref<8x128xi32, #tpu.memory_space<vmem>>)
      } else {
      }
      %lt3A_442 = arith.constant 199 : i32
      %lt3A_443 = arith.cmpi slt, %scan3A_383, %lt3A_442 : i32
      %convert_element_type3A_444 = arith.extui %lt3A_443 : i1 to i32
      %cond3A_445 = arith.constant 0 : i32
      %cond3A_446 = arith.cmpi ne, %convert_element_type3A_444, %cond3A_445 : i32
      scf.if %cond3A_446 {
        %add3A_514 = arith.constant 1 : i32
        %add3A_515 = arith.addi %scan3A_383, %add3A_514 : i32
        %mul3A_516 = arith.constant 2 : i32
        %mul3A_517 = arith.muli %add3A_515, %mul3A_516 : i32
        %add3A_518 = arith.constant 0 : i32
        %add3A_519 = arith.addi %mul3A_517, %add3A_518 : i32
        %rem3A_520 = arith.constant 16 : i32
        %rem3A_521 = arith.remsi %add3A_519, %rem3A_520 : i32
        %get3A_522 = arith.index_cast %rem3A_521 : i32 to index
        %get3A_523 = arith.constant 0 : index
        %get3A_524 = tpu.vector_load %arg6[%get3A_522, %get3A_523] {strides = array<i32>} : memref<16x128xi32, #tpu.memory_space<vmem>>, vector<1x16xi32>,
        %get3A_525 = vector.shape_cast %get3A_524 : vector<1x16xi32> to vector<16xi32>
        %mul3A_526 = arith.constant 2 : i32
        %mul3A_527 = vector.broadcast %mul3A_526 : i32 to vector<16xi32>
        %mul3A_528 = arith.muli %get3A_525, %mul3A_527 : vector<16xi32>
        %add3A_529 = vector.broadcast %arg0 : i32 to vector<16xi32>
        %add3A_530 = arith.addi %mul3A_528, %add3A_529 : vector<16xi32>
        %add3A_531 = arith.constant 0 : i32
        %add3A_532 = arith.addi %sub3A_388, %add3A_531 : i32
        %swap3A_533 = arith.index_cast %add3A_532 : i32 to index
        %swap3A_534 = arith.constant 0 : index
        %swap3A_535 = tpu.vector_load %arg8[%swap3A_533, %swap3A_534] {strides = array<i32>} : memref<4x128xi32, #tpu.memory_space<vmem>>, vector<1x16xi32>,
        %swap3A_536 = vector.shape_cast %swap3A_535 : vector<1x16xi32> to vector<16xi32>
        %swap3A_537 = vector.shape_cast %add3A_530 : vector<16xi32> to vector<1x16xi32>
        tpu.vector_store %arg8[%swap3A_533, %swap3A_534], %swap3A_537 {strides = array<i32>} : memref<4x128xi32, #tpu.memory_space<vmem>>, vector<1x16xi32>,
        %get3A_538 = arith.index_cast %rem3A_521 : i32 to index
        %get3A_539 = arith.constant 16 : index
        %get3A_540 = tpu.vector_load %arg6[%get3A_538, %get3A_539] {strides = array<i32>} : memref<16x128xi32, #tpu.memory_space<vmem>>, vector<1x16xi32>,
        %get3A_541 = vector.shape_cast %get3A_540 : vector<1x16xi32> to vector<16xi32>
        %mul3A_542 = arith.constant 2 : i32
        %mul3A_543 = vector.broadcast %mul3A_542 : i32 to vector<16xi32>
        %mul3A_544 = arith.muli %get3A_541, %mul3A_543 : vector<16xi32>
        %add3A_545 = vector.broadcast %arg0 : i32 to vector<16xi32>
        %add3A_546 = arith.addi %mul3A_544, %add3A_545 : vector<16xi32>
        %add3A_547 = arith.constant 0 : i32
        %add3A_548 = arith.addi %sub3A_388, %add3A_547 : i32
        %swap3A_549 = arith.index_cast %add3A_548 : i32 to index
        %swap3A_550 = arith.constant 16 : index
        %swap3A_551 = tpu.vector_load %arg8[%swap3A_549, %swap3A_550] {strides = array<i32>} : memref<4x128xi32, #tpu.memory_space<vmem>>, vector<1x16xi32>,
        %swap3A_552 = vector.shape_cast %swap3A_551 : vector<1x16xi32> to vector<16xi32>
        %swap3A_553 = vector.shape_cast %add3A_546 : vector<16xi32> to vector<1x16xi32>
        tpu.vector_store %arg8[%swap3A_549, %swap3A_550], %swap3A_553 {strides = array<i32>} : memref<4x128xi32, #tpu.memory_space<vmem>>, vector<1x16xi32>,
        %get3A_554 = arith.index_cast %rem3A_521 : i32 to index
        %get3A_555 = arith.constant 32 : index
        %get3A_556 = tpu.vector_load %arg6[%get3A_554, %get3A_555] {strides = array<i32>} : memref<16x128xi32, #tpu.memory_space<vmem>>, vector<1x16xi32>,
        %get3A_557 = vector.shape_cast %get3A_556 : vector<1x16xi32> to vector<16xi32>
        %mul3A_558 = arith.constant 2 : i32
        %mul3A_559 = vector.broadcast %mul3A_558 : i32 to vector<16xi32>
        %mul3A_560 = arith.muli %get3A_557, %mul3A_559 : vector<16xi32>
        %add3A_561 = vector.broadcast %arg0 : i32 to vector<16xi32>
        %add3A_562 = arith.addi %mul3A_560, %add3A_561 : vector<16xi32>
        %add3A_563 = arith.constant 0 : i32
        %add3A_564 = arith.addi %sub3A_388, %add3A_563 : i32
        %swap3A_565 = arith.index_cast %add3A_564 : i32 to index
        %swap3A_566 = arith.constant 32 : index
        %swap3A_567 = tpu.vector_load %arg8[%swap3A_565, %swap3A_566] {strides = array<i32>} : memref<4x128xi32, #tpu.memory_space<vmem>>, vector<1x16xi32>,
        %swap3A_568 = vector.shape_cast %swap3A_567 : vector<1x16xi32> to vector<16xi32>
        %swap3A_569 = vector.shape_cast %add3A_562 : vector<16xi32> to vector<1x16xi32>
        tpu.vector_store %arg8[%swap3A_565, %swap3A_566], %swap3A_569 {strides = array<i32>} : memref<4x128xi32, #tpu.memory_space<vmem>>, vector<1x16xi32>,
        %get3A_570 = arith.index_cast %rem3A_521 : i32 to index
        %get3A_571 = arith.constant 48 : index
        %get3A_572 = tpu.vector_load %arg6[%get3A_570, %get3A_571] {strides = array<i32>} : memref<16x128xi32, #tpu.memory_space<vmem>>, vector<1x16xi32>,
        %get3A_573 = vector.shape_cast %get3A_572 : vector<1x16xi32> to vector<16xi32>
        %mul3A_574 = arith.constant 2 : i32
        %mul3A_575 = vector.broadcast %mul3A_574 : i32 to vector<16xi32>
        %mul3A_576 = arith.muli %get3A_573, %mul3A_575 : vector<16xi32>
        %add3A_577 = vector.broadcast %arg0 : i32 to vector<16xi32>
        %add3A_578 = arith.addi %mul3A_576, %add3A_577 : vector<16xi32>
        %add3A_579 = arith.constant 0 : i32
        %add3A_580 = arith.addi %sub3A_388, %add3A_579 : i32
        %swap3A_581 = arith.index_cast %add3A_580 : i32 to index
        %swap3A_582 = arith.constant 48 : index
        %swap3A_583 = tpu.vector_load %arg8[%swap3A_581, %swap3A_582] {strides = array<i32>} : memref<4x128xi32, #tpu.memory_space<vmem>>, vector<1x16xi32>,
        %swap3A_584 = vector.shape_cast %swap3A_583 : vector<1x16xi32> to vector<16xi32>
        %swap3A_585 = vector.shape_cast %add3A_578 : vector<16xi32> to vector<1x16xi32>
        tpu.vector_store %arg8[%swap3A_581, %swap3A_582], %swap3A_585 {strides = array<i32>} : memref<4x128xi32, #tpu.memory_space<vmem>>, vector<1x16xi32>,
        %get3A_586 = arith.index_cast %rem3A_521 : i32 to index
        %get3A_587 = arith.constant 64 : index
        %get3A_588 = tpu.vector_load %arg6[%get3A_586, %get3A_587] {strides = array<i32>} : memref<16x128xi32, #tpu.memory_space<vmem>>, vector<1x16xi32>,
        %get3A_589 = vector.shape_cast %get3A_588 : vector<1x16xi32> to vector<16xi32>
        %mul3A_590 = arith.constant 2 : i32
        %mul3A_591 = vector.broadcast %mul3A_590 : i32 to vector<16xi32>
        %mul3A_592 = arith.muli %get3A_589, %mul3A_591 : vector<16xi32>
        %add3A_593 = vector.broadcast %arg0 : i32 to vector<16xi32>
        %add3A_594 = arith.addi %mul3A_592, %add3A_593 : vector<16xi32>
        %add3A_595 = arith.constant 0 : i32
        %add3A_596 = arith.addi %sub3A_388, %add3A_595 : i32
        %swap3A_597 = arith.index_cast %add3A_596 : i32 to index
        %swap3A_598 = arith.constant 64 : index
        %swap3A_599 = tpu.vector_load %arg8[%swap3A_597, %swap3A_598] {strides = array<i32>} : memref<4x128xi32, #tpu.memory_space<vmem>>, vector<1x16xi32>,
        %swap3A_600 = vector.shape_cast %swap3A_599 : vector<1x16xi32> to vector<16xi32>
        %swap3A_601 = vector.shape_cast %add3A_594 : vector<16xi32> to vector<1x16xi32>
        tpu.vector_store %arg8[%swap3A_597, %swap3A_598], %swap3A_601 {strides = array<i32>} : memref<4x128xi32, #tpu.memory_space<vmem>>, vector<1x16xi32>,
        %get3A_602 = arith.index_cast %rem3A_521 : i32 to index
        %get3A_603 = arith.constant 80 : index
        %get3A_604 = tpu.vector_load %arg6[%get3A_602, %get3A_603] {strides = array<i32>} : memref<16x128xi32, #tpu.memory_space<vmem>>, vector<1x16xi32>,
        %get3A_605 = vector.shape_cast %get3A_604 : vector<1x16xi32> to vector<16xi32>
        %mul3A_606 = arith.constant 2 : i32
        %mul3A_607 = vector.broadcast %mul3A_606 : i32 to vector<16xi32>
        %mul3A_608 = arith.muli %get3A_605, %mul3A_607 : vector<16xi32>
        %add3A_609 = vector.broadcast %arg0 : i32 to vector<16xi32>
        %add3A_610 = arith.addi %mul3A_608, %add3A_609 : vector<16xi32>
        %add3A_611 = arith.constant 0 : i32
        %add3A_612 = arith.addi %sub3A_388, %add3A_611 : i32
        %swap3A_613 = arith.index_cast %add3A_612 : i32 to index
        %swap3A_614 = arith.constant 80 : index
        %swap3A_615 = tpu.vector_load %arg8[%swap3A_613, %swap3A_614] {strides = array<i32>} : memref<4x128xi32, #tpu.memory_space<vmem>>, vector<1x16xi32>,
        %swap3A_616 = vector.shape_cast %swap3A_615 : vector<1x16xi32> to vector<16xi32>
        %swap3A_617 = vector.shape_cast %add3A_610 : vector<16xi32> to vector<1x16xi32>
        tpu.vector_store %arg8[%swap3A_613, %swap3A_614], %swap3A_617 {strides = array<i32>} : memref<4x128xi32, #tpu.memory_space<vmem>>, vector<1x16xi32>,
        %get3A_618 = arith.index_cast %rem3A_521 : i32 to index
        %get3A_619 = arith.constant 96 : index
        %get3A_620 = tpu.vector_load %arg6[%get3A_618, %get3A_619] {strides = array<i32>} : memref<16x128xi32, #tpu.memory_space<vmem>>, vector<1x16xi32>,
        %get3A_621 = vector.shape_cast %get3A_620 : vector<1x16xi32> to vector<16xi32>
        %mul3A_622 = arith.constant 2 : i32
        %mul3A_623 = vector.broadcast %mul3A_622 : i32 to vector<16xi32>
        %mul3A_624 = arith.muli %get3A_621, %mul3A_623 : vector<16xi32>
        %add3A_625 = vector.broadcast %arg0 : i32 to vector<16xi32>
        %add3A_626 = arith.addi %mul3A_624, %add3A_625 : vector<16xi32>
        %add3A_627 = arith.constant 0 : i32
        %add3A_628 = arith.addi %sub3A_388, %add3A_627 : i32
        %swap3A_629 = arith.index_cast %add3A_628 : i32 to index
        %swap3A_630 = arith.constant 96 : index
        %swap3A_631 = tpu.vector_load %arg8[%swap3A_629, %swap3A_630] {strides = array<i32>} : memref<4x128xi32, #tpu.memory_space<vmem>>, vector<1x16xi32>,
        %swap3A_632 = vector.shape_cast %swap3A_631 : vector<1x16xi32> to vector<16xi32>
        %swap3A_633 = vector.shape_cast %add3A_626 : vector<16xi32> to vector<1x16xi32>
        tpu.vector_store %arg8[%swap3A_629, %swap3A_630], %swap3A_633 {strides = array<i32>} : memref<4x128xi32, #tpu.memory_space<vmem>>, vector<1x16xi32>,
        %get3A_634 = arith.index_cast %rem3A_521 : i32 to index
        %get3A_635 = arith.constant 112 : index
        %get3A_636 = tpu.vector_load %arg6[%get3A_634, %get3A_635] {strides = array<i32>} : memref<16x128xi32, #tpu.memory_space<vmem>>, vector<1x16xi32>,
        %get3A_637 = vector.shape_cast %get3A_636 : vector<1x16xi32> to vector<16xi32>
        %mul3A_638 = arith.constant 2 : i32
        %mul3A_639 = vector.broadcast %mul3A_638 : i32 to vector<16xi32>
        %mul3A_640 = arith.muli %get3A_637, %mul3A_639 : vector<16xi32>
        %add3A_641 = vector.broadcast %arg0 : i32 to vector<16xi32>
        %add3A_642 = arith.addi %mul3A_640, %add3A_641 : vector<16xi32>
        %add3A_643 = arith.constant 0 : i32
        %add3A_644 = arith.addi %sub3A_388, %add3A_643 : i32
        %swap3A_645 = arith.index_cast %add3A_644 : i32 to index
        %swap3A_646 = arith.constant 112 : index
        %swap3A_647 = tpu.vector_load %arg8[%swap3A_645, %swap3A_646] {strides = array<i32>} : memref<4x128xi32, #tpu.memory_space<vmem>>, vector<1x16xi32>,
        %swap3A_648 = vector.shape_cast %swap3A_647 : vector<1x16xi32> to vector<16xi32>
        %swap3A_649 = vector.shape_cast %add3A_642 : vector<16xi32> to vector<1x16xi32>
        tpu.vector_store %arg8[%swap3A_645, %swap3A_646], %swap3A_649 {strides = array<i32>} : memref<4x128xi32, #tpu.memory_space<vmem>>, vector<1x16xi32>,
        %add3A_650 = arith.constant 1 : i32
        %add3A_651 = arith.addi %scan3A_383, %add3A_650 : i32
        %mul3A_652 = arith.constant 2 : i32
        %mul3A_653 = arith.muli %add3A_651, %mul3A_652 : i32
        %add3A_654 = arith.constant 1 : i32
        %add3A_655 = arith.addi %mul3A_653, %add3A_654 : i32
        %rem3A_656 = arith.constant 16 : i32
        %rem3A_657 = arith.remsi %add3A_655, %rem3A_656 : i32
        %get3A_658 = arith.index_cast %rem3A_657 : i32 to index
        %get3A_659 = arith.constant 0 : index
        %get3A_660 = tpu.vector_load %arg6[%get3A_658, %get3A_659] {strides = array<i32>} : memref<16x128xi32, #tpu.memory_space<vmem>>, vector<1x16xi32>,
        %get3A_661 = vector.shape_cast %get3A_660 : vector<1x16xi32> to vector<16xi32>
        %mul3A_662 = arith.constant 2 : i32
        %mul3A_663 = vector.broadcast %mul3A_662 : i32 to vector<16xi32>
        %mul3A_664 = arith.muli %get3A_661, %mul3A_663 : vector<16xi32>
        %add3A_665 = vector.broadcast %arg0 : i32 to vector<16xi32>
        %add3A_666 = arith.addi %mul3A_664, %add3A_665 : vector<16xi32>
        %add3A_667 = arith.constant 1 : i32
        %add3A_668 = arith.addi %sub3A_388, %add3A_667 : i32
        %swap3A_669 = arith.index_cast %add3A_668 : i32 to index
        %swap3A_670 = arith.constant 0 : index
        %swap3A_671 = tpu.vector_load %arg8[%swap3A_669, %swap3A_670] {strides = array<i32>} : memref<4x128xi32, #tpu.memory_space<vmem>>, vector<1x16xi32>,
        %swap3A_672 = vector.shape_cast %swap3A_671 : vector<1x16xi32> to vector<16xi32>
        %swap3A_673 = vector.shape_cast %add3A_666 : vector<16xi32> to vector<1x16xi32>
        tpu.vector_store %arg8[%swap3A_669, %swap3A_670], %swap3A_673 {strides = array<i32>} : memref<4x128xi32, #tpu.memory_space<vmem>>, vector<1x16xi32>,
        %get3A_674 = arith.index_cast %rem3A_657 : i32 to index
        %get3A_675 = arith.constant 16 : index
        %get3A_676 = tpu.vector_load %arg6[%get3A_674, %get3A_675] {strides = array<i32>} : memref<16x128xi32, #tpu.memory_space<vmem>>, vector<1x16xi32>,
        %get3A_677 = vector.shape_cast %get3A_676 : vector<1x16xi32> to vector<16xi32>
        %mul3A_678 = arith.constant 2 : i32
        %mul3A_679 = vector.broadcast %mul3A_678 : i32 to vector<16xi32>
        %mul3A_680 = arith.muli %get3A_677, %mul3A_679 : vector<16xi32>
        %add3A_681 = vector.broadcast %arg0 : i32 to vector<16xi32>
        %add3A_682 = arith.addi %mul3A_680, %add3A_681 : vector<16xi32>
        %add3A_683 = arith.constant 1 : i32
        %add3A_684 = arith.addi %sub3A_388, %add3A_683 : i32
        %swap3A_685 = arith.index_cast %add3A_684 : i32 to index
        %swap3A_686 = arith.constant 16 : index
        %swap3A_687 = tpu.vector_load %arg8[%swap3A_685, %swap3A_686] {strides = array<i32>} : memref<4x128xi32, #tpu.memory_space<vmem>>, vector<1x16xi32>,
        %swap3A_688 = vector.shape_cast %swap3A_687 : vector<1x16xi32> to vector<16xi32>
        %swap3A_689 = vector.shape_cast %add3A_682 : vector<16xi32> to vector<1x16xi32>
        tpu.vector_store %arg8[%swap3A_685, %swap3A_686], %swap3A_689 {strides = array<i32>} : memref<4x128xi32, #tpu.memory_space<vmem>>, vector<1x16xi32>,
        %get3A_690 = arith.index_cast %rem3A_657 : i32 to index
        %get3A_691 = arith.constant 32 : index
        %get3A_692 = tpu.vector_load %arg6[%get3A_690, %get3A_691] {strides = array<i32>} : memref<16x128xi32, #tpu.memory_space<vmem>>, vector<1x16xi32>,
        %get3A_693 = vector.shape_cast %get3A_692 : vector<1x16xi32> to vector<16xi32>
        %mul3A_694 = arith.constant 2 : i32
        %mul3A_695 = vector.broadcast %mul3A_694 : i32 to vector<16xi32>
        %mul3A_696 = arith.muli %get3A_693, %mul3A_695 : vector<16xi32>
        %add3A_697 = vector.broadcast %arg0 : i32 to vector<16xi32>
        %add3A_698 = arith.addi %mul3A_696, %add3A_697 : vector<16xi32>
        %add3A_699 = arith.constant 1 : i32
        %add3A_700 = arith.addi %sub3A_388, %add3A_699 : i32
        %swap3A_701 = arith.index_cast %add3A_700 : i32 to index
        %swap3A_702 = arith.constant 32 : index
        %swap3A_703 = tpu.vector_load %arg8[%swap3A_701, %swap3A_702] {strides = array<i32>} : memref<4x128xi32, #tpu.memory_space<vmem>>, vector<1x16xi32>,
        %swap3A_704 = vector.shape_cast %swap3A_703 : vector<1x16xi32> to vector<16xi32>
        %swap3A_705 = vector.shape_cast %add3A_698 : vector<16xi32> to vector<1x16xi32>
        tpu.vector_store %arg8[%swap3A_701, %swap3A_702], %swap3A_705 {strides = array<i32>} : memref<4x128xi32, #tpu.memory_space<vmem>>, vector<1x16xi32>,
        %get3A_706 = arith.index_cast %rem3A_657 : i32 to index
        %get3A_707 = arith.constant 48 : index
        %get3A_708 = tpu.vector_load %arg6[%get3A_706, %get3A_707] {strides = array<i32>} : memref<16x128xi32, #tpu.memory_space<vmem>>, vector<1x16xi32>,
        %get3A_709 = vector.shape_cast %get3A_708 : vector<1x16xi32> to vector<16xi32>
        %mul3A_710 = arith.constant 2 : i32
        %mul3A_711 = vector.broadcast %mul3A_710 : i32 to vector<16xi32>
        %mul3A_712 = arith.muli %get3A_709, %mul3A_711 : vector<16xi32>
        %add3A_713 = vector.broadcast %arg0 : i32 to vector<16xi32>
        %add3A_714 = arith.addi %mul3A_712, %add3A_713 : vector<16xi32>
        %add3A_715 = arith.constant 1 : i32
        %add3A_716 = arith.addi %sub3A_388, %add3A_715 : i32
        %swap3A_717 = arith.index_cast %add3A_716 : i32 to index
        %swap3A_718 = arith.constant 48 : index
        %swap3A_719 = tpu.vector_load %arg8[%swap3A_717, %swap3A_718] {strides = array<i32>} : memref<4x128xi32, #tpu.memory_space<vmem>>, vector<1x16xi32>,
        %swap3A_720 = vector.shape_cast %swap3A_719 : vector<1x16xi32> to vector<16xi32>
        %swap3A_721 = vector.shape_cast %add3A_714 : vector<16xi32> to vector<1x16xi32>
        tpu.vector_store %arg8[%swap3A_717, %swap3A_718], %swap3A_721 {strides = array<i32>} : memref<4x128xi32, #tpu.memory_space<vmem>>, vector<1x16xi32>,
        %get3A_722 = arith.index_cast %rem3A_657 : i32 to index
        %get3A_723 = arith.constant 64 : index
        %get3A_724 = tpu.vector_load %arg6[%get3A_722, %get3A_723] {strides = array<i32>} : memref<16x128xi32, #tpu.memory_space<vmem>>, vector<1x16xi32>,
        %get3A_725 = vector.shape_cast %get3A_724 : vector<1x16xi32> to vector<16xi32>
        %mul3A_726 = arith.constant 2 : i32
        %mul3A_727 = vector.broadcast %mul3A_726 : i32 to vector<16xi32>
        %mul3A_728 = arith.muli %get3A_725, %mul3A_727 : vector<16xi32>
        %add3A_729 = vector.broadcast %arg0 : i32 to vector<16xi32>
        %add3A_730 = arith.addi %mul3A_728, %add3A_729 : vector<16xi32>
        %add3A_731 = arith.constant 1 : i32
        %add3A_732 = arith.addi %sub3A_388, %add3A_731 : i32
        %swap3A_733 = arith.index_cast %add3A_732 : i32 to index
        %swap3A_734 = arith.constant 64 : index
        %swap3A_735 = tpu.vector_load %arg8[%swap3A_733, %swap3A_734] {strides = array<i32>} : memref<4x128xi32, #tpu.memory_space<vmem>>, vector<1x16xi32>,
        %swap3A_736 = vector.shape_cast %swap3A_735 : vector<1x16xi32> to vector<16xi32>
        %swap3A_737 = vector.shape_cast %add3A_730 : vector<16xi32> to vector<1x16xi32>
        tpu.vector_store %arg8[%swap3A_733, %swap3A_734], %swap3A_737 {strides = array<i32>} : memref<4x128xi32, #tpu.memory_space<vmem>>, vector<1x16xi32>,
        %get3A_738 = arith.index_cast %rem3A_657 : i32 to index
        %get3A_739 = arith.constant 80 : index
        %get3A_740 = tpu.vector_load %arg6[%get3A_738, %get3A_739] {strides = array<i32>} : memref<16x128xi32, #tpu.memory_space<vmem>>, vector<1x16xi32>,
        %get3A_741 = vector.shape_cast %get3A_740 : vector<1x16xi32> to vector<16xi32>
        %mul3A_742 = arith.constant 2 : i32
        %mul3A_743 = vector.broadcast %mul3A_742 : i32 to vector<16xi32>
        %mul3A_744 = arith.muli %get3A_741, %mul3A_743 : vector<16xi32>
        %add3A_745 = vector.broadcast %arg0 : i32 to vector<16xi32>
        %add3A_746 = arith.addi %mul3A_744, %add3A_745 : vector<16xi32>
        %add3A_747 = arith.constant 1 : i32
        %add3A_748 = arith.addi %sub3A_388, %add3A_747 : i32
        %swap3A_749 = arith.index_cast %add3A_748 : i32 to index
        %swap3A_750 = arith.constant 80 : index
        %swap3A_751 = tpu.vector_load %arg8[%swap3A_749, %swap3A_750] {strides = array<i32>} : memref<4x128xi32, #tpu.memory_space<vmem>>, vector<1x16xi32>,
        %swap3A_752 = vector.shape_cast %swap3A_751 : vector<1x16xi32> to vector<16xi32>
        %swap3A_753 = vector.shape_cast %add3A_746 : vector<16xi32> to vector<1x16xi32>
        tpu.vector_store %arg8[%swap3A_749, %swap3A_750], %swap3A_753 {strides = array<i32>} : memref<4x128xi32, #tpu.memory_space<vmem>>, vector<1x16xi32>,
        %get3A_754 = arith.index_cast %rem3A_657 : i32 to index
        %get3A_755 = arith.constant 96 : index
        %get3A_756 = tpu.vector_load %arg6[%get3A_754, %get3A_755] {strides = array<i32>} : memref<16x128xi32, #tpu.memory_space<vmem>>, vector<1x16xi32>,
        %get3A_757 = vector.shape_cast %get3A_756 : vector<1x16xi32> to vector<16xi32>
        %mul3A_758 = arith.constant 2 : i32
        %mul3A_759 = vector.broadcast %mul3A_758 : i32 to vector<16xi32>
        %mul3A_760 = arith.muli %get3A_757, %mul3A_759 : vector<16xi32>
        %add3A_761 = vector.broadcast %arg0 : i32 to vector<16xi32>
        %add3A_762 = arith.addi %mul3A_760, %add3A_761 : vector<16xi32>
        %add3A_763 = arith.constant 1 : i32
        %add3A_764 = arith.addi %sub3A_388, %add3A_763 : i32
        %swap3A_765 = arith.index_cast %add3A_764 : i32 to index
        %swap3A_766 = arith.constant 96 : index
        %swap3A_767 = tpu.vector_load %arg8[%swap3A_765, %swap3A_766] {strides = array<i32>} : memref<4x128xi32, #tpu.memory_space<vmem>>, vector<1x16xi32>,
        %swap3A_768 = vector.shape_cast %swap3A_767 : vector<1x16xi32> to vector<16xi32>
        %swap3A_769 = vector.shape_cast %add3A_762 : vector<16xi32> to vector<1x16xi32>
        tpu.vector_store %arg8[%swap3A_765, %swap3A_766], %swap3A_769 {strides = array<i32>} : memref<4x128xi32, #tpu.memory_space<vmem>>, vector<1x16xi32>,
        %get3A_770 = arith.index_cast %rem3A_657 : i32 to index
        %get3A_771 = arith.constant 112 : index
        %get3A_772 = tpu.vector_load %arg6[%get3A_770, %get3A_771] {strides = array<i32>} : memref<16x128xi32, #tpu.memory_space<vmem>>, vector<1x16xi32>,
        %get3A_773 = vector.shape_cast %get3A_772 : vector<1x16xi32> to vector<16xi32>
        %mul3A_774 = arith.constant 2 : i32
        %mul3A_775 = vector.broadcast %mul3A_774 : i32 to vector<16xi32>
        %mul3A_776 = arith.muli %get3A_773, %mul3A_775 : vector<16xi32>
        %add3A_777 = vector.broadcast %arg0 : i32 to vector<16xi32>
        %add3A_778 = arith.addi %mul3A_776, %add3A_777 : vector<16xi32>
        %add3A_779 = arith.constant 1 : i32
        %add3A_780 = arith.addi %sub3A_388, %add3A_779 : i32
        %swap3A_781 = arith.index_cast %add3A_780 : i32 to index
        %swap3A_782 = arith.constant 112 : index
        %swap3A_783 = tpu.vector_load %arg8[%swap3A_781, %swap3A_782] {strides = array<i32>} : memref<4x128xi32, #tpu.memory_space<vmem>>, vector<1x16xi32>,
        %swap3A_784 = vector.shape_cast %swap3A_783 : vector<1x16xi32> to vector<16xi32>
        %swap3A_785 = vector.shape_cast %add3A_778 : vector<16xi32> to vector<1x16xi32>
        tpu.vector_store %arg8[%swap3A_781, %swap3A_782], %swap3A_785 {strides = array<i32>} : memref<4x128xi32, #tpu.memory_space<vmem>>, vector<1x16xi32>,
        %add3A_786 = arith.constant 0 : i32
        %add3A_787 = arith.addi %sub3A_388, %add3A_786 : i32
        %add3A_788 = arith.constant 0 : i32
        %add3A_789 = arith.addi %sub3A_388, %add3A_788 : i32
        %dma_start3A_790 = arith.constant 0 : i32
        %dma_start3A_791 = arith.constant 0 : i32
        %dma_start3A_792 = tpu.memref_slice %arg9[%add3A_789, %dma_start3A_790, %dma_start3A_791] : memref<4x128x32xf32, #tpu.memory_space<vmem>> -> memref<1x128x32xf32, #tpu.memory_space<vmem>>
        %dma_start3A_793 = tpu.memref_squeeze %dma_start3A_792 : memref<1x128x32xf32, #tpu.memory_space<vmem>> -> memref<128x32xf32, #tpu.memory_space<vmem>>
        %dma_start3A_794 = arith.constant 0 : i32
        %dma_start3A_795 = tpu.memref_slice %arg8[%add3A_787, %dma_start3A_794] : memref<4x128xi32, #tpu.memory_space<vmem>> -> memref<1x128xi32, #tpu.memory_space<vmem>>
        %dma_start3A_796 = tpu.memref_squeeze %dma_start3A_795 : memref<1x128xi32, #tpu.memory_space<vmem>> -> memref<128xi32, #tpu.memory_space<vmem>>
        %dma_start3A_797 = arith.constant 0 : i32
        %dma_start3A_798 = arith.constant 0 : i32
        %dma_start3A_799 = tpu.memref_slice %arg2[%dma_start3A_797, %dma_start3A_798] : memref<100352x32xf32, #tpu.memory_space<hbm>> -> memref<100352x32xf32, #tpu.memory_space<hbm>>
        tpu.enqueue_indirect_dma source(%dma_start3A_799 : memref<100352x32xf32, #tpu.memory_space<hbm>>) target(%dma_start3A_793 : memref<128x32xf32, #tpu.memory_space<vmem>>) offsets(%dma_start3A_796 : memref<128xi32, #tpu.memory_space<vmem>>) semaphore(%arg12 : memref<!tpu.dma_semaphore, #tpu.memory_space<semaphore_mem>>)
        %add3A_800 = arith.constant 1 : i32
        %add3A_801 = arith.addi %sub3A_388, %add3A_800 : i32
        %add3A_802 = arith.constant 1 : i32
        %add3A_803 = arith.addi %sub3A_388, %add3A_802 : i32
        %dma_start3A_804 = arith.constant 0 : i32
        %dma_start3A_805 = arith.constant 0 : i32
        %dma_start3A_806 = tpu.memref_slice %arg9[%add3A_803, %dma_start3A_804, %dma_start3A_805] : memref<4x128x32xf32, #tpu.memory_space<vmem>> -> memref<1x128x32xf32, #tpu.memory_space<vmem>>
        %dma_start3A_807 = tpu.memref_squeeze %dma_start3A_806 : memref<1x128x32xf32, #tpu.memory_space<vmem>> -> memref<128x32xf32, #tpu.memory_space<vmem>>
        %dma_start3A_808 = arith.constant 0 : i32
        %dma_start3A_809 = tpu.memref_slice %arg8[%add3A_801, %dma_start3A_808] : memref<4x128xi32, #tpu.memory_space<vmem>> -> memref<1x128xi32, #tpu.memory_space<vmem>>
        %dma_start3A_810 = tpu.memref_squeeze %dma_start3A_809 : memref<1x128xi32, #tpu.memory_space<vmem>> -> memref<128xi32, #tpu.memory_space<vmem>>
        %dma_start3A_811 = arith.constant 0 : i32
        %dma_start3A_812 = arith.constant 0 : i32
        %dma_start3A_813 = tpu.memref_slice %arg2[%dma_start3A_811, %dma_start3A_812] : memref<100352x32xf32, #tpu.memory_space<hbm>> -> memref<100352x32xf32, #tpu.memory_space<hbm>>
        tpu.enqueue_indirect_dma source(%dma_start3A_813 : memref<100352x32xf32, #tpu.memory_space<hbm>>) target(%dma_start3A_807 : memref<128x32xf32, #tpu.memory_space<vmem>>) offsets(%dma_start3A_810 : memref<128xi32, #tpu.memory_space<vmem>>) semaphore(%arg12 : memref<!tpu.dma_semaphore, #tpu.memory_space<semaphore_mem>>)
      } else {
      }
      %mul3A_447 = arith.constant 2 : i32
      %mul3A_448 = arith.muli %scan3A_383, %mul3A_447 : i32
      %add3A_449 = arith.constant 0 : i32
      %add3A_450 = arith.addi %mul3A_448, %add3A_449 : i32
      %add3A_451 = arith.constant 0 : i32
      %add3A_452 = arith.addi %mul3A_387, %add3A_451 : i32
      %rem3A_453 = arith.constant 16 : i32
      %rem3A_454 = arith.remsi %add3A_450, %rem3A_453 : i32
      %dma_start3A_455 = arith.constant 0 : i32
      %dma_start3A_456 = arith.constant 0 : i32
      %dma_start3A_457 = tpu.memref_slice %arg9[%add3A_452, %dma_start3A_455, %dma_start3A_456] : memref<4x128x32xf32, #tpu.memory_space<vmem>> -> memref<1x128x32xf32, #tpu.memory_space<vmem>>
      %dma_start3A_458 = tpu.memref_squeeze %dma_start3A_457 : memref<1x128x32xf32, #tpu.memory_space<vmem>> -> memref<128x32xf32, #tpu.memory_space<vmem>>
      %dma_start3A_459 = arith.constant 0 : i32
      %dma_start3A_460 = tpu.memref_slice %arg7[%rem3A_454, %dma_start3A_459] : memref<16x128xi32, #tpu.memory_space<vmem>> -> memref<1x128xi32, #tpu.memory_space<vmem>>
      %dma_start3A_461 = tpu.memref_squeeze %dma_start3A_460 : memref<1x128xi32, #tpu.memory_space<vmem>> -> memref<128xi32, #tpu.memory_space<vmem>>
      %dma_start3A_462 = arith.constant 0 : i32
      %dma_start3A_463 = arith.constant 0 : i32
      %dma_start3A_464 = tpu.memref_slice %arg11[%dma_start3A_462, %dma_start3A_463] : memref<50176x32xf32, #tpu.memory_space<vmem_shared>> -> memref<50176x32xf32, #tpu.memory_space<vmem_shared>>
      tpu.enqueue_indirect_dma source(%dma_start3A_458 : memref<128x32xf32, #tpu.memory_space<vmem>>) target(%dma_start3A_464 : memref<50176x32xf32, #tpu.memory_space<vmem_shared>>) offsets(%dma_start3A_461 : memref<128xi32, #tpu.memory_space<vmem>>) semaphore(%arg13 : memref<!tpu.dma_semaphore, #tpu.memory_space<semaphore_mem>>) {add = true}
      %mul3A_465 = arith.constant 2 : i32
      %mul3A_466 = arith.muli %scan3A_383, %mul3A_465 : i32
      %add3A_467 = arith.constant 1 : i32
      %add3A_468 = arith.addi %mul3A_466, %add3A_467 : i32
      %add3A_469 = arith.constant 1 : i32
      %add3A_470 = arith.addi %mul3A_387, %add3A_469 : i32
      %rem3A_471 = arith.constant 16 : i32
      %rem3A_472 = arith.remsi %add3A_468, %rem3A_471 : i32
      %dma_start3A_473 = arith.constant 0 : i32
      %dma_start3A_474 = arith.constant 0 : i32
      %dma_start3A_475 = tpu.memref_slice %arg9[%add3A_470, %dma_start3A_473, %dma_start3A_474] : memref<4x128x32xf32, #tpu.memory_space<vmem>> -> memref<1x128x32xf32, #tpu.memory_space<vmem>>
      %dma_start3A_476 = tpu.memref_squeeze %dma_start3A_475 : memref<1x128x32xf32, #tpu.memory_space<vmem>> -> memref<128x32xf32, #tpu.memory_space<vmem>>
      %dma_start3A_477 = arith.constant 0 : i32
      %dma_start3A_478 = tpu.memref_slice %arg7[%rem3A_472, %dma_start3A_477] : memref<16x128xi32, #tpu.memory_space<vmem>> -> memref<1x128xi32, #tpu.memory_space<vmem>>
      %dma_start3A_479 = tpu.memref_squeeze %dma_start3A_478 : memref<1x128xi32, #tpu.memory_space<vmem>> -> memref<128xi32, #tpu.memory_space<vmem>>
      %dma_start3A_480 = arith.constant 0 : i32
      %dma_start3A_481 = arith.constant 0 : i32
      %dma_start3A_482 = tpu.memref_slice %arg11[%dma_start3A_480, %dma_start3A_481] : memref<50176x32xf32, #tpu.memory_space<vmem_shared>> -> memref<50176x32xf32, #tpu.memory_space<vmem_shared>>
      tpu.enqueue_indirect_dma source(%dma_start3A_476 : memref<128x32xf32, #tpu.memory_space<vmem>>) target(%dma_start3A_482 : memref<50176x32xf32, #tpu.memory_space<vmem_shared>>) offsets(%dma_start3A_479 : memref<128xi32, #tpu.memory_space<vmem>>) semaphore(%arg13 : memref<!tpu.dma_semaphore, #tpu.memory_space<semaphore_mem>>) {add = true}
      %dma_wait3A_483 = arith.constant 0 : i32
      %dma_wait3A_484 = arith.constant 0 : i32
      %dma_wait3A_485 = tpu.memref_slice %arg9[%add3A_452, %dma_wait3A_483, %dma_wait3A_484] : memref<4x128x32xf32, #tpu.memory_space<vmem>> -> memref<1x128x32xf32, #tpu.memory_space<vmem>>
      %dma_wait3A_486 = tpu.memref_squeeze %dma_wait3A_485 : memref<1x128x32xf32, #tpu.memory_space<vmem>> -> memref<128x32xf32, #tpu.memory_space<vmem>>
      %dma_wait3A_487 = arith.constant 0 : i32
      %dma_wait3A_488 = tpu.memref_slice %arg7[%rem3A_454, %dma_wait3A_487] : memref<16x128xi32, #tpu.memory_space<vmem>> -> memref<1x128xi32, #tpu.memory_space<vmem>>
      %dma_wait3A_489 = tpu.memref_squeeze %dma_wait3A_488 : memref<1x128xi32, #tpu.memory_space<vmem>> -> memref<128xi32, #tpu.memory_space<vmem>>
      %dma_wait3A_490 = arith.constant 0 : i32
      %dma_wait3A_491 = arith.constant 0 : i32
      %dma_wait3A_492 = tpu.memref_slice %arg11[%dma_wait3A_490, %dma_wait3A_491] : memref<50176x32xf32, #tpu.memory_space<vmem_shared>> -> memref<50176x32xf32, #tpu.memory_space<vmem_shared>>
      tpu.wait_indirect_dma semaphore(%arg13 : memref<!tpu.dma_semaphore, #tpu.memory_space<semaphore_mem>>) src(%dma_wait3A_486 : memref<128x32xf32, #tpu.memory_space<vmem>>) dst(%dma_wait3A_492 : memref<50176x32xf32, #tpu.memory_space<vmem_shared>>)
      %dma_wait3A_493 = arith.constant 0 : i32
      %dma_wait3A_494 = arith.constant 0 : i32
      %dma_wait3A_495 = tpu.memref_slice %arg9[%add3A_470, %dma_wait3A_493, %dma_wait3A_494] : memref<4x128x32xf32, #tpu.memory_space<vmem>> -> memref<1x128x32xf32, #tpu.memory_space<vmem>>
      %dma_wait3A_496 = tpu.memref_squeeze %dma_wait3A_495 : memref<1x128x32xf32, #tpu.memory_space<vmem>> -> memref<128x32xf32, #tpu.memory_space<vmem>>
      %dma_wait3A_497 = arith.constant 0 : i32
      %dma_wait3A_498 = tpu.memref_slice %arg7[%rem3A_472, %dma_wait3A_497] : memref<16x128xi32, #tpu.memory_space<vmem>> -> memref<1x128xi32, #tpu.memory_space<vmem>>
      %dma_wait3A_499 = tpu.memref_squeeze %dma_wait3A_498 : memref<1x128xi32, #tpu.memory_space<vmem>> -> memref<128xi32, #tpu.memory_space<vmem>>
      %dma_wait3A_500 = arith.constant 0 : i32
      %dma_wait3A_501 = arith.constant 0 : i32
      %dma_wait3A_502 = tpu.memref_slice %arg11[%dma_wait3A_500, %dma_wait3A_501] : memref<50176x32xf32, #tpu.memory_space<vmem_shared>> -> memref<50176x32xf32, #tpu.memory_space<vmem_shared>>
      tpu.wait_indirect_dma semaphore(%arg13 : memref<!tpu.dma_semaphore, #tpu.memory_space<semaphore_mem>>) src(%dma_wait3A_496 : memref<128x32xf32, #tpu.memory_space<vmem>>) dst(%dma_wait3A_502 : memref<50176x32xf32, #tpu.memory_space<vmem_shared>>)
      %eq3A_503 = arith.constant 3 : i32
      %eq3A_504 = arith.cmpi eq, %rem3A_390, %eq3A_503 : i32
      %add3A_505 = arith.constant 2 : i32
      %add3A_506 = arith.addi %select_n3A, %add3A_505 : i32
      %lt3A_507 = arith.constant 50 : i32
      %lt3A_508 = arith.cmpi slt, %add3A_506, %lt3A_507 : i32
      %and3A_509 = arith.andi %eq3A_504, %lt3A_508 : i1
      %convert_element_type3A_510 = arith.extui %and3A_509 : i1 to i32
      %cond3A_511 = arith.constant 0 : i32
      %cond3A_512 = arith.cmpi ne, %convert_element_type3A_510, %cond3A_511 : i32
      scf.if %cond3A_512 {
        %add3A_514 = arith.constant 2 : i32
        %add3A_515 = arith.addi %select_n3A, %add3A_514 : i32
        %mul3A_516 = arith.constant 8 : i32
        %mul3A_517 = arith.muli %add3A_515, %mul3A_516 : i32
        %add3A_518 = arith.addi %mul3A_0, %mul3A_517 : i32
        %mul3A_519 = arith.constant 8 : i32
        %mul3A_520 = arith.muli %rem3A_410, %mul3A_519 : i32
        %dma_start3A_521 = arith.constant 0 : i32
        %dma_start3A_522 = tpu.memref_slice %arg6[%mul3A_520, %dma_start3A_521] : memref<16x128xi32, #tpu.memory_space<vmem>> -> memref<8x128xi32, #tpu.memory_space<vmem>>
        %dma_start3A_523 = arith.constant 0 : i32
        %dma_start3A_524 = tpu.memref_slice %arg3[%add3A_518, %dma_start3A_523] : memref<6400x128xi32, #tpu.memory_space<hbm>> -> memref<8x128xi32, #tpu.memory_space<hbm>>
        %dma_start3A_525 = arith.constant 0 : i32
        %dma_start3A_526 = tpu.memref_slice %arg6[%mul3A_520, %dma_start3A_525] : memref<16x128xi32, #tpu.memory_space<vmem>> -> memref<8x128xi32, #tpu.memory_space<vmem>>
        %dma_start3A_527 = arith.constant 0 : i32
        %dma_start3A_528 = tpu.memref_slice %arg3[%add3A_518, %dma_start3A_527] : memref<6400x128xi32, #tpu.memory_space<hbm>> -> memref<8x128xi32, #tpu.memory_space<hbm>>
        tpu.enqueue_dma source(%dma_start3A_528 : memref<8x128xi32, #tpu.memory_space<hbm>>) target(%dma_start3A_526 : memref<8x128xi32, #tpu.memory_space<vmem>>) target_semaphore(%arg14 : memref<!tpu.dma_semaphore, #tpu.memory_space<semaphore_mem>>)
        %add3A_529 = arith.constant 2 : i32
        %add3A_530 = arith.addi %select_n3A, %add3A_529 : i32
        %mul3A_531 = arith.constant 8 : i32
        %mul3A_532 = arith.muli %add3A_530, %mul3A_531 : i32
        %add3A_533 = arith.addi %mul3A_0, %mul3A_532 : i32
        %mul3A_534 = arith.constant 8 : i32
        %mul3A_535 = arith.muli %rem3A_410, %mul3A_534 : i32
        %dma_start3A_536 = arith.constant 0 : i32
        %dma_start3A_537 = tpu.memref_slice %arg7[%mul3A_535, %dma_start3A_536] : memref<16x128xi32, #tpu.memory_space<vmem>> -> memref<8x128xi32, #tpu.memory_space<vmem>>
        %dma_start3A_538 = arith.constant 0 : i32
        %dma_start3A_539 = tpu.memref_slice %arg4[%add3A_533, %dma_start3A_538] : memref<6400x128xi32, #tpu.memory_space<hbm>> -> memref<8x128xi32, #tpu.memory_space<hbm>>
        %dma_start3A_540 = arith.constant 0 : i32
        %dma_start3A_541 = tpu.memref_slice %arg7[%mul3A_535, %dma_start3A_540] : memref<16x128xi32, #tpu.memory_space<vmem>> -> memref<8x128xi32, #tpu.memory_space<vmem>>
        %dma_start3A_542 = arith.constant 0 : i32
        %dma_start3A_543 = tpu.memref_slice %arg4[%add3A_533, %dma_start3A_542] : memref<6400x128xi32, #tpu.memory_space<hbm>> -> memref<8x128xi32, #tpu.memory_space<hbm>>
        tpu.enqueue_dma source(%dma_start3A_543 : memref<8x128xi32, #tpu.memory_space<hbm>>) target(%dma_start3A_541 : memref<8x128xi32, #tpu.memory_space<vmem>>) target_semaphore(%arg14 : memref<!tpu.dma_semaphore, #tpu.memory_space<semaphore_mem>>)
      } else {
      }
      %scan3A_513 = arith.constant 0 : i32
      scf.yield %scan3A_513 : i32
    }
    %scan3A_377 = arith.constant 200 : i32
    %barrier3A_378 = arith.constant 0 : index
    tpu.barrier barrier_id(%barrier3A_378)
    %mul3A_379 = arith.constant 3136 : i32
    %mul3A_380 = arith.muli %arg1, %mul3A_379 : i32
    %mul3A_381 = arith.constant 3136 : i32
    %mul3A_382 = arith.muli %arg1, %mul3A_381 : i32
    "tpu.region"() ({
      %run_scoped3A = tpu.sem_alloc : memref<!tpu.dma_semaphore, #tpu.memory_space<semaphore_mem>>
      %dma_start3A_383 = arith.constant 0 : i32
      %dma_start3A_384 = tpu.memref_slice %arg5[%mul3A_382, %arg0, %dma_start3A_383] : memref<50176x2x32xf32, #tpu.memory_space<hbm>> -> memref<3136x1x32xf32, #tpu.memory_space<hbm>>
      %dma_start3A_385 = tpu.memref_squeeze %dma_start3A_384 : memref<3136x1x32xf32, #tpu.memory_space<hbm>> -> memref<3136x32xf32, #tpu.memory_space<hbm>>
      %dma_start3A_386 = arith.constant 0 : i32
      %dma_start3A_387 = tpu.memref_slice %arg11[%mul3A_380, %dma_start3A_386] : memref<50176x32xf32, #tpu.memory_space<vmem_shared>> -> memref<3136x32xf32, #tpu.memory_space<vmem_shared>>
      tpu.enqueue_dma source(%dma_start3A_387 : memref<3136x32xf32, #tpu.memory_space<vmem_shared>>) target(%dma_start3A_385 : memref<3136x32xf32, #tpu.memory_space<hbm>>) target_semaphore(%run_scoped3A : memref<!tpu.dma_semaphore, #tpu.memory_space<semaphore_mem>>)
      %dma_wait3A = arith.constant 0 : i32
      %dma_wait3A_388 = tpu.memref_slice %arg5[%mul3A_382, %arg0, %dma_wait3A] : memref<50176x2x32xf32, #tpu.memory_space<hbm>> -> memref<3136x1x32xf32, #tpu.memory_space<hbm>>
      %dma_wait3A_389 = tpu.memref_squeeze %dma_wait3A_388 : memref<3136x1x32xf32, #tpu.memory_space<hbm>> -> memref<3136x32xf32, #tpu.memory_space<hbm>>
      %dma_wait3A_390 = arith.constant 0 : i32
      %dma_wait3A_391 = tpu.memref_slice %arg11[%mul3A_380, %dma_wait3A_390] : memref<50176x32xf32, #tpu.memory_space<vmem_shared>> -> memref<3136x32xf32, #tpu.memory_space<vmem_shared>>
      tpu.wait_dma2 semaphore(%run_scoped3A : memref<!tpu.dma_semaphore, #tpu.memory_space<semaphore_mem>>) src(%dma_wait3A_391 : memref<3136x32xf32, #tpu.memory_space<vmem_shared>>) dst(%dma_wait3A_389 : memref<3136x32xf32, #tpu.memory_space<hbm>>)
      tpu.yield
    }) : () -> ()
    return
  }
}

#map = affine_map<(d0, d1) -> (0, 0)>
#map1 = affine_map<(d0, d1) -> (0, 0, 0)>
module attributes {stable_mosaic.version = 14 : i64} {
  func.func @_sc_edge(%arg0: i32, %arg1: i32, %arg2: memref<100352x32xf32, #tpu.memory_space<hbm>>, %arg3: memref<6400x128xi32, #tpu.memory_space<hbm>>, %arg4: memref<6400x128xi32, #tpu.memory_space<hbm>>, %arg5: memref<50176x2x32xf32, #tpu.memory_space<hbm>>, %arg6: memref<16x128xi32, #tpu.memory_space<vmem>>, %arg7: memref<16x128xi32, #tpu.memory_space<vmem>>, %arg8: memref<4x128xi32, #tpu.memory_space<vmem>>, %arg9: memref<4x128x32xf32, #tpu.memory_space<vmem>>, %arg10: memref<196x32xf32, #tpu.memory_space<vmem>>, %arg11: memref<50176x32xf32, #tpu.memory_space<vmem_shared>>, %arg12: memref<!tpu.dma_semaphore, #tpu.memory_space<semaphore_mem>>, %arg13: memref<!tpu.dma_semaphore, #tpu.memory_space<semaphore_mem>>, %arg14: memref<!tpu.dma_semaphore, #tpu.memory_space<semaphore_mem>>) attributes {dimension_semantics = [#tpu.dimension_semantics<core_parallel>, #tpu.dimension_semantics<subcore_parallel>], iteration_bounds = array<i64: 2, 16>, scalar_prefetch = 0 : i64, scratch_operands = 9 : i64, tpu.core_type = #tpu.core_type<sc_vector_subcore>, window_params = [{transform_indices = #map}, {transform_indices = #map}, {transform_indices = #map}, {transform_indices = #map1}]} {
    %mul3A = arith.constant 400 : i32
    %mul3A_0 = arith.muli %arg1, %mul3A : i32
    %scan3A = arith.constant 0 : i32
    %scan3A_1 = arith.constant 0 : i32
    %scan3A_2 = arith.constant 196 : i32
    %scan3A_3 = arith.addi %scan3A_1, %scan3A_2 : i32
    %scan3A_4 = arith.constant 1 : i32
    %scan3A_5 = scf.for %scan3A_383 = %scan3A_1 to %scan3A_3 step %scan3A_4 iter_args(%scan3A_384 = %scan3A) -> (i32)  : i32 {
      %broadcast_in_dim3A = arith.constant 0.000000e+00 : f32
      %broadcast_in_dim3A_385 = vector.broadcast %broadcast_in_dim3A : f32 to vector<16xf32>
      %swap3A_386 = arith.index_cast %scan3A_383 : i32 to index
      %swap3A_387 = arith.constant 0 : index
      %swap3A_388 = tpu.vector_load %arg10[%swap3A_386, %swap3A_387] {strides = array<i32>} : memref<196x32xf32, #tpu.memory_space<vmem>>, vector<1x16xf32>,
      %swap3A_389 = vector.shape_cast %swap3A_388 : vector<1x16xf32> to vector<16xf32>
      %swap3A_390 = vector.shape_cast %broadcast_in_dim3A_385 : vector<16xf32> to vector<1x16xf32>
      tpu.vector_store %arg10[%swap3A_386, %swap3A_387], %swap3A_390 {strides = array<i32>} : memref<196x32xf32, #tpu.memory_space<vmem>>, vector<1x16xf32>,
      %broadcast_in_dim3A_391 = arith.constant 0.000000e+00 : f32
      %broadcast_in_dim3A_392 = vector.broadcast %broadcast_in_dim3A_391 : f32 to vector<16xf32>
      %swap3A_393 = arith.index_cast %scan3A_383 : i32 to index
      %swap3A_394 = arith.constant 16 : index
      %swap3A_395 = tpu.vector_load %arg10[%swap3A_393, %swap3A_394] {strides = array<i32>} : memref<196x32xf32, #tpu.memory_space<vmem>>, vector<1x16xf32>,
      %swap3A_396 = vector.shape_cast %swap3A_395 : vector<1x16xf32> to vector<16xf32>
      %swap3A_397 = vector.shape_cast %broadcast_in_dim3A_392 : vector<16xf32> to vector<1x16xf32>
      tpu.vector_store %arg10[%swap3A_393, %swap3A_394], %swap3A_397 {strides = array<i32>} : memref<196x32xf32, #tpu.memory_space<vmem>>, vector<1x16xf32>,
      %scan3A_398 = arith.constant 0 : i32
      scf.yield %scan3A_398 : i32
    }
    %scan3A_6 = arith.constant 196 : i32
    %mul3A_7 = arith.constant 3136 : i32
    %mul3A_8 = arith.muli %arg1, %mul3A_7 : i32
    %add3A = arith.constant 0 : i32
    %add3A_9 = arith.addi %mul3A_8, %add3A : i32
    "tpu.region"() ({
      %run_scoped3A = tpu.sem_alloc : memref<!tpu.dma_semaphore, #tpu.memory_space<semaphore_mem>>
      %dma_start3A_383 = arith.constant 0 : i32
      %dma_start3A_384 = tpu.memref_slice %arg11[%add3A_9, %dma_start3A_383] : memref<50176x32xf32, #tpu.memory_space<vmem_shared>> -> memref<196x32xf32, #tpu.memory_space<vmem_shared>>
      %dma_start3A_385 = arith.constant 0 : i32
      %dma_start3A_386 = tpu.memref_slice %arg11[%add3A_9, %dma_start3A_385] : memref<50176x32xf32, #tpu.memory_space<vmem_shared>> -> memref<196x32xf32, #tpu.memory_space<vmem_shared>>
      tpu.enqueue_dma source(%arg10 : memref<196x32xf32, #tpu.memory_space<vmem>>) target(%dma_start3A_386 : memref<196x32xf32, #tpu.memory_space<vmem_shared>>) target_semaphore(%run_scoped3A : memref<!tpu.dma_semaphore, #tpu.memory_space<semaphore_mem>>)
      %dma_wait3A = arith.constant 0 : i32
      %dma_wait3A_387 = tpu.memref_slice %arg11[%add3A_9, %dma_wait3A] : memref<50176x32xf32, #tpu.memory_space<vmem_shared>> -> memref<196x32xf32, #tpu.memory_space<vmem_shared>>
      %dma_wait3A_388 = arith.constant 0 : i32
      %dma_wait3A_389 = tpu.memref_slice %arg11[%add3A_9, %dma_wait3A_388] : memref<50176x32xf32, #tpu.memory_space<vmem_shared>> -> memref<196x32xf32, #tpu.memory_space<vmem_shared>>
      tpu.wait_dma2 semaphore(%run_scoped3A : memref<!tpu.dma_semaphore, #tpu.memory_space<semaphore_mem>>) src(%arg10 : memref<196x32xf32, #tpu.memory_space<vmem>>) dst(%dma_wait3A_389 : memref<196x32xf32, #tpu.memory_space<vmem_shared>>)
      tpu.yield
    }) : () -> ()
    %mul3A_10 = arith.constant 3136 : i32
    %mul3A_11 = arith.muli %arg1, %mul3A_10 : i32
    %add3A_12 = arith.constant 196 : i32
    %add3A_13 = arith.addi %mul3A_11, %add3A_12 : i32
    "tpu.region"() ({
      %run_scoped3A = tpu.sem_alloc : memref<!tpu.dma_semaphore, #tpu.memory_space<semaphore_mem>>
      %dma_start3A_383 = arith.constant 0 : i32
      %dma_start3A_384 = tpu.memref_slice %arg11[%add3A_13, %dma_start3A_383] : memref<50176x32xf32, #tpu.memory_space<vmem_shared>> -> memref<196x32xf32, #tpu.memory_space<vmem_shared>>
      %dma_start3A_385 = arith.constant 0 : i32
      %dma_start3A_386 = tpu.memref_slice %arg11[%add3A_13, %dma_start3A_385] : memref<50176x32xf32, #tpu.memory_space<vmem_shared>> -> memref<196x32xf32, #tpu.memory_space<vmem_shared>>
      tpu.enqueue_dma source(%arg10 : memref<196x32xf32, #tpu.memory_space<vmem>>) target(%dma_start3A_386 : memref<196x32xf32, #tpu.memory_space<vmem_shared>>) target_semaphore(%run_scoped3A : memref<!tpu.dma_semaphore, #tpu.memory_space<semaphore_mem>>)
      %dma_wait3A = arith.constant 0 : i32
      %dma_wait3A_387 = tpu.memref_slice %arg11[%add3A_13, %dma_wait3A] : memref<50176x32xf32, #tpu.memory_space<vmem_shared>> -> memref<196x32xf32, #tpu.memory_space<vmem_shared>>
      %dma_wait3A_388 = arith.constant 0 : i32
      %dma_wait3A_389 = tpu.memref_slice %arg11[%add3A_13, %dma_wait3A_388] : memref<50176x32xf32, #tpu.memory_space<vmem_shared>> -> memref<196x32xf32, #tpu.memory_space<vmem_shared>>
      tpu.wait_dma2 semaphore(%run_scoped3A : memref<!tpu.dma_semaphore, #tpu.memory_space<semaphore_mem>>) src(%arg10 : memref<196x32xf32, #tpu.memory_space<vmem>>) dst(%dma_wait3A_389 : memref<196x32xf32, #tpu.memory_space<vmem_shared>>)
      tpu.yield
    }) : () -> ()
    %mul3A_14 = arith.constant 3136 : i32
    %mul3A_15 = arith.muli %arg1, %mul3A_14 : i32
    %add3A_16 = arith.constant 392 : i32
    %add3A_17 = arith.addi %mul3A_15, %add3A_16 : i32
    "tpu.region"() ({
      %run_scoped3A = tpu.sem_alloc : memref<!tpu.dma_semaphore, #tpu.memory_space<semaphore_mem>>
      %dma_start3A_383 = arith.constant 0 : i32
      %dma_start3A_384 = tpu.memref_slice %arg11[%add3A_17, %dma_start3A_383] : memref<50176x32xf32, #tpu.memory_space<vmem_shared>> -> memref<196x32xf32, #tpu.memory_space<vmem_shared>>
      %dma_start3A_385 = arith.constant 0 : i32
      %dma_start3A_386 = tpu.memref_slice %arg11[%add3A_17, %dma_start3A_385] : memref<50176x32xf32, #tpu.memory_space<vmem_shared>> -> memref<196x32xf32, #tpu.memory_space<vmem_shared>>
      tpu.enqueue_dma source(%arg10 : memref<196x32xf32, #tpu.memory_space<vmem>>) target(%dma_start3A_386 : memref<196x32xf32, #tpu.memory_space<vmem_shared>>) target_semaphore(%run_scoped3A : memref<!tpu.dma_semaphore, #tpu.memory_space<semaphore_mem>>)
      %dma_wait3A = arith.constant 0 : i32
      %dma_wait3A_387 = tpu.memref_slice %arg11[%add3A_17, %dma_wait3A] : memref<50176x32xf32, #tpu.memory_space<vmem_shared>> -> memref<196x32xf32, #tpu.memory_space<vmem_shared>>
      %dma_wait3A_388 = arith.constant 0 : i32
      %dma_wait3A_389 = tpu.memref_slice %arg11[%add3A_17, %dma_wait3A_388] : memref<50176x32xf32, #tpu.memory_space<vmem_shared>> -> memref<196x32xf32, #tpu.memory_space<vmem_shared>>
      tpu.wait_dma2 semaphore(%run_scoped3A : memref<!tpu.dma_semaphore, #tpu.memory_space<semaphore_mem>>) src(%arg10 : memref<196x32xf32, #tpu.memory_space<vmem>>) dst(%dma_wait3A_389 : memref<196x32xf32, #tpu.memory_space<vmem_shared>>)
      tpu.yield
    }) : () -> ()
    %mul3A_18 = arith.constant 3136 : i32
    %mul3A_19 = arith.muli %arg1, %mul3A_18 : i32
    %add3A_20 = arith.constant 588 : i32
    %add3A_21 = arith.addi %mul3A_19, %add3A_20 : i32
    "tpu.region"() ({
      %run_scoped3A = tpu.sem_alloc : memref<!tpu.dma_semaphore, #tpu.memory_space<semaphore_mem>>
      %dma_start3A_383 = arith.constant 0 : i32
      %dma_start3A_384 = tpu.memref_slice %arg11[%add3A_21, %dma_start3A_383] : memref<50176x32xf32, #tpu.memory_space<vmem_shared>> -> memref<196x32xf32, #tpu.memory_space<vmem_shared>>
      %dma_start3A_385 = arith.constant 0 : i32
      %dma_start3A_386 = tpu.memref_slice %arg11[%add3A_21, %dma_start3A_385] : memref<50176x32xf32, #tpu.memory_space<vmem_shared>> -> memref<196x32xf32, #tpu.memory_space<vmem_shared>>
      tpu.enqueue_dma source(%arg10 : memref<196x32xf32, #tpu.memory_space<vmem>>) target(%dma_start3A_386 : memref<196x32xf32, #tpu.memory_space<vmem_shared>>) target_semaphore(%run_scoped3A : memref<!tpu.dma_semaphore, #tpu.memory_space<semaphore_mem>>)
      %dma_wait3A = arith.constant 0 : i32
      %dma_wait3A_387 = tpu.memref_slice %arg11[%add3A_21, %dma_wait3A] : memref<50176x32xf32, #tpu.memory_space<vmem_shared>> -> memref<196x32xf32, #tpu.memory_space<vmem_shared>>
      %dma_wait3A_388 = arith.constant 0 : i32
      %dma_wait3A_389 = tpu.memref_slice %arg11[%add3A_21, %dma_wait3A_388] : memref<50176x32xf32, #tpu.memory_space<vmem_shared>> -> memref<196x32xf32, #tpu.memory_space<vmem_shared>>
      tpu.wait_dma2 semaphore(%run_scoped3A : memref<!tpu.dma_semaphore, #tpu.memory_space<semaphore_mem>>) src(%arg10 : memref<196x32xf32, #tpu.memory_space<vmem>>) dst(%dma_wait3A_389 : memref<196x32xf32, #tpu.memory_space<vmem_shared>>)
      tpu.yield
    }) : () -> ()
    %mul3A_22 = arith.constant 3136 : i32
    %mul3A_23 = arith.muli %arg1, %mul3A_22 : i32
    %add3A_24 = arith.constant 784 : i32
    %add3A_25 = arith.addi %mul3A_23, %add3A_24 : i32
    "tpu.region"() ({
      %run_scoped3A = tpu.sem_alloc : memref<!tpu.dma_semaphore, #tpu.memory_space<semaphore_mem>>
      %dma_start3A_383 = arith.constant 0 : i32
      %dma_start3A_384 = tpu.memref_slice %arg11[%add3A_25, %dma_start3A_383] : memref<50176x32xf32, #tpu.memory_space<vmem_shared>> -> memref<196x32xf32, #tpu.memory_space<vmem_shared>>
      %dma_start3A_385 = arith.constant 0 : i32
      %dma_start3A_386 = tpu.memref_slice %arg11[%add3A_25, %dma_start3A_385] : memref<50176x32xf32, #tpu.memory_space<vmem_shared>> -> memref<196x32xf32, #tpu.memory_space<vmem_shared>>
      tpu.enqueue_dma source(%arg10 : memref<196x32xf32, #tpu.memory_space<vmem>>) target(%dma_start3A_386 : memref<196x32xf32, #tpu.memory_space<vmem_shared>>) target_semaphore(%run_scoped3A : memref<!tpu.dma_semaphore, #tpu.memory_space<semaphore_mem>>)
      %dma_wait3A = arith.constant 0 : i32
      %dma_wait3A_387 = tpu.memref_slice %arg11[%add3A_25, %dma_wait3A] : memref<50176x32xf32, #tpu.memory_space<vmem_shared>> -> memref<196x32xf32, #tpu.memory_space<vmem_shared>>
      %dma_wait3A_388 = arith.constant 0 : i32
      %dma_wait3A_389 = tpu.memref_slice %arg11[%add3A_25, %dma_wait3A_388] : memref<50176x32xf32, #tpu.memory_space<vmem_shared>> -> memref<196x32xf32, #tpu.memory_space<vmem_shared>>
      tpu.wait_dma2 semaphore(%run_scoped3A : memref<!tpu.dma_semaphore, #tpu.memory_space<semaphore_mem>>) src(%arg10 : memref<196x32xf32, #tpu.memory_space<vmem>>) dst(%dma_wait3A_389 : memref<196x32xf32, #tpu.memory_space<vmem_shared>>)
      tpu.yield
    }) : () -> ()
    %mul3A_26 = arith.constant 3136 : i32
    %mul3A_27 = arith.muli %arg1, %mul3A_26 : i32
    %add3A_28 = arith.constant 980 : i32
    %add3A_29 = arith.addi %mul3A_27, %add3A_28 : i32
    "tpu.region"() ({
      %run_scoped3A = tpu.sem_alloc : memref<!tpu.dma_semaphore, #tpu.memory_space<semaphore_mem>>
      %dma_start3A_383 = arith.constant 0 : i32
      %dma_start3A_384 = tpu.memref_slice %arg11[%add3A_29, %dma_start3A_383] : memref<50176x32xf32, #tpu.memory_space<vmem_shared>> -> memref<196x32xf32, #tpu.memory_space<vmem_shared>>
      %dma_start3A_385 = arith.constant 0 : i32
      %dma_start3A_386 = tpu.memref_slice %arg11[%add3A_29, %dma_start3A_385] : memref<50176x32xf32, #tpu.memory_space<vmem_shared>> -> memref<196x32xf32, #tpu.memory_space<vmem_shared>>
      tpu.enqueue_dma source(%arg10 : memref<196x32xf32, #tpu.memory_space<vmem>>) target(%dma_start3A_386 : memref<196x32xf32, #tpu.memory_space<vmem_shared>>) target_semaphore(%run_scoped3A : memref<!tpu.dma_semaphore, #tpu.memory_space<semaphore_mem>>)
      %dma_wait3A = arith.constant 0 : i32
      %dma_wait3A_387 = tpu.memref_slice %arg11[%add3A_29, %dma_wait3A] : memref<50176x32xf32, #tpu.memory_space<vmem_shared>> -> memref<196x32xf32, #tpu.memory_space<vmem_shared>>
      %dma_wait3A_388 = arith.constant 0 : i32
      %dma_wait3A_389 = tpu.memref_slice %arg11[%add3A_29, %dma_wait3A_388] : memref<50176x32xf32, #tpu.memory_space<vmem_shared>> -> memref<196x32xf32, #tpu.memory_space<vmem_shared>>
      tpu.wait_dma2 semaphore(%run_scoped3A : memref<!tpu.dma_semaphore, #tpu.memory_space<semaphore_mem>>) src(%arg10 : memref<196x32xf32, #tpu.memory_space<vmem>>) dst(%dma_wait3A_389 : memref<196x32xf32, #tpu.memory_space<vmem_shared>>)
      tpu.yield
    }) : () -> ()
    %mul3A_30 = arith.constant 3136 : i32
    %mul3A_31 = arith.muli %arg1, %mul3A_30 : i32
    %add3A_32 = arith.constant 1176 : i32
    %add3A_33 = arith.addi %mul3A_31, %add3A_32 : i32
    "tpu.region"() ({
      %run_scoped3A = tpu.sem_alloc : memref<!tpu.dma_semaphore, #tpu.memory_space<semaphore_mem>>
      %dma_start3A_383 = arith.constant 0 : i32
      %dma_start3A_384 = tpu.memref_slice %arg11[%add3A_33, %dma_start3A_383] : memref<50176x32xf32, #tpu.memory_space<vmem_shared>> -> memref<196x32xf32, #tpu.memory_space<vmem_shared>>
      %dma_start3A_385 = arith.constant 0 : i32
      %dma_start3A_386 = tpu.memref_slice %arg11[%add3A_33, %dma_start3A_385] : memref<50176x32xf32, #tpu.memory_space<vmem_shared>> -> memref<196x32xf32, #tpu.memory_space<vmem_shared>>
      tpu.enqueue_dma source(%arg10 : memref<196x32xf32, #tpu.memory_space<vmem>>) target(%dma_start3A_386 : memref<196x32xf32, #tpu.memory_space<vmem_shared>>) target_semaphore(%run_scoped3A : memref<!tpu.dma_semaphore, #tpu.memory_space<semaphore_mem>>)
      %dma_wait3A = arith.constant 0 : i32
      %dma_wait3A_387 = tpu.memref_slice %arg11[%add3A_33, %dma_wait3A] : memref<50176x32xf32, #tpu.memory_space<vmem_shared>> -> memref<196x32xf32, #tpu.memory_space<vmem_shared>>
      %dma_wait3A_388 = arith.constant 0 : i32
      %dma_wait3A_389 = tpu.memref_slice %arg11[%add3A_33, %dma_wait3A_388] : memref<50176x32xf32, #tpu.memory_space<vmem_shared>> -> memref<196x32xf32, #tpu.memory_space<vmem_shared>>
      tpu.wait_dma2 semaphore(%run_scoped3A : memref<!tpu.dma_semaphore, #tpu.memory_space<semaphore_mem>>) src(%arg10 : memref<196x32xf32, #tpu.memory_space<vmem>>) dst(%dma_wait3A_389 : memref<196x32xf32, #tpu.memory_space<vmem_shared>>)
      tpu.yield
    }) : () -> ()
    %mul3A_34 = arith.constant 3136 : i32
    %mul3A_35 = arith.muli %arg1, %mul3A_34 : i32
    %add3A_36 = arith.constant 1372 : i32
    %add3A_37 = arith.addi %mul3A_35, %add3A_36 : i32
    "tpu.region"() ({
      %run_scoped3A = tpu.sem_alloc : memref<!tpu.dma_semaphore, #tpu.memory_space<semaphore_mem>>
      %dma_start3A_383 = arith.constant 0 : i32
      %dma_start3A_384 = tpu.memref_slice %arg11[%add3A_37, %dma_start3A_383] : memref<50176x32xf32, #tpu.memory_space<vmem_shared>> -> memref<196x32xf32, #tpu.memory_space<vmem_shared>>
      %dma_start3A_385 = arith.constant 0 : i32
      %dma_start3A_386 = tpu.memref_slice %arg11[%add3A_37, %dma_start3A_385] : memref<50176x32xf32, #tpu.memory_space<vmem_shared>> -> memref<196x32xf32, #tpu.memory_space<vmem_shared>>
      tpu.enqueue_dma source(%arg10 : memref<196x32xf32, #tpu.memory_space<vmem>>) target(%dma_start3A_386 : memref<196x32xf32, #tpu.memory_space<vmem_shared>>) target_semaphore(%run_scoped3A : memref<!tpu.dma_semaphore, #tpu.memory_space<semaphore_mem>>)
      %dma_wait3A = arith.constant 0 : i32
      %dma_wait3A_387 = tpu.memref_slice %arg11[%add3A_37, %dma_wait3A] : memref<50176x32xf32, #tpu.memory_space<vmem_shared>> -> memref<196x32xf32, #tpu.memory_space<vmem_shared>>
      %dma_wait3A_388 = arith.constant 0 : i32
      %dma_wait3A_389 = tpu.memref_slice %arg11[%add3A_37, %dma_wait3A_388] : memref<50176x32xf32, #tpu.memory_space<vmem_shared>> -> memref<196x32xf32, #tpu.memory_space<vmem_shared>>
      tpu.wait_dma2 semaphore(%run_scoped3A : memref<!tpu.dma_semaphore, #tpu.memory_space<semaphore_mem>>) src(%arg10 : memref<196x32xf32, #tpu.memory_space<vmem>>) dst(%dma_wait3A_389 : memref<196x32xf32, #tpu.memory_space<vmem_shared>>)
      tpu.yield
    }) : () -> ()
    %mul3A_38 = arith.constant 3136 : i32
    %mul3A_39 = arith.muli %arg1, %mul3A_38 : i32
    %add3A_40 = arith.constant 1568 : i32
    %add3A_41 = arith.addi %mul3A_39, %add3A_40 : i32
    "tpu.region"() ({
      %run_scoped3A = tpu.sem_alloc : memref<!tpu.dma_semaphore, #tpu.memory_space<semaphore_mem>>
      %dma_start3A_383 = arith.constant 0 : i32
      %dma_start3A_384 = tpu.memref_slice %arg11[%add3A_41, %dma_start3A_383] : memref<50176x32xf32, #tpu.memory_space<vmem_shared>> -> memref<196x32xf32, #tpu.memory_space<vmem_shared>>
      %dma_start3A_385 = arith.constant 0 : i32
      %dma_start3A_386 = tpu.memref_slice %arg11[%add3A_41, %dma_start3A_385] : memref<50176x32xf32, #tpu.memory_space<vmem_shared>> -> memref<196x32xf32, #tpu.memory_space<vmem_shared>>
      tpu.enqueue_dma source(%arg10 : memref<196x32xf32, #tpu.memory_space<vmem>>) target(%dma_start3A_386 : memref<196x32xf32, #tpu.memory_space<vmem_shared>>) target_semaphore(%run_scoped3A : memref<!tpu.dma_semaphore, #tpu.memory_space<semaphore_mem>>)
      %dma_wait3A = arith.constant 0 : i32
      %dma_wait3A_387 = tpu.memref_slice %arg11[%add3A_41, %dma_wait3A] : memref<50176x32xf32, #tpu.memory_space<vmem_shared>> -> memref<196x32xf32, #tpu.memory_space<vmem_shared>>
      %dma_wait3A_388 = arith.constant 0 : i32
      %dma_wait3A_389 = tpu.memref_slice %arg11[%add3A_41, %dma_wait3A_388] : memref<50176x32xf32, #tpu.memory_space<vmem_shared>> -> memref<196x32xf32, #tpu.memory_space<vmem_shared>>
      tpu.wait_dma2 semaphore(%run_scoped3A : memref<!tpu.dma_semaphore, #tpu.memory_space<semaphore_mem>>) src(%arg10 : memref<196x32xf32, #tpu.memory_space<vmem>>) dst(%dma_wait3A_389 : memref<196x32xf32, #tpu.memory_space<vmem_shared>>)
      tpu.yield
    }) : () -> ()
    %mul3A_42 = arith.constant 3136 : i32
    %mul3A_43 = arith.muli %arg1, %mul3A_42 : i32
    %add3A_44 = arith.constant 1764 : i32
    %add3A_45 = arith.addi %mul3A_43, %add3A_44 : i32
    "tpu.region"() ({
      %run_scoped3A = tpu.sem_alloc : memref<!tpu.dma_semaphore, #tpu.memory_space<semaphore_mem>>
      %dma_start3A_383 = arith.constant 0 : i32
      %dma_start3A_384 = tpu.memref_slice %arg11[%add3A_45, %dma_start3A_383] : memref<50176x32xf32, #tpu.memory_space<vmem_shared>> -> memref<196x32xf32, #tpu.memory_space<vmem_shared>>
      %dma_start3A_385 = arith.constant 0 : i32
      %dma_start3A_386 = tpu.memref_slice %arg11[%add3A_45, %dma_start3A_385] : memref<50176x32xf32, #tpu.memory_space<vmem_shared>> -> memref<196x32xf32, #tpu.memory_space<vmem_shared>>
      tpu.enqueue_dma source(%arg10 : memref<196x32xf32, #tpu.memory_space<vmem>>) target(%dma_start3A_386 : memref<196x32xf32, #tpu.memory_space<vmem_shared>>) target_semaphore(%run_scoped3A : memref<!tpu.dma_semaphore, #tpu.memory_space<semaphore_mem>>)
      %dma_wait3A = arith.constant 0 : i32
      %dma_wait3A_387 = tpu.memref_slice %arg11[%add3A_45, %dma_wait3A] : memref<50176x32xf32, #tpu.memory_space<vmem_shared>> -> memref<196x32xf32, #tpu.memory_space<vmem_shared>>
      %dma_wait3A_388 = arith.constant 0 : i32
      %dma_wait3A_389 = tpu.memref_slice %arg11[%add3A_45, %dma_wait3A_388] : memref<50176x32xf32, #tpu.memory_space<vmem_shared>> -> memref<196x32xf32, #tpu.memory_space<vmem_shared>>
      tpu.wait_dma2 semaphore(%run_scoped3A : memref<!tpu.dma_semaphore, #tpu.memory_space<semaphore_mem>>) src(%arg10 : memref<196x32xf32, #tpu.memory_space<vmem>>) dst(%dma_wait3A_389 : memref<196x32xf32, #tpu.memory_space<vmem_shared>>)
      tpu.yield
    }) : () -> ()
    %mul3A_46 = arith.constant 3136 : i32
    %mul3A_47 = arith.muli %arg1, %mul3A_46 : i32
    %add3A_48 = arith.constant 1960 : i32
    %add3A_49 = arith.addi %mul3A_47, %add3A_48 : i32
    "tpu.region"() ({
      %run_scoped3A = tpu.sem_alloc : memref<!tpu.dma_semaphore, #tpu.memory_space<semaphore_mem>>
      %dma_start3A_383 = arith.constant 0 : i32
      %dma_start3A_384 = tpu.memref_slice %arg11[%add3A_49, %dma_start3A_383] : memref<50176x32xf32, #tpu.memory_space<vmem_shared>> -> memref<196x32xf32, #tpu.memory_space<vmem_shared>>
      %dma_start3A_385 = arith.constant 0 : i32
      %dma_start3A_386 = tpu.memref_slice %arg11[%add3A_49, %dma_start3A_385] : memref<50176x32xf32, #tpu.memory_space<vmem_shared>> -> memref<196x32xf32, #tpu.memory_space<vmem_shared>>
      tpu.enqueue_dma source(%arg10 : memref<196x32xf32, #tpu.memory_space<vmem>>) target(%dma_start3A_386 : memref<196x32xf32, #tpu.memory_space<vmem_shared>>) target_semaphore(%run_scoped3A : memref<!tpu.dma_semaphore, #tpu.memory_space<semaphore_mem>>)
      %dma_wait3A = arith.constant 0 : i32
      %dma_wait3A_387 = tpu.memref_slice %arg11[%add3A_49, %dma_wait3A] : memref<50176x32xf32, #tpu.memory_space<vmem_shared>> -> memref<196x32xf32, #tpu.memory_space<vmem_shared>>
      %dma_wait3A_388 = arith.constant 0 : i32
      %dma_wait3A_389 = tpu.memref_slice %arg11[%add3A_49, %dma_wait3A_388] : memref<50176x32xf32, #tpu.memory_space<vmem_shared>> -> memref<196x32xf32, #tpu.memory_space<vmem_shared>>
      tpu.wait_dma2 semaphore(%run_scoped3A : memref<!tpu.dma_semaphore, #tpu.memory_space<semaphore_mem>>) src(%arg10 : memref<196x32xf32, #tpu.memory_space<vmem>>) dst(%dma_wait3A_389 : memref<196x32xf32, #tpu.memory_space<vmem_shared>>)
      tpu.yield
    }) : () -> ()
    %mul3A_50 = arith.constant 3136 : i32
    %mul3A_51 = arith.muli %arg1, %mul3A_50 : i32
    %add3A_52 = arith.constant 2156 : i32
    %add3A_53 = arith.addi %mul3A_51, %add3A_52 : i32
    "tpu.region"() ({
      %run_scoped3A = tpu.sem_alloc : memref<!tpu.dma_semaphore, #tpu.memory_space<semaphore_mem>>
      %dma_start3A_383 = arith.constant 0 : i32
      %dma_start3A_384 = tpu.memref_slice %arg11[%add3A_53, %dma_start3A_383] : memref<50176x32xf32, #tpu.memory_space<vmem_shared>> -> memref<196x32xf32, #tpu.memory_space<vmem_shared>>
      %dma_start3A_385 = arith.constant 0 : i32
      %dma_start3A_386 = tpu.memref_slice %arg11[%add3A_53, %dma_start3A_385] : memref<50176x32xf32, #tpu.memory_space<vmem_shared>> -> memref<196x32xf32, #tpu.memory_space<vmem_shared>>
      tpu.enqueue_dma source(%arg10 : memref<196x32xf32, #tpu.memory_space<vmem>>) target(%dma_start3A_386 : memref<196x32xf32, #tpu.memory_space<vmem_shared>>) target_semaphore(%run_scoped3A : memref<!tpu.dma_semaphore, #tpu.memory_space<semaphore_mem>>)
      %dma_wait3A = arith.constant 0 : i32
      %dma_wait3A_387 = tpu.memref_slice %arg11[%add3A_53, %dma_wait3A] : memref<50176x32xf32, #tpu.memory_space<vmem_shared>> -> memref<196x32xf32, #tpu.memory_space<vmem_shared>>
      %dma_wait3A_388 = arith.constant 0 : i32
      %dma_wait3A_389 = tpu.memref_slice %arg11[%add3A_53, %dma_wait3A_388] : memref<50176x32xf32, #tpu.memory_space<vmem_shared>> -> memref<196x32xf32, #tpu.memory_space<vmem_shared>>
      tpu.wait_dma2 semaphore(%run_scoped3A : memref<!tpu.dma_semaphore, #tpu.memory_space<semaphore_mem>>) src(%arg10 : memref<196x32xf32, #tpu.memory_space<vmem>>) dst(%dma_wait3A_389 : memref<196x32xf32, #tpu.memory_space<vmem_shared>>)
      tpu.yield
    }) : () -> ()
    %mul3A_54 = arith.constant 3136 : i32
    %mul3A_55 = arith.muli %arg1, %mul3A_54 : i32
    %add3A_56 = arith.constant 2352 : i32
    %add3A_57 = arith.addi %mul3A_55, %add3A_56 : i32
    "tpu.region"() ({
      %run_scoped3A = tpu.sem_alloc : memref<!tpu.dma_semaphore, #tpu.memory_space<semaphore_mem>>
      %dma_start3A_383 = arith.constant 0 : i32
      %dma_start3A_384 = tpu.memref_slice %arg11[%add3A_57, %dma_start3A_383] : memref<50176x32xf32, #tpu.memory_space<vmem_shared>> -> memref<196x32xf32, #tpu.memory_space<vmem_shared>>
      %dma_start3A_385 = arith.constant 0 : i32
      %dma_start3A_386 = tpu.memref_slice %arg11[%add3A_57, %dma_start3A_385] : memref<50176x32xf32, #tpu.memory_space<vmem_shared>> -> memref<196x32xf32, #tpu.memory_space<vmem_shared>>
      tpu.enqueue_dma source(%arg10 : memref<196x32xf32, #tpu.memory_space<vmem>>) target(%dma_start3A_386 : memref<196x32xf32, #tpu.memory_space<vmem_shared>>) target_semaphore(%run_scoped3A : memref<!tpu.dma_semaphore, #tpu.memory_space<semaphore_mem>>)
      %dma_wait3A = arith.constant 0 : i32
      %dma_wait3A_387 = tpu.memref_slice %arg11[%add3A_57, %dma_wait3A] : memref<50176x32xf32, #tpu.memory_space<vmem_shared>> -> memref<196x32xf32, #tpu.memory_space<vmem_shared>>
      %dma_wait3A_388 = arith.constant 0 : i32
      %dma_wait3A_389 = tpu.memref_slice %arg11[%add3A_57, %dma_wait3A_388] : memref<50176x32xf32, #tpu.memory_space<vmem_shared>> -> memref<196x32xf32, #tpu.memory_space<vmem_shared>>
      tpu.wait_dma2 semaphore(%run_scoped3A : memref<!tpu.dma_semaphore, #tpu.memory_space<semaphore_mem>>) src(%arg10 : memref<196x32xf32, #tpu.memory_space<vmem>>) dst(%dma_wait3A_389 : memref<196x32xf32, #tpu.memory_space<vmem_shared>>)
      tpu.yield
    }) : () -> ()
    %mul3A_58 = arith.constant 3136 : i32
    %mul3A_59 = arith.muli %arg1, %mul3A_58 : i32
    %add3A_60 = arith.constant 2548 : i32
    %add3A_61 = arith.addi %mul3A_59, %add3A_60 : i32
    "tpu.region"() ({
      %run_scoped3A = tpu.sem_alloc : memref<!tpu.dma_semaphore, #tpu.memory_space<semaphore_mem>>
      %dma_start3A_383 = arith.constant 0 : i32
      %dma_start3A_384 = tpu.memref_slice %arg11[%add3A_61, %dma_start3A_383] : memref<50176x32xf32, #tpu.memory_space<vmem_shared>> -> memref<196x32xf32, #tpu.memory_space<vmem_shared>>
      %dma_start3A_385 = arith.constant 0 : i32
      %dma_start3A_386 = tpu.memref_slice %arg11[%add3A_61, %dma_start3A_385] : memref<50176x32xf32, #tpu.memory_space<vmem_shared>> -> memref<196x32xf32, #tpu.memory_space<vmem_shared>>
      tpu.enqueue_dma source(%arg10 : memref<196x32xf32, #tpu.memory_space<vmem>>) target(%dma_start3A_386 : memref<196x32xf32, #tpu.memory_space<vmem_shared>>) target_semaphore(%run_scoped3A : memref<!tpu.dma_semaphore, #tpu.memory_space<semaphore_mem>>)
      %dma_wait3A = arith.constant 0 : i32
      %dma_wait3A_387 = tpu.memref_slice %arg11[%add3A_61, %dma_wait3A] : memref<50176x32xf32, #tpu.memory_space<vmem_shared>> -> memref<196x32xf32, #tpu.memory_space<vmem_shared>>
      %dma_wait3A_388 = arith.constant 0 : i32
      %dma_wait3A_389 = tpu.memref_slice %arg11[%add3A_61, %dma_wait3A_388] : memref<50176x32xf32, #tpu.memory_space<vmem_shared>> -> memref<196x32xf32, #tpu.memory_space<vmem_shared>>
      tpu.wait_dma2 semaphore(%run_scoped3A : memref<!tpu.dma_semaphore, #tpu.memory_space<semaphore_mem>>) src(%arg10 : memref<196x32xf32, #tpu.memory_space<vmem>>) dst(%dma_wait3A_389 : memref<196x32xf32, #tpu.memory_space<vmem_shared>>)
      tpu.yield
    }) : () -> ()
    %mul3A_62 = arith.constant 3136 : i32
    %mul3A_63 = arith.muli %arg1, %mul3A_62 : i32
    %add3A_64 = arith.constant 2744 : i32
    %add3A_65 = arith.addi %mul3A_63, %add3A_64 : i32
    "tpu.region"() ({
      %run_scoped3A = tpu.sem_alloc : memref<!tpu.dma_semaphore, #tpu.memory_space<semaphore_mem>>
      %dma_start3A_383 = arith.constant 0 : i32
      %dma_start3A_384 = tpu.memref_slice %arg11[%add3A_65, %dma_start3A_383] : memref<50176x32xf32, #tpu.memory_space<vmem_shared>> -> memref<196x32xf32, #tpu.memory_space<vmem_shared>>
      %dma_start3A_385 = arith.constant 0 : i32
      %dma_start3A_386 = tpu.memref_slice %arg11[%add3A_65, %dma_start3A_385] : memref<50176x32xf32, #tpu.memory_space<vmem_shared>> -> memref<196x32xf32, #tpu.memory_space<vmem_shared>>
      tpu.enqueue_dma source(%arg10 : memref<196x32xf32, #tpu.memory_space<vmem>>) target(%dma_start3A_386 : memref<196x32xf32, #tpu.memory_space<vmem_shared>>) target_semaphore(%run_scoped3A : memref<!tpu.dma_semaphore, #tpu.memory_space<semaphore_mem>>)
      %dma_wait3A = arith.constant 0 : i32
      %dma_wait3A_387 = tpu.memref_slice %arg11[%add3A_65, %dma_wait3A] : memref<50176x32xf32, #tpu.memory_space<vmem_shared>> -> memref<196x32xf32, #tpu.memory_space<vmem_shared>>
      %dma_wait3A_388 = arith.constant 0 : i32
      %dma_wait3A_389 = tpu.memref_slice %arg11[%add3A_65, %dma_wait3A_388] : memref<50176x32xf32, #tpu.memory_space<vmem_shared>> -> memref<196x32xf32, #tpu.memory_space<vmem_shared>>
      tpu.wait_dma2 semaphore(%run_scoped3A : memref<!tpu.dma_semaphore, #tpu.memory_space<semaphore_mem>>) src(%arg10 : memref<196x32xf32, #tpu.memory_space<vmem>>) dst(%dma_wait3A_389 : memref<196x32xf32, #tpu.memory_space<vmem_shared>>)
      tpu.yield
    }) : () -> ()
    %mul3A_66 = arith.constant 3136 : i32
    %mul3A_67 = arith.muli %arg1, %mul3A_66 : i32
    %add3A_68 = arith.constant 2940 : i32
    %add3A_69 = arith.addi %mul3A_67, %add3A_68 : i32
    "tpu.region"() ({
      %run_scoped3A = tpu.sem_alloc : memref<!tpu.dma_semaphore, #tpu.memory_space<semaphore_mem>>
      %dma_start3A_383 = arith.constant 0 : i32
      %dma_start3A_384 = tpu.memref_slice %arg11[%add3A_69, %dma_start3A_383] : memref<50176x32xf32, #tpu.memory_space<vmem_shared>> -> memref<196x32xf32, #tpu.memory_space<vmem_shared>>
      %dma_start3A_385 = arith.constant 0 : i32
      %dma_start3A_386 = tpu.memref_slice %arg11[%add3A_69, %dma_start3A_385] : memref<50176x32xf32, #tpu.memory_space<vmem_shared>> -> memref<196x32xf32, #tpu.memory_space<vmem_shared>>
      tpu.enqueue_dma source(%arg10 : memref<196x32xf32, #tpu.memory_space<vmem>>) target(%dma_start3A_386 : memref<196x32xf32, #tpu.memory_space<vmem_shared>>) target_semaphore(%run_scoped3A : memref<!tpu.dma_semaphore, #tpu.memory_space<semaphore_mem>>)
      %dma_wait3A = arith.constant 0 : i32
      %dma_wait3A_387 = tpu.memref_slice %arg11[%add3A_69, %dma_wait3A] : memref<50176x32xf32, #tpu.memory_space<vmem_shared>> -> memref<196x32xf32, #tpu.memory_space<vmem_shared>>
      %dma_wait3A_388 = arith.constant 0 : i32
      %dma_wait3A_389 = tpu.memref_slice %arg11[%add3A_69, %dma_wait3A_388] : memref<50176x32xf32, #tpu.memory_space<vmem_shared>> -> memref<196x32xf32, #tpu.memory_space<vmem_shared>>
      tpu.wait_dma2 semaphore(%run_scoped3A : memref<!tpu.dma_semaphore, #tpu.memory_space<semaphore_mem>>) src(%arg10 : memref<196x32xf32, #tpu.memory_space<vmem>>) dst(%dma_wait3A_389 : memref<196x32xf32, #tpu.memory_space<vmem_shared>>)
      tpu.yield
    }) : () -> ()
    %barrier3A = arith.constant 0 : index
    tpu.barrier barrier_id(%barrier3A)
    "tpu.region"() ({
      %run_scoped3A = tpu.sem_alloc : memref<!tpu.dma_semaphore, #tpu.memory_space<semaphore_mem>>
      %dma_start3A_383 = arith.constant 0 : i32
      %dma_start3A_384 = arith.constant 0 : i32
      %dma_start3A_385 = tpu.memref_slice %arg6[%dma_start3A_383, %dma_start3A_384] : memref<16x128xi32, #tpu.memory_space<vmem>> -> memref<8x128xi32, #tpu.memory_space<vmem>>
      %dma_start3A_386 = arith.constant 0 : i32
      %dma_start3A_387 = tpu.memref_slice %arg3[%mul3A_0, %dma_start3A_386] : memref<6400x128xi32, #tpu.memory_space<hbm>> -> memref<8x128xi32, #tpu.memory_space<hbm>>
      %dma_start3A_388 = arith.constant 0 : i32
      %dma_start3A_389 = arith.constant 0 : i32
      %dma_start3A_390 = tpu.memref_slice %arg6[%dma_start3A_388, %dma_start3A_389] : memref<16x128xi32, #tpu.memory_space<vmem>> -> memref<8x128xi32, #tpu.memory_space<vmem>>
      %dma_start3A_391 = arith.constant 0 : i32
      %dma_start3A_392 = tpu.memref_slice %arg3[%mul3A_0, %dma_start3A_391] : memref<6400x128xi32, #tpu.memory_space<hbm>> -> memref<8x128xi32, #tpu.memory_space<hbm>>
      tpu.enqueue_dma source(%dma_start3A_392 : memref<8x128xi32, #tpu.memory_space<hbm>>) target(%dma_start3A_390 : memref<8x128xi32, #tpu.memory_space<vmem>>) target_semaphore(%run_scoped3A : memref<!tpu.dma_semaphore, #tpu.memory_space<semaphore_mem>>)
      %dma_wait3A = arith.constant 0 : i32
      %dma_wait3A_393 = arith.constant 0 : i32
      %dma_wait3A_394 = tpu.memref_slice %arg6[%dma_wait3A, %dma_wait3A_393] : memref<16x128xi32, #tpu.memory_space<vmem>> -> memref<8x128xi32, #tpu.memory_space<vmem>>
      %dma_wait3A_395 = arith.constant 0 : i32
      %dma_wait3A_396 = tpu.memref_slice %arg3[%mul3A_0, %dma_wait3A_395] : memref<6400x128xi32, #tpu.memory_space<hbm>> -> memref<8x128xi32, #tpu.memory_space<hbm>>
      %dma_wait3A_397 = arith.constant 0 : i32
      %dma_wait3A_398 = arith.constant 0 : i32
      %dma_wait3A_399 = tpu.memref_slice %arg6[%dma_wait3A_397, %dma_wait3A_398] : memref<16x128xi32, #tpu.memory_space<vmem>> -> memref<8x128xi32, #tpu.memory_space<vmem>>
      %dma_wait3A_400 = arith.constant 0 : i32
      %dma_wait3A_401 = tpu.memref_slice %arg3[%mul3A_0, %dma_wait3A_400] : memref<6400x128xi32, #tpu.memory_space<hbm>> -> memref<8x128xi32, #tpu.memory_space<hbm>>
      tpu.wait_dma2 semaphore(%run_scoped3A : memref<!tpu.dma_semaphore, #tpu.memory_space<semaphore_mem>>) src(%dma_wait3A_401 : memref<8x128xi32, #tpu.memory_space<hbm>>) dst(%dma_wait3A_399 : memref<8x128xi32, #tpu.memory_space<vmem>>)
      tpu.yield
    }) : () -> ()
    "tpu.region"() ({
      %run_scoped3A = tpu.sem_alloc : memref<!tpu.dma_semaphore, #tpu.memory_space<semaphore_mem>>
      %dma_start3A_383 = arith.constant 0 : i32
      %dma_start3A_384 = arith.constant 0 : i32
      %dma_start3A_385 = tpu.memref_slice %arg7[%dma_start3A_383, %dma_start3A_384] : memref<16x128xi32, #tpu.memory_space<vmem>> -> memref<8x128xi32, #tpu.memory_space<vmem>>
      %dma_start3A_386 = arith.constant 0 : i32
      %dma_start3A_387 = tpu.memref_slice %arg4[%mul3A_0, %dma_start3A_386] : memref<6400x128xi32, #tpu.memory_space<hbm>> -> memref<8x128xi32, #tpu.memory_space<hbm>>
      %dma_start3A_388 = arith.constant 0 : i32
      %dma_start3A_389 = arith.constant 0 : i32
      %dma_start3A_390 = tpu.memref_slice %arg7[%dma_start3A_388, %dma_start3A_389] : memref<16x128xi32, #tpu.memory_space<vmem>> -> memref<8x128xi32, #tpu.memory_space<vmem>>
      %dma_start3A_391 = arith.constant 0 : i32
      %dma_start3A_392 = tpu.memref_slice %arg4[%mul3A_0, %dma_start3A_391] : memref<6400x128xi32, #tpu.memory_space<hbm>> -> memref<8x128xi32, #tpu.memory_space<hbm>>
      tpu.enqueue_dma source(%dma_start3A_392 : memref<8x128xi32, #tpu.memory_space<hbm>>) target(%dma_start3A_390 : memref<8x128xi32, #tpu.memory_space<vmem>>) target_semaphore(%run_scoped3A : memref<!tpu.dma_semaphore, #tpu.memory_space<semaphore_mem>>)
      %dma_wait3A = arith.constant 0 : i32
      %dma_wait3A_393 = arith.constant 0 : i32
      %dma_wait3A_394 = tpu.memref_slice %arg7[%dma_wait3A, %dma_wait3A_393] : memref<16x128xi32, #tpu.memory_space<vmem>> -> memref<8x128xi32, #tpu.memory_space<vmem>>
      %dma_wait3A_395 = arith.constant 0 : i32
      %dma_wait3A_396 = tpu.memref_slice %arg4[%mul3A_0, %dma_wait3A_395] : memref<6400x128xi32, #tpu.memory_space<hbm>> -> memref<8x128xi32, #tpu.memory_space<hbm>>
      %dma_wait3A_397 = arith.constant 0 : i32
      %dma_wait3A_398 = arith.constant 0 : i32
      %dma_wait3A_399 = tpu.memref_slice %arg7[%dma_wait3A_397, %dma_wait3A_398] : memref<16x128xi32, #tpu.memory_space<vmem>> -> memref<8x128xi32, #tpu.memory_space<vmem>>
      %dma_wait3A_400 = arith.constant 0 : i32
      %dma_wait3A_401 = tpu.memref_slice %arg4[%mul3A_0, %dma_wait3A_400] : memref<6400x128xi32, #tpu.memory_space<hbm>> -> memref<8x128xi32, #tpu.memory_space<hbm>>
      tpu.wait_dma2 semaphore(%run_scoped3A : memref<!tpu.dma_semaphore, #tpu.memory_space<semaphore_mem>>) src(%dma_wait3A_401 : memref<8x128xi32, #tpu.memory_space<hbm>>) dst(%dma_wait3A_399 : memref<8x128xi32, #tpu.memory_space<vmem>>)
      tpu.yield
    }) : () -> ()
    %add3A_70 = arith.constant 8 : i32
    %add3A_71 = arith.addi %mul3A_0, %add3A_70 : i32
    %dma_start3A = arith.constant 8 : i32
    %dma_start3A_72 = arith.constant 0 : i32
    %dma_start3A_73 = tpu.memref_slice %arg6[%dma_start3A, %dma_start3A_72] : memref<16x128xi32, #tpu.memory_space<vmem>> -> memref<8x128xi32, #tpu.memory_space<vmem>>
    %dma_start3A_74 = arith.constant 0 : i32
    %dma_start3A_75 = tpu.memref_slice %arg3[%add3A_71, %dma_start3A_74] : memref<6400x128xi32, #tpu.memory_space<hbm>> -> memref<8x128xi32, #tpu.memory_space<hbm>>
    %dma_start3A_76 = arith.constant 8 : i32
    %dma_start3A_77 = arith.constant 0 : i32
    %dma_start3A_78 = tpu.memref_slice %arg6[%dma_start3A_76, %dma_start3A_77] : memref<16x128xi32, #tpu.memory_space<vmem>> -> memref<8x128xi32, #tpu.memory_space<vmem>>
    %dma_start3A_79 = arith.constant 0 : i32
    %dma_start3A_80 = tpu.memref_slice %arg3[%add3A_71, %dma_start3A_79] : memref<6400x128xi32, #tpu.memory_space<hbm>> -> memref<8x128xi32, #tpu.memory_space<hbm>>
    tpu.enqueue_dma source(%dma_start3A_80 : memref<8x128xi32, #tpu.memory_space<hbm>>) target(%dma_start3A_78 : memref<8x128xi32, #tpu.memory_space<vmem>>) target_semaphore(%arg14 : memref<!tpu.dma_semaphore, #tpu.memory_space<semaphore_mem>>)
    %add3A_81 = arith.constant 8 : i32
    %add3A_82 = arith.addi %mul3A_0, %add3A_81 : i32
    %dma_start3A_83 = arith.constant 8 : i32
    %dma_start3A_84 = arith.constant 0 : i32
    %dma_start3A_85 = tpu.memref_slice %arg7[%dma_start3A_83, %dma_start3A_84] : memref<16x128xi32, #tpu.memory_space<vmem>> -> memref<8x128xi32, #tpu.memory_space<vmem>>
    %dma_start3A_86 = arith.constant 0 : i32
    %dma_start3A_87 = tpu.memref_slice %arg4[%add3A_82, %dma_start3A_86] : memref<6400x128xi32, #tpu.memory_space<hbm>> -> memref<8x128xi32, #tpu.memory_space<hbm>>
    %dma_start3A_88 = arith.constant 8 : i32
    %dma_start3A_89 = arith.constant 0 : i32
    %dma_start3A_90 = tpu.memref_slice %arg7[%dma_start3A_88, %dma_start3A_89] : memref<16x128xi32, #tpu.memory_space<vmem>> -> memref<8x128xi32, #tpu.memory_space<vmem>>
    %dma_start3A_91 = arith.constant 0 : i32
    %dma_start3A_92 = tpu.memref_slice %arg4[%add3A_82, %dma_start3A_91] : memref<6400x128xi32, #tpu.memory_space<hbm>> -> memref<8x128xi32, #tpu.memory_space<hbm>>
    tpu.enqueue_dma source(%dma_start3A_92 : memref<8x128xi32, #tpu.memory_space<hbm>>) target(%dma_start3A_90 : memref<8x128xi32, #tpu.memory_space<vmem>>) target_semaphore(%arg14 : memref<!tpu.dma_semaphore, #tpu.memory_space<semaphore_mem>>)
    %get3A = arith.constant 0 : i32
    %get3A_93 = arith.index_cast %get3A : i32 to index
    %get3A_94 = arith.constant 0 : index
    %get3A_95 = tpu.vector_load %arg6[%get3A_93, %get3A_94] {strides = array<i32>} : memref<16x128xi32, #tpu.memory_space<vmem>>, vector<1x16xi32>,
    %get3A_96 = vector.shape_cast %get3A_95 : vector<1x16xi32> to vector<16xi32>
    %mul3A_97 = arith.constant 2 : i32
    %mul3A_98 = vector.broadcast %mul3A_97 : i32 to vector<16xi32>
    %mul3A_99 = arith.muli %get3A_96, %mul3A_98 : vector<16xi32>
    %add3A_100 = vector.broadcast %arg0 : i32 to vector<16xi32>
    %add3A_101 = arith.addi %mul3A_99, %add3A_100 : vector<16xi32>
    %swap3A = arith.constant 0 : i32
    %swap3A_102 = arith.index_cast %swap3A : i32 to index
    %swap3A_103 = arith.constant 0 : index
    %swap3A_104 = tpu.vector_load %arg8[%swap3A_102, %swap3A_103] {strides = array<i32>} : memref<4x128xi32, #tpu.memory_space<vmem>>, vector<1x16xi32>,
    %swap3A_105 = vector.shape_cast %swap3A_104 : vector<1x16xi32> to vector<16xi32>
    %swap3A_106 = vector.shape_cast %add3A_101 : vector<16xi32> to vector<1x16xi32>
    tpu.vector_store %arg8[%swap3A_102, %swap3A_103], %swap3A_106 {strides = array<i32>} : memref<4x128xi32, #tpu.memory_space<vmem>>, vector<1x16xi32>,
    %get3A_107 = arith.constant 0 : i32
    %get3A_108 = arith.index_cast %get3A_107 : i32 to index
    %get3A_109 = arith.constant 16 : index
    %get3A_110 = tpu.vector_load %arg6[%get3A_108, %get3A_109] {strides = array<i32>} : memref<16x128xi32, #tpu.memory_space<vmem>>, vector<1x16xi32>,
    %get3A_111 = vector.shape_cast %get3A_110 : vector<1x16xi32> to vector<16xi32>
    %mul3A_112 = arith.constant 2 : i32
    %mul3A_113 = vector.broadcast %mul3A_112 : i32 to vector<16xi32>
    %mul3A_114 = arith.muli %get3A_111, %mul3A_113 : vector<16xi32>
    %add3A_115 = vector.broadcast %arg0 : i32 to vector<16xi32>
    %add3A_116 = arith.addi %mul3A_114, %add3A_115 : vector<16xi32>
    %swap3A_117 = arith.constant 0 : i32
    %swap3A_118 = arith.index_cast %swap3A_117 : i32 to index
    %swap3A_119 = arith.constant 16 : index
    %swap3A_120 = tpu.vector_load %arg8[%swap3A_118, %swap3A_119] {strides = array<i32>} : memref<4x128xi32, #tpu.memory_space<vmem>>, vector<1x16xi32>,
    %swap3A_121 = vector.shape_cast %swap3A_120 : vector<1x16xi32> to vector<16xi32>
    %swap3A_122 = vector.shape_cast %add3A_116 : vector<16xi32> to vector<1x16xi32>
    tpu.vector_store %arg8[%swap3A_118, %swap3A_119], %swap3A_122 {strides = array<i32>} : memref<4x128xi32, #tpu.memory_space<vmem>>, vector<1x16xi32>,
    %get3A_123 = arith.constant 0 : i32
    %get3A_124 = arith.index_cast %get3A_123 : i32 to index
    %get3A_125 = arith.constant 32 : index
    %get3A_126 = tpu.vector_load %arg6[%get3A_124, %get3A_125] {strides = array<i32>} : memref<16x128xi32, #tpu.memory_space<vmem>>, vector<1x16xi32>,
    %get3A_127 = vector.shape_cast %get3A_126 : vector<1x16xi32> to vector<16xi32>
    %mul3A_128 = arith.constant 2 : i32
    %mul3A_129 = vector.broadcast %mul3A_128 : i32 to vector<16xi32>
    %mul3A_130 = arith.muli %get3A_127, %mul3A_129 : vector<16xi32>
    %add3A_131 = vector.broadcast %arg0 : i32 to vector<16xi32>
    %add3A_132 = arith.addi %mul3A_130, %add3A_131 : vector<16xi32>
    %swap3A_133 = arith.constant 0 : i32
    %swap3A_134 = arith.index_cast %swap3A_133 : i32 to index
    %swap3A_135 = arith.constant 32 : index
    %swap3A_136 = tpu.vector_load %arg8[%swap3A_134, %swap3A_135] {strides = array<i32>} : memref<4x128xi32, #tpu.memory_space<vmem>>, vector<1x16xi32>,
    %swap3A_137 = vector.shape_cast %swap3A_136 : vector<1x16xi32> to vector<16xi32>
    %swap3A_138 = vector.shape_cast %add3A_132 : vector<16xi32> to vector<1x16xi32>
    tpu.vector_store %arg8[%swap3A_134, %swap3A_135], %swap3A_138 {strides = array<i32>} : memref<4x128xi32, #tpu.memory_space<vmem>>, vector<1x16xi32>,
    %get3A_139 = arith.constant 0 : i32
    %get3A_140 = arith.index_cast %get3A_139 : i32 to index
    %get3A_141 = arith.constant 48 : index
    %get3A_142 = tpu.vector_load %arg6[%get3A_140, %get3A_141] {strides = array<i32>} : memref<16x128xi32, #tpu.memory_space<vmem>>, vector<1x16xi32>,
    %get3A_143 = vector.shape_cast %get3A_142 : vector<1x16xi32> to vector<16xi32>
    %mul3A_144 = arith.constant 2 : i32
    %mul3A_145 = vector.broadcast %mul3A_144 : i32 to vector<16xi32>
    %mul3A_146 = arith.muli %get3A_143, %mul3A_145 : vector<16xi32>
    %add3A_147 = vector.broadcast %arg0 : i32 to vector<16xi32>
    %add3A_148 = arith.addi %mul3A_146, %add3A_147 : vector<16xi32>
    %swap3A_149 = arith.constant 0 : i32
    %swap3A_150 = arith.index_cast %swap3A_149 : i32 to index
    %swap3A_151 = arith.constant 48 : index
    %swap3A_152 = tpu.vector_load %arg8[%swap3A_150, %swap3A_151] {strides = array<i32>} : memref<4x128xi32, #tpu.memory_space<vmem>>, vector<1x16xi32>,
    %swap3A_153 = vector.shape_cast %swap3A_152 : vector<1x16xi32> to vector<16xi32>
    %swap3A_154 = vector.shape_cast %add3A_148 : vector<16xi32> to vector<1x16xi32>
    tpu.vector_store %arg8[%swap3A_150, %swap3A_151], %swap3A_154 {strides = array<i32>} : memref<4x128xi32, #tpu.memory_space<vmem>>, vector<1x16xi32>,
    %get3A_155 = arith.constant 0 : i32
    %get3A_156 = arith.index_cast %get3A_155 : i32 to index
    %get3A_157 = arith.constant 64 : index
    %get3A_158 = tpu.vector_load %arg6[%get3A_156, %get3A_157] {strides = array<i32>} : memref<16x128xi32, #tpu.memory_space<vmem>>, vector<1x16xi32>,
    %get3A_159 = vector.shape_cast %get3A_158 : vector<1x16xi32> to vector<16xi32>
    %mul3A_160 = arith.constant 2 : i32
    %mul3A_161 = vector.broadcast %mul3A_160 : i32 to vector<16xi32>
    %mul3A_162 = arith.muli %get3A_159, %mul3A_161 : vector<16xi32>
    %add3A_163 = vector.broadcast %arg0 : i32 to vector<16xi32>
    %add3A_164 = arith.addi %mul3A_162, %add3A_163 : vector<16xi32>
    %swap3A_165 = arith.constant 0 : i32
    %swap3A_166 = arith.index_cast %swap3A_165 : i32 to index
    %swap3A_167 = arith.constant 64 : index
    %swap3A_168 = tpu.vector_load %arg8[%swap3A_166, %swap3A_167] {strides = array<i32>} : memref<4x128xi32, #tpu.memory_space<vmem>>, vector<1x16xi32>,
    %swap3A_169 = vector.shape_cast %swap3A_168 : vector<1x16xi32> to vector<16xi32>
    %swap3A_170 = vector.shape_cast %add3A_164 : vector<16xi32> to vector<1x16xi32>
    tpu.vector_store %arg8[%swap3A_166, %swap3A_167], %swap3A_170 {strides = array<i32>} : memref<4x128xi32, #tpu.memory_space<vmem>>, vector<1x16xi32>,
    %get3A_171 = arith.constant 0 : i32
    %get3A_172 = arith.index_cast %get3A_171 : i32 to index
    %get3A_173 = arith.constant 80 : index
    %get3A_174 = tpu.vector_load %arg6[%get3A_172, %get3A_173] {strides = array<i32>} : memref<16x128xi32, #tpu.memory_space<vmem>>, vector<1x16xi32>,
    %get3A_175 = vector.shape_cast %get3A_174 : vector<1x16xi32> to vector<16xi32>
    %mul3A_176 = arith.constant 2 : i32
    %mul3A_177 = vector.broadcast %mul3A_176 : i32 to vector<16xi32>
    %mul3A_178 = arith.muli %get3A_175, %mul3A_177 : vector<16xi32>
    %add3A_179 = vector.broadcast %arg0 : i32 to vector<16xi32>
    %add3A_180 = arith.addi %mul3A_178, %add3A_179 : vector<16xi32>
    %swap3A_181 = arith.constant 0 : i32
    %swap3A_182 = arith.index_cast %swap3A_181 : i32 to index
    %swap3A_183 = arith.constant 80 : index
    %swap3A_184 = tpu.vector_load %arg8[%swap3A_182, %swap3A_183] {strides = array<i32>} : memref<4x128xi32, #tpu.memory_space<vmem>>, vector<1x16xi32>,
    %swap3A_185 = vector.shape_cast %swap3A_184 : vector<1x16xi32> to vector<16xi32>
    %swap3A_186 = vector.shape_cast %add3A_180 : vector<16xi32> to vector<1x16xi32>
    tpu.vector_store %arg8[%swap3A_182, %swap3A_183], %swap3A_186 {strides = array<i32>} : memref<4x128xi32, #tpu.memory_space<vmem>>, vector<1x16xi32>,
    %get3A_187 = arith.constant 0 : i32
    %get3A_188 = arith.index_cast %get3A_187 : i32 to index
    %get3A_189 = arith.constant 96 : index
    %get3A_190 = tpu.vector_load %arg6[%get3A_188, %get3A_189] {strides = array<i32>} : memref<16x128xi32, #tpu.memory_space<vmem>>, vector<1x16xi32>,
    %get3A_191 = vector.shape_cast %get3A_190 : vector<1x16xi32> to vector<16xi32>
    %mul3A_192 = arith.constant 2 : i32
    %mul3A_193 = vector.broadcast %mul3A_192 : i32 to vector<16xi32>
    %mul3A_194 = arith.muli %get3A_191, %mul3A_193 : vector<16xi32>
    %add3A_195 = vector.broadcast %arg0 : i32 to vector<16xi32>
    %add3A_196 = arith.addi %mul3A_194, %add3A_195 : vector<16xi32>
    %swap3A_197 = arith.constant 0 : i32
    %swap3A_198 = arith.index_cast %swap3A_197 : i32 to index
    %swap3A_199 = arith.constant 96 : index
    %swap3A_200 = tpu.vector_load %arg8[%swap3A_198, %swap3A_199] {strides = array<i32>} : memref<4x128xi32, #tpu.memory_space<vmem>>, vector<1x16xi32>,
    %swap3A_201 = vector.shape_cast %swap3A_200 : vector<1x16xi32> to vector<16xi32>
    %swap3A_202 = vector.shape_cast %add3A_196 : vector<16xi32> to vector<1x16xi32>
    tpu.vector_store %arg8[%swap3A_198, %swap3A_199], %swap3A_202 {strides = array<i32>} : memref<4x128xi32, #tpu.memory_space<vmem>>, vector<1x16xi32>,
    %get3A_203 = arith.constant 0 : i32
    %get3A_204 = arith.index_cast %get3A_203 : i32 to index
    %get3A_205 = arith.constant 112 : index
    %get3A_206 = tpu.vector_load %arg6[%get3A_204, %get3A_205] {strides = array<i32>} : memref<16x128xi32, #tpu.memory_space<vmem>>, vector<1x16xi32>,
    %get3A_207 = vector.shape_cast %get3A_206 : vector<1x16xi32> to vector<16xi32>
    %mul3A_208 = arith.constant 2 : i32
    %mul3A_209 = vector.broadcast %mul3A_208 : i32 to vector<16xi32>
    %mul3A_210 = arith.muli %get3A_207, %mul3A_209 : vector<16xi32>
    %add3A_211 = vector.broadcast %arg0 : i32 to vector<16xi32>
    %add3A_212 = arith.addi %mul3A_210, %add3A_211 : vector<16xi32>
    %swap3A_213 = arith.constant 0 : i32
    %swap3A_214 = arith.index_cast %swap3A_213 : i32 to index
    %swap3A_215 = arith.constant 112 : index
    %swap3A_216 = tpu.vector_load %arg8[%swap3A_214, %swap3A_215] {strides = array<i32>} : memref<4x128xi32, #tpu.memory_space<vmem>>, vector<1x16xi32>,
    %swap3A_217 = vector.shape_cast %swap3A_216 : vector<1x16xi32> to vector<16xi32>
    %swap3A_218 = vector.shape_cast %add3A_212 : vector<16xi32> to vector<1x16xi32>
    tpu.vector_store %arg8[%swap3A_214, %swap3A_215], %swap3A_218 {strides = array<i32>} : memref<4x128xi32, #tpu.memory_space<vmem>>, vector<1x16xi32>,
    %get3A_219 = arith.constant 1 : i32
    %get3A_220 = arith.index_cast %get3A_219 : i32 to index
    %get3A_221 = arith.constant 0 : index
    %get3A_222 = tpu.vector_load %arg6[%get3A_220, %get3A_221] {strides = array<i32>} : memref<16x128xi32, #tpu.memory_space<vmem>>, vector<1x16xi32>,
    %get3A_223 = vector.shape_cast %get3A_222 : vector<1x16xi32> to vector<16xi32>
    %mul3A_224 = arith.constant 2 : i32
    %mul3A_225 = vector.broadcast %mul3A_224 : i32 to vector<16xi32>
    %mul3A_226 = arith.muli %get3A_223, %mul3A_225 : vector<16xi32>
    %add3A_227 = vector.broadcast %arg0 : i32 to vector<16xi32>
    %add3A_228 = arith.addi %mul3A_226, %add3A_227 : vector<16xi32>
    %swap3A_229 = arith.constant 1 : i32
    %swap3A_230 = arith.index_cast %swap3A_229 : i32 to index
    %swap3A_231 = arith.constant 0 : index
    %swap3A_232 = tpu.vector_load %arg8[%swap3A_230, %swap3A_231] {strides = array<i32>} : memref<4x128xi32, #tpu.memory_space<vmem>>, vector<1x16xi32>,
    %swap3A_233 = vector.shape_cast %swap3A_232 : vector<1x16xi32> to vector<16xi32>
    %swap3A_234 = vector.shape_cast %add3A_228 : vector<16xi32> to vector<1x16xi32>
    tpu.vector_store %arg8[%swap3A_230, %swap3A_231], %swap3A_234 {strides = array<i32>} : memref<4x128xi32, #tpu.memory_space<vmem>>, vector<1x16xi32>,
    %get3A_235 = arith.constant 1 : i32
    %get3A_236 = arith.index_cast %get3A_235 : i32 to index
    %get3A_237 = arith.constant 16 : index
    %get3A_238 = tpu.vector_load %arg6[%get3A_236, %get3A_237] {strides = array<i32>} : memref<16x128xi32, #tpu.memory_space<vmem>>, vector<1x16xi32>,
    %get3A_239 = vector.shape_cast %get3A_238 : vector<1x16xi32> to vector<16xi32>
    %mul3A_240 = arith.constant 2 : i32
    %mul3A_241 = vector.broadcast %mul3A_240 : i32 to vector<16xi32>
    %mul3A_242 = arith.muli %get3A_239, %mul3A_241 : vector<16xi32>
    %add3A_243 = vector.broadcast %arg0 : i32 to vector<16xi32>
    %add3A_244 = arith.addi %mul3A_242, %add3A_243 : vector<16xi32>
    %swap3A_245 = arith.constant 1 : i32
    %swap3A_246 = arith.index_cast %swap3A_245 : i32 to index
    %swap3A_247 = arith.constant 16 : index
    %swap3A_248 = tpu.vector_load %arg8[%swap3A_246, %swap3A_247] {strides = array<i32>} : memref<4x128xi32, #tpu.memory_space<vmem>>, vector<1x16xi32>,
    %swap3A_249 = vector.shape_cast %swap3A_248 : vector<1x16xi32> to vector<16xi32>
    %swap3A_250 = vector.shape_cast %add3A_244 : vector<16xi32> to vector<1x16xi32>
    tpu.vector_store %arg8[%swap3A_246, %swap3A_247], %swap3A_250 {strides = array<i32>} : memref<4x128xi32, #tpu.memory_space<vmem>>, vector<1x16xi32>,
    %get3A_251 = arith.constant 1 : i32
    %get3A_252 = arith.index_cast %get3A_251 : i32 to index
    %get3A_253 = arith.constant 32 : index
    %get3A_254 = tpu.vector_load %arg6[%get3A_252, %get3A_253] {strides = array<i32>} : memref<16x128xi32, #tpu.memory_space<vmem>>, vector<1x16xi32>,
    %get3A_255 = vector.shape_cast %get3A_254 : vector<1x16xi32> to vector<16xi32>
    %mul3A_256 = arith.constant 2 : i32
    %mul3A_257 = vector.broadcast %mul3A_256 : i32 to vector<16xi32>
    %mul3A_258 = arith.muli %get3A_255, %mul3A_257 : vector<16xi32>
    %add3A_259 = vector.broadcast %arg0 : i32 to vector<16xi32>
    %add3A_260 = arith.addi %mul3A_258, %add3A_259 : vector<16xi32>
    %swap3A_261 = arith.constant 1 : i32
    %swap3A_262 = arith.index_cast %swap3A_261 : i32 to index
    %swap3A_263 = arith.constant 32 : index
    %swap3A_264 = tpu.vector_load %arg8[%swap3A_262, %swap3A_263] {strides = array<i32>} : memref<4x128xi32, #tpu.memory_space<vmem>>, vector<1x16xi32>,
    %swap3A_265 = vector.shape_cast %swap3A_264 : vector<1x16xi32> to vector<16xi32>
    %swap3A_266 = vector.shape_cast %add3A_260 : vector<16xi32> to vector<1x16xi32>
    tpu.vector_store %arg8[%swap3A_262, %swap3A_263], %swap3A_266 {strides = array<i32>} : memref<4x128xi32, #tpu.memory_space<vmem>>, vector<1x16xi32>,
    %get3A_267 = arith.constant 1 : i32
    %get3A_268 = arith.index_cast %get3A_267 : i32 to index
    %get3A_269 = arith.constant 48 : index
    %get3A_270 = tpu.vector_load %arg6[%get3A_268, %get3A_269] {strides = array<i32>} : memref<16x128xi32, #tpu.memory_space<vmem>>, vector<1x16xi32>,
    %get3A_271 = vector.shape_cast %get3A_270 : vector<1x16xi32> to vector<16xi32>
    %mul3A_272 = arith.constant 2 : i32
    %mul3A_273 = vector.broadcast %mul3A_272 : i32 to vector<16xi32>
    %mul3A_274 = arith.muli %get3A_271, %mul3A_273 : vector<16xi32>
    %add3A_275 = vector.broadcast %arg0 : i32 to vector<16xi32>
    %add3A_276 = arith.addi %mul3A_274, %add3A_275 : vector<16xi32>
    %swap3A_277 = arith.constant 1 : i32
    %swap3A_278 = arith.index_cast %swap3A_277 : i32 to index
    %swap3A_279 = arith.constant 48 : index
    %swap3A_280 = tpu.vector_load %arg8[%swap3A_278, %swap3A_279] {strides = array<i32>} : memref<4x128xi32, #tpu.memory_space<vmem>>, vector<1x16xi32>,
    %swap3A_281 = vector.shape_cast %swap3A_280 : vector<1x16xi32> to vector<16xi32>
    %swap3A_282 = vector.shape_cast %add3A_276 : vector<16xi32> to vector<1x16xi32>
    tpu.vector_store %arg8[%swap3A_278, %swap3A_279], %swap3A_282 {strides = array<i32>} : memref<4x128xi32, #tpu.memory_space<vmem>>, vector<1x16xi32>,
    %get3A_283 = arith.constant 1 : i32
    %get3A_284 = arith.index_cast %get3A_283 : i32 to index
    %get3A_285 = arith.constant 64 : index
    %get3A_286 = tpu.vector_load %arg6[%get3A_284, %get3A_285] {strides = array<i32>} : memref<16x128xi32, #tpu.memory_space<vmem>>, vector<1x16xi32>,
    %get3A_287 = vector.shape_cast %get3A_286 : vector<1x16xi32> to vector<16xi32>
    %mul3A_288 = arith.constant 2 : i32
    %mul3A_289 = vector.broadcast %mul3A_288 : i32 to vector<16xi32>
    %mul3A_290 = arith.muli %get3A_287, %mul3A_289 : vector<16xi32>
    %add3A_291 = vector.broadcast %arg0 : i32 to vector<16xi32>
    %add3A_292 = arith.addi %mul3A_290, %add3A_291 : vector<16xi32>
    %swap3A_293 = arith.constant 1 : i32
    %swap3A_294 = arith.index_cast %swap3A_293 : i32 to index
    %swap3A_295 = arith.constant 64 : index
    %swap3A_296 = tpu.vector_load %arg8[%swap3A_294, %swap3A_295] {strides = array<i32>} : memref<4x128xi32, #tpu.memory_space<vmem>>, vector<1x16xi32>,
    %swap3A_297 = vector.shape_cast %swap3A_296 : vector<1x16xi32> to vector<16xi32>
    %swap3A_298 = vector.shape_cast %add3A_292 : vector<16xi32> to vector<1x16xi32>
    tpu.vector_store %arg8[%swap3A_294, %swap3A_295], %swap3A_298 {strides = array<i32>} : memref<4x128xi32, #tpu.memory_space<vmem>>, vector<1x16xi32>,
    %get3A_299 = arith.constant 1 : i32
    %get3A_300 = arith.index_cast %get3A_299 : i32 to index
    %get3A_301 = arith.constant 80 : index
    %get3A_302 = tpu.vector_load %arg6[%get3A_300, %get3A_301] {strides = array<i32>} : memref<16x128xi32, #tpu.memory_space<vmem>>, vector<1x16xi32>,
    %get3A_303 = vector.shape_cast %get3A_302 : vector<1x16xi32> to vector<16xi32>
    %mul3A_304 = arith.constant 2 : i32
    %mul3A_305 = vector.broadcast %mul3A_304 : i32 to vector<16xi32>
    %mul3A_306 = arith.muli %get3A_303, %mul3A_305 : vector<16xi32>
    %add3A_307 = vector.broadcast %arg0 : i32 to vector<16xi32>
    %add3A_308 = arith.addi %mul3A_306, %add3A_307 : vector<16xi32>
    %swap3A_309 = arith.constant 1 : i32
    %swap3A_310 = arith.index_cast %swap3A_309 : i32 to index
    %swap3A_311 = arith.constant 80 : index
    %swap3A_312 = tpu.vector_load %arg8[%swap3A_310, %swap3A_311] {strides = array<i32>} : memref<4x128xi32, #tpu.memory_space<vmem>>, vector<1x16xi32>,
    %swap3A_313 = vector.shape_cast %swap3A_312 : vector<1x16xi32> to vector<16xi32>
    %swap3A_314 = vector.shape_cast %add3A_308 : vector<16xi32> to vector<1x16xi32>
    tpu.vector_store %arg8[%swap3A_310, %swap3A_311], %swap3A_314 {strides = array<i32>} : memref<4x128xi32, #tpu.memory_space<vmem>>, vector<1x16xi32>,
    %get3A_315 = arith.constant 1 : i32
    %get3A_316 = arith.index_cast %get3A_315 : i32 to index
    %get3A_317 = arith.constant 96 : index
    %get3A_318 = tpu.vector_load %arg6[%get3A_316, %get3A_317] {strides = array<i32>} : memref<16x128xi32, #tpu.memory_space<vmem>>, vector<1x16xi32>,
    %get3A_319 = vector.shape_cast %get3A_318 : vector<1x16xi32> to vector<16xi32>
    %mul3A_320 = arith.constant 2 : i32
    %mul3A_321 = vector.broadcast %mul3A_320 : i32 to vector<16xi32>
    %mul3A_322 = arith.muli %get3A_319, %mul3A_321 : vector<16xi32>
    %add3A_323 = vector.broadcast %arg0 : i32 to vector<16xi32>
    %add3A_324 = arith.addi %mul3A_322, %add3A_323 : vector<16xi32>
    %swap3A_325 = arith.constant 1 : i32
    %swap3A_326 = arith.index_cast %swap3A_325 : i32 to index
    %swap3A_327 = arith.constant 96 : index
    %swap3A_328 = tpu.vector_load %arg8[%swap3A_326, %swap3A_327] {strides = array<i32>} : memref<4x128xi32, #tpu.memory_space<vmem>>, vector<1x16xi32>,
    %swap3A_329 = vector.shape_cast %swap3A_328 : vector<1x16xi32> to vector<16xi32>
    %swap3A_330 = vector.shape_cast %add3A_324 : vector<16xi32> to vector<1x16xi32>
    tpu.vector_store %arg8[%swap3A_326, %swap3A_327], %swap3A_330 {strides = array<i32>} : memref<4x128xi32, #tpu.memory_space<vmem>>, vector<1x16xi32>,
    %get3A_331 = arith.constant 1 : i32
    %get3A_332 = arith.index_cast %get3A_331 : i32 to index
    %get3A_333 = arith.constant 112 : index
    %get3A_334 = tpu.vector_load %arg6[%get3A_332, %get3A_333] {strides = array<i32>} : memref<16x128xi32, #tpu.memory_space<vmem>>, vector<1x16xi32>,
    %get3A_335 = vector.shape_cast %get3A_334 : vector<1x16xi32> to vector<16xi32>
    %mul3A_336 = arith.constant 2 : i32
    %mul3A_337 = vector.broadcast %mul3A_336 : i32 to vector<16xi32>
    %mul3A_338 = arith.muli %get3A_335, %mul3A_337 : vector<16xi32>
    %add3A_339 = vector.broadcast %arg0 : i32 to vector<16xi32>
    %add3A_340 = arith.addi %mul3A_338, %add3A_339 : vector<16xi32>
    %swap3A_341 = arith.constant 1 : i32
    %swap3A_342 = arith.index_cast %swap3A_341 : i32 to index
    %swap3A_343 = arith.constant 112 : index
    %swap3A_344 = tpu.vector_load %arg8[%swap3A_342, %swap3A_343] {strides = array<i32>} : memref<4x128xi32, #tpu.memory_space<vmem>>, vector<1x16xi32>,
    %swap3A_345 = vector.shape_cast %swap3A_344 : vector<1x16xi32> to vector<16xi32>
    %swap3A_346 = vector.shape_cast %add3A_340 : vector<16xi32> to vector<1x16xi32>
    tpu.vector_store %arg8[%swap3A_342, %swap3A_343], %swap3A_346 {strides = array<i32>} : memref<4x128xi32, #tpu.memory_space<vmem>>, vector<1x16xi32>,
    %dma_start3A_347 = arith.constant 0 : i32
    %dma_start3A_348 = arith.constant 0 : i32
    %dma_start3A_349 = arith.constant 0 : i32
    %dma_start3A_350 = arith.constant 0 : i32
    %dma_start3A_351 = tpu.memref_slice %arg9[%dma_start3A_348, %dma_start3A_349, %dma_start3A_350] : memref<4x128x32xf32, #tpu.memory_space<vmem>> -> memref<1x128x32xf32, #tpu.memory_space<vmem>>
    %dma_start3A_352 = tpu.memref_squeeze %dma_start3A_351 : memref<1x128x32xf32, #tpu.memory_space<vmem>> -> memref<128x32xf32, #tpu.memory_space<vmem>>
    %dma_start3A_353 = arith.constant 0 : i32
    %dma_start3A_354 = tpu.memref_slice %arg8[%dma_start3A_347, %dma_start3A_353] : memref<4x128xi32, #tpu.memory_space<vmem>> -> memref<1x128xi32, #tpu.memory_space<vmem>>
    %dma_start3A_355 = tpu.memref_squeeze %dma_start3A_354 : memref<1x128xi32, #tpu.memory_space<vmem>> -> memref<128xi32, #tpu.memory_space<vmem>>
    %dma_start3A_356 = arith.constant 0 : i32
    %dma_start3A_357 = arith.constant 0 : i32
    %dma_start3A_358 = tpu.memref_slice %arg2[%dma_start3A_356, %dma_start3A_357] : memref<100352x32xf32, #tpu.memory_space<hbm>> -> memref<100352x32xf32, #tpu.memory_space<hbm>>
    tpu.enqueue_indirect_dma source(%dma_start3A_358 : memref<100352x32xf32, #tpu.memory_space<hbm>>) target(%dma_start3A_352 : memref<128x32xf32, #tpu.memory_space<vmem>>) offsets(%dma_start3A_355 : memref<128xi32, #tpu.memory_space<vmem>>) semaphore(%arg12 : memref<!tpu.dma_semaphore, #tpu.memory_space<semaphore_mem>>)
    %dma_start3A_359 = arith.constant 1 : i32
    %dma_start3A_360 = arith.constant 1 : i32
    %dma_start3A_361 = arith.constant 0 : i32
    %dma_start3A_362 = arith.constant 0 : i32
    %dma_start3A_363 = tpu.memref_slice %arg9[%dma_start3A_360, %dma_start3A_361, %dma_start3A_362] : memref<4x128x32xf32, #tpu.memory_space<vmem>> -> memref<1x128x32xf32, #tpu.memory_space<vmem>>
    %dma_start3A_364 = tpu.memref_squeeze %dma_start3A_363 : memref<1x128x32xf32, #tpu.memory_space<vmem>> -> memref<128x32xf32, #tpu.memory_space<vmem>>
    %dma_start3A_365 = arith.constant 0 : i32
    %dma_start3A_366 = tpu.memref_slice %arg8[%dma_start3A_359, %dma_start3A_365] : memref<4x128xi32, #tpu.memory_space<vmem>> -> memref<1x128xi32, #tpu.memory_space<vmem>>
    %dma_start3A_367 = tpu.memref_squeeze %dma_start3A_366 : memref<1x128xi32, #tpu.memory_space<vmem>> -> memref<128xi32, #tpu.memory_space<vmem>>
    %dma_start3A_368 = arith.constant 0 : i32
    %dma_start3A_369 = arith.constant 0 : i32
    %dma_start3A_370 = tpu.memref_slice %arg2[%dma_start3A_368, %dma_start3A_369] : memref<100352x32xf32, #tpu.memory_space<hbm>> -> memref<100352x32xf32, #tpu.memory_space<hbm>>
    tpu.enqueue_indirect_dma source(%dma_start3A_370 : memref<100352x32xf32, #tpu.memory_space<hbm>>) target(%dma_start3A_364 : memref<128x32xf32, #tpu.memory_space<vmem>>) offsets(%dma_start3A_367 : memref<128xi32, #tpu.memory_space<vmem>>) semaphore(%arg12 : memref<!tpu.dma_semaphore, #tpu.memory_space<semaphore_mem>>)
    %scan3A_371 = arith.constant 0 : i32
    %scan3A_372 = arith.constant 0 : i32
    %scan3A_373 = arith.constant 200 : i32
    %scan3A_374 = arith.addi %scan3A_372, %scan3A_373 : i32
    %scan3A_375 = arith.constant 1 : i32
    %scan3A_376 = scf.for %scan3A_383 = %scan3A_372 to %scan3A_374 step %scan3A_375 iter_args(%scan3A_384 = %scan3A_371) -> (i32)  : i32 {
      %rem3A = arith.constant 2 : i32
      %rem3A_385 = arith.remsi %scan3A_383, %rem3A : i32
      %mul3A_386 = arith.constant 2 : i32
      %mul3A_387 = arith.muli %rem3A_385, %mul3A_386 : i32
      %sub3A = arith.constant 2 : i32
      %sub3A_388 = arith.subi %sub3A, %mul3A_387 : i32
      %rem3A_389 = arith.constant 4 : i32
      %rem3A_390 = arith.remsi %scan3A_383, %rem3A_389 : i32
      %jit3A = arith.constant 4 : i32
      %div3A = arith.divsi %scan3A_383, %jit3A : i32
      %sign3A = arith.constant 0 : i32
      %sign3A_391 = arith.cmpi sgt, %scan3A_383, %sign3A : i32
      %sign3A_392 = arith.extui %sign3A_391 : i1 to i32
      %sign3A_393 = arith.constant 0 : i32
      %sign3A_394 = arith.cmpi slt, %scan3A_383, %sign3A_393 : i32
      %sign3A_395 = arith.extui %sign3A_394 : i1 to i32
      %sign3A_396 = arith.subi %sign3A_392, %sign3A_395 : i32
      %sign3A_397 = arith.constant 0 : i32
      %sign3A_398 = arith.cmpi sgt, %jit3A, %sign3A_397 : i32
      %sign3A_399 = arith.extui %sign3A_398 : i1 to i32
      %sign3A_400 = arith.constant 0 : i32
      %sign3A_401 = arith.cmpi slt, %jit3A, %sign3A_400 : i32
      %sign3A_402 = arith.extui %sign3A_401 : i1 to i32
      %sign3A_403 = arith.subi %sign3A_399, %sign3A_402 : i32
      %ne3A = arith.cmpi ne, %sign3A_396, %sign3A_403 : i32
      %rem3A_404 = arith.remsi %scan3A_383, %jit3A : i32
      %ne3A_405 = arith.constant 0 : i32
      %ne3A_406 = arith.cmpi ne, %rem3A_404, %ne3A_405 : i32
      %and3A = arith.andi %ne3A, %ne3A_406 : i1
      %sub3A_407 = arith.constant 1 : i32
      %sub3A_408 = arith.subi %div3A, %sub3A_407 : i32
      %select_n3A = arith.select %and3A, %sub3A_408, %div3A : i32
      %rem3A_409 = arith.constant 2 : i32
      %rem3A_410 = arith.remsi %select_n3A, %rem3A_409 : i32
      %add3A_411 = arith.constant 0 : i32
      %add3A_412 = arith.addi %mul3A_387, %add3A_411 : i32
      %add3A_413 = arith.constant 0 : i32
      %add3A_414 = arith.addi %mul3A_387, %add3A_413 : i32
      %dma_wait3A = arith.constant 0 : i32
      %dma_wait3A_415 = arith.constant 0 : i32
      %dma_wait3A_416 = tpu.memref_slice %arg9[%add3A_414, %dma_wait3A, %dma_wait3A_415] : memref<4x128x32xf32, #tpu.memory_space<vmem>> -> memref<1x128x32xf32, #tpu.memory_space<vmem>>
      %dma_wait3A_417 = tpu.memref_squeeze %dma_wait3A_416 : memref<1x128x32xf32, #tpu.memory_space<vmem>> -> memref<128x32xf32, #tpu.memory_space<vmem>>
      %dma_wait3A_418 = arith.constant 0 : i32
      %dma_wait3A_419 = tpu.memref_slice %arg8[%add3A_412, %dma_wait3A_418] : memref<4x128xi32, #tpu.memory_space<vmem>> -> memref<1x128xi32, #tpu.memory_space<vmem>>
      %dma_wait3A_420 = tpu.memref_squeeze %dma_wait3A_419 : memref<1x128xi32, #tpu.memory_space<vmem>> -> memref<128xi32, #tpu.memory_space<vmem>>
      %dma_wait3A_421 = arith.constant 0 : i32
      %dma_wait3A_422 = arith.constant 0 : i32
      %dma_wait3A_423 = tpu.memref_slice %arg2[%dma_wait3A_421, %dma_wait3A_422] : memref<100352x32xf32, #tpu.memory_space<hbm>> -> memref<100352x32xf32, #tpu.memory_space<hbm>>
      tpu.wait_indirect_dma semaphore(%arg12 : memref<!tpu.dma_semaphore, #tpu.memory_space<semaphore_mem>>) src(%dma_wait3A_423 : memref<100352x32xf32, #tpu.memory_space<hbm>>) dst(%dma_wait3A_417 : memref<128x32xf32, #tpu.memory_space<vmem>>)
      %add3A_424 = arith.constant 1 : i32
      %add3A_425 = arith.addi %mul3A_387, %add3A_424 : i32
      %add3A_426 = arith.constant 1 : i32
      %add3A_427 = arith.addi %mul3A_387, %add3A_426 : i32
      %dma_wait3A_428 = arith.constant 0 : i32
      %dma_wait3A_429 = arith.constant 0 : i32
      %dma_wait3A_430 = tpu.memref_slice %arg9[%add3A_427, %dma_wait3A_428, %dma_wait3A_429] : memref<4x128x32xf32, #tpu.memory_space<vmem>> -> memref<1x128x32xf32, #tpu.memory_space<vmem>>
      %dma_wait3A_431 = tpu.memref_squeeze %dma_wait3A_430 : memref<1x128x32xf32, #tpu.memory_space<vmem>> -> memref<128x32xf32, #tpu.memory_space<vmem>>
      %dma_wait3A_432 = arith.constant 0 : i32
      %dma_wait3A_433 = tpu.memref_slice %arg8[%add3A_425, %dma_wait3A_432] : memref<4x128xi32, #tpu.memory_space<vmem>> -> memref<1x128xi32, #tpu.memory_space<vmem>>
      %dma_wait3A_434 = tpu.memref_squeeze %dma_wait3A_433 : memref<1x128xi32, #tpu.memory_space<vmem>> -> memref<128xi32, #tpu.memory_space<vmem>>
      %dma_wait3A_435 = arith.constant 0 : i32
      %dma_wait3A_436 = arith.constant 0 : i32
      %dma_wait3A_437 = tpu.memref_slice %arg2[%dma_wait3A_435, %dma_wait3A_436] : memref<100352x32xf32, #tpu.memory_space<hbm>> -> memref<100352x32xf32, #tpu.memory_space<hbm>>
      tpu.wait_indirect_dma semaphore(%arg12 : memref<!tpu.dma_semaphore, #tpu.memory_space<semaphore_mem>>) src(%dma_wait3A_437 : memref<100352x32xf32, #tpu.memory_space<hbm>>) dst(%dma_wait3A_431 : memref<128x32xf32, #tpu.memory_space<vmem>>)
      %eq3A = arith.constant 3 : i32
      %eq3A_438 = arith.cmpi eq, %rem3A_390, %eq3A : i32
      %lt3A = arith.constant 199 : i32
      %lt3A_439 = arith.cmpi slt, %scan3A_383, %lt3A : i32
      %and3A_440 = arith.andi %eq3A_438, %lt3A_439 : i1
      %convert_element_type3A = arith.extui %and3A_440 : i1 to i32
      %cond3A = arith.constant 0 : i32
      %cond3A_441 = arith.cmpi ne, %convert_element_type3A, %cond3A : i32
      scf.if %cond3A_441 {
        %dma_wait3A_514 = arith.constant 0 : i32
        %dma_wait3A_515 = arith.constant 0 : i32
        %dma_wait3A_516 = tpu.memref_slice %arg6[%dma_wait3A_514, %dma_wait3A_515] : memref<16x128xi32, #tpu.memory_space<vmem>> -> memref<8x128xi32, #tpu.memory_space<vmem>>
        %dma_wait3A_517 = arith.constant 0 : i32
        %dma_wait3A_518 = tpu.memref_slice %arg3[%mul3A_0, %dma_wait3A_517] : memref<6400x128xi32, #tpu.memory_space<hbm>> -> memref<8x128xi32, #tpu.memory_space<hbm>>
        %dma_wait3A_519 = arith.constant 0 : i32
        %dma_wait3A_520 = arith.constant 0 : i32
        %dma_wait3A_521 = tpu.memref_slice %arg6[%dma_wait3A_519, %dma_wait3A_520] : memref<16x128xi32, #tpu.memory_space<vmem>> -> memref<8x128xi32, #tpu.memory_space<vmem>>
        %dma_wait3A_522 = arith.constant 0 : i32
        %dma_wait3A_523 = tpu.memref_slice %arg3[%mul3A_0, %dma_wait3A_522] : memref<6400x128xi32, #tpu.memory_space<hbm>> -> memref<8x128xi32, #tpu.memory_space<hbm>>
        tpu.wait_dma2 semaphore(%arg14 : memref<!tpu.dma_semaphore, #tpu.memory_space<semaphore_mem>>) src(%dma_wait3A_523 : memref<8x128xi32, #tpu.memory_space<hbm>>) dst(%dma_wait3A_521 : memref<8x128xi32, #tpu.memory_space<vmem>>)
        %dma_wait3A_524 = arith.constant 0 : i32
        %dma_wait3A_525 = arith.constant 0 : i32
        %dma_wait3A_526 = tpu.memref_slice %arg7[%dma_wait3A_524, %dma_wait3A_525] : memref<16x128xi32, #tpu.memory_space<vmem>> -> memref<8x128xi32, #tpu.memory_space<vmem>>
        %dma_wait3A_527 = arith.constant 0 : i32
        %dma_wait3A_528 = tpu.memref_slice %arg4[%mul3A_0, %dma_wait3A_527] : memref<6400x128xi32, #tpu.memory_space<hbm>> -> memref<8x128xi32, #tpu.memory_space<hbm>>
        %dma_wait3A_529 = arith.constant 0 : i32
        %dma_wait3A_530 = arith.constant 0 : i32
        %dma_wait3A_531 = tpu.memref_slice %arg7[%dma_wait3A_529, %dma_wait3A_530] : memref<16x128xi32, #tpu.memory_space<vmem>> -> memref<8x128xi32, #tpu.memory_space<vmem>>
        %dma_wait3A_532 = arith.constant 0 : i32
        %dma_wait3A_533 = tpu.memref_slice %arg4[%mul3A_0, %dma_wait3A_532] : memref<6400x128xi32, #tpu.memory_space<hbm>> -> memref<8x128xi32, #tpu.memory_space<hbm>>
        tpu.wait_dma2 semaphore(%arg14 : memref<!tpu.dma_semaphore, #tpu.memory_space<semaphore_mem>>) src(%dma_wait3A_533 : memref<8x128xi32, #tpu.memory_space<hbm>>) dst(%dma_wait3A_531 : memref<8x128xi32, #tpu.memory_space<vmem>>)
      } else {
      }
      %lt3A_442 = arith.constant 199 : i32
      %lt3A_443 = arith.cmpi slt, %scan3A_383, %lt3A_442 : i32
      %convert_element_type3A_444 = arith.extui %lt3A_443 : i1 to i32
      %cond3A_445 = arith.constant 0 : i32
      %cond3A_446 = arith.cmpi ne, %convert_element_type3A_444, %cond3A_445 : i32
      scf.if %cond3A_446 {
        %add3A_514 = arith.constant 1 : i32
        %add3A_515 = arith.addi %scan3A_383, %add3A_514 : i32
        %mul3A_516 = arith.constant 2 : i32
        %mul3A_517 = arith.muli %add3A_515, %mul3A_516 : i32
        %add3A_518 = arith.constant 0 : i32
        %add3A_519 = arith.addi %mul3A_517, %add3A_518 : i32
        %rem3A_520 = arith.constant 16 : i32
        %rem3A_521 = arith.remsi %add3A_519, %rem3A_520 : i32
        %get3A_522 = arith.index_cast %rem3A_521 : i32 to index
        %get3A_523 = arith.constant 0 : index
        %get3A_524 = tpu.vector_load %arg6[%get3A_522, %get3A_523] {strides = array<i32>} : memref<16x128xi32, #tpu.memory_space<vmem>>, vector<1x16xi32>,
        %get3A_525 = vector.shape_cast %get3A_524 : vector<1x16xi32> to vector<16xi32>
        %mul3A_526 = arith.constant 2 : i32
        %mul3A_527 = vector.broadcast %mul3A_526 : i32 to vector<16xi32>
        %mul3A_528 = arith.muli %get3A_525, %mul3A_527 : vector<16xi32>
        %add3A_529 = vector.broadcast %arg0 : i32 to vector<16xi32>
        %add3A_530 = arith.addi %mul3A_528, %add3A_529 : vector<16xi32>
        %add3A_531 = arith.constant 0 : i32
        %add3A_532 = arith.addi %sub3A_388, %add3A_531 : i32
        %swap3A_533 = arith.index_cast %add3A_532 : i32 to index
        %swap3A_534 = arith.constant 0 : index
        %swap3A_535 = tpu.vector_load %arg8[%swap3A_533, %swap3A_534] {strides = array<i32>} : memref<4x128xi32, #tpu.memory_space<vmem>>, vector<1x16xi32>,
        %swap3A_536 = vector.shape_cast %swap3A_535 : vector<1x16xi32> to vector<16xi32>
        %swap3A_537 = vector.shape_cast %add3A_530 : vector<16xi32> to vector<1x16xi32>
        tpu.vector_store %arg8[%swap3A_533, %swap3A_534], %swap3A_537 {strides = array<i32>} : memref<4x128xi32, #tpu.memory_space<vmem>>, vector<1x16xi32>,
        %get3A_538 = arith.index_cast %rem3A_521 : i32 to index
        %get3A_539 = arith.constant 16 : index
        %get3A_540 = tpu.vector_load %arg6[%get3A_538, %get3A_539] {strides = array<i32>} : memref<16x128xi32, #tpu.memory_space<vmem>>, vector<1x16xi32>,
        %get3A_541 = vector.shape_cast %get3A_540 : vector<1x16xi32> to vector<16xi32>
        %mul3A_542 = arith.constant 2 : i32
        %mul3A_543 = vector.broadcast %mul3A_542 : i32 to vector<16xi32>
        %mul3A_544 = arith.muli %get3A_541, %mul3A_543 : vector<16xi32>
        %add3A_545 = vector.broadcast %arg0 : i32 to vector<16xi32>
        %add3A_546 = arith.addi %mul3A_544, %add3A_545 : vector<16xi32>
        %add3A_547 = arith.constant 0 : i32
        %add3A_548 = arith.addi %sub3A_388, %add3A_547 : i32
        %swap3A_549 = arith.index_cast %add3A_548 : i32 to index
        %swap3A_550 = arith.constant 16 : index
        %swap3A_551 = tpu.vector_load %arg8[%swap3A_549, %swap3A_550] {strides = array<i32>} : memref<4x128xi32, #tpu.memory_space<vmem>>, vector<1x16xi32>,
        %swap3A_552 = vector.shape_cast %swap3A_551 : vector<1x16xi32> to vector<16xi32>
        %swap3A_553 = vector.shape_cast %add3A_546 : vector<16xi32> to vector<1x16xi32>
        tpu.vector_store %arg8[%swap3A_549, %swap3A_550], %swap3A_553 {strides = array<i32>} : memref<4x128xi32, #tpu.memory_space<vmem>>, vector<1x16xi32>,
        %get3A_554 = arith.index_cast %rem3A_521 : i32 to index
        %get3A_555 = arith.constant 32 : index
        %get3A_556 = tpu.vector_load %arg6[%get3A_554, %get3A_555] {strides = array<i32>} : memref<16x128xi32, #tpu.memory_space<vmem>>, vector<1x16xi32>,
        %get3A_557 = vector.shape_cast %get3A_556 : vector<1x16xi32> to vector<16xi32>
        %mul3A_558 = arith.constant 2 : i32
        %mul3A_559 = vector.broadcast %mul3A_558 : i32 to vector<16xi32>
        %mul3A_560 = arith.muli %get3A_557, %mul3A_559 : vector<16xi32>
        %add3A_561 = vector.broadcast %arg0 : i32 to vector<16xi32>
        %add3A_562 = arith.addi %mul3A_560, %add3A_561 : vector<16xi32>
        %add3A_563 = arith.constant 0 : i32
        %add3A_564 = arith.addi %sub3A_388, %add3A_563 : i32
        %swap3A_565 = arith.index_cast %add3A_564 : i32 to index
        %swap3A_566 = arith.constant 32 : index
        %swap3A_567 = tpu.vector_load %arg8[%swap3A_565, %swap3A_566] {strides = array<i32>} : memref<4x128xi32, #tpu.memory_space<vmem>>, vector<1x16xi32>,
        %swap3A_568 = vector.shape_cast %swap3A_567 : vector<1x16xi32> to vector<16xi32>
        %swap3A_569 = vector.shape_cast %add3A_562 : vector<16xi32> to vector<1x16xi32>
        tpu.vector_store %arg8[%swap3A_565, %swap3A_566], %swap3A_569 {strides = array<i32>} : memref<4x128xi32, #tpu.memory_space<vmem>>, vector<1x16xi32>,
        %get3A_570 = arith.index_cast %rem3A_521 : i32 to index
        %get3A_571 = arith.constant 48 : index
        %get3A_572 = tpu.vector_load %arg6[%get3A_570, %get3A_571] {strides = array<i32>} : memref<16x128xi32, #tpu.memory_space<vmem>>, vector<1x16xi32>,
        %get3A_573 = vector.shape_cast %get3A_572 : vector<1x16xi32> to vector<16xi32>
        %mul3A_574 = arith.constant 2 : i32
        %mul3A_575 = vector.broadcast %mul3A_574 : i32 to vector<16xi32>
        %mul3A_576 = arith.muli %get3A_573, %mul3A_575 : vector<16xi32>
        %add3A_577 = vector.broadcast %arg0 : i32 to vector<16xi32>
        %add3A_578 = arith.addi %mul3A_576, %add3A_577 : vector<16xi32>
        %add3A_579 = arith.constant 0 : i32
        %add3A_580 = arith.addi %sub3A_388, %add3A_579 : i32
        %swap3A_581 = arith.index_cast %add3A_580 : i32 to index
        %swap3A_582 = arith.constant 48 : index
        %swap3A_583 = tpu.vector_load %arg8[%swap3A_581, %swap3A_582] {strides = array<i32>} : memref<4x128xi32, #tpu.memory_space<vmem>>, vector<1x16xi32>,
        %swap3A_584 = vector.shape_cast %swap3A_583 : vector<1x16xi32> to vector<16xi32>
        %swap3A_585 = vector.shape_cast %add3A_578 : vector<16xi32> to vector<1x16xi32>
        tpu.vector_store %arg8[%swap3A_581, %swap3A_582], %swap3A_585 {strides = array<i32>} : memref<4x128xi32, #tpu.memory_space<vmem>>, vector<1x16xi32>,
        %get3A_586 = arith.index_cast %rem3A_521 : i32 to index
        %get3A_587 = arith.constant 64 : index
        %get3A_588 = tpu.vector_load %arg6[%get3A_586, %get3A_587] {strides = array<i32>} : memref<16x128xi32, #tpu.memory_space<vmem>>, vector<1x16xi32>,
        %get3A_589 = vector.shape_cast %get3A_588 : vector<1x16xi32> to vector<16xi32>
        %mul3A_590 = arith.constant 2 : i32
        %mul3A_591 = vector.broadcast %mul3A_590 : i32 to vector<16xi32>
        %mul3A_592 = arith.muli %get3A_589, %mul3A_591 : vector<16xi32>
        %add3A_593 = vector.broadcast %arg0 : i32 to vector<16xi32>
        %add3A_594 = arith.addi %mul3A_592, %add3A_593 : vector<16xi32>
        %add3A_595 = arith.constant 0 : i32
        %add3A_596 = arith.addi %sub3A_388, %add3A_595 : i32
        %swap3A_597 = arith.index_cast %add3A_596 : i32 to index
        %swap3A_598 = arith.constant 64 : index
        %swap3A_599 = tpu.vector_load %arg8[%swap3A_597, %swap3A_598] {strides = array<i32>} : memref<4x128xi32, #tpu.memory_space<vmem>>, vector<1x16xi32>,
        %swap3A_600 = vector.shape_cast %swap3A_599 : vector<1x16xi32> to vector<16xi32>
        %swap3A_601 = vector.shape_cast %add3A_594 : vector<16xi32> to vector<1x16xi32>
        tpu.vector_store %arg8[%swap3A_597, %swap3A_598], %swap3A_601 {strides = array<i32>} : memref<4x128xi32, #tpu.memory_space<vmem>>, vector<1x16xi32>,
        %get3A_602 = arith.index_cast %rem3A_521 : i32 to index
        %get3A_603 = arith.constant 80 : index
        %get3A_604 = tpu.vector_load %arg6[%get3A_602, %get3A_603] {strides = array<i32>} : memref<16x128xi32, #tpu.memory_space<vmem>>, vector<1x16xi32>,
        %get3A_605 = vector.shape_cast %get3A_604 : vector<1x16xi32> to vector<16xi32>
        %mul3A_606 = arith.constant 2 : i32
        %mul3A_607 = vector.broadcast %mul3A_606 : i32 to vector<16xi32>
        %mul3A_608 = arith.muli %get3A_605, %mul3A_607 : vector<16xi32>
        %add3A_609 = vector.broadcast %arg0 : i32 to vector<16xi32>
        %add3A_610 = arith.addi %mul3A_608, %add3A_609 : vector<16xi32>
        %add3A_611 = arith.constant 0 : i32
        %add3A_612 = arith.addi %sub3A_388, %add3A_611 : i32
        %swap3A_613 = arith.index_cast %add3A_612 : i32 to index
        %swap3A_614 = arith.constant 80 : index
        %swap3A_615 = tpu.vector_load %arg8[%swap3A_613, %swap3A_614] {strides = array<i32>} : memref<4x128xi32, #tpu.memory_space<vmem>>, vector<1x16xi32>,
        %swap3A_616 = vector.shape_cast %swap3A_615 : vector<1x16xi32> to vector<16xi32>
        %swap3A_617 = vector.shape_cast %add3A_610 : vector<16xi32> to vector<1x16xi32>
        tpu.vector_store %arg8[%swap3A_613, %swap3A_614], %swap3A_617 {strides = array<i32>} : memref<4x128xi32, #tpu.memory_space<vmem>>, vector<1x16xi32>,
        %get3A_618 = arith.index_cast %rem3A_521 : i32 to index
        %get3A_619 = arith.constant 96 : index
        %get3A_620 = tpu.vector_load %arg6[%get3A_618, %get3A_619] {strides = array<i32>} : memref<16x128xi32, #tpu.memory_space<vmem>>, vector<1x16xi32>,
        %get3A_621 = vector.shape_cast %get3A_620 : vector<1x16xi32> to vector<16xi32>
        %mul3A_622 = arith.constant 2 : i32
        %mul3A_623 = vector.broadcast %mul3A_622 : i32 to vector<16xi32>
        %mul3A_624 = arith.muli %get3A_621, %mul3A_623 : vector<16xi32>
        %add3A_625 = vector.broadcast %arg0 : i32 to vector<16xi32>
        %add3A_626 = arith.addi %mul3A_624, %add3A_625 : vector<16xi32>
        %add3A_627 = arith.constant 0 : i32
        %add3A_628 = arith.addi %sub3A_388, %add3A_627 : i32
        %swap3A_629 = arith.index_cast %add3A_628 : i32 to index
        %swap3A_630 = arith.constant 96 : index
        %swap3A_631 = tpu.vector_load %arg8[%swap3A_629, %swap3A_630] {strides = array<i32>} : memref<4x128xi32, #tpu.memory_space<vmem>>, vector<1x16xi32>,
        %swap3A_632 = vector.shape_cast %swap3A_631 : vector<1x16xi32> to vector<16xi32>
        %swap3A_633 = vector.shape_cast %add3A_626 : vector<16xi32> to vector<1x16xi32>
        tpu.vector_store %arg8[%swap3A_629, %swap3A_630], %swap3A_633 {strides = array<i32>} : memref<4x128xi32, #tpu.memory_space<vmem>>, vector<1x16xi32>,
        %get3A_634 = arith.index_cast %rem3A_521 : i32 to index
        %get3A_635 = arith.constant 112 : index
        %get3A_636 = tpu.vector_load %arg6[%get3A_634, %get3A_635] {strides = array<i32>} : memref<16x128xi32, #tpu.memory_space<vmem>>, vector<1x16xi32>,
        %get3A_637 = vector.shape_cast %get3A_636 : vector<1x16xi32> to vector<16xi32>
        %mul3A_638 = arith.constant 2 : i32
        %mul3A_639 = vector.broadcast %mul3A_638 : i32 to vector<16xi32>
        %mul3A_640 = arith.muli %get3A_637, %mul3A_639 : vector<16xi32>
        %add3A_641 = vector.broadcast %arg0 : i32 to vector<16xi32>
        %add3A_642 = arith.addi %mul3A_640, %add3A_641 : vector<16xi32>
        %add3A_643 = arith.constant 0 : i32
        %add3A_644 = arith.addi %sub3A_388, %add3A_643 : i32
        %swap3A_645 = arith.index_cast %add3A_644 : i32 to index
        %swap3A_646 = arith.constant 112 : index
        %swap3A_647 = tpu.vector_load %arg8[%swap3A_645, %swap3A_646] {strides = array<i32>} : memref<4x128xi32, #tpu.memory_space<vmem>>, vector<1x16xi32>,
        %swap3A_648 = vector.shape_cast %swap3A_647 : vector<1x16xi32> to vector<16xi32>
        %swap3A_649 = vector.shape_cast %add3A_642 : vector<16xi32> to vector<1x16xi32>
        tpu.vector_store %arg8[%swap3A_645, %swap3A_646], %swap3A_649 {strides = array<i32>} : memref<4x128xi32, #tpu.memory_space<vmem>>, vector<1x16xi32>,
        %add3A_650 = arith.constant 1 : i32
        %add3A_651 = arith.addi %scan3A_383, %add3A_650 : i32
        %mul3A_652 = arith.constant 2 : i32
        %mul3A_653 = arith.muli %add3A_651, %mul3A_652 : i32
        %add3A_654 = arith.constant 1 : i32
        %add3A_655 = arith.addi %mul3A_653, %add3A_654 : i32
        %rem3A_656 = arith.constant 16 : i32
        %rem3A_657 = arith.remsi %add3A_655, %rem3A_656 : i32
        %get3A_658 = arith.index_cast %rem3A_657 : i32 to index
        %get3A_659 = arith.constant 0 : index
        %get3A_660 = tpu.vector_load %arg6[%get3A_658, %get3A_659] {strides = array<i32>} : memref<16x128xi32, #tpu.memory_space<vmem>>, vector<1x16xi32>,
        %get3A_661 = vector.shape_cast %get3A_660 : vector<1x16xi32> to vector<16xi32>
        %mul3A_662 = arith.constant 2 : i32
        %mul3A_663 = vector.broadcast %mul3A_662 : i32 to vector<16xi32>
        %mul3A_664 = arith.muli %get3A_661, %mul3A_663 : vector<16xi32>
        %add3A_665 = vector.broadcast %arg0 : i32 to vector<16xi32>
        %add3A_666 = arith.addi %mul3A_664, %add3A_665 : vector<16xi32>
        %add3A_667 = arith.constant 1 : i32
        %add3A_668 = arith.addi %sub3A_388, %add3A_667 : i32
        %swap3A_669 = arith.index_cast %add3A_668 : i32 to index
        %swap3A_670 = arith.constant 0 : index
        %swap3A_671 = tpu.vector_load %arg8[%swap3A_669, %swap3A_670] {strides = array<i32>} : memref<4x128xi32, #tpu.memory_space<vmem>>, vector<1x16xi32>,
        %swap3A_672 = vector.shape_cast %swap3A_671 : vector<1x16xi32> to vector<16xi32>
        %swap3A_673 = vector.shape_cast %add3A_666 : vector<16xi32> to vector<1x16xi32>
        tpu.vector_store %arg8[%swap3A_669, %swap3A_670], %swap3A_673 {strides = array<i32>} : memref<4x128xi32, #tpu.memory_space<vmem>>, vector<1x16xi32>,
        %get3A_674 = arith.index_cast %rem3A_657 : i32 to index
        %get3A_675 = arith.constant 16 : index
        %get3A_676 = tpu.vector_load %arg6[%get3A_674, %get3A_675] {strides = array<i32>} : memref<16x128xi32, #tpu.memory_space<vmem>>, vector<1x16xi32>,
        %get3A_677 = vector.shape_cast %get3A_676 : vector<1x16xi32> to vector<16xi32>
        %mul3A_678 = arith.constant 2 : i32
        %mul3A_679 = vector.broadcast %mul3A_678 : i32 to vector<16xi32>
        %mul3A_680 = arith.muli %get3A_677, %mul3A_679 : vector<16xi32>
        %add3A_681 = vector.broadcast %arg0 : i32 to vector<16xi32>
        %add3A_682 = arith.addi %mul3A_680, %add3A_681 : vector<16xi32>
        %add3A_683 = arith.constant 1 : i32
        %add3A_684 = arith.addi %sub3A_388, %add3A_683 : i32
        %swap3A_685 = arith.index_cast %add3A_684 : i32 to index
        %swap3A_686 = arith.constant 16 : index
        %swap3A_687 = tpu.vector_load %arg8[%swap3A_685, %swap3A_686] {strides = array<i32>} : memref<4x128xi32, #tpu.memory_space<vmem>>, vector<1x16xi32>,
        %swap3A_688 = vector.shape_cast %swap3A_687 : vector<1x16xi32> to vector<16xi32>
        %swap3A_689 = vector.shape_cast %add3A_682 : vector<16xi32> to vector<1x16xi32>
        tpu.vector_store %arg8[%swap3A_685, %swap3A_686], %swap3A_689 {strides = array<i32>} : memref<4x128xi32, #tpu.memory_space<vmem>>, vector<1x16xi32>,
        %get3A_690 = arith.index_cast %rem3A_657 : i32 to index
        %get3A_691 = arith.constant 32 : index
        %get3A_692 = tpu.vector_load %arg6[%get3A_690, %get3A_691] {strides = array<i32>} : memref<16x128xi32, #tpu.memory_space<vmem>>, vector<1x16xi32>,
        %get3A_693 = vector.shape_cast %get3A_692 : vector<1x16xi32> to vector<16xi32>
        %mul3A_694 = arith.constant 2 : i32
        %mul3A_695 = vector.broadcast %mul3A_694 : i32 to vector<16xi32>
        %mul3A_696 = arith.muli %get3A_693, %mul3A_695 : vector<16xi32>
        %add3A_697 = vector.broadcast %arg0 : i32 to vector<16xi32>
        %add3A_698 = arith.addi %mul3A_696, %add3A_697 : vector<16xi32>
        %add3A_699 = arith.constant 1 : i32
        %add3A_700 = arith.addi %sub3A_388, %add3A_699 : i32
        %swap3A_701 = arith.index_cast %add3A_700 : i32 to index
        %swap3A_702 = arith.constant 32 : index
        %swap3A_703 = tpu.vector_load %arg8[%swap3A_701, %swap3A_702] {strides = array<i32>} : memref<4x128xi32, #tpu.memory_space<vmem>>, vector<1x16xi32>,
        %swap3A_704 = vector.shape_cast %swap3A_703 : vector<1x16xi32> to vector<16xi32>
        %swap3A_705 = vector.shape_cast %add3A_698 : vector<16xi32> to vector<1x16xi32>
        tpu.vector_store %arg8[%swap3A_701, %swap3A_702], %swap3A_705 {strides = array<i32>} : memref<4x128xi32, #tpu.memory_space<vmem>>, vector<1x16xi32>,
        %get3A_706 = arith.index_cast %rem3A_657 : i32 to index
        %get3A_707 = arith.constant 48 : index
        %get3A_708 = tpu.vector_load %arg6[%get3A_706, %get3A_707] {strides = array<i32>} : memref<16x128xi32, #tpu.memory_space<vmem>>, vector<1x16xi32>,
        %get3A_709 = vector.shape_cast %get3A_708 : vector<1x16xi32> to vector<16xi32>
        %mul3A_710 = arith.constant 2 : i32
        %mul3A_711 = vector.broadcast %mul3A_710 : i32 to vector<16xi32>
        %mul3A_712 = arith.muli %get3A_709, %mul3A_711 : vector<16xi32>
        %add3A_713 = vector.broadcast %arg0 : i32 to vector<16xi32>
        %add3A_714 = arith.addi %mul3A_712, %add3A_713 : vector<16xi32>
        %add3A_715 = arith.constant 1 : i32
        %add3A_716 = arith.addi %sub3A_388, %add3A_715 : i32
        %swap3A_717 = arith.index_cast %add3A_716 : i32 to index
        %swap3A_718 = arith.constant 48 : index
        %swap3A_719 = tpu.vector_load %arg8[%swap3A_717, %swap3A_718] {strides = array<i32>} : memref<4x128xi32, #tpu.memory_space<vmem>>, vector<1x16xi32>,
        %swap3A_720 = vector.shape_cast %swap3A_719 : vector<1x16xi32> to vector<16xi32>
        %swap3A_721 = vector.shape_cast %add3A_714 : vector<16xi32> to vector<1x16xi32>
        tpu.vector_store %arg8[%swap3A_717, %swap3A_718], %swap3A_721 {strides = array<i32>} : memref<4x128xi32, #tpu.memory_space<vmem>>, vector<1x16xi32>,
        %get3A_722 = arith.index_cast %rem3A_657 : i32 to index
        %get3A_723 = arith.constant 64 : index
        %get3A_724 = tpu.vector_load %arg6[%get3A_722, %get3A_723] {strides = array<i32>} : memref<16x128xi32, #tpu.memory_space<vmem>>, vector<1x16xi32>,
        %get3A_725 = vector.shape_cast %get3A_724 : vector<1x16xi32> to vector<16xi32>
        %mul3A_726 = arith.constant 2 : i32
        %mul3A_727 = vector.broadcast %mul3A_726 : i32 to vector<16xi32>
        %mul3A_728 = arith.muli %get3A_725, %mul3A_727 : vector<16xi32>
        %add3A_729 = vector.broadcast %arg0 : i32 to vector<16xi32>
        %add3A_730 = arith.addi %mul3A_728, %add3A_729 : vector<16xi32>
        %add3A_731 = arith.constant 1 : i32
        %add3A_732 = arith.addi %sub3A_388, %add3A_731 : i32
        %swap3A_733 = arith.index_cast %add3A_732 : i32 to index
        %swap3A_734 = arith.constant 64 : index
        %swap3A_735 = tpu.vector_load %arg8[%swap3A_733, %swap3A_734] {strides = array<i32>} : memref<4x128xi32, #tpu.memory_space<vmem>>, vector<1x16xi32>,
        %swap3A_736 = vector.shape_cast %swap3A_735 : vector<1x16xi32> to vector<16xi32>
        %swap3A_737 = vector.shape_cast %add3A_730 : vector<16xi32> to vector<1x16xi32>
        tpu.vector_store %arg8[%swap3A_733, %swap3A_734], %swap3A_737 {strides = array<i32>} : memref<4x128xi32, #tpu.memory_space<vmem>>, vector<1x16xi32>,
        %get3A_738 = arith.index_cast %rem3A_657 : i32 to index
        %get3A_739 = arith.constant 80 : index
        %get3A_740 = tpu.vector_load %arg6[%get3A_738, %get3A_739] {strides = array<i32>} : memref<16x128xi32, #tpu.memory_space<vmem>>, vector<1x16xi32>,
        %get3A_741 = vector.shape_cast %get3A_740 : vector<1x16xi32> to vector<16xi32>
        %mul3A_742 = arith.constant 2 : i32
        %mul3A_743 = vector.broadcast %mul3A_742 : i32 to vector<16xi32>
        %mul3A_744 = arith.muli %get3A_741, %mul3A_743 : vector<16xi32>
        %add3A_745 = vector.broadcast %arg0 : i32 to vector<16xi32>
        %add3A_746 = arith.addi %mul3A_744, %add3A_745 : vector<16xi32>
        %add3A_747 = arith.constant 1 : i32
        %add3A_748 = arith.addi %sub3A_388, %add3A_747 : i32
        %swap3A_749 = arith.index_cast %add3A_748 : i32 to index
        %swap3A_750 = arith.constant 80 : index
        %swap3A_751 = tpu.vector_load %arg8[%swap3A_749, %swap3A_750] {strides = array<i32>} : memref<4x128xi32, #tpu.memory_space<vmem>>, vector<1x16xi32>,
        %swap3A_752 = vector.shape_cast %swap3A_751 : vector<1x16xi32> to vector<16xi32>
        %swap3A_753 = vector.shape_cast %add3A_746 : vector<16xi32> to vector<1x16xi32>
        tpu.vector_store %arg8[%swap3A_749, %swap3A_750], %swap3A_753 {strides = array<i32>} : memref<4x128xi32, #tpu.memory_space<vmem>>, vector<1x16xi32>,
        %get3A_754 = arith.index_cast %rem3A_657 : i32 to index
        %get3A_755 = arith.constant 96 : index
        %get3A_756 = tpu.vector_load %arg6[%get3A_754, %get3A_755] {strides = array<i32>} : memref<16x128xi32, #tpu.memory_space<vmem>>, vector<1x16xi32>,
        %get3A_757 = vector.shape_cast %get3A_756 : vector<1x16xi32> to vector<16xi32>
        %mul3A_758 = arith.constant 2 : i32
        %mul3A_759 = vector.broadcast %mul3A_758 : i32 to vector<16xi32>
        %mul3A_760 = arith.muli %get3A_757, %mul3A_759 : vector<16xi32>
        %add3A_761 = vector.broadcast %arg0 : i32 to vector<16xi32>
        %add3A_762 = arith.addi %mul3A_760, %add3A_761 : vector<16xi32>
        %add3A_763 = arith.constant 1 : i32
        %add3A_764 = arith.addi %sub3A_388, %add3A_763 : i32
        %swap3A_765 = arith.index_cast %add3A_764 : i32 to index
        %swap3A_766 = arith.constant 96 : index
        %swap3A_767 = tpu.vector_load %arg8[%swap3A_765, %swap3A_766] {strides = array<i32>} : memref<4x128xi32, #tpu.memory_space<vmem>>, vector<1x16xi32>,
        %swap3A_768 = vector.shape_cast %swap3A_767 : vector<1x16xi32> to vector<16xi32>
        %swap3A_769 = vector.shape_cast %add3A_762 : vector<16xi32> to vector<1x16xi32>
        tpu.vector_store %arg8[%swap3A_765, %swap3A_766], %swap3A_769 {strides = array<i32>} : memref<4x128xi32, #tpu.memory_space<vmem>>, vector<1x16xi32>,
        %get3A_770 = arith.index_cast %rem3A_657 : i32 to index
        %get3A_771 = arith.constant 112 : index
        %get3A_772 = tpu.vector_load %arg6[%get3A_770, %get3A_771] {strides = array<i32>} : memref<16x128xi32, #tpu.memory_space<vmem>>, vector<1x16xi32>,
        %get3A_773 = vector.shape_cast %get3A_772 : vector<1x16xi32> to vector<16xi32>
        %mul3A_774 = arith.constant 2 : i32
        %mul3A_775 = vector.broadcast %mul3A_774 : i32 to vector<16xi32>
        %mul3A_776 = arith.muli %get3A_773, %mul3A_775 : vector<16xi32>
        %add3A_777 = vector.broadcast %arg0 : i32 to vector<16xi32>
        %add3A_778 = arith.addi %mul3A_776, %add3A_777 : vector<16xi32>
        %add3A_779 = arith.constant 1 : i32
        %add3A_780 = arith.addi %sub3A_388, %add3A_779 : i32
        %swap3A_781 = arith.index_cast %add3A_780 : i32 to index
        %swap3A_782 = arith.constant 112 : index
        %swap3A_783 = tpu.vector_load %arg8[%swap3A_781, %swap3A_782] {strides = array<i32>} : memref<4x128xi32, #tpu.memory_space<vmem>>, vector<1x16xi32>,
        %swap3A_784 = vector.shape_cast %swap3A_783 : vector<1x16xi32> to vector<16xi32>
        %swap3A_785 = vector.shape_cast %add3A_778 : vector<16xi32> to vector<1x16xi32>
        tpu.vector_store %arg8[%swap3A_781, %swap3A_782], %swap3A_785 {strides = array<i32>} : memref<4x128xi32, #tpu.memory_space<vmem>>, vector<1x16xi32>,
        %add3A_786 = arith.constant 0 : i32
        %add3A_787 = arith.addi %sub3A_388, %add3A_786 : i32
        %add3A_788 = arith.constant 0 : i32
        %add3A_789 = arith.addi %sub3A_388, %add3A_788 : i32
        %dma_start3A_790 = arith.constant 0 : i32
        %dma_start3A_791 = arith.constant 0 : i32
        %dma_start3A_792 = tpu.memref_slice %arg9[%add3A_789, %dma_start3A_790, %dma_start3A_791] : memref<4x128x32xf32, #tpu.memory_space<vmem>> -> memref<1x128x32xf32, #tpu.memory_space<vmem>>
        %dma_start3A_793 = tpu.memref_squeeze %dma_start3A_792 : memref<1x128x32xf32, #tpu.memory_space<vmem>> -> memref<128x32xf32, #tpu.memory_space<vmem>>
        %dma_start3A_794 = arith.constant 0 : i32
        %dma_start3A_795 = tpu.memref_slice %arg8[%add3A_787, %dma_start3A_794] : memref<4x128xi32, #tpu.memory_space<vmem>> -> memref<1x128xi32, #tpu.memory_space<vmem>>
        %dma_start3A_796 = tpu.memref_squeeze %dma_start3A_795 : memref<1x128xi32, #tpu.memory_space<vmem>> -> memref<128xi32, #tpu.memory_space<vmem>>
        %dma_start3A_797 = arith.constant 0 : i32
        %dma_start3A_798 = arith.constant 0 : i32
        %dma_start3A_799 = tpu.memref_slice %arg2[%dma_start3A_797, %dma_start3A_798] : memref<100352x32xf32, #tpu.memory_space<hbm>> -> memref<100352x32xf32, #tpu.memory_space<hbm>>
        tpu.enqueue_indirect_dma source(%dma_start3A_799 : memref<100352x32xf32, #tpu.memory_space<hbm>>) target(%dma_start3A_793 : memref<128x32xf32, #tpu.memory_space<vmem>>) offsets(%dma_start3A_796 : memref<128xi32, #tpu.memory_space<vmem>>) semaphore(%arg12 : memref<!tpu.dma_semaphore, #tpu.memory_space<semaphore_mem>>)
        %add3A_800 = arith.constant 1 : i32
        %add3A_801 = arith.addi %sub3A_388, %add3A_800 : i32
        %add3A_802 = arith.constant 1 : i32
        %add3A_803 = arith.addi %sub3A_388, %add3A_802 : i32
        %dma_start3A_804 = arith.constant 0 : i32
        %dma_start3A_805 = arith.constant 0 : i32
        %dma_start3A_806 = tpu.memref_slice %arg9[%add3A_803, %dma_start3A_804, %dma_start3A_805] : memref<4x128x32xf32, #tpu.memory_space<vmem>> -> memref<1x128x32xf32, #tpu.memory_space<vmem>>
        %dma_start3A_807 = tpu.memref_squeeze %dma_start3A_806 : memref<1x128x32xf32, #tpu.memory_space<vmem>> -> memref<128x32xf32, #tpu.memory_space<vmem>>
        %dma_start3A_808 = arith.constant 0 : i32
        %dma_start3A_809 = tpu.memref_slice %arg8[%add3A_801, %dma_start3A_808] : memref<4x128xi32, #tpu.memory_space<vmem>> -> memref<1x128xi32, #tpu.memory_space<vmem>>
        %dma_start3A_810 = tpu.memref_squeeze %dma_start3A_809 : memref<1x128xi32, #tpu.memory_space<vmem>> -> memref<128xi32, #tpu.memory_space<vmem>>
        %dma_start3A_811 = arith.constant 0 : i32
        %dma_start3A_812 = arith.constant 0 : i32
        %dma_start3A_813 = tpu.memref_slice %arg2[%dma_start3A_811, %dma_start3A_812] : memref<100352x32xf32, #tpu.memory_space<hbm>> -> memref<100352x32xf32, #tpu.memory_space<hbm>>
        tpu.enqueue_indirect_dma source(%dma_start3A_813 : memref<100352x32xf32, #tpu.memory_space<hbm>>) target(%dma_start3A_807 : memref<128x32xf32, #tpu.memory_space<vmem>>) offsets(%dma_start3A_810 : memref<128xi32, #tpu.memory_space<vmem>>) semaphore(%arg12 : memref<!tpu.dma_semaphore, #tpu.memory_space<semaphore_mem>>)
      } else {
      }
      %mul3A_447 = arith.constant 2 : i32
      %mul3A_448 = arith.muli %scan3A_383, %mul3A_447 : i32
      %add3A_449 = arith.constant 0 : i32
      %add3A_450 = arith.addi %mul3A_448, %add3A_449 : i32
      %add3A_451 = arith.constant 0 : i32
      %add3A_452 = arith.addi %mul3A_387, %add3A_451 : i32
      %rem3A_453 = arith.constant 16 : i32
      %rem3A_454 = arith.remsi %add3A_450, %rem3A_453 : i32
      %dma_start3A_455 = arith.constant 0 : i32
      %dma_start3A_456 = arith.constant 0 : i32
      %dma_start3A_457 = tpu.memref_slice %arg9[%add3A_452, %dma_start3A_455, %dma_start3A_456] : memref<4x128x32xf32, #tpu.memory_space<vmem>> -> memref<1x128x32xf32, #tpu.memory_space<vmem>>
      %dma_start3A_458 = tpu.memref_squeeze %dma_start3A_457 : memref<1x128x32xf32, #tpu.memory_space<vmem>> -> memref<128x32xf32, #tpu.memory_space<vmem>>
      %dma_start3A_459 = arith.constant 0 : i32
      %dma_start3A_460 = tpu.memref_slice %arg7[%rem3A_454, %dma_start3A_459] : memref<16x128xi32, #tpu.memory_space<vmem>> -> memref<1x128xi32, #tpu.memory_space<vmem>>
      %dma_start3A_461 = tpu.memref_squeeze %dma_start3A_460 : memref<1x128xi32, #tpu.memory_space<vmem>> -> memref<128xi32, #tpu.memory_space<vmem>>
      %dma_start3A_462 = arith.constant 0 : i32
      %dma_start3A_463 = arith.constant 0 : i32
      %dma_start3A_464 = tpu.memref_slice %arg11[%dma_start3A_462, %dma_start3A_463] : memref<50176x32xf32, #tpu.memory_space<vmem_shared>> -> memref<50176x32xf32, #tpu.memory_space<vmem_shared>>
      tpu.enqueue_indirect_dma source(%dma_start3A_458 : memref<128x32xf32, #tpu.memory_space<vmem>>) target(%dma_start3A_464 : memref<50176x32xf32, #tpu.memory_space<vmem_shared>>) offsets(%dma_start3A_461 : memref<128xi32, #tpu.memory_space<vmem>>) semaphore(%arg13 : memref<!tpu.dma_semaphore, #tpu.memory_space<semaphore_mem>>) {add = true}
      %mul3A_465 = arith.constant 2 : i32
      %mul3A_466 = arith.muli %scan3A_383, %mul3A_465 : i32
      %add3A_467 = arith.constant 1 : i32
      %add3A_468 = arith.addi %mul3A_466, %add3A_467 : i32
      %add3A_469 = arith.constant 1 : i32
      %add3A_470 = arith.addi %mul3A_387, %add3A_469 : i32
      %rem3A_471 = arith.constant 16 : i32
      %rem3A_472 = arith.remsi %add3A_468, %rem3A_471 : i32
      %dma_start3A_473 = arith.constant 0 : i32
      %dma_start3A_474 = arith.constant 0 : i32
      %dma_start3A_475 = tpu.memref_slice %arg9[%add3A_470, %dma_start3A_473, %dma_start3A_474] : memref<4x128x32xf32, #tpu.memory_space<vmem>> -> memref<1x128x32xf32, #tpu.memory_space<vmem>>
      %dma_start3A_476 = tpu.memref_squeeze %dma_start3A_475 : memref<1x128x32xf32, #tpu.memory_space<vmem>> -> memref<128x32xf32, #tpu.memory_space<vmem>>
      %dma_start3A_477 = arith.constant 0 : i32
      %dma_start3A_478 = tpu.memref_slice %arg7[%rem3A_472, %dma_start3A_477] : memref<16x128xi32, #tpu.memory_space<vmem>> -> memref<1x128xi32, #tpu.memory_space<vmem>>
      %dma_start3A_479 = tpu.memref_squeeze %dma_start3A_478 : memref<1x128xi32, #tpu.memory_space<vmem>> -> memref<128xi32, #tpu.memory_space<vmem>>
      %dma_start3A_480 = arith.constant 0 : i32
      %dma_start3A_481 = arith.constant 0 : i32
      %dma_start3A_482 = tpu.memref_slice %arg11[%dma_start3A_480, %dma_start3A_481] : memref<50176x32xf32, #tpu.memory_space<vmem_shared>> -> memref<50176x32xf32, #tpu.memory_space<vmem_shared>>
      tpu.enqueue_indirect_dma source(%dma_start3A_476 : memref<128x32xf32, #tpu.memory_space<vmem>>) target(%dma_start3A_482 : memref<50176x32xf32, #tpu.memory_space<vmem_shared>>) offsets(%dma_start3A_479 : memref<128xi32, #tpu.memory_space<vmem>>) semaphore(%arg13 : memref<!tpu.dma_semaphore, #tpu.memory_space<semaphore_mem>>) {add = true}
      %dma_wait3A_483 = arith.constant 0 : i32
      %dma_wait3A_484 = arith.constant 0 : i32
      %dma_wait3A_485 = tpu.memref_slice %arg9[%add3A_452, %dma_wait3A_483, %dma_wait3A_484] : memref<4x128x32xf32, #tpu.memory_space<vmem>> -> memref<1x128x32xf32, #tpu.memory_space<vmem>>
      %dma_wait3A_486 = tpu.memref_squeeze %dma_wait3A_485 : memref<1x128x32xf32, #tpu.memory_space<vmem>> -> memref<128x32xf32, #tpu.memory_space<vmem>>
      %dma_wait3A_487 = arith.constant 0 : i32
      %dma_wait3A_488 = tpu.memref_slice %arg7[%rem3A_454, %dma_wait3A_487] : memref<16x128xi32, #tpu.memory_space<vmem>> -> memref<1x128xi32, #tpu.memory_space<vmem>>
      %dma_wait3A_489 = tpu.memref_squeeze %dma_wait3A_488 : memref<1x128xi32, #tpu.memory_space<vmem>> -> memref<128xi32, #tpu.memory_space<vmem>>
      %dma_wait3A_490 = arith.constant 0 : i32
      %dma_wait3A_491 = arith.constant 0 : i32
      %dma_wait3A_492 = tpu.memref_slice %arg11[%dma_wait3A_490, %dma_wait3A_491] : memref<50176x32xf32, #tpu.memory_space<vmem_shared>> -> memref<50176x32xf32, #tpu.memory_space<vmem_shared>>
      tpu.wait_indirect_dma semaphore(%arg13 : memref<!tpu.dma_semaphore, #tpu.memory_space<semaphore_mem>>) src(%dma_wait3A_486 : memref<128x32xf32, #tpu.memory_space<vmem>>) dst(%dma_wait3A_492 : memref<50176x32xf32, #tpu.memory_space<vmem_shared>>)
      %dma_wait3A_493 = arith.constant 0 : i32
      %dma_wait3A_494 = arith.constant 0 : i32
      %dma_wait3A_495 = tpu.memref_slice %arg9[%add3A_470, %dma_wait3A_493, %dma_wait3A_494] : memref<4x128x32xf32, #tpu.memory_space<vmem>> -> memref<1x128x32xf32, #tpu.memory_space<vmem>>
      %dma_wait3A_496 = tpu.memref_squeeze %dma_wait3A_495 : memref<1x128x32xf32, #tpu.memory_space<vmem>> -> memref<128x32xf32, #tpu.memory_space<vmem>>
      %dma_wait3A_497 = arith.constant 0 : i32
      %dma_wait3A_498 = tpu.memref_slice %arg7[%rem3A_472, %dma_wait3A_497] : memref<16x128xi32, #tpu.memory_space<vmem>> -> memref<1x128xi32, #tpu.memory_space<vmem>>
      %dma_wait3A_499 = tpu.memref_squeeze %dma_wait3A_498 : memref<1x128xi32, #tpu.memory_space<vmem>> -> memref<128xi32, #tpu.memory_space<vmem>>
      %dma_wait3A_500 = arith.constant 0 : i32
      %dma_wait3A_501 = arith.constant 0 : i32
      %dma_wait3A_502 = tpu.memref_slice %arg11[%dma_wait3A_500, %dma_wait3A_501] : memref<50176x32xf32, #tpu.memory_space<vmem_shared>> -> memref<50176x32xf32, #tpu.memory_space<vmem_shared>>
      tpu.wait_indirect_dma semaphore(%arg13 : memref<!tpu.dma_semaphore, #tpu.memory_space<semaphore_mem>>) src(%dma_wait3A_496 : memref<128x32xf32, #tpu.memory_space<vmem>>) dst(%dma_wait3A_502 : memref<50176x32xf32, #tpu.memory_space<vmem_shared>>)
      %eq3A_503 = arith.constant 3 : i32
      %eq3A_504 = arith.cmpi eq, %rem3A_390, %eq3A_503 : i32
      %add3A_505 = arith.constant 2 : i32
      %add3A_506 = arith.addi %select_n3A, %add3A_505 : i32
      %lt3A_507 = arith.constant 50 : i32
      %lt3A_508 = arith.cmpi slt, %add3A_506, %lt3A_507 : i32
      %and3A_509 = arith.andi %eq3A_504, %lt3A_508 : i1
      %convert_element_type3A_510 = arith.extui %and3A_509 : i1 to i32
      %cond3A_511 = arith.constant 0 : i32
      %cond3A_512 = arith.cmpi ne, %convert_element_type3A_510, %cond3A_511 : i32
      scf.if %cond3A_512 {
        %add3A_514 = arith.constant 2 : i32
        %add3A_515 = arith.addi %select_n3A, %add3A_514 : i32
        %mul3A_516 = arith.constant 8 : i32
        %mul3A_517 = arith.muli %add3A_515, %mul3A_516 : i32
        %add3A_518 = arith.addi %mul3A_0, %mul3A_517 : i32
        %mul3A_519 = arith.constant 8 : i32
        %mul3A_520 = arith.muli %rem3A_410, %mul3A_519 : i32
        %dma_start3A_521 = arith.constant 0 : i32
        %dma_start3A_522 = tpu.memref_slice %arg6[%mul3A_520, %dma_start3A_521] : memref<16x128xi32, #tpu.memory_space<vmem>> -> memref<8x128xi32, #tpu.memory_space<vmem>>
        %dma_start3A_523 = arith.constant 0 : i32
        %dma_start3A_524 = tpu.memref_slice %arg3[%add3A_518, %dma_start3A_523] : memref<6400x128xi32, #tpu.memory_space<hbm>> -> memref<8x128xi32, #tpu.memory_space<hbm>>
        %dma_start3A_525 = arith.constant 0 : i32
        %dma_start3A_526 = tpu.memref_slice %arg6[%mul3A_520, %dma_start3A_525] : memref<16x128xi32, #tpu.memory_space<vmem>> -> memref<8x128xi32, #tpu.memory_space<vmem>>
        %dma_start3A_527 = arith.constant 0 : i32
        %dma_start3A_528 = tpu.memref_slice %arg3[%add3A_518, %dma_start3A_527] : memref<6400x128xi32, #tpu.memory_space<hbm>> -> memref<8x128xi32, #tpu.memory_space<hbm>>
        tpu.enqueue_dma source(%dma_start3A_528 : memref<8x128xi32, #tpu.memory_space<hbm>>) target(%dma_start3A_526 : memref<8x128xi32, #tpu.memory_space<vmem>>) target_semaphore(%arg14 : memref<!tpu.dma_semaphore, #tpu.memory_space<semaphore_mem>>)
        %add3A_529 = arith.constant 2 : i32
        %add3A_530 = arith.addi %select_n3A, %add3A_529 : i32
        %mul3A_531 = arith.constant 8 : i32
        %mul3A_532 = arith.muli %add3A_530, %mul3A_531 : i32
        %add3A_533 = arith.addi %mul3A_0, %mul3A_532 : i32
        %mul3A_534 = arith.constant 8 : i32
        %mul3A_535 = arith.muli %rem3A_410, %mul3A_534 : i32
        %dma_start3A_536 = arith.constant 0 : i32
        %dma_start3A_537 = tpu.memref_slice %arg7[%mul3A_535, %dma_start3A_536] : memref<16x128xi32, #tpu.memory_space<vmem>> -> memref<8x128xi32, #tpu.memory_space<vmem>>
        %dma_start3A_538 = arith.constant 0 : i32
        %dma_start3A_539 = tpu.memref_slice %arg4[%add3A_533, %dma_start3A_538] : memref<6400x128xi32, #tpu.memory_space<hbm>> -> memref<8x128xi32, #tpu.memory_space<hbm>>
        %dma_start3A_540 = arith.constant 0 : i32
        %dma_start3A_541 = tpu.memref_slice %arg7[%mul3A_535, %dma_start3A_540] : memref<16x128xi32, #tpu.memory_space<vmem>> -> memref<8x128xi32, #tpu.memory_space<vmem>>
        %dma_start3A_542 = arith.constant 0 : i32
        %dma_start3A_543 = tpu.memref_slice %arg4[%add3A_533, %dma_start3A_542] : memref<6400x128xi32, #tpu.memory_space<hbm>> -> memref<8x128xi32, #tpu.memory_space<hbm>>
        tpu.enqueue_dma source(%dma_start3A_543 : memref<8x128xi32, #tpu.memory_space<hbm>>) target(%dma_start3A_541 : memref<8x128xi32, #tpu.memory_space<vmem>>) target_semaphore(%arg14 : memref<!tpu.dma_semaphore, #tpu.memory_space<semaphore_mem>>)
      } else {
      }
      %scan3A_513 = arith.constant 0 : i32
      scf.yield %scan3A_513 : i32
    }
    %scan3A_377 = arith.constant 200 : i32
    %barrier3A_378 = arith.constant 0 : index
    tpu.barrier barrier_id(%barrier3A_378)
    %mul3A_379 = arith.constant 3136 : i32
    %mul3A_380 = arith.muli %arg1, %mul3A_379 : i32
    %mul3A_381 = arith.constant 3136 : i32
    %mul3A_382 = arith.muli %arg1, %mul3A_381 : i32
    "tpu.region"() ({
      %run_scoped3A = tpu.sem_alloc : memref<!tpu.dma_semaphore, #tpu.memory_space<semaphore_mem>>
      %dma_start3A_383 = arith.constant 0 : i32
      %dma_start3A_384 = tpu.memref_slice %arg5[%mul3A_382, %arg0, %dma_start3A_383] : memref<50176x2x32xf32, #tpu.memory_space<hbm>> -> memref<3136x1x32xf32, #tpu.memory_space<hbm>>
      %dma_start3A_385 = tpu.memref_squeeze %dma_start3A_384 : memref<3136x1x32xf32, #tpu.memory_space<hbm>> -> memref<3136x32xf32, #tpu.memory_space<hbm>>
      %dma_start3A_386 = arith.constant 0 : i32
      %dma_start3A_387 = tpu.memref_slice %arg11[%mul3A_380, %dma_start3A_386] : memref<50176x32xf32, #tpu.memory_space<vmem_shared>> -> memref<3136x32xf32, #tpu.memory_space<vmem_shared>>
      tpu.enqueue_dma source(%dma_start3A_387 : memref<3136x32xf32, #tpu.memory_space<vmem_shared>>) target(%dma_start3A_385 : memref<3136x32xf32, #tpu.memory_space<hbm>>) target_semaphore(%run_scoped3A : memref<!tpu.dma_semaphore, #tpu.memory_space<semaphore_mem>>)
      %dma_wait3A = arith.constant 0 : i32
      %dma_wait3A_388 = tpu.memref_slice %arg5[%mul3A_382, %arg0, %dma_wait3A] : memref<50176x2x32xf32, #tpu.memory_space<hbm>> -> memref<3136x1x32xf32, #tpu.memory_space<hbm>>
      %dma_wait3A_389 = tpu.memref_squeeze %dma_wait3A_388 : memref<3136x1x32xf32, #tpu.memory_space<hbm>> -> memref<3136x32xf32, #tpu.memory_space<hbm>>
      %dma_wait3A_390 = arith.constant 0 : i32
      %dma_wait3A_391 = tpu.memref_slice %arg11[%mul3A_380, %dma_wait3A_390] : memref<50176x32xf32, #tpu.memory_space<vmem_shared>> -> memref<3136x32xf32, #tpu.memory_space<vmem_shared>>
      tpu.wait_dma2 semaphore(%run_scoped3A : memref<!tpu.dma_semaphore, #tpu.memory_space<semaphore_mem>>) src(%dma_wait3A_391 : memref<3136x32xf32, #tpu.memory_space<vmem_shared>>) dst(%dma_wait3A_389 : memref<3136x32xf32, #tpu.memory_space<hbm>>)
      tpu.yield
    }) : () -> ()
    return
  }
}

module attributes {stable_mosaic.version = 14 : i64} {
  func.func @_tc_k1(%arg0: i32, %arg1: memref<512x128xf32, #tpu.memory_space<vmem>>, %arg2: memref<512x2xf32, #tpu.memory_space<vmem>>, %arg3: memref<512x2xf32, #tpu.memory_space<vmem>>, %arg4: memref<128x128xf32, #tpu.memory_space<vmem>>, %arg5: memref<512x128xf32, #tpu.memory_space<vmem>>) attributes {dimension_semantics = [#tpu.dimension_semantics<arbitrary>], iteration_bounds = array<i64: 49>, scalar_prefetch = 0 : i64, scratch_operands = 0 : i64, tpu.core_type = #tpu.core_type<tc>, window_params = [{transform_indices = @transform_0, window_bounds = array<i64: 512, 128>}, {transform_indices = @transform_1, window_bounds = array<i64: 512, 2>}, {transform_indices = @transform_2, window_bounds = array<i64: 512, 2>}, {pipeline_mode = #tpu.pipeline_mode<synchronous>, transform_indices = @transform_3, window_bounds = array<i64: 128, 128>}, {transform_indices = @transform_4, window_bounds = array<i64: 512, 128>}]} {
    %get3A = arith.constant 0 : index
    %get3A_0 = arith.constant 0 : index
    %get3A_1 = vector.load %arg1[%get3A, %get3A_0] : memref<512x128xf32, #tpu.memory_space<vmem>>, vector<512x128xf32>
    %get3A_2 = arith.constant 0 : index
    %get3A_3 = arith.constant 0 : index
    %get3A_4 = vector.load %arg4[%get3A_2, %get3A_3] : memref<128x128xf32, #tpu.memory_space<vmem>>, vector<128x128xf32>
    %dot_general3A = arith.constant dense<0.000000e+00> : vector<512x128xf32>
    %dot_general3A_5 = tpu.matmul %get3A_1, %get3A_4, %dot_general3A {dimension_numbers = #tpu.dot_dimension_numbers<[1], [0], [0], [1], [0, 0, 1, 1], [], []>, transpose_lhs_hint = false} : vector<512x128xf32>, vector<128x128xf32>, vector<512x128xf32> -> vector<512x128xf32>
    %get3A_6 = arith.constant 0 : index
    %get3A_7 = arith.constant 0 : index
    %get3A_8 = vector.load %arg2[%get3A_6, %get3A_7] : memref<512x2xf32, #tpu.memory_space<vmem>>, vector<512x2xf32>
    %get3A_9 = arith.constant 0 : index
    %get3A_10 = arith.constant 0 : index
    %get3A_11 = vector.load %arg3[%get3A_9, %get3A_10] : memref<512x2xf32, #tpu.memory_space<vmem>>, vector<512x2xf32>
    %add3A = arith.addf %get3A_8, %get3A_11 : vector<512x2xf32>
    %add3A_12 = arith.constant 1.000000e+00 : f32
    %add3A_13 = vector.broadcast %add3A_12 : f32 to vector<512x2xf32>
    %add3A_14 = arith.addf %add3A, %add3A_13 : vector<512x2xf32>
    %rsqrt3A = math.rsqrt %add3A_14 : vector<512x2xf32>
    %slice3A = vector.extract_strided_slice %rsqrt3A {offsets = [0, 0], sizes = [512, 1], strides = [1, 1]} : vector<512x2xf32> to vector<512x1xf32>
    %broadcast_in_dim3A = vector.shape_cast %slice3A : vector<512x1xf32> to vector<512x1xf32>
    %broadcast_in_dim3A_15 = vector.broadcast %broadcast_in_dim3A : vector<512x1xf32> to vector<512x64xf32>
    %slice3A_16 = vector.extract_strided_slice %rsqrt3A {offsets = [0, 1], sizes = [512, 1], strides = [1, 1]} : vector<512x2xf32> to vector<512x1xf32>
    %broadcast_in_dim3A_17 = vector.shape_cast %slice3A_16 : vector<512x1xf32> to vector<512x1xf32>
    %broadcast_in_dim3A_18 = vector.broadcast %broadcast_in_dim3A_17 : vector<512x1xf32> to vector<512x64xf32>
    %concatenate3A = tpu.concatenate %broadcast_in_dim3A_15, %broadcast_in_dim3A_18 in 1 : vector<512x64xf32>, vector<512x64xf32> -> vector<512x128xf32>
    %mul3A = arith.mulf %dot_general3A_5, %concatenate3A : vector<512x128xf32>
    %swap3A = arith.constant 0 : index
    %swap3A_19 = arith.constant 0 : index
    %swap3A_20 = vector.load %arg5[%swap3A, %swap3A_19] : memref<512x128xf32, #tpu.memory_space<vmem>>, vector<512x128xf32>
    tpu.vector_store %arg5[%swap3A, %swap3A_19], %mul3A {strides = array<i32>} : memref<512x128xf32, #tpu.memory_space<vmem>>, vector<512x128xf32>,
    return
  }
  func.func @transform_0(%arg0: i32) -> (i32, i32) {
    %c0_i32 = arith.constant 0 : i32
    %c0_i32_0 = arith.constant 0 : i32
    return %arg0, %c0_i32 : i32, i32
  }
  func.func @transform_1(%arg0: i32) -> (i32, i32) {
    %c0_i32 = arith.constant 0 : i32
    %c0_i32_0 = arith.constant 0 : i32
    return %arg0, %c0_i32 : i32, i32
  }
  func.func @transform_2(%arg0: i32) -> (i32, i32) {
    %c0_i32 = arith.constant 0 : i32
    %c0_i32_0 = arith.constant 0 : i32
    return %arg0, %c0_i32 : i32, i32
  }
  func.func @transform_3(%arg0: i32) -> (i32, i32) {
    %c0_i32 = arith.constant 0 : i32
    %c0_i32_0 = arith.constant 0 : i32
    %c0_i32_1 = arith.constant 0 : i32
    return %c0_i32, %c0_i32_0 : i32, i32
  }
  func.func @transform_4(%arg0: i32) -> (i32, i32) {
    %c0_i32 = arith.constant 0 : i32
    %c0_i32_0 = arith.constant 0 : i32
    return %arg0, %c0_i32 : i32, i32
  }
}

module attributes {stable_mosaic.version = 14 : i64} {
  func.func @_tc_k2(%arg0: i32, %arg1: memref<512x128xf32, #tpu.memory_space<vmem>>, %arg2: memref<512x128xf32, #tpu.memory_space<vmem>>, %arg3: memref<512x2xf32, #tpu.memory_space<vmem>>, %arg4: memref<512x2xf32, #tpu.memory_space<vmem>>, %arg5: memref<128x128xf32, #tpu.memory_space<vmem>>, %arg6: memref<1x128xf32, #tpu.memory_space<vmem>>, %arg7: memref<512x128xf32, #tpu.memory_space<vmem>>) attributes {dimension_semantics = [#tpu.dimension_semantics<arbitrary>], iteration_bounds = array<i64: 49>, scalar_prefetch = 0 : i64, scratch_operands = 0 : i64, tpu.core_type = #tpu.core_type<tc>, window_params = [{transform_indices = @transform_0, window_bounds = array<i64: 512, 128>}, {transform_indices = @transform_1, window_bounds = array<i64: 512, 128>}, {transform_indices = @transform_2, window_bounds = array<i64: 512, 2>}, {transform_indices = @transform_3, window_bounds = array<i64: 512, 2>}, {pipeline_mode = #tpu.pipeline_mode<synchronous>, transform_indices = @transform_4, window_bounds = array<i64: 128, 128>}, {pipeline_mode = #tpu.pipeline_mode<synchronous>, transform_indices = @transform_5, window_bounds = array<i64: 1, 128>}, {transform_indices = @transform_6, window_bounds = array<i64: 512, 128>}]} {
    %get3A = arith.constant 0 : index
    %get3A_0 = arith.constant 0 : index
    %get3A_1 = vector.load %arg3[%get3A, %get3A_0] : memref<512x2xf32, #tpu.memory_space<vmem>>, vector<512x2xf32>
    %get3A_2 = arith.constant 0 : index
    %get3A_3 = arith.constant 0 : index
    %get3A_4 = vector.load %arg4[%get3A_2, %get3A_3] : memref<512x2xf32, #tpu.memory_space<vmem>>, vector<512x2xf32>
    %add3A = arith.addf %get3A_1, %get3A_4 : vector<512x2xf32>
    %add3A_5 = arith.constant 1.000000e+00 : f32
    %add3A_6 = vector.broadcast %add3A_5 : f32 to vector<512x2xf32>
    %add3A_7 = arith.addf %add3A, %add3A_6 : vector<512x2xf32>
    %rsqrt3A = math.rsqrt %add3A_7 : vector<512x2xf32>
    %slice3A = vector.extract_strided_slice %rsqrt3A {offsets = [0, 0], sizes = [512, 1], strides = [1, 1]} : vector<512x2xf32> to vector<512x1xf32>
    %broadcast_in_dim3A = vector.shape_cast %slice3A : vector<512x1xf32> to vector<512x1xf32>
    %broadcast_in_dim3A_8 = vector.broadcast %broadcast_in_dim3A : vector<512x1xf32> to vector<512x64xf32>
    %slice3A_9 = vector.extract_strided_slice %rsqrt3A {offsets = [0, 1], sizes = [512, 1], strides = [1, 1]} : vector<512x2xf32> to vector<512x1xf32>
    %broadcast_in_dim3A_10 = vector.shape_cast %slice3A_9 : vector<512x1xf32> to vector<512x1xf32>
    %broadcast_in_dim3A_11 = vector.broadcast %broadcast_in_dim3A_10 : vector<512x1xf32> to vector<512x64xf32>
    %concatenate3A = tpu.concatenate %broadcast_in_dim3A_8, %broadcast_in_dim3A_11 in 1 : vector<512x64xf32>, vector<512x64xf32> -> vector<512x128xf32>
    %get3A_12 = arith.constant 0 : index
    %get3A_13 = arith.constant 0 : index
    %get3A_14 = vector.load %arg1[%get3A_12, %get3A_13] : memref<512x128xf32, #tpu.memory_space<vmem>>, vector<512x128xf32>
    %get3A_15 = arith.constant 0 : index
    %get3A_16 = arith.constant 0 : index
    %get3A_17 = vector.load %arg2[%get3A_15, %get3A_16] : memref<512x128xf32, #tpu.memory_space<vmem>>, vector<512x128xf32>
    %add3A_18 = arith.addf %get3A_14, %get3A_17 : vector<512x128xf32>
    %mul3A = arith.mulf %add3A_18, %concatenate3A : vector<512x128xf32>
    %get3A_19 = arith.constant 0 : index
    %get3A_20 = arith.constant 0 : index
    %get3A_21 = vector.load %arg6[%get3A_19, %get3A_20] : memref<1x128xf32, #tpu.memory_space<vmem>>, vector<1x128xf32>
    %add3A_22 = vector.broadcast %get3A_21 : vector<1x128xf32> to vector<512x128xf32>
    %add3A_23 = arith.addf %mul3A, %add3A_22 : vector<512x128xf32>
    %max3A = arith.constant 0.000000e+00 : f32
    %max3A_24 = vector.broadcast %max3A : f32 to vector<512x128xf32>
    %max3A_25 = arith.maximumf %add3A_23, %max3A_24 : vector<512x128xf32>
    %get3A_26 = arith.constant 0 : index
    %get3A_27 = arith.constant 0 : index
    %get3A_28 = vector.load %arg5[%get3A_26, %get3A_27] : memref<128x128xf32, #tpu.memory_space<vmem>>, vector<128x128xf32>
    %dot_general3A = arith.constant dense<0.000000e+00> : vector<512x128xf32>
    %dot_general3A_29 = tpu.matmul %max3A_25, %get3A_28, %dot_general3A {dimension_numbers = #tpu.dot_dimension_numbers<[1], [0], [0], [1], [0, 0, 1, 1], [], []>, transpose_lhs_hint = false} : vector<512x128xf32>, vector<128x128xf32>, vector<512x128xf32> -> vector<512x128xf32>
    %mul3A_30 = arith.mulf %dot_general3A_29, %concatenate3A : vector<512x128xf32>
    %swap3A = arith.constant 0 : index
    %swap3A_31 = arith.constant 0 : index
    %swap3A_32 = vector.load %arg7[%swap3A, %swap3A_31] : memref<512x128xf32, #tpu.memory_space<vmem>>, vector<512x128xf32>
    tpu.vector_store %arg7[%swap3A, %swap3A_31], %mul3A_30 {strides = array<i32>} : memref<512x128xf32, #tpu.memory_space<vmem>>, vector<512x128xf32>,
    return
  }
  func.func @transform_0(%arg0: i32) -> (i32, i32) {
    %c0_i32 = arith.constant 0 : i32
    %c0_i32_0 = arith.constant 0 : i32
    return %arg0, %c0_i32 : i32, i32
  }
  func.func @transform_1(%arg0: i32) -> (i32, i32) {
    %c0_i32 = arith.constant 0 : i32
    %c0_i32_0 = arith.constant 0 : i32
    return %arg0, %c0_i32 : i32, i32
  }
  func.func @transform_2(%arg0: i32) -> (i32, i32) {
    %c0_i32 = arith.constant 0 : i32
    %c0_i32_0 = arith.constant 0 : i32
    return %arg0, %c0_i32 : i32, i32
  }
  func.func @transform_3(%arg0: i32) -> (i32, i32) {
    %c0_i32 = arith.constant 0 : i32
    %c0_i32_0 = arith.constant 0 : i32
    return %arg0, %c0_i32 : i32, i32
  }
  func.func @transform_4(%arg0: i32) -> (i32, i32) {
    %c0_i32 = arith.constant 0 : i32
    %c0_i32_0 = arith.constant 0 : i32
    %c0_i32_1 = arith.constant 0 : i32
    return %c0_i32, %c0_i32_0 : i32, i32
  }
  func.func @transform_5(%arg0: i32) -> (i32, i32) {
    %c0_i32 = arith.constant 0 : i32
    %c0_i32_0 = arith.constant 0 : i32
    %c0_i32_1 = arith.constant 0 : i32
    return %c0_i32, %c0_i32_0 : i32, i32
  }
  func.func @transform_6(%arg0: i32) -> (i32, i32) {
    %c0_i32 = arith.constant 0 : i32
    %c0_i32_0 = arith.constant 0 : i32
    return %arg0, %c0_i32 : i32, i32
  }
}

module attributes {stable_mosaic.version = 14 : i64} {
  func.func @_tc_k3(%arg0: i32, %arg1: memref<512x128xf32, #tpu.memory_space<vmem>>, %arg2: memref<512x128xf32, #tpu.memory_space<vmem>>, %arg3: memref<512x2xf32, #tpu.memory_space<vmem>>, %arg4: memref<512x2xf32, #tpu.memory_space<vmem>>, %arg5: memref<1x128xf32, #tpu.memory_space<vmem>>, %arg6: memref<512x2xi32, #tpu.memory_space<vmem>>, %arg7: memref<1000x64xf32, #tpu.memory_space<vmem>>, %arg8: memref<1x1000xf32, #tpu.memory_space<vmem>>, %arg9: memref<512x1000xf32, #tpu.memory_space<vmem>>, %arg10: memref<512x64xf32, #tpu.memory_space<vmem>>) attributes {dimension_semantics = [#tpu.dimension_semantics<arbitrary>], iteration_bounds = array<i64: 49>, scalar_prefetch = 0 : i64, scratch_operands = 1 : i64, tpu.core_type = #tpu.core_type<tc>, window_params = [{transform_indices = @transform_0, window_bounds = array<i64: 512, 128>}, {transform_indices = @transform_1, window_bounds = array<i64: 512, 128>}, {transform_indices = @transform_2, window_bounds = array<i64: 512, 2>}, {transform_indices = @transform_3, window_bounds = array<i64: 512, 2>}, {pipeline_mode = #tpu.pipeline_mode<synchronous>, transform_indices = @transform_4, window_bounds = array<i64: 1, 128>}, {transform_indices = @transform_5, window_bounds = array<i64: 512, 2>}, {pipeline_mode = #tpu.pipeline_mode<synchronous>, transform_indices = @transform_6, window_bounds = array<i64: 1000, 64>}, {pipeline_mode = #tpu.pipeline_mode<synchronous>, transform_indices = @transform_7, window_bounds = array<i64: 1, 1000>}, {pipeline_mode = #tpu.pipeline_mode<synchronous>, transform_indices = @transform_8, window_bounds = array<i64: 512, 1000>}]} {
    %eq3A = arith.constant 0 : i32
    %eq3A_0 = arith.cmpi eq, %arg0, %eq3A : i32
    %convert_element_type3A = arith.extui %eq3A_0 : i1 to i32
    %cond3A = arith.constant 0 : i32
    %cond3A_1 = arith.cmpi ne, %convert_element_type3A, %cond3A : i32
    scf.if %cond3A_1 {
      %broadcast_in_dim3A_84 = arith.constant 0.000000e+00 : f32
      %broadcast_in_dim3A_85 = vector.broadcast %broadcast_in_dim3A_84 : f32 to vector<512x64xf32>
      %swap3A_86 = arith.constant 0 : index
      %swap3A_87 = arith.constant 0 : index
      %swap3A_88 = vector.load %arg10[%swap3A_86, %swap3A_87] : memref<512x64xf32, #tpu.memory_space<vmem>>, vector<512x64xf32>
      tpu.vector_store %arg10[%swap3A_86, %swap3A_87], %broadcast_in_dim3A_85 {strides = array<i32>} : memref<512x64xf32, #tpu.memory_space<vmem>>, vector<512x64xf32>,
    } else {
    }
    %get3A = arith.constant 0 : index
    %get3A_2 = arith.constant 0 : index
    %get3A_3 = vector.load %arg3[%get3A, %get3A_2] : memref<512x2xf32, #tpu.memory_space<vmem>>, vector<512x2xf32>
    %get3A_4 = arith.constant 0 : index
    %get3A_5 = arith.constant 0 : index
    %get3A_6 = vector.load %arg4[%get3A_4, %get3A_5] : memref<512x2xf32, #tpu.memory_space<vmem>>, vector<512x2xf32>
    %add3A = arith.addf %get3A_3, %get3A_6 : vector<512x2xf32>
    %add3A_7 = arith.constant 1.000000e+00 : f32
    %add3A_8 = vector.broadcast %add3A_7 : f32 to vector<512x2xf32>
    %add3A_9 = arith.addf %add3A, %add3A_8 : vector<512x2xf32>
    %rsqrt3A = math.rsqrt %add3A_9 : vector<512x2xf32>
    %slice3A = vector.extract_strided_slice %rsqrt3A {offsets = [0, 0], sizes = [512, 1], strides = [1, 1]} : vector<512x2xf32> to vector<512x1xf32>
    %broadcast_in_dim3A = vector.shape_cast %slice3A : vector<512x1xf32> to vector<512x1xf32>
    %broadcast_in_dim3A_10 = vector.broadcast %broadcast_in_dim3A : vector<512x1xf32> to vector<512x64xf32>
    %slice3A_11 = vector.extract_strided_slice %rsqrt3A {offsets = [0, 1], sizes = [512, 1], strides = [1, 1]} : vector<512x2xf32> to vector<512x1xf32>
    %broadcast_in_dim3A_12 = vector.shape_cast %slice3A_11 : vector<512x1xf32> to vector<512x1xf32>
    %broadcast_in_dim3A_13 = vector.broadcast %broadcast_in_dim3A_12 : vector<512x1xf32> to vector<512x64xf32>
    %concatenate3A = tpu.concatenate %broadcast_in_dim3A_10, %broadcast_in_dim3A_13 in 1 : vector<512x64xf32>, vector<512x64xf32> -> vector<512x128xf32>
    %get3A_14 = arith.constant 0 : index
    %get3A_15 = arith.constant 0 : index
    %get3A_16 = vector.load %arg1[%get3A_14, %get3A_15] : memref<512x128xf32, #tpu.memory_space<vmem>>, vector<512x128xf32>
    %get3A_17 = arith.constant 0 : index
    %get3A_18 = arith.constant 0 : index
    %get3A_19 = vector.load %arg2[%get3A_17, %get3A_18] : memref<512x128xf32, #tpu.memory_space<vmem>>, vector<512x128xf32>
    %add3A_20 = arith.addf %get3A_16, %get3A_19 : vector<512x128xf32>
    %mul3A = arith.mulf %add3A_20, %concatenate3A : vector<512x128xf32>
    %get3A_21 = arith.constant 0 : index
    %get3A_22 = arith.constant 0 : index
    %get3A_23 = vector.load %arg5[%get3A_21, %get3A_22] : memref<1x128xf32, #tpu.memory_space<vmem>>, vector<1x128xf32>
    %add3A_24 = vector.broadcast %get3A_23 : vector<1x128xf32> to vector<512x128xf32>
    %add3A_25 = arith.addf %mul3A, %add3A_24 : vector<512x128xf32>
    %max3A = arith.constant 0.000000e+00 : f32
    %max3A_26 = vector.broadcast %max3A : f32 to vector<512x128xf32>
    %max3A_27 = arith.maximumf %add3A_25, %max3A_26 : vector<512x128xf32>
    %mul3A_28 = arith.constant 512 : i32
    %mul3A_29 = arith.muli %arg0, %mul3A_28 : i32
    %iota3A = tpu.iota {dimensions = array<i32: 0>} : vector<512x1xi32>
    %add3A_30 = vector.broadcast %mul3A_29 : i32 to vector<512x1xi32>
    %add3A_31 = arith.addi %add3A_30, %iota3A : vector<512x1xi32>
    %iota3A_32 = tpu.iota {dimensions = array<i32: 1>} : vector<512x512xi32>
    %get3A_33 = arith.constant 0 : index
    %get3A_34 = arith.constant 0 : index
    %get3A_35 = vector.load %arg6[%get3A_33, %get3A_34] : memref<512x2xi32, #tpu.memory_space<vmem>>, vector<512x2xi32>
    %slice3A_36 = vector.extract_strided_slice %get3A_35 {offsets = [0, 0], sizes = [512, 1], strides = [1, 1]} : vector<512x2xi32> to vector<512x1xi32>
    %eq3A_37 = vector.broadcast %slice3A_36 : vector<512x1xi32> to vector<512x512xi32>
    %eq3A_38 = arith.cmpi eq, %eq3A_37, %iota3A_32 : vector<512x512xi32>
    %mul3A_39 = arith.constant 2 : i32
    %mul3A_40 = vector.broadcast %mul3A_39 : i32 to vector<512x1xi32>
    %mul3A_41 = arith.muli %mul3A_40, %add3A_31 : vector<512x1xi32>
    %lt3A = arith.constant 50000 : i32
    %lt3A_42 = vector.broadcast %lt3A : i32 to vector<512x1xi32>
    %lt3A_43 = arith.cmpi slt, %mul3A_41, %lt3A_42 : vector<512x1xi32>
    %and3A = vector.broadcast %lt3A_43 : vector<512x1xi1> to vector<512x512xi1>
    %and3A_44 = arith.andi %eq3A_38, %and3A : vector<512x512xi1>
    %jit3A = arith.constant 1.000000e+00 : f32
    %jit3A_45 = arith.constant 0.000000e+00 : f32
    %broadcast_in_dim3A_46 = vector.broadcast %jit3A : f32 to vector<512x512xf32>
    %broadcast_in_dim3A_47 = vector.broadcast %jit3A_45 : f32 to vector<512x512xf32>
    %select_n3A = arith.select %and3A_44, %broadcast_in_dim3A_46, %broadcast_in_dim3A_47 : vector<512x512xi1>, vector<512x512xf32>
    %slice3A_48 = vector.extract_strided_slice %get3A_35 {offsets = [0, 1], sizes = [512, 1], strides = [1, 1]} : vector<512x2xi32> to vector<512x1xi32>
    %eq3A_49 = vector.broadcast %slice3A_48 : vector<512x1xi32> to vector<512x512xi32>
    %eq3A_50 = arith.cmpi eq, %eq3A_49, %iota3A_32 : vector<512x512xi32>
    %mul3A_51 = arith.constant 2 : i32
    %mul3A_52 = vector.broadcast %mul3A_51 : i32 to vector<512x1xi32>
    %mul3A_53 = arith.muli %mul3A_52, %add3A_31 : vector<512x1xi32>
    %add3A_54 = arith.constant 1 : i32
    %add3A_55 = vector.broadcast %add3A_54 : i32 to vector<512x1xi32>
    %add3A_56 = arith.addi %mul3A_53, %add3A_55 : vector<512x1xi32>
    %lt3A_57 = arith.constant 50000 : i32
    %lt3A_58 = vector.broadcast %lt3A_57 : i32 to vector<512x1xi32>
    %lt3A_59 = arith.cmpi slt, %add3A_56, %lt3A_58 : vector<512x1xi32>
    %and3A_60 = vector.broadcast %lt3A_59 : vector<512x1xi1> to vector<512x512xi1>
    %and3A_61 = arith.andi %eq3A_50, %and3A_60 : vector<512x512xi1>
    %jit3A_62 = arith.constant 1.000000e+00 : f32
    %jit3A_63 = arith.constant 0.000000e+00 : f32
    %broadcast_in_dim3A_64 = vector.broadcast %jit3A_62 : f32 to vector<512x512xf32>
    %broadcast_in_dim3A_65 = vector.broadcast %jit3A_63 : f32 to vector<512x512xf32>
    %select_n3A_66 = arith.select %and3A_61, %broadcast_in_dim3A_64, %broadcast_in_dim3A_65 : vector<512x512xi1>, vector<512x512xf32>
    %get3A_67 = arith.constant 0 : index
    %get3A_68 = arith.constant 0 : index
    %get3A_69 = vector.load %arg10[%get3A_67, %get3A_68] : memref<512x64xf32, #tpu.memory_space<vmem>>, vector<512x64xf32>
    %slice3A_70 = vector.extract_strided_slice %max3A_27 {offsets = [0, 0], sizes = [512, 64], strides = [1, 1]} : vector<512x128xf32> to vector<512x64xf32>
    %dot_general3A = arith.constant dense<0.000000e+00> : vector<512x64xf32>
    %dot_general3A_71 = tpu.matmul %select_n3A, %slice3A_70, %dot_general3A {dimension_numbers = #tpu.dot_dimension_numbers<[0], [0], [1], [1], [0, 1, 1, 1], [], []>, transpose_lhs_hint = false} : vector<512x512xf32>, vector<512x64xf32>, vector<512x64xf32> -> vector<512x64xf32>
    %slice3A_72 = vector.extract_strided_slice %max3A_27 {offsets = [0, 64], sizes = [512, 64], strides = [1, 1]} : vector<512x128xf32> to vector<512x64xf32>
    %dot_general3A_73 = arith.constant dense<0.000000e+00> : vector<512x64xf32>
    %dot_general3A_74 = tpu.matmul %select_n3A_66, %slice3A_72, %dot_general3A_73 {dimension_numbers = #tpu.dot_dimension_numbers<[0], [0], [1], [1], [0, 1, 1, 1], [], []>, transpose_lhs_hint = false} : vector<512x512xf32>, vector<512x64xf32>, vector<512x64xf32> -> vector<512x64xf32>
    %add3A_75 = arith.addf %dot_general3A_71, %dot_general3A_74 : vector<512x64xf32>
    %add3A_76 = arith.addf %get3A_69, %add3A_75 : vector<512x64xf32>
    %swap3A = arith.constant 0 : index
    %swap3A_77 = arith.constant 0 : index
    %swap3A_78 = vector.load %arg10[%swap3A, %swap3A_77] : memref<512x64xf32, #tpu.memory_space<vmem>>, vector<512x64xf32>
    tpu.vector_store %arg10[%swap3A, %swap3A_77], %add3A_76 {strides = array<i32>} : memref<512x64xf32, #tpu.memory_space<vmem>>, vector<512x64xf32>,
    %eq3A_79 = arith.constant 48 : i32
    %eq3A_80 = arith.cmpi eq, %arg0, %eq3A_79 : i32
    %convert_element_type3A_81 = arith.extui %eq3A_80 : i1 to i32
    %cond3A_82 = arith.constant 0 : i32
    %cond3A_83 = arith.cmpi ne, %convert_element_type3A_81, %cond3A_82 : i32
    scf.if %cond3A_83 {
      %get3A_84 = arith.constant 0 : index
      %get3A_85 = arith.constant 0 : index
      %get3A_86 = vector.load %arg10[%get3A_84, %get3A_85] : memref<512x64xf32, #tpu.memory_space<vmem>>, vector<512x64xf32>
      %get3A_87 = arith.constant 0 : index
      %get3A_88 = arith.constant 0 : index
      %get3A_89 = vector.load %arg7[%get3A_87, %get3A_88] : memref<1000x64xf32, #tpu.memory_space<vmem>>, vector<1000x64xf32>
      %dot_general3A_90 = arith.constant dense<0.000000e+00> : vector<512x1000xf32>
      %dot_general3A_91 = tpu.matmul %get3A_86, %get3A_89, %dot_general3A_90 {dimension_numbers = #tpu.dot_dimension_numbers<[1], [1], [0], [0], [0, 0, 1, 0], [], []>, transpose_lhs_hint = false} : vector<512x64xf32>, vector<1000x64xf32>, vector<512x1000xf32> -> vector<512x1000xf32>
      %get3A_92 = arith.constant 0 : index
      %get3A_93 = arith.constant 0 : index
      %get3A_94 = vector.load %arg8[%get3A_92, %get3A_93] : memref<1x1000xf32, #tpu.memory_space<vmem>>, vector<1x1000xf32>
      %add3A_95 = vector.broadcast %get3A_94 : vector<1x1000xf32> to vector<512x1000xf32>
      %add3A_96 = arith.addf %dot_general3A_91, %add3A_95 : vector<512x1000xf32>
      %swap3A_97 = arith.constant 0 : index
      %swap3A_98 = arith.constant 0 : index
      %swap3A_99 = vector.load %arg9[%swap3A_97, %swap3A_98] : memref<512x1000xf32, #tpu.memory_space<vmem>>, vector<512x1000xf32>
      tpu.vector_store %arg9[%swap3A_97, %swap3A_98], %add3A_96 {strides = array<i32>} : memref<512x1000xf32, #tpu.memory_space<vmem>>, vector<512x1000xf32>,
    } else {
    }
    return
  }
  func.func @transform_0(%arg0: i32) -> (i32, i32) {
    %c0_i32 = arith.constant 0 : i32
    %c0_i32_0 = arith.constant 0 : i32
    return %arg0, %c0_i32 : i32, i32
  }
  func.func @transform_1(%arg0: i32) -> (i32, i32) {
    %c0_i32 = arith.constant 0 : i32
    %c0_i32_0 = arith.constant 0 : i32
    return %arg0, %c0_i32 : i32, i32
  }
  func.func @transform_2(%arg0: i32) -> (i32, i32) {
    %c0_i32 = arith.constant 0 : i32
    %c0_i32_0 = arith.constant 0 : i32
    return %arg0, %c0_i32 : i32, i32
  }
  func.func @transform_3(%arg0: i32) -> (i32, i32) {
    %c0_i32 = arith.constant 0 : i32
    %c0_i32_0 = arith.constant 0 : i32
    return %arg0, %c0_i32 : i32, i32
  }
  func.func @transform_4(%arg0: i32) -> (i32, i32) {
    %c0_i32 = arith.constant 0 : i32
    %c0_i32_0 = arith.constant 0 : i32
    %c0_i32_1 = arith.constant 0 : i32
    return %c0_i32, %c0_i32_0 : i32, i32
  }
  func.func @transform_5(%arg0: i32) -> (i32, i32) {
    %c0_i32 = arith.constant 0 : i32
    %c0_i32_0 = arith.constant 0 : i32
    return %arg0, %c0_i32 : i32, i32
  }
  func.func @transform_6(%arg0: i32) -> (i32, i32) {
    %c0_i32 = arith.constant 0 : i32
    %c0_i32_0 = arith.constant 0 : i32
    %c0_i32_1 = arith.constant 0 : i32
    return %c0_i32, %c0_i32_0 : i32, i32
  }
  func.func @transform_7(%arg0: i32) -> (i32, i32) {
    %c0_i32 = arith.constant 0 : i32
    %c0_i32_0 = arith.constant 0 : i32
    %c0_i32_1 = arith.constant 0 : i32
    return %c0_i32, %c0_i32_0 : i32, i32
  }
  func.func @transform_8(%arg0: i32) -> (i32, i32) {
    %c0_i32 = arith.constant 0 : i32
    %c0_i32_0 = arith.constant 0 : i32
    %c0_i32_1 = arith.constant 0 : i32
    return %c0_i32, %c0_i32_0 : i32, i32
  }
}

</mosaic_0001>

<sc_bundles>
// kernel: kernel.11.cloned.1.call-start
scs
__scs_entry_jumppad:
0x0: {  	(pc) =	sbr.rel $0x88, $3  }
0x1: {  	(tag) =	ssettag $0x0;
	lr =	simm.s32 $0x1  }
0x2: {  	[smem:$0x3F97] =	sst lr;
	_ =	strace $0xD0000000  }
0x3: {  	_ = 	snop  }
0x4: {  	_ = 	snop  }
0x5: {  	_ = 	snop  }
0x6: {  	_ = 	snop  }
0x7: {  	_ = 	snop  }
__scs_overlays_trampoline_lowered:
0x8: {  	[smem:$0x3FA6] =	sst s0  }
0x9: {  	[smem:$0x3FA7] =	sst s1  }
0xa: {  	[smem:$0x3FA8] =	sst s2  }
0xb: {  	[smem:$0x3FA9] =	sst s3  }
0xc: {  	[smem:$0x3FAA] =	sst s4  }
0xd: {  	[smem:$0x3FAB] =	sst s5  }
0xe: {  	[smem:$0x3FAC] =	sst s6  }
0xf: {  	[smem:$0x3FAD] =	sst s7  }
0x10: {  	[smem:$0x3FAE] =	sst s8  }
0x11: {  	[smem:$0x3FAF] =	sst s9;
	s0 =	simm.s32 @!p0 $0x0  }
0x12: {  	s1 =	sld [smem:$0x3F95];
	s0 =	simm.s32 @p0 $0x1  }
0x13: {  	[smem:$0x3FB0] =	sst s0;
	s0 =	simm.s32 @!p1 $0x0  }
0x14: {  	s2 =	sld [smem:$0x3F94];
	s0 =	simm.s32 @p1 $0x1  }
0x15: {  	[smem:$0x3FB1] =	sst s0;
	s0 =	simm.s32 @!p2 $0x0  }
0x16: {  	s3 =	sld [smem:$0x3FDB];
	s0 =	simm.s32 @p2 $0x1  }
0x17: {  	s4 =	simm.s32 $0x1BF5;
	[smem:$0x3FB3] =	sst s0  }
0x18: {  	s0 =	sld [smem:$0x3F96];
	_ =	swait.ge [sflag:s4], $0x0  }
0x19: {  	s7 =	sld [smem:$0x3F97]  }
0x1a: {  	s8 =	sadd.s32 $0xFFFFE003, lr  }
0x1b: {  	s9 =	sadd.s32 $0xFFFFFEF7, lr;
	s5 =	simm.s32 $0xFFFFFFFF;
	p2 =	slt.u32 s8, $0xFFFFF086  }
0x1c: {  	p1 =	slt.u32 s9, $0xF7A;
	s5 =	simm.s32 @!p2 $0x0  }
0x1d: {  	s5 =	simm.s32 @p1 $0x1;
	p0 =	seq.s32 s7, s2  }
0x1e: {  	s7 =	smul.u32 @!p0 $0xF7A, s2;
	p2 =	seq.s32 @!p0 s5, $0x0  }
0x1f: {  	s9 =	smul.u32 $0xF7A, s1;
	s8 =	simm.s32 @!p0 $0x1BF5;
	p2 =	por !p2, p0  }
0x20: {  	[sflag:s8] =	ssyncset.s32 @!p0 $0xFFFFF086;
	s6 =	sadd.s32 @!p0 s3, s7;
	s7 =	simm.s32 @!p0 $0x108  }
0x21: {  	s3 =	sadd.s32 s3, s9;
	s6 =	sadd.s32 @!p0 $0x88, s6;
	s7 =	simm.s32 @p2 $0x1082  }
0x22: {  	[simem:s7], [sflag:s8] =	dma.local @!p0 [hbm:s6], $0xF7A  }
0x23: {  	s9 =	sor.u32 $0xD0000000, s2;
	s6 =	simm.s32 $0x108;
	_ =	swait.ge @!p0 [sflag:s8], $0x0  }
0x24: {  	s3 =	sadd.s32 $0x88, s3;
	s6 =	simm.s32 @!p1 $0x1082;
	[sflag:s4] =	ssyncset.s32 $0xFFFFF086  }
0x25: {  	[simem:s6], [sflag:s4] =	dma.local [hbm:s3], $0xF7A  }
0x26: {  	[smem:$0x3F97] =	sst s1;
	(tag) =	ssettag s2;
	_ =	strace s9  }
0x27: {  	s1 =	sld [smem:$0x3FA7]  }
0x28: {  	s2 =	sld [smem:$0x3FA8]  }
0x29: {  	s4 =	sld [smem:$0x3FAA]  }
0x2a: {  	p0 =	seq.s32 s5, $0x0;
	s5 =	sld [smem:$0x3FAB]  }
0x2b: {  	s6 =	sld [smem:$0x3FAC]  }
0x2c: {  	s7 =	sld [smem:$0x3FAD]  }
0x2d: {  	s3 =	simm.s32 $0x108;
	s8 =	sld [smem:$0x3FAE]  }
0x2e: {  	s3 =	simm.s32 @!p0 $0x1082;
	s9 =	sld [smem:$0x3FAF]  }
0x2f: {  	lr =	sadd.s32 s0, s3;
	s0 =	sld [smem:$0x3FA6]  }
0x30: {  	s3 =	sld [smem:$0x3FA9]  }
0x31: {  	[smem:$0x3FB2] =	sst s10  }
0x32: {  	s10 =	sld [smem:$0x3FB0];
	_ =	sdelay $0x3  }
0x33: {  	p0 =	seq.s32 s10, $0x1;
	s10 =	sld [smem:$0x3FB2];
	_ =	sdelay $0x3  }
0x34: {  	[smem:$0x3FB2] =	sst s10  }
0x35: {  	s10 =	sld [smem:$0x3FB1];
	_ =	sdelay $0x3  }
0x36: {  	p1 =	seq.s32 s10, $0x1;
	s10 =	sld [smem:$0x3FB2];
	_ =	sdelay $0x3  }
0x37: {  	[smem:$0x3FB2] =	sst s10  }
0x38: {  	s10 =	sld [smem:$0x3FB3]  }
0x39: {  	_ = 	snop;
	(pc) =	sbr.ind lr, $3  }
0x3a: {  	_ = 	snop  }
0x3b: {  	_ = 	snop  }
0x3c: {  	p2 =	seq.s32 s10, $0x1;
	s10 =	sld [smem:$0x3FB2]  }
0x3d: {  	_ =	shalt  }
0x3e: {  	_ =	shalt  }
0x3f: {  	_ =	shalt  }
0x40: {  	_ =	shalt  }
0x41: {  	_ =	shalt  }
0x42: {  	_ =	shalt  }
0x43: {  	_ =	shalt  }
0x44: {  	_ =	shalt  }
0x45: {  	_ =	shalt  }
0x46: {  	_ =	shalt  }
0x47: {  	_ =	shalt  }
0x48: {  	_ =	shalt  }
0x49: {  	_ =	shalt  }
0x4a: {  	_ =	shalt  }
0x4b: {  	_ =	shalt  }
0x4c: {  	_ =	shalt  }
0x4d: {  	_ =	shalt  }
0x4e: {  	_ =	shalt  }
0x4f: {  	_ =	shalt  }
0x50: {  	_ =	shalt  }
0x51: {  	_ =	shalt  }
0x52: {  	_ =	shalt  }
0x53: {  	_ =	shalt  }
0x54: {  	_ =	shalt  }
0x55: {  	_ =	shalt  }
0x56: {  	_ =	shalt  }
0x57: {  	_ =	shalt  }
0x58: {  	_ =	shalt  }
0x59: {  	_ =	shalt  }
0x5a: {  	_ =	shalt  }
0x5b: {  	_ =	shalt  }
0x5c: {  	_ =	shalt  }
0x5d: {  	_ =	shalt  }
0x5e: {  	_ =	shalt  }
0x5f: {  	_ =	shalt  }
0x60: {  	_ =	shalt  }
0x61: {  	_ =	shalt  }
0x62: {  	_ =	shalt  }
0x63: {  	_ =	shalt  }
0x64: {  	_ =	shalt  }
0x65: {  	_ =	shalt  }
0x66: {  	_ =	shalt  }
0x67: {  	_ =	shalt  }
0x68: {  	_ =	shalt  }
0x69: {  	_ =	shalt  }
0x6a: {  	_ =	shalt  }
0x6b: {  	_ =	shalt  }
0x6c: {  	_ =	shalt  }
0x6d: {  	_ =	shalt  }
0x6e: {  	_ =	shalt  }
0x6f: {  	_ =	shalt  }
0x70: {  	_ =	shalt  }
0x71: {  	_ =	shalt  }
0x72: {  	_ =	shalt  }
0x73: {  	_ =	shalt  }
0x74: {  	_ =	shalt  }
0x75: {  	_ =	shalt  }
0x76: {  	_ =	shalt  }
0x77: {  	_ =	shalt  }
0x78: {  	_ =	shalt  }
0x79: {  	_ =	shalt  }
0x7a: {  	_ =	shalt  }
0x7b: {  	_ =	shalt  }
0x7c: {  	_ =	shalt  }
0x7d: {  	_ =	shalt  }
0x7e: {  	_ =	shalt  }
0x7f: {  	_ =	shalt  }
0x80: {  	_ =	shalt  }
0x81: {  	_ =	shalt  }
0x82: {  	_ =	shalt  }
0x83: {  	_ =	shalt  }
0x84: {  	_ =	shalt  }
0x85: {  	_ =	shalt  }
0x86: {  	_ =	shalt  }
0x87: {  	_ =	shalt  }
.Lfunc_end0:
.L_simem_size_0:
called_computation.1_lowered:
.L_overlay_start_0:
0x88: {  	s2 =	sld [smem:$0x3FD9]  }
0x89: {  	s3 =	sld [smem:$0x3FFE];
	_ =	sdelay $0x1  }
0x8a: {  	s1 =	srdreg.scid  }
0x8b: {  	s0 =	sand.u32 $0x1, s1  }
0x8c: {  	s16 =	sshll.u32 s0, $0xA;
	s2 =	sadd.s32 s3, s2  }
0x8d: {  	s2 =	sadd.s32 s2, s16  }
0x8e: {  	[smem:$0x3FBE] =	sst s2  }
0x8f: {  	_ = 	snop  }
0x90: {  	(tm) =	ssettm $0x1  }
0x91: {  	s17 =	sld [smem:$0x3FFB];
	_ =	sdelay $0x3  }
0x92: {  	_ =	strace s17  }
0x93: {  	s2 =	sld [smem:$0x3FFC];
	_ =	sdelay $0x3  }
0x94: {  	_ =	strace s2  }
0x95: {  	s2 =	sld [smem:$0x3FFD];
	_ =	sdelay $0x3  }
0x96: {  	_ =	strace s2  }
0x97: {  	_ =	strace $0x8FFFFFFF  }
0x98: {  	s18 =	sld [smem:$0x3FDB];
	_ =	sdelay $0x1  }
0x99: {  	s19 =	simm.s32 $_scs_section_size  }
0x9a: {  	s4 =	simm.s32 $_size__tile_overlayer_lowered;
	s5 =	simm.s32 $_tile_overlayer_lowered  }
0x9b: {  	s22 =	simm.s32 $0x1BFF;
	s21 =	sshll.u32 s5, $0x1;
	s2 =	sadd.s32 s19, s18  }
0x9c: {  	s6 =	simm.s32 $0x0;
	s20 =	sshll.u32 s4, $0x1;
	s4 =	sadd.s32 s21, s2  }
0x9d: {  	[timem:s6], [sflag:s22] =	dma.local [hbm:s4], s20  }
0x9e: {  	_ =	swait.ge [sflag:s22], s20  }
0x9f: {  	s3 =	ssub.s32 $0x0, s20;
	[sflag:s22] =	ssyncset.done $0x0  }
0xa0: {  	[sflag:s22] =	ssyncadd.s32 s3;
	_ =	sdelay $0x1  }
0xa1: {  	s23 =	simm.s32 $0x1B8B  }
0xa2: {  	_ =	swait.ge [sflag:s23], $0x1  }
0xa3: {  	[sflag:s23] =	ssyncset.done $0x0  }
0xa4: {  	s25 =	simm.s32 $0x1B8E;
	s24 =	sld [smem:$0x3FFE];
	[sflag:s23] =	ssyncadd.s32 $0xFFFFFFFF  }
0xa5: {  	s26 =	simm.s32 $execute0_lowered;
	[smem:$0x3FD2] =	sst s25  }
0xa6: {  	s4 =	sshll.u32 s26, $0x1;
	_ =	strace $0x80000049;
	[dreg:$0x1] =	wrdreg $0xFFFFFFFF  }
0xa7: {  	s28 =	simm.s32 $_size_execute0_lowered;
	s2 =	sadd.s32 s2, s4;
	[dreg:$0x0] =	wrdreg $0x0  }
0xa8: {  	s4 =	sshll.u32 s28, $0x1;
	[dreg:$0x2] =	wrdreg s2  }
0xa9: {  	[dreg:$0x3] =	wrdreg s4  }
0xaa: {  	[dreg:$0x4] =	wrdreg $0xC0  }
0xab: {  	_ =	task [dreg:s6], $0x5FFFF  }
0xac: {  	[dreg:$0x1] =	wrdreg $0xFFFFFFFF  }
0xad: {  	[dreg:$0x0] =	wrdreg $0x60  }
0xae: {  	[dreg:$0x2] =	wrdreg s24  }
0xaf: {  	[dreg:$0x3] =	wrdreg $0x6A800  }
0xb0: {  	[dreg:$0x4] =	wrdreg $0x9  }
0xb1: {  	_ =	task.clear_ibuf [dreg:s6], $0x5FFFF;
	_ =	strace $0x90000049  }
0xb2: {  	s29 =	simm.s32 $0x9;
	_ =	strace $0x8000004B  }
0xb3: {  	_ =	swait.ge [sflag:s29], $0x1  }
0xb4: {  	[sflag:s29] =	ssyncadd.s32 $0xFFFFFFFF  }
0xb5: {  	_ =	strace $0x9000004B  }
0xb6: {  	_ =	sfence  }
0xb7: {  	s30 =	sld [smem:$0x0];
	_ =	sdelay $0x2  }
0xb8: {  	s31 =	sshll.u32 s1, $0xD;
	s1 =	sshrl.u32 s1, $0x2  }
0xb9: {  	s3 =	sand.u32 $0x4000, s31;
	s1 =	sadd.s32 s1, s30  }
0xba: {  	s0 =	sor.u32 s3, s0;
	s1 =	sshll.u32 s1, $0x11  }
0xbb: {  	s0 =	sor.u32 s1, s0  }
0xbc: {  	s0 =	sadd.s32 $0x8F2B, s0  }
0xbd: {  	[sflag:s0] =	ssyncadd.remote.s32 $0x1  }
0xbe: {  	_ =	sfence.sel $0xFFFF  }
0xbf: {  	[dreg:$0x0] =	wrdreg $0xFFFFFFFF;
	(pc) =	sbr.abs _section_cstart, $3  }
0xc0: {  	[dreg:$0x1] =	wrdreg $0xFFFFFFFF  }
0xc1: {  	_ =	task.clear_ibuf [dreg:s6], $0x2FFFF;
	_ =	strace $0x9FFFFFFF  }
0xc2: {  	(tm) =	ssettm $0x7FFFFFFF  }
0xc3: {  	_ =	shalt  }
tec
execute0_lowered:
.L_overlay_start_1:
0x0: {  	(tag) =	ssettag $0x1  }
0x1: {  	s0 =	rddreg [dreg:$0x0]  }
0x2: {  	s2 =	rddreg [dreg:$0x1];
	s3 =	simm.s32 $0x0;
	s12 =	stileid.u32  }
0x3: {  	s1 =	srdreg.scid;
	s31 =	simm.s32 $0x5200;
	s7 =	smul.u32 $0x31000, s12  }
0x4: {  	[smem:$0x7FF] =	sst s3;
	s8 =	sand.u32 $0x1, s1;
	s25 =	smul.u32 $0x62000, s12  }
0x5: {  	s5 =	sadd.s32 $0x1BA00, s0;
	s6 =	sadd.s32 $0x2A00, s0;
	s19 =	smul.u32 $0x1900, s12  }
0x6: {  	_ =	strace $0x8000004A;
	s9 =	sshll.u32 s8, $0x5;
	s26 =	ssub.s32 $0x2, s8  }
0x7: {  	s7 =	sor.u32 s9, s7;
	s1 =	sshrl.u32 s25, $0x2;
	s11 =	sshrl.u32 s26, $0x1  }
0x8: {  	s24 =	sadd.s32 s5, s19;
	s10 =	sshrl.u32 s7, $0x3;
	s7 =	sadd.s32 s1, s2  }
0x9: {  	s1 =	ssub.s32 s26, s11;
	[dreg:$0xd] =	wrdreg s24;
	s26 =	sadd.s32 s6, s19  }
0xa: {  	s4 =	sadd.s32 $0x34A00, s0;
	s13 =	sadd.s32 $0x1880, s7;
	[dreg:$0xe] =	wrdreg s26  }
0xb: {  	v0 =	vmov s8;
	s8 =	simm.s32 $0x1;
	s14 =	sadd.s32 $0x3100, s7;
	[dreg:$0x3] =	wrdreg s13  }
0xc: {  	s25 =	sor.u32 $0x80, s19;
	s15 =	sadd.s32 $0x4980, s7;
	[dreg:$0x4] =	wrdreg s14  }
0xd: {  	s9 =	simm.s32 $0x2;
	s16 =	sadd.s32 $0x6200, s7;
	[dreg:$0x5] =	wrdreg s15  }
0xe: {  	s24 =	sadd.s32 $0x100, s19;
	s17 =	sadd.s32 $0x7A80, s7;
	[dreg:$0x6] =	wrdreg s16  }
0xf: {  	s0 =	sadd.s32 s10, s0;
	s18 =	sadd.s32 $0x9300, s7;
	[dreg:$0x7] =	wrdreg s17  }
0x10: {  	s20 =	sadd.s32 $0xAB80, s7;
	s21 =	sadd.s32 $0xC400, s7;
	[dreg:$0x8] =	wrdreg s18  }
0x11: {  	s22 =	sadd.s32 $0xDC80, s7;
	s23 =	sadd.s32 $0xF500, s7;
	[dreg:$0x9] =	wrdreg s20  }
.Ltmp0:
0x12: {  	s26 =	sadd.s32 $0x12600, s7;
	[dreg:$0xa] =	wrdreg s21;
	(pc) =	sbr.rel .LBB2_1-.Ltmp0, $4  }
0x13: {  	s28 =	sadd.s32 $0x13E80, s7;
	s29 =	sadd.s32 $0x15700, s7;
	[dreg:$0xb] =	wrdreg s22  }
0x14: {  	s30 =	sadd.s32 $0x16F80, s7;
	[dreg:$0xc] =	wrdreg s23;
	s20 =	sadd.s32 s5, s25  }
0x15: {  	s21 =	sadd.s32 s6, s25;
	s22 =	sadd.s32 $0x15DE00, s0;
	s23 =	smax.u32 s1, $0x1  }
0x16: {  	v1 =	vimm.f32 $0.0e+00;
	s25 =	sadd.s32 $0x10D80, s7;
	s0 =	simm.s32 $0x4;
	s1 =	simm.s32 $0x80  }
.LBB2_7:
0x17: {  	s10 =	stileid.u32;
	[bflag:$0x0] =	sbarrier.arrive $0xFFFF;
	s3 =	sadd.s32 $0x1, s3  }
0x18: {  	s11 =	sshrl.u32 s7, $0x3;
	s10 =	sshll.u32 s10, $0x6;
	p0 =	sne.s32 s3, s23  }
.Ltmp1:
0x19: {  	s12 =	simm.s32 $0x8;
	s10 =	sor.u32 $0x1C04, s10;
	(pc) =	sbr.rel @!p0 .LBB2_8-.Ltmp1, $4  }
0x1a: {  	[hbm:s22@s12], [sflag:s10] =	dma.strided [spmem:s11@s0], $0x3100, s8, $0x4   }
0x1b: {  	_ =	swait.ge [sflag:s0], $0x3100  }
0x1c: {  	[sflag:s0] =	ssyncset.done $0x0  }
0x1d: {  	[sflag:s0] =	ssyncadd.s32 $0xFFFFCF00  }
.LBB2_1:
0x1e: {  	s10 =	simm.s32 $0x80;
	s11 =	simm.s32 $0x0  }
.LBB2_2:
0x1f: {  	p0 =	sne.s32 s10, $0x6180;
	[tilespmem:s11+$0x5200] =	vst v1;
	s12 =	smov.u32 s10;
	s10 =	sadd.s32 $0x80, s10  }
.Ltmp2:
0x20: {  	[tilespmem:s11+$0x5210] =	vst v1;
	(pc) =	sbr.rel @p0 .LBB2_2-.Ltmp2, $2  }
0x21: {  	_ =	sdelay $0x2  }
0x22: {  	s11 =	sshra.s32 s12, $0x2  }
0x23: {  	[tilespmem:s11+$0x5200] =	vst v1  }
0x24: {  	[tilespmem:s11+$0x5210] =	vst v1  }
0x25: {  	[spmem:s7] =	stream.linear.scatter [tilespmem:s31], [sflag:$0x4], $0x1880, $0x38;
	[tilespmem:$0x1F280] =	vst v63  }
0x26: {  	_ =	swait.ge [sflag:s0], $0x1880  }
0x27: {  	[sflag:s0] =	ssyncset.done $0x0  }
0x28: {  	s10 =	rddreg [dreg:$0x3];
	[sflag:s0] =	ssyncadd.s32 $0xFFFFE780  }
0x29: {  	[spmem:s10] =	stream.linear.scatter [tilespmem:s31], [sflag:$0x4], $0x1880, $0x38;
	[tilespmem:$0x1F280] =	vst v63  }
0x2a: {  	_ =	swait.ge [sflag:s0], $0x1880  }
0x2b: {  	[sflag:s0] =	ssyncset.done $0x0  }
0x2c: {  	s12 =	rddreg [dreg:$0x4];
	[sflag:s0] =	ssyncadd.s32 $0xFFFFE780  }
0x2d: {  	[spmem:s12] =	stream.linear.scatter [tilespmem:s31], [sflag:$0x4], $0x1880, $0x38;
	[tilespmem:$0x1F280] =	vst v63  }
0x2e: {  	_ =	swait.ge [sflag:s0], $0x1880  }
0x2f: {  	[sflag:s0] =	ssyncset.done $0x0  }
0x30: {  	s13 =	rddreg [dreg:$0x5];
	[sflag:s0] =	ssyncadd.s32 $0xFFFFE780  }
0x31: {  	[spmem:s13] =	stream.linear.scatter [tilespmem:s31], [sflag:$0x4], $0x1880, $0x38;
	[tilespmem:$0x1F280] =	vst v63  }
0x32: {  	_ =	swait.ge [sflag:s0], $0x1880  }
0x33: {  	[sflag:s0] =	ssyncset.done $0x0  }
0x34: {  	s14 =	rddreg [dreg:$0x6];
	[sflag:s0] =	ssyncadd.s32 $0xFFFFE780  }
0x35: {  	[spmem:s14] =	stream.linear.scatter [tilespmem:s31], [sflag:$0x4], $0x1880, $0x38;
	[tilespmem:$0x1F280] =	vst v63  }
0x36: {  	_ =	swait.ge [sflag:s0], $0x1880  }
0x37: {  	[sflag:s0] =	ssyncset.done $0x0  }
0x38: {  	s15 =	rddreg [dreg:$0x7];
	[sflag:s0] =	ssyncadd.s32 $0xFFFFE780  }
0x39: {  	[spmem:s15] =	stream.linear.scatter [tilespmem:s31], [sflag:$0x4], $0x1880, $0x38;
	[tilespmem:$0x1F280] =	vst v63  }
0x3a: {  	_ =	swait.ge [sflag:s0], $0x1880  }
0x3b: {  	[sflag:s0] =	ssyncset.done $0x0  }
0x3c: {  	s16 =	rddreg [dreg:$0x8];
	[sflag:s0] =	ssyncadd.s32 $0xFFFFE780  }
0x3d: {  	[spmem:s16] =	stream.linear.scatter [tilespmem:s31], [sflag:$0x4], $0x1880, $0x38;
	[tilespmem:$0x1F280] =	vst v63  }
0x3e: {  	_ =	swait.ge [sflag:s0], $0x1880  }
0x3f: {  	[sflag:s0] =	ssyncset.done $0x0  }
0x40: {  	s17 =	rddreg [dreg:$0x9];
	[sflag:s0] =	ssyncadd.s32 $0xFFFFE780  }
0x41: {  	[spmem:s17] =	stream.linear.scatter [tilespmem:s31], [sflag:$0x4], $0x1880, $0x38;
	[tilespmem:$0x1F280] =	vst v63  }
0x42: {  	_ =	swait.ge [sflag:s0], $0x1880  }
0x43: {  	[sflag:s0] =	ssyncset.done $0x0  }
0x44: {  	s18 =	rddreg [dreg:$0xa];
	[sflag:s0] =	ssyncadd.s32 $0xFFFFE780  }
0x45: {  	[spmem:s18] =	stream.linear.scatter [tilespmem:s31], [sflag:$0x4], $0x1880, $0x38;
	[tilespmem:$0x1F280] =	vst v63  }
0x46: {  	_ =	swait.ge [sflag:s0], $0x1880  }
0x47: {  	[sflag:s0] =	ssyncset.done $0x0  }
0x48: {  	s19 =	rddreg [dreg:$0xb];
	[sflag:s0] =	ssyncadd.s32 $0xFFFFE780  }
0x49: {  	[spmem:s19] =	stream.linear.scatter [tilespmem:s31], [sflag:$0x4], $0x1880, $0x38;
	[tilespmem:$0x1F280] =	vst v63  }
0x4a: {  	_ =	swait.ge [sflag:s0], $0x1880  }
0x4b: {  	[sflag:s0] =	ssyncset.done $0x0  }
0x4c: {  	s11 =	rddreg [dreg:$0xc];
	[sflag:s0] =	ssyncadd.s32 $0xFFFFE780  }
0x4d: {  	[spmem:s11] =	stream.linear.scatter [tilespmem:s31], [sflag:$0x4], $0x1880, $0x38;
	[tilespmem:$0x1F280] =	vst v63  }
0x4e: {  	_ =	swait.ge [sflag:s0], $0x1880  }
0x4f: {  	[sflag:s0] =	ssyncset.done $0x0  }
0x50: {  	[sflag:s0] =	ssyncadd.s32 $0xFFFFE780  }
0x51: {  	[spmem:s25] =	stream.linear.scatter [tilespmem:s31], [sflag:$0x4], $0x1880, $0x38;
	[tilespmem:$0x1F280] =	vst v63  }
0x52: {  	_ =	swait.ge [sflag:s0], $0x1880  }
0x53: {  	[sflag:s0] =	ssyncset.done $0x0  }
0x54: {  	[sflag:s0] =	ssyncadd.s32 $0xFFFFE780  }
0x55: {  	[spmem:s26] =	stream.linear.scatter [tilespmem:s31], [sflag:$0x4], $0x1880, $0x38;
	[tilespmem:$0x1F280] =	vst v63  }
0x56: {  	_ =	swait.ge [sflag:s0], $0x1880  }
0x57: {  	[sflag:s0] =	ssyncset.done $0x0  }
0x58: {  	[sflag:s0] =	ssyncadd.s32 $0xFFFFE780  }
0x59: {  	[spmem:s28] =	stream.linear.scatter [tilespmem:s31], [sflag:$0x4], $0x1880, $0x38;
	[tilespmem:$0x1F280] =	vst v63  }
0x5a: {  	_ =	swait.ge [sflag:s0], $0x1880  }
0x5b: {  	[sflag:s0] =	ssyncset.done $0x0  }
0x5c: {  	[sflag:s0] =	ssyncadd.s32 $0xFFFFE780  }
0x5d: {  	[spmem:s29] =	stream.linear.scatter [tilespmem:s31], [sflag:$0x4], $0x1880, $0x38;
	[tilespmem:$0x1F280] =	vst v63  }
0x5e: {  	_ =	swait.ge [sflag:s0], $0x1880  }
0x5f: {  	[sflag:s0] =	ssyncset.done $0x0  }
0x60: {  	[sflag:s0] =	ssyncadd.s32 $0xFFFFE780  }
0x61: {  	[spmem:s30] =	stream.linear.scatter [tilespmem:s31], [sflag:$0x4], $0x1880, $0x38;
	[tilespmem:$0x1F280] =	vst v63  }
0x62: {  	_ =	swait.ge [sflag:s0], $0x1880  }
0x63: {  	[sflag:s0] =	ssyncset.done $0x0  }
0x64: {  	[sflag:s0] =	ssyncadd.s32 $0xFFFFE780  }
0x65: {  	[bflag:$0x0] =	sbarrier.arrive $0xFFFF  }
0x66: {  	s10 =	simm.s32 $0x0;
	s12 =	rddreg [dreg:$0xd]  }
0x67: {  	[tilespmem:s10], [sflag:$0x4] =	stream.linear.gather [hbm4b:s12+s10], $0x400, $0x38;
	[tilespmem:$0x1F280] =	vst v63  }
0x68: {  	_ =	swait.ge [sflag:s0], $0x400  }
0x69: {  	[sflag:s0] =	ssyncset.done $0x0  }
0x6a: {  	s12 =	simm.s32 $0x800;
	s13 =	rddreg [dreg:$0xe];
	[sflag:s0] =	ssyncadd.s32 $0xFFFFFC00  }
0x6b: {  	[tilespmem:s12], [sflag:$0x4] =	stream.linear.gather [hbm4b:s13+s10], $0x400, $0x38;
	[tilespmem:$0x1F280] =	vst v63  }
0x6c: {  	_ =	swait.ge [sflag:s0], $0x400  }
0x6d: {  	[sflag:s0] =	ssyncset.done $0x0  }
0x6e: {  	s14 =	simm.s32 $0x400;
	[sflag:s0] =	ssyncadd.s32 $0xFFFFFC00  }
0x6f: {  	[tilespmem:s14], [sflag:$0x3] =	stream.linear.gather [hbm4b:s20+s10], $0x400, $0x38;
	[tilespmem:$0x1F280] =	vst v63  }
0x70: {  	s15 =	simm.s32 $0xC00  }
0x71: {  	[tilespmem:s15], [sflag:$0x3] =	stream.linear.gather [hbm4b:s21+s10], $0x400, $0x38;
	[tilespmem:$0x1F280] =	vst v63  }
0x72: {  	v2 =	vld [tilespmem:$0x0]  }
0x73: {  	v3 =	vld [tilespmem:$0x10]  }
0x74: {  	v4 =	vld [tilespmem:$0x20]  }
0x75: {  	v5 =	vld [tilespmem:$0x30]  }
0x76: {  	v6 =	vld [tilespmem:$0x40]  }
0x77: {  	v7 =	vld [tilespmem:$0x50];
	v2 =	vshll.u32 v2, $0x1  }
0x78: {  	v8 =	vld [tilespmem:$0x60];
	v3 =	vshll.u32 v3, $0x1;
	v2 =	vor.u32 v0, v2  }
0x79: {  	v55 =	vld [tilespmem:$0x70];
	[tilespmem:$0x1000] =	vst v2;
	v2 =	vor.u32 v0, v3;
	v3 =	vshll.u32 v4, $0x1  }
0x7a: {  	v56 =	vld [tilespmem:$0x80];
	[tilespmem:$0x1010] =	vst v2;
	v2 =	vor.u32 v0, v3;
	v3 =	vshll.u32 v5, $0x1  }
0x7b: {  	v57 =	vld [tilespmem:$0x90];
	[tilespmem:$0x1020] =	vst v2;
	v2 =	vor.u32 v0, v3;
	v3 =	vshll.u32 v6, $0x1  }
0x7c: {  	v58 =	vld [tilespmem:$0xA0];
	[tilespmem:$0x1030] =	vst v2;
	v2 =	vor.u32 v0, v3;
	v3 =	vshll.u32 v7, $0x1  }
0x7d: {  	v59 =	vld [tilespmem:$0xB0];
	[tilespmem:$0x1040] =	vst v2;
	v2 =	vor.u32 v0, v3;
	v3 =	vshll.u32 v8, $0x1  }
0x7e: {  	v60 =	vld [tilespmem:$0xC0];
	[tilespmem:$0x1050] =	vst v2;
	v2 =	vor.u32 v0, v3;
	v3 =	vshll.u32 v55, $0x1  }
0x7f: {  	v61 =	vld [tilespmem:$0xD0];
	[tilespmem:$0x1060] =	vst v2;
	v2 =	vor.u32 v0, v3;
	v3 =	vshll.u32 v56, $0x1  }
0x80: {  	v62 =	vld [tilespmem:$0xE0];
	[tilespmem:$0x1070] =	vst v2;
	v2 =	vor.u32 v0, v3;
	v3 =	vshll.u32 v57, $0x1  }
0x81: {  	v63 =	vld [tilespmem:$0xF0];
	[tilespmem:$0x1080] =	vst v2;
	v2 =	vor.u32 v0, v3;
	v3 =	vshll.u32 v58, $0x1  }
0x82: {  	[tilespmem:$0x1090] =	vst v2;
	v2 =	vor.u32 v0, v3;
	v3 =	vshll.u32 v59, $0x1  }
0x83: {  	[tilespmem:$0x10A0] =	vst v2;
	v2 =	vor.u32 v0, v3;
	v3 =	vshll.u32 v60, $0x1  }
0x84: {  	[tilespmem:$0x10B0] =	vst v2;
	v2 =	vor.u32 v0, v3;
	v3 =	vshll.u32 v61, $0x1  }
0x85: {  	[tilespmem:$0x10C0] =	vst v2;
	v2 =	vor.u32 v0, v3;
	v3 =	vshll.u32 v62, $0x1  }
0x86: {  	[tilespmem:$0x10D0] =	vst v2;
	v2 =	vor.u32 v0, v3;
	v3 =	vshll.u32 v63, $0x1  }
.Ltmp3:
0x87: {  	[tilespmem:$0x10E0] =	vst v2;
	v2 =	vor.u32 v0, v3;
	(pc) =	sbr.rel .LBB2_4-.Ltmp3, $4  }
0x88: {  	s16 =	simm.s32 $0x1000;
	s17 =	simm.s32 $0x1200;
	s18 =	simm.s32 $0x1080;
	[tilespmem:$0x10F0] =	vst v2  }
0x89: {  	[tilespmem:s17], [sflag:$0x1] =	stream.indirect.gather [hbm4b:s4+s1], $0x20, s16, s1, $0xb8;
	[tilespmem:$0x1F280] =	vst v63  }
0x8a: {  	s19 =	simm.s32 $0x2200;
	s11 =	simm.s32 $0x180;
	s12 =	simm.s32 $0x0  }
0x8b: {  	[tilespmem:s19], [sflag:$0x1] =	stream.indirect.gather [hbm4b:s4+s1], $0x20, s18, s1, $0xb8;
	[tilespmem:$0x1F280] =	vst v63  }
.LBB2_6:
0x8c: {  	s15 =	sshrl.u32 s10, $0x2  }
0x8d: {  	s14 =	sshll.u32 s14, $0xD;
	s15 =	sand.u32 $0x700, s15  }
0x8e: {  	s16 =	sor.u32 $0x1200, s14;
	s17 =	sor.u32 $0x800, s15  }
0x8f: {  	[spmem:s2] =	stream.indirect.scatter.add.f32 [tilespmem:s16], [sflag:$0x2], $0x20, s17, s1, $0xb8;
	[tilespmem:$0x1F280] =	vst v63  }
0x90: {  	s14 =	sadd.s32 $0x2200, s14;
	s15 =	sor.u32 $0x880, s15  }
0x91: {  	[spmem:s2] =	stream.indirect.scatter.add.f32 [tilespmem:s14], [sflag:$0x2], $0x20, s15, s1, $0xb8;
	[tilespmem:$0x1F280] =	vst v63  }
0x92: {  	p0 =	sgt.u32 s12, $0xBF;
	_ =	swait.ge [sflag:s9], $0x1000  }
0x93: {  	p1 =	sne.s32 @!p0 s13, $0x3;
	[sflag:s9] =	ssyncset.done $0x0  }
0x94: {  	s13 =	sshrl.u32 s12, $0x2;
	p0 =	por p1, p0;
	[sflag:s9] =	ssyncadd.s32 $0xFFFFF000  }
0x95: {  	s16 =	simm.s32 @!p0 $0x0;
	s14 =	sshll.u32 @!p0 s13, $0x7;
	_ =	swait.ge [sflag:s9], $0x1000  }
0x96: {  	s13 =	sshll.u32 @!p0 s13, $0xA;
	s14 =	sadd.s32 @!p0 s24, s14;
	[sflag:s9] =	ssyncset.done $0x0  }
0x97: {  	s13 =	sand.u32 @!p0 $0x400, s13;
	s15 =	sadd.s32 @!p0 s5, s14;
	[sflag:s9] =	ssyncadd.s32 $0xFFFFF000  }
0x98: {  	[tilespmem:s13], [sflag:$0x3] =	stream.linear.gather @!p0 [hbm4b:s15+s16], $0x400, $0x38;
	[tilespmem:$0x1F280] =	vst v63  }
0x99: {  	s11 =	sadd.s32 $0x100, s11;
	s14 =	sadd.s32 @!p0 s6, s14;
	s13 =	sor.u32 @!p0 $0x800, s13  }
0x9a: {  	[tilespmem:s13], [sflag:$0x3] =	stream.linear.gather @!p0 [hbm4b:s14+s16], $0x400, $0x38;
	[tilespmem:$0x1F280] =	vst v63  }
0x9b: {  	p0 =	sne.s32 s11, $0xC980  }
.Ltmp4:
0x9c: {  	_ = 	snop;
	(pc) =	sbr.rel @!p0 .LBB2_7-.Ltmp4, $2  }
0x9d: {  	_ =	sdelay $0x2  }
0x9e: {  	s10 =	sadd.s32 $0x400, s10;
	s12 =	sadd.s32 $0x1, s12  }
.LBB2_4:
0x9f: {  	_ =	swait.ge [sflag:s8], $0x1000  }
0xa0: {  	[sflag:s8] =	ssyncset.done $0x0  }
0xa1: {  	s13 =	sand.u32 $0x3, s12;
	p0 =	seq.s32 s11, $0xC880;
	[sflag:s8] =	ssyncadd.s32 $0xFFFFF000  }
0xa2: {  	p1 =	sne.s32 @!p0 s13, $0x3;
	_ =	swait.ge [sflag:s8], $0x1000  }
0xa3: {  	p1 =	por p1, p0;
	[sflag:s8] =	ssyncset.done $0x0  }
0xa4: {  	s15 =	simm.s32 @!p1 $0x3;
	[sflag:s8] =	ssyncadd.s32 $0xFFFFF000  }
0xa5: {  	_ =	swait.ge @!p1 [sflag:s15], $0x400  }
.Ltmp5:
0xa6: {  	[sflag:s15] =	ssyncset.done @!p1 $0x0;
	(pc) =	sbr.rel @p0 .LBB2_6-.Ltmp5, $4  }
0xa7: {  	[sflag:s15] =	ssyncadd.s32 @!p1 $0xFFFFFC00  }
0xa8: {  	_ =	swait.ge @!p1 [sflag:s15], $0x400  }
0xa9: {  	[sflag:s15] =	ssyncset.done @!p1 $0x0  }
0xaa: {  	s14 =	sand.u32 $0x1, s12;
	[sflag:s15] =	ssyncadd.s32 @!p1 $0xFFFFFC00  }
0xab: {  	s15 =	sadd.s32 $0xFFFFFF80, s11  }
0xac: {  	s17 =	sand.u32 $0x700, s15  }
0xad: {  	v2 =	vld [tilespmem:s17+$0x0];
	_ =	sdelay $0x3  }
0xae: {  	s18 =	sshll.u32 s14, $0x1  }
0xaf: {  	s15 =	sxor.u32 $0x2, s18;
	v2 =	vshll.u32 v2, $0x1  }
0xb0: {  	s16 =	sshll.u32 s15, $0x7;
	v2 =	vor.u32 v0, v2  }
0xb1: {  	[tilespmem:s16+$0x1000] =	vst v2  }
0xb2: {  	v2 =	vld [tilespmem:s17+$0x10];
	_ =	sdelay $0x4  }
0xb3: {  	v2 =	vshll.u32 v2, $0x1  }
0xb4: {  	v2 =	vor.u32 v0, v2  }
0xb5: {  	[tilespmem:s16+$0x1010] =	vst v2  }
0xb6: {  	v2 =	vld [tilespmem:s17+$0x20];
	_ =	sdelay $0x4  }
0xb7: {  	v2 =	vshll.u32 v2, $0x1  }
0xb8: {  	v2 =	vor.u32 v0, v2  }
0xb9: {  	[tilespmem:s16+$0x1020] =	vst v2  }
0xba: {  	v2 =	vld [tilespmem:s17+$0x30];
	_ =	sdelay $0x4  }
0xbb: {  	v2 =	vshll.u32 v2, $0x1  }
0xbc: {  	v2 =	vor.u32 v0, v2  }
0xbd: {  	[tilespmem:s16+$0x1030] =	vst v2  }
0xbe: {  	v2 =	vld [tilespmem:s17+$0x40];
	_ =	sdelay $0x4  }
0xbf: {  	v2 =	vshll.u32 v2, $0x1  }
0xc0: {  	v2 =	vor.u32 v0, v2  }
0xc1: {  	[tilespmem:s16+$0x1040] =	vst v2  }
0xc2: {  	v2 =	vld [tilespmem:s17+$0x50];
	_ =	sdelay $0x4  }
0xc3: {  	v2 =	vshll.u32 v2, $0x1  }
0xc4: {  	v2 =	vor.u32 v0, v2  }
0xc5: {  	[tilespmem:s16+$0x1050] =	vst v2  }
0xc6: {  	v2 =	vld [tilespmem:s17+$0x60];
	_ =	sdelay $0x4  }
0xc7: {  	v2 =	vshll.u32 v2, $0x1  }
0xc8: {  	v2 =	vor.u32 v0, v2  }
0xc9: {  	[tilespmem:s16+$0x1060] =	vst v2  }
0xca: {  	v2 =	vld [tilespmem:s17+$0x70];
	_ =	sdelay $0x4  }
0xcb: {  	v2 =	vshll.u32 v2, $0x1  }
0xcc: {  	v2 =	vor.u32 v0, v2  }
0xcd: {  	s17 =	sand.u32 $0x780, s11;
	[tilespmem:s16+$0x1070] =	vst v2  }
0xce: {  	v2 =	vld [tilespmem:s17+$0x0];
	_ =	sdelay $0x4  }
0xcf: {  	s18 =	sxor.u32 $0x3, s18;
	v2 =	vshll.u32 v2, $0x1  }
0xd0: {  	s19 =	sshll.u32 s18, $0x7;
	v2 =	vor.u32 v0, v2  }
0xd1: {  	[tilespmem:s19+$0x1000] =	vst v2  }
0xd2: {  	v2 =	vld [tilespmem:s17+$0x10];
	_ =	sdelay $0x4  }
0xd3: {  	v2 =	vshll.u32 v2, $0x1  }
0xd4: {  	v2 =	vor.u32 v0, v2  }
0xd5: {  	[tilespmem:s19+$0x1010] =	vst v2  }
0xd6: {  	v2 =	vld [tilespmem:s17+$0x20];
	_ =	sdelay $0x4  }
0xd7: {  	v2 =	vshll.u32 v2, $0x1  }
0xd8: {  	v2 =	vor.u32 v0, v2  }
0xd9: {  	[tilespmem:s19+$0x1020] =	vst v2  }
0xda: {  	v2 =	vld [tilespmem:s17+$0x30];
	_ =	sdelay $0x4  }
0xdb: {  	v2 =	vshll.u32 v2, $0x1  }
0xdc: {  	v2 =	vor.u32 v0, v2  }
0xdd: {  	[tilespmem:s19+$0x1030] =	vst v2  }
0xde: {  	v2 =	vld [tilespmem:s17+$0x40];
	_ =	sdelay $0x4  }
0xdf: {  	v2 =	vshll.u32 v2, $0x1  }
0xe0: {  	v2 =	vor.u32 v0, v2  }
0xe1: {  	[tilespmem:s19+$0x1040] =	vst v2  }
0xe2: {  	v2 =	vld [tilespmem:s17+$0x50];
	_ =	sdelay $0x4  }
0xe3: {  	v2 =	vshll.u32 v2, $0x1  }
0xe4: {  	v2 =	vor.u32 v0, v2  }
0xe5: {  	[tilespmem:s19+$0x1050] =	vst v2  }
0xe6: {  	v2 =	vld [tilespmem:s17+$0x60];
	_ =	sdelay $0x4  }
0xe7: {  	v2 =	vshll.u32 v2, $0x1  }
0xe8: {  	v2 =	vor.u32 v0, v2  }
0xe9: {  	[tilespmem:s19+$0x1060] =	vst v2  }
0xea: {  	v2 =	vld [tilespmem:s17+$0x70];
	_ =	sdelay $0x4  }
0xeb: {  	v2 =	vshll.u32 v2, $0x1  }
.Ltmp6:
0xec: {  	s15 =	sshll.u32 s15, $0xC;
	v2 =	vor.u32 v0, v2;
	(pc) =	sbr.rel .LBB2_6-.Ltmp6, $4  }
0xed: {  	s18 =	sshll.u32 s18, $0xC;
	s15 =	sadd.s32 $0x1200, s15;
	s16 =	sor.u32 $0x1000, s16;
	[tilespmem:s19+$0x1070] =	vst v2  }
0xee: {  	[tilespmem:s15], [sflag:$0x1] =	stream.indirect.gather [hbm4b:s4+s1], $0x20, s16, s1, $0xb8;
	[tilespmem:$0x1F280] =	vst v63  }
0xef: {  	s19 =	sor.u32 $0x1000, s19;
	s15 =	sadd.s32 $0x1200, s18  }
0xf0: {  	[tilespmem:s15], [sflag:$0x1] =	stream.indirect.gather [hbm4b:s4+s1], $0x20, s19, s1, $0xb8;
	[tilespmem:$0x1F280] =	vst v63  }
.LBB2_8:
0xf1: {  	_ =	sfence.sel $0x180000  }
0xf2: {  	[bflag:$0x0] =	sbarrier.arrive $0xFFFF  }
0xf3: {  	_ =	strace $0x9000004A  }
0xf4: {  	s0 =	stileid.u32;
	[bflag:$0x2] =	sbarrier.arrive $0xFFFF  }
0xf5: {  	p0 =	sne.s32 s0, $0x0;
	s0 =	rddreg [dreg:$0x2]  }
0xf6: {  	s0 =	sadd.s32 @!p0 $0x100000, s0  }
0xf7: {  	[sflag:s0] =	ssyncadd.tile.s32 @!p0 $0x1;
	_ =	shalt  }
.Lfunc_end2:
_tile_overlayer_lowered:
.L_overlay_start_2:
0xf8: {  	(tag) =	ssettag $0x2  }
0xf9: {  	s0 =	rddreg [dreg:$0x0];
	s2 =	stileid.u32  }
0xfa: {  	s1 =	rddreg [dreg:$0x1];
	p0 =	sne.s32 s2, $0x0  }
0xfb: {  	s3 =	rddreg [dreg:$0x2];
	[bflag:$0x3] =	sbarrier.arrive $0xFFFF;
	s2 =	simm.s32 @!p0 $0x1C04  }
0xfc: {  	[timem:s3], [sflag:s2] =	dma.local @!p0 [hbm:s0], s1  }
0xfd: {  	s0 =	simm.s32 @!p0 $0x4  }
0xfe: {  	_ =	swait.ge @!p0 [sflag:s0], s1  }
0xff: {  	s1 =	ssub.s32 @!p0 $0x0, s1;
	[sflag:s0] =	ssyncset.done @!p0 $0x0  }
0x100: {  	[sflag:s0] =	ssyncadd.s32 @!p0 s1  }
0x101: {  	[bflag:$0x3] =	sbarrier.arrive $0xFFFF  }
0x102: {  	_ =	shalt  }

// kernel: kernel.14.cloned.1.call-start
scs
__scs_entry_jumppad:
0x0: {  	(pc) =	sbr.rel $0x88, $3  }
0x1: {  	(tag) =	ssettag $0x0;
	lr =	simm.s32 $0x1  }
0x2: {  	[smem:$0x3F97] =	sst lr;
	_ =	strace $0xD0000000  }
0x3: {  	_ = 	snop  }
0x4: {  	_ = 	snop  }
0x5: {  	_ = 	snop  }
0x6: {  	_ = 	snop  }
0x7: {  	_ = 	snop  }
__scs_overlays_trampoline_lowered:
0x8: {  	[smem:$0x3FA6] =	sst s0  }
0x9: {  	[smem:$0x3FA7] =	sst s1  }
0xa: {  	[smem:$0x3FA8] =	sst s2  }
0xb: {  	[smem:$0x3FA9] =	sst s3  }
0xc: {  	[smem:$0x3FAA] =	sst s4  }
0xd: {  	[smem:$0x3FAB] =	sst s5  }
0xe: {  	[smem:$0x3FAC] =	sst s6  }
0xf: {  	[smem:$0x3FAD] =	sst s7  }
0x10: {  	[smem:$0x3FAE] =	sst s8  }
0x11: {  	[smem:$0x3FAF] =	sst s9;
	s0 =	simm.s32 @!p0 $0x0  }
0x12: {  	s1 =	sld [smem:$0x3F95];
	s0 =	simm.s32 @p0 $0x1  }
0x13: {  	[smem:$0x3FB0] =	sst s0;
	s0 =	simm.s32 @!p1 $0x0  }
0x14: {  	s2 =	sld [smem:$0x3F94];
	s0 =	simm.s32 @p1 $0x1  }
0x15: {  	[smem:$0x3FB1] =	sst s0;
	s0 =	simm.s32 @!p2 $0x0  }
0x16: {  	s3 =	sld [smem:$0x3FDB];
	s0 =	simm.s32 @p2 $0x1  }
0x17: {  	s4 =	simm.s32 $0x1BF5;
	[smem:$0x3FB3] =	sst s0  }
0x18: {  	s0 =	sld [smem:$0x3F96];
	_ =	swait.ge [sflag:s4], $0x0  }
0x19: {  	s7 =	sld [smem:$0x3F97]  }
0x1a: {  	s8 =	sadd.s32 $0xFFFFE003, lr  }
0x1b: {  	s9 =	sadd.s32 $0xFFFFFEF7, lr;
	s5 =	simm.s32 $0xFFFFFFFF;
	p2 =	slt.u32 s8, $0xFFFFF086  }
0x1c: {  	p1 =	slt.u32 s9, $0xF7A;
	s5 =	simm.s32 @!p2 $0x0  }
0x1d: {  	s5 =	simm.s32 @p1 $0x1;
	p0 =	seq.s32 s7, s2  }
0x1e: {  	s7 =	smul.u32 @!p0 $0xF7A, s2;
	p2 =	seq.s32 @!p0 s5, $0x0  }
0x1f: {  	s9 =	smul.u32 $0xF7A, s1;
	s8 =	simm.s32 @!p0 $0x1BF5;
	p2 =	por !p2, p0  }
0x20: {  	[sflag:s8] =	ssyncset.s32 @!p0 $0xFFFFF086;
	s6 =	sadd.s32 @!p0 s3, s7;
	s7 =	simm.s32 @!p0 $0x108  }
0x21: {  	s3 =	sadd.s32 s3, s9;
	s6 =	sadd.s32 @!p0 $0x88, s6;
	s7 =	simm.s32 @p2 $0x1082  }
0x22: {  	[simem:s7], [sflag:s8] =	dma.local @!p0 [hbm:s6], $0xF7A  }
0x23: {  	s9 =	sor.u32 $0xD0000000, s2;
	s6 =	simm.s32 $0x108;
	_ =	swait.ge @!p0 [sflag:s8], $0x0  }
0x24: {  	s3 =	sadd.s32 $0x88, s3;
	s6 =	simm.s32 @!p1 $0x1082;
	[sflag:s4] =	ssyncset.s32 $0xFFFFF086  }
0x25: {  	[simem:s6], [sflag:s4] =	dma.local [hbm:s3], $0xF7A  }
0x26: {  	[smem:$0x3F97] =	sst s1;
	(tag) =	ssettag s2;
	_ =	strace s9  }
0x27: {  	s1 =	sld [smem:$0x3FA7]  }
0x28: {  	s2 =	sld [smem:$0x3FA8]  }
0x29: {  	s4 =	sld [smem:$0x3FAA]  }
0x2a: {  	p0 =	seq.s32 s5, $0x0;
	s5 =	sld [smem:$0x3FAB]  }
0x2b: {  	s6 =	sld [smem:$0x3FAC]  }
0x2c: {  	s7 =	sld [smem:$0x3FAD]  }
0x2d: {  	s3 =	simm.s32 $0x108;
	s8 =	sld [smem:$0x3FAE]  }
0x2e: {  	s3 =	simm.s32 @!p0 $0x1082;
	s9 =	sld [smem:$0x3FAF]  }
0x2f: {  	lr =	sadd.s32 s0, s3;
	s0 =	sld [smem:$0x3FA6]  }
0x30: {  	s3 =	sld [smem:$0x3FA9]  }
0x31: {  	[smem:$0x3FB2] =	sst s10  }
0x32: {  	s10 =	sld [smem:$0x3FB0];
	_ =	sdelay $0x3  }
0x33: {  	p0 =	seq.s32 s10, $0x1;
	s10 =	sld [smem:$0x3FB2];
	_ =	sdelay $0x3  }
0x34: {  	[smem:$0x3FB2] =	sst s10  }
0x35: {  	s10 =	sld [smem:$0x3FB1];
	_ =	sdelay $0x3  }
0x36: {  	p1 =	seq.s32 s10, $0x1;
	s10 =	sld [smem:$0x3FB2];
	_ =	sdelay $0x3  }
0x37: {  	[smem:$0x3FB2] =	sst s10  }
0x38: {  	s10 =	sld [smem:$0x3FB3]  }
0x39: {  	_ = 	snop;
	(pc) =	sbr.ind lr, $3  }
0x3a: {  	_ = 	snop  }
0x3b: {  	_ = 	snop  }
0x3c: {  	p2 =	seq.s32 s10, $0x1;
	s10 =	sld [smem:$0x3FB2]  }
0x3d: {  	_ =	shalt  }
0x3e: {  	_ =	shalt  }
0x3f: {  	_ =	shalt  }
0x40: {  	_ =	shalt  }
0x41: {  	_ =	shalt  }
0x42: {  	_ =	shalt  }
0x43: {  	_ =	shalt  }
0x44: {  	_ =	shalt  }
0x45: {  	_ =	shalt  }
0x46: {  	_ =	shalt  }
0x47: {  	_ =	shalt  }
0x48: {  	_ =	shalt  }
0x49: {  	_ =	shalt  }
0x4a: {  	_ =	shalt  }
0x4b: {  	_ =	shalt  }
0x4c: {  	_ =	shalt  }
0x4d: {  	_ =	shalt  }
0x4e: {  	_ =	shalt  }
0x4f: {  	_ =	shalt  }
0x50: {  	_ =	shalt  }
0x51: {  	_ =	shalt  }
0x52: {  	_ =	shalt  }
0x53: {  	_ =	shalt  }
0x54: {  	_ =	shalt  }
0x55: {  	_ =	shalt  }
0x56: {  	_ =	shalt  }
0x57: {  	_ =	shalt  }
0x58: {  	_ =	shalt  }
0x59: {  	_ =	shalt  }
0x5a: {  	_ =	shalt  }
0x5b: {  	_ =	shalt  }
0x5c: {  	_ =	shalt  }
0x5d: {  	_ =	shalt  }
0x5e: {  	_ =	shalt  }
0x5f: {  	_ =	shalt  }
0x60: {  	_ =	shalt  }
0x61: {  	_ =	shalt  }
0x62: {  	_ =	shalt  }
0x63: {  	_ =	shalt  }
0x64: {  	_ =	shalt  }
0x65: {  	_ =	shalt  }
0x66: {  	_ =	shalt  }
0x67: {  	_ =	shalt  }
0x68: {  	_ =	shalt  }
0x69: {  	_ =	shalt  }
0x6a: {  	_ =	shalt  }
0x6b: {  	_ =	shalt  }
0x6c: {  	_ =	shalt  }
0x6d: {  	_ =	shalt  }
0x6e: {  	_ =	shalt  }
0x6f: {  	_ =	shalt  }
0x70: {  	_ =	shalt  }
0x71: {  	_ =	shalt  }
0x72: {  	_ =	shalt  }
0x73: {  	_ =	shalt  }
0x74: {  	_ =	shalt  }
0x75: {  	_ =	shalt  }
0x76: {  	_ =	shalt  }
0x77: {  	_ =	shalt  }
0x78: {  	_ =	shalt  }
0x79: {  	_ =	shalt  }
0x7a: {  	_ =	shalt  }
0x7b: {  	_ =	shalt  }
0x7c: {  	_ =	shalt  }
0x7d: {  	_ =	shalt  }
0x7e: {  	_ =	shalt  }
0x7f: {  	_ =	shalt  }
0x80: {  	_ =	shalt  }
0x81: {  	_ =	shalt  }
0x82: {  	_ =	shalt  }
0x83: {  	_ =	shalt  }
0x84: {  	_ =	shalt  }
0x85: {  	_ =	shalt  }
0x86: {  	_ =	shalt  }
0x87: {  	_ =	shalt  }
.Lfunc_end0:
.L_simem_size_0:
called_computation.2_lowered:
.L_overlay_start_0:
0x88: {  	s2 =	sld [smem:$0x3FD9]  }
0x89: {  	s3 =	sld [smem:$0x3FFE];
	_ =	sdelay $0x1  }
0x8a: {  	s1 =	srdreg.scid  }
0x8b: {  	s0 =	sand.u32 $0x1, s1  }
0x8c: {  	s16 =	sshll.u32 s0, $0xA;
	s2 =	sadd.s32 s3, s2  }
0x8d: {  	s2 =	sadd.s32 s2, s16  }
0x8e: {  	[smem:$0x3FBE] =	sst s2  }
0x8f: {  	_ = 	snop  }
0x90: {  	(tm) =	ssettm $0x1  }
0x91: {  	s17 =	sld [smem:$0x3FFB];
	_ =	sdelay $0x3  }
0x92: {  	_ =	strace s17  }
0x93: {  	s2 =	sld [smem:$0x3FFC];
	_ =	sdelay $0x3  }
0x94: {  	_ =	strace s2  }
0x95: {  	s2 =	sld [smem:$0x3FFD];
	_ =	sdelay $0x3  }
0x96: {  	_ =	strace s2  }
0x97: {  	_ =	strace $0x8FFFFFFF  }
0x98: {  	s18 =	sld [smem:$0x3FDB];
	_ =	sdelay $0x1  }
0x99: {  	s19 =	simm.s32 $_scs_section_size  }
0x9a: {  	s4 =	simm.s32 $_size__tile_overlayer_lowered;
	s5 =	simm.s32 $_tile_overlayer_lowered  }
0x9b: {  	s22 =	simm.s32 $0x1BFF;
	s21 =	sshll.u32 s5, $0x1;
	s2 =	sadd.s32 s19, s18  }
0x9c: {  	s6 =	simm.s32 $0x0;
	s20 =	sshll.u32 s4, $0x1;
	s4 =	sadd.s32 s21, s2  }
0x9d: {  	[timem:s6], [sflag:s22] =	dma.local [hbm:s4], s20  }
0x9e: {  	_ =	swait.ge [sflag:s22], s20  }
0x9f: {  	s3 =	ssub.s32 $0x0, s20;
	[sflag:s22] =	ssyncset.done $0x0  }
0xa0: {  	[sflag:s22] =	ssyncadd.s32 s3;
	_ =	sdelay $0x1  }
0xa1: {  	s23 =	simm.s32 $0x1B8B  }
0xa2: {  	_ =	swait.ge [sflag:s23], $0x1  }
0xa3: {  	[sflag:s23] =	ssyncset.done $0x0  }
0xa4: {  	s25 =	simm.s32 $0x1B8E;
	s24 =	sld [smem:$0x3FFE];
	[sflag:s23] =	ssyncadd.s32 $0xFFFFFFFF  }
0xa5: {  	s26 =	simm.s32 $execute0_lowered;
	[smem:$0x3FD2] =	sst s25  }
0xa6: {  	s4 =	sshll.u32 s26, $0x1;
	_ =	strace $0x8000004C;
	[dreg:$0x1] =	wrdreg $0xFFFFFFFF  }
0xa7: {  	s28 =	simm.s32 $_size_execute0_lowered;
	s2 =	sadd.s32 s2, s4;
	[dreg:$0x0] =	wrdreg $0x0  }
0xa8: {  	s4 =	sshll.u32 s28, $0x1;
	[dreg:$0x2] =	wrdreg s2  }
0xa9: {  	[dreg:$0x3] =	wrdreg s4  }
0xaa: {  	[dreg:$0x4] =	wrdreg $0xC0  }
0xab: {  	_ =	task [dreg:s6], $0x5FFFF  }
0xac: {  	[dreg:$0x1] =	wrdreg $0xFFFFFFFF  }
0xad: {  	[dreg:$0x0] =	wrdreg $0x60  }
0xae: {  	[dreg:$0x2] =	wrdreg s24  }
0xaf: {  	[dreg:$0x3] =	wrdreg $0x6A800  }
0xb0: {  	[dreg:$0x4] =	wrdreg $0x9  }
0xb1: {  	_ =	task.clear_ibuf [dreg:s6], $0x5FFFF;
	_ =	strace $0x9000004C  }
0xb2: {  	s29 =	simm.s32 $0x9;
	_ =	strace $0x8000004E  }
0xb3: {  	_ =	swait.ge [sflag:s29], $0x1  }
0xb4: {  	[sflag:s29] =	ssyncadd.s32 $0xFFFFFFFF  }
0xb5: {  	_ =	strace $0x9000004E  }
0xb6: {  	_ =	sfence  }
0xb7: {  	s30 =	sld [smem:$0x0];
	_ =	sdelay $0x2  }
0xb8: {  	s31 =	sshll.u32 s1, $0xD;
	s1 =	sshrl.u32 s1, $0x2  }
0xb9: {  	s3 =	sand.u32 $0x4000, s31;
	s1 =	sadd.s32 s1, s30  }
0xba: {  	s0 =	sor.u32 s3, s0;
	s1 =	sshll.u32 s1, $0x11  }
0xbb: {  	s0 =	sor.u32 s1, s0  }
0xbc: {  	s0 =	sadd.s32 $0x8F2B, s0  }
0xbd: {  	[sflag:s0] =	ssyncadd.remote.s32 $0x1  }
0xbe: {  	_ =	sfence.sel $0xFFFF  }
0xbf: {  	[dreg:$0x0] =	wrdreg $0xFFFFFFFF;
	(pc) =	sbr.abs _section_cstart, $3  }
0xc0: {  	[dreg:$0x1] =	wrdreg $0xFFFFFFFF  }
0xc1: {  	_ =	task.clear_ibuf [dreg:s6], $0x2FFFF;
	_ =	strace $0x9FFFFFFF  }
0xc2: {  	(tm) =	ssettm $0x7FFFFFFF  }
0xc3: {  	_ =	shalt  }
tec
execute0_lowered:
.L_overlay_start_1:
0x0: {  	(tag) =	ssettag $0x1  }
0x1: {  	s0 =	rddreg [dreg:$0x0]  }
0x2: {  	s2 =	rddreg [dreg:$0x1];
	s3 =	simm.s32 $0x0;
	s12 =	stileid.u32  }
0x3: {  	s1 =	srdreg.scid;
	s31 =	simm.s32 $0x5200;
	s7 =	smul.u32 $0x31000, s12  }
0x4: {  	[smem:$0x7FF] =	sst s3;
	s8 =	sand.u32 $0x1, s1;
	s25 =	smul.u32 $0x62000, s12  }
0x5: {  	s5 =	sadd.s32 $0x1BA00, s0;
	s6 =	sadd.s32 $0x2A00, s0;
	s19 =	smul.u32 $0x1900, s12  }
0x6: {  	_ =	strace $0x8000004D;
	s9 =	sshll.u32 s8, $0x5;
	s26 =	ssub.s32 $0x2, s8  }
0x7: {  	s7 =	sor.u32 s9, s7;
	s1 =	sshrl.u32 s25, $0x2;
	s11 =	sshrl.u32 s26, $0x1  }
0x8: {  	s24 =	sadd.s32 s5, s19;
	s10 =	sshrl.u32 s7, $0x3;
	s7 =	sadd.s32 s1, s2  }
0x9: {  	s1 =	ssub.s32 s26, s11;
	[dreg:$0xd] =	wrdreg s24;
	s26 =	sadd.s32 s6, s19  }
0xa: {  	s4 =	sadd.s32 $0x34A00, s0;
	s13 =	sadd.s32 $0x1880, s7;
	[dreg:$0xe] =	wrdreg s26  }
0xb: {  	v0 =	vmov s8;
	s8 =	simm.s32 $0x1;
	s14 =	sadd.s32 $0x3100, s7;
	[dreg:$0x3] =	wrdreg s13  }
0xc: {  	s25 =	sor.u32 $0x80, s19;
	s15 =	sadd.s32 $0x4980, s7;
	[dreg:$0x4] =	wrdreg s14  }
0xd: {  	s9 =	simm.s32 $0x2;
	s16 =	sadd.s32 $0x6200, s7;
	[dreg:$0x5] =	wrdreg s15  }
0xe: {  	s24 =	sadd.s32 $0x100, s19;
	s17 =	sadd.s32 $0x7A80, s7;
	[dreg:$0x6] =	wrdreg s16  }
0xf: {  	s0 =	sadd.s32 s10, s0;
	s18 =	sadd.s32 $0x9300, s7;
	[dreg:$0x7] =	wrdreg s17  }
0x10: {  	s20 =	sadd.s32 $0xAB80, s7;
	s21 =	sadd.s32 $0xC400, s7;
	[dreg:$0x8] =	wrdreg s18  }
0x11: {  	s22 =	sadd.s32 $0xDC80, s7;
	s23 =	sadd.s32 $0xF500, s7;
	[dreg:$0x9] =	wrdreg s20  }
.Ltmp0:
0x12: {  	s26 =	sadd.s32 $0x12600, s7;
	[dreg:$0xa] =	wrdreg s21;
	(pc) =	sbr.rel .LBB2_1-.Ltmp0, $4  }
0x13: {  	s28 =	sadd.s32 $0x13E80, s7;
	s29 =	sadd.s32 $0x15700, s7;
	[dreg:$0xb] =	wrdreg s22  }
0x14: {  	s30 =	sadd.s32 $0x16F80, s7;
	[dreg:$0xc] =	wrdreg s23;
	s20 =	sadd.s32 s5, s25  }
0x15: {  	s21 =	sadd.s32 s6, s25;
	s22 =	sadd.s32 $0x15DE00, s0;
	s23 =	smax.u32 s1, $0x1  }
0x16: {  	v1 =	vimm.f32 $0.0e+00;
	s25 =	sadd.s32 $0x10D80, s7;
	s0 =	simm.s32 $0x4;
	s1 =	simm.s32 $0x80  }
.LBB2_7:
0x17: {  	s10 =	stileid.u32;
	[bflag:$0x0] =	sbarrier.arrive $0xFFFF;
	s3 =	sadd.s32 $0x1, s3  }
0x18: {  	s11 =	sshrl.u32 s7, $0x3;
	s10 =	sshll.u32 s10, $0x6;
	p0 =	sne.s32 s3, s23  }
.Ltmp1:
0x19: {  	s12 =	simm.s32 $0x8;
	s10 =	sor.u32 $0x1C04, s10;
	(pc) =	sbr.rel @!p0 .LBB2_8-.Ltmp1, $4  }
0x1a: {  	[hbm:s22@s12], [sflag:s10] =	dma.strided [spmem:s11@s0], $0x3100, s8, $0x4   }
0x1b: {  	_ =	swait.ge [sflag:s0], $0x3100  }
0x1c: {  	[sflag:s0] =	ssyncset.done $0x0  }
0x1d: {  	[sflag:s0] =	ssyncadd.s32 $0xFFFFCF00  }
.LBB2_1:
0x1e: {  	s10 =	simm.s32 $0x80;
	s11 =	simm.s32 $0x0  }
.LBB2_2:
0x1f: {  	p0 =	sne.s32 s10, $0x6180;
	[tilespmem:s11+$0x5200] =	vst v1;
	s12 =	smov.u32 s10;
	s10 =	sadd.s32 $0x80, s10  }
.Ltmp2:
0x20: {  	[tilespmem:s11+$0x5210] =	vst v1;
	(pc) =	sbr.rel @p0 .LBB2_2-.Ltmp2, $2  }
0x21: {  	_ =	sdelay $0x2  }
0x22: {  	s11 =	sshra.s32 s12, $0x2  }
0x23: {  	[tilespmem:s11+$0x5200] =	vst v1  }
0x24: {  	[tilespmem:s11+$0x5210] =	vst v1  }
0x25: {  	[spmem:s7] =	stream.linear.scatter [tilespmem:s31], [sflag:$0x4], $0x1880, $0x38;
	[tilespmem:$0x1F280] =	vst v63  }
0x26: {  	_ =	swait.ge [sflag:s0], $0x1880  }
0x27: {  	[sflag:s0] =	ssyncset.done $0x0  }
0x28: {  	s10 =	rddreg [dreg:$0x3];
	[sflag:s0] =	ssyncadd.s32 $0xFFFFE780  }
0x29: {  	[spmem:s10] =	stream.linear.scatter [tilespmem:s31], [sflag:$0x4], $0x1880, $0x38;
	[tilespmem:$0x1F280] =	vst v63  }
0x2a: {  	_ =	swait.ge [sflag:s0], $0x1880  }
0x2b: {  	[sflag:s0] =	ssyncset.done $0x0  }
0x2c: {  	s12 =	rddreg [dreg:$0x4];
	[sflag:s0] =	ssyncadd.s32 $0xFFFFE780  }
0x2d: {  	[spmem:s12] =	stream.linear.scatter [tilespmem:s31], [sflag:$0x4], $0x1880, $0x38;
	[tilespmem:$0x1F280] =	vst v63  }
0x2e: {  	_ =	swait.ge [sflag:s0], $0x1880  }
0x2f: {  	[sflag:s0] =	ssyncset.done $0x0  }
0x30: {  	s13 =	rddreg [dreg:$0x5];
	[sflag:s0] =	ssyncadd.s32 $0xFFFFE780  }
0x31: {  	[spmem:s13] =	stream.linear.scatter [tilespmem:s31], [sflag:$0x4], $0x1880, $0x38;
	[tilespmem:$0x1F280] =	vst v63  }
0x32: {  	_ =	swait.ge [sflag:s0], $0x1880  }
0x33: {  	[sflag:s0] =	ssyncset.done $0x0  }
0x34: {  	s14 =	rddreg [dreg:$0x6];
	[sflag:s0] =	ssyncadd.s32 $0xFFFFE780  }
0x35: {  	[spmem:s14] =	stream.linear.scatter [tilespmem:s31], [sflag:$0x4], $0x1880, $0x38;
	[tilespmem:$0x1F280] =	vst v63  }
0x36: {  	_ =	swait.ge [sflag:s0], $0x1880  }
0x37: {  	[sflag:s0] =	ssyncset.done $0x0  }
0x38: {  	s15 =	rddreg [dreg:$0x7];
	[sflag:s0] =	ssyncadd.s32 $0xFFFFE780  }
0x39: {  	[spmem:s15] =	stream.linear.scatter [tilespmem:s31], [sflag:$0x4], $0x1880, $0x38;
	[tilespmem:$0x1F280] =	vst v63  }
0x3a: {  	_ =	swait.ge [sflag:s0], $0x1880  }
0x3b: {  	[sflag:s0] =	ssyncset.done $0x0  }
0x3c: {  	s16 =	rddreg [dreg:$0x8];
	[sflag:s0] =	ssyncadd.s32 $0xFFFFE780  }
0x3d: {  	[spmem:s16] =	stream.linear.scatter [tilespmem:s31], [sflag:$0x4], $0x1880, $0x38;
	[tilespmem:$0x1F280] =	vst v63  }
0x3e: {  	_ =	swait.ge [sflag:s0], $0x1880  }
0x3f: {  	[sflag:s0] =	ssyncset.done $0x0  }
0x40: {  	s17 =	rddreg [dreg:$0x9];
	[sflag:s0] =	ssyncadd.s32 $0xFFFFE780  }
0x41: {  	[spmem:s17] =	stream.linear.scatter [tilespmem:s31], [sflag:$0x4], $0x1880, $0x38;
	[tilespmem:$0x1F280] =	vst v63  }
0x42: {  	_ =	swait.ge [sflag:s0], $0x1880  }
0x43: {  	[sflag:s0] =	ssyncset.done $0x0  }
0x44: {  	s18 =	rddreg [dreg:$0xa];
	[sflag:s0] =	ssyncadd.s32 $0xFFFFE780  }
0x45: {  	[spmem:s18] =	stream.linear.scatter [tilespmem:s31], [sflag:$0x4], $0x1880, $0x38;
	[tilespmem:$0x1F280] =	vst v63  }
0x46: {  	_ =	swait.ge [sflag:s0], $0x1880  }
0x47: {  	[sflag:s0] =	ssyncset.done $0x0  }
0x48: {  	s19 =	rddreg [dreg:$0xb];
	[sflag:s0] =	ssyncadd.s32 $0xFFFFE780  }
0x49: {  	[spmem:s19] =	stream.linear.scatter [tilespmem:s31], [sflag:$0x4], $0x1880, $0x38;
	[tilespmem:$0x1F280] =	vst v63  }
0x4a: {  	_ =	swait.ge [sflag:s0], $0x1880  }
0x4b: {  	[sflag:s0] =	ssyncset.done $0x0  }
0x4c: {  	s11 =	rddreg [dreg:$0xc];
	[sflag:s0] =	ssyncadd.s32 $0xFFFFE780  }
0x4d: {  	[spmem:s11] =	stream.linear.scatter [tilespmem:s31], [sflag:$0x4], $0x1880, $0x38;
	[tilespmem:$0x1F280] =	vst v63  }
0x4e: {  	_ =	swait.ge [sflag:s0], $0x1880  }
0x4f: {  	[sflag:s0] =	ssyncset.done $0x0  }
0x50: {  	[sflag:s0] =	ssyncadd.s32 $0xFFFFE780  }
0x51: {  	[spmem:s25] =	stream.linear.scatter [tilespmem:s31], [sflag:$0x4], $0x1880, $0x38;
	[tilespmem:$0x1F280] =	vst v63  }
0x52: {  	_ =	swait.ge [sflag:s0], $0x1880  }
0x53: {  	[sflag:s0] =	ssyncset.done $0x0  }
0x54: {  	[sflag:s0] =	ssyncadd.s32 $0xFFFFE780  }
0x55: {  	[spmem:s26] =	stream.linear.scatter [tilespmem:s31], [sflag:$0x4], $0x1880, $0x38;
	[tilespmem:$0x1F280] =	vst v63  }
0x56: {  	_ =	swait.ge [sflag:s0], $0x1880  }
0x57: {  	[sflag:s0] =	ssyncset.done $0x0  }
0x58: {  	[sflag:s0] =	ssyncadd.s32 $0xFFFFE780  }
0x59: {  	[spmem:s28] =	stream.linear.scatter [tilespmem:s31], [sflag:$0x4], $0x1880, $0x38;
	[tilespmem:$0x1F280] =	vst v63  }
0x5a: {  	_ =	swait.ge [sflag:s0], $0x1880  }
0x5b: {  	[sflag:s0] =	ssyncset.done $0x0  }
0x5c: {  	[sflag:s0] =	ssyncadd.s32 $0xFFFFE780  }
0x5d: {  	[spmem:s29] =	stream.linear.scatter [tilespmem:s31], [sflag:$0x4], $0x1880, $0x38;
	[tilespmem:$0x1F280] =	vst v63  }
0x5e: {  	_ =	swait.ge [sflag:s0], $0x1880  }
0x5f: {  	[sflag:s0] =	ssyncset.done $0x0  }
0x60: {  	[sflag:s0] =	ssyncadd.s32 $0xFFFFE780  }
0x61: {  	[spmem:s30] =	stream.linear.scatter [tilespmem:s31], [sflag:$0x4], $0x1880, $0x38;
	[tilespmem:$0x1F280] =	vst v63  }
0x62: {  	_ =	swait.ge [sflag:s0], $0x1880  }
0x63: {  	[sflag:s0] =	ssyncset.done $0x0  }
0x64: {  	[sflag:s0] =	ssyncadd.s32 $0xFFFFE780  }
0x65: {  	[bflag:$0x0] =	sbarrier.arrive $0xFFFF  }
0x66: {  	s10 =	simm.s32 $0x0;
	s12 =	rddreg [dreg:$0xd]  }
0x67: {  	[tilespmem:s10], [sflag:$0x4] =	stream.linear.gather [hbm4b:s12+s10], $0x400, $0x38;
	[tilespmem:$0x1F280] =	vst v63  }
0x68: {  	_ =	swait.ge [sflag:s0], $0x400  }
0x69: {  	[sflag:s0] =	ssyncset.done $0x0  }
0x6a: {  	s12 =	simm.s32 $0x800;
	s13 =	rddreg [dreg:$0xe];
	[sflag:s0] =	ssyncadd.s32 $0xFFFFFC00  }
0x6b: {  	[tilespmem:s12], [sflag:$0x4] =	stream.linear.gather [hbm4b:s13+s10], $0x400, $0x38;
	[tilespmem:$0x1F280] =	vst v63  }
0x6c: {  	_ =	swait.ge [sflag:s0], $0x400  }
0x6d: {  	[sflag:s0] =	ssyncset.done $0x0  }
0x6e: {  	s14 =	simm.s32 $0x400;
	[sflag:s0] =	ssyncadd.s32 $0xFFFFFC00  }
0x6f: {  	[tilespmem:s14], [sflag:$0x3] =	stream.linear.gather [hbm4b:s20+s10], $0x400, $0x38;
	[tilespmem:$0x1F280] =	vst v63  }
0x70: {  	s15 =	simm.s32 $0xC00  }
0x71: {  	[tilespmem:s15], [sflag:$0x3] =	stream.linear.gather [hbm4b:s21+s10], $0x400, $0x38;
	[tilespmem:$0x1F280] =	vst v63  }
0x72: {  	v2 =	vld [tilespmem:$0x0]  }
0x73: {  	v3 =	vld [tilespmem:$0x10]  }
0x74: {  	v4 =	vld [tilespmem:$0x20]  }
0x75: {  	v5 =	vld [tilespmem:$0x30]  }
0x76: {  	v6 =	vld [tilespmem:$0x40]  }
0x77: {  	v7 =	vld [tilespmem:$0x50];
	v2 =	vshll.u32 v2, $0x1  }
0x78: {  	v8 =	vld [tilespmem:$0x60];
	v3 =	vshll.u32 v3, $0x1;
	v2 =	vor.u32 v0, v2  }
0x79: {  	v55 =	vld [tilespmem:$0x70];
	[tilespmem:$0x1000] =	vst v2;
	v2 =	vor.u32 v0, v3;
	v3 =	vshll.u32 v4, $0x1  }
0x7a: {  	v56 =	vld [tilespmem:$0x80];
	[tilespmem:$0x1010] =	vst v2;
	v2 =	vor.u32 v0, v3;
	v3 =	vshll.u32 v5, $0x1  }
0x7b: {  	v57 =	vld [tilespmem:$0x90];
	[tilespmem:$0x1020] =	vst v2;
	v2 =	vor.u32 v0, v3;
	v3 =	vshll.u32 v6, $0x1  }
0x7c: {  	v58 =	vld [tilespmem:$0xA0];
	[tilespmem:$0x1030] =	vst v2;
	v2 =	vor.u32 v0, v3;
	v3 =	vshll.u32 v7, $0x1  }
0x7d: {  	v59 =	vld [tilespmem:$0xB0];
	[tilespmem:$0x1040] =	vst v2;
	v2 =	vor.u32 v0, v3;
	v3 =	vshll.u32 v8, $0x1  }
0x7e: {  	v60 =	vld [tilespmem:$0xC0];
	[tilespmem:$0x1050] =	vst v2;
	v2 =	vor.u32 v0, v3;
	v3 =	vshll.u32 v55, $0x1  }
0x7f: {  	v61 =	vld [tilespmem:$0xD0];
	[tilespmem:$0x1060] =	vst v2;
	v2 =	vor.u32 v0, v3;
	v3 =	vshll.u32 v56, $0x1  }
0x80: {  	v62 =	vld [tilespmem:$0xE0];
	[tilespmem:$0x1070] =	vst v2;
	v2 =	vor.u32 v0, v3;
	v3 =	vshll.u32 v57, $0x1  }
0x81: {  	v63 =	vld [tilespmem:$0xF0];
	[tilespmem:$0x1080] =	vst v2;
	v2 =	vor.u32 v0, v3;
	v3 =	vshll.u32 v58, $0x1  }
0x82: {  	[tilespmem:$0x1090] =	vst v2;
	v2 =	vor.u32 v0, v3;
	v3 =	vshll.u32 v59, $0x1  }
0x83: {  	[tilespmem:$0x10A0] =	vst v2;
	v2 =	vor.u32 v0, v3;
	v3 =	vshll.u32 v60, $0x1  }
0x84: {  	[tilespmem:$0x10B0] =	vst v2;
	v2 =	vor.u32 v0, v3;
	v3 =	vshll.u32 v61, $0x1  }
0x85: {  	[tilespmem:$0x10C0] =	vst v2;
	v2 =	vor.u32 v0, v3;
	v3 =	vshll.u32 v62, $0x1  }
0x86: {  	[tilespmem:$0x10D0] =	vst v2;
	v2 =	vor.u32 v0, v3;
	v3 =	vshll.u32 v63, $0x1  }
.Ltmp3:
0x87: {  	[tilespmem:$0x10E0] =	vst v2;
	v2 =	vor.u32 v0, v3;
	(pc) =	sbr.rel .LBB2_4-.Ltmp3, $4  }
0x88: {  	s16 =	simm.s32 $0x1000;
	s17 =	simm.s32 $0x1200;
	s18 =	simm.s32 $0x1080;
	[tilespmem:$0x10F0] =	vst v2  }
0x89: {  	[tilespmem:s17], [sflag:$0x1] =	stream.indirect.gather [hbm4b:s4+s1], $0x20, s16, s1, $0xb8;
	[tilespmem:$0x1F280] =	vst v63  }
0x8a: {  	s19 =	simm.s32 $0x2200;
	s11 =	simm.s32 $0x180;
	s12 =	simm.s32 $0x0  }
0x8b: {  	[tilespmem:s19], [sflag:$0x1] =	stream.indirect.gather [hbm4b:s4+s1], $0x20, s18, s1, $0xb8;
	[tilespmem:$0x1F280] =	vst v63  }
.LBB2_6:
0x8c: {  	s15 =	sshrl.u32 s10, $0x2  }
0x8d: {  	s14 =	sshll.u32 s14, $0xD;
	s15 =	sand.u32 $0x700, s15  }
0x8e: {  	s16 =	sor.u32 $0x1200, s14;
	s17 =	sor.u32 $0x800, s15  }
0x8f: {  	[spmem:s2] =	stream.indirect.scatter.add.f32 [tilespmem:s16], [sflag:$0x2], $0x20, s17, s1, $0xb8;
	[tilespmem:$0x1F280] =	vst v63  }
0x90: {  	s14 =	sadd.s32 $0x2200, s14;
	s15 =	sor.u32 $0x880, s15  }
0x91: {  	[spmem:s2] =	stream.indirect.scatter.add.f32 [tilespmem:s14], [sflag:$0x2], $0x20, s15, s1, $0xb8;
	[tilespmem:$0x1F280] =	vst v63  }
0x92: {  	p0 =	sgt.u32 s12, $0xBF;
	_ =	swait.ge [sflag:s9], $0x1000  }
0x93: {  	p1 =	sne.s32 @!p0 s13, $0x3;
	[sflag:s9] =	ssyncset.done $0x0  }
0x94: {  	s13 =	sshrl.u32 s12, $0x2;
	p0 =	por p1, p0;
	[sflag:s9] =	ssyncadd.s32 $0xFFFFF000  }
0x95: {  	s16 =	simm.s32 @!p0 $0x0;
	s14 =	sshll.u32 @!p0 s13, $0x7;
	_ =	swait.ge [sflag:s9], $0x1000  }
0x96: {  	s13 =	sshll.u32 @!p0 s13, $0xA;
	s14 =	sadd.s32 @!p0 s24, s14;
	[sflag:s9] =	ssyncset.done $0x0  }
0x97: {  	s13 =	sand.u32 @!p0 $0x400, s13;
	s15 =	sadd.s32 @!p0 s5, s14;
	[sflag:s9] =	ssyncadd.s32 $0xFFFFF000  }
0x98: {  	[tilespmem:s13], [sflag:$0x3] =	stream.linear.gather @!p0 [hbm4b:s15+s16], $0x400, $0x38;
	[tilespmem:$0x1F280] =	vst v63  }
0x99: {  	s11 =	sadd.s32 $0x100, s11;
	s14 =	sadd.s32 @!p0 s6, s14;
	s13 =	sor.u32 @!p0 $0x800, s13  }
0x9a: {  	[tilespmem:s13], [sflag:$0x3] =	stream.linear.gather @!p0 [hbm4b:s14+s16], $0x400, $0x38;
	[tilespmem:$0x1F280] =	vst v63  }
0x9b: {  	p0 =	sne.s32 s11, $0xC980  }
.Ltmp4:
0x9c: {  	_ = 	snop;
	(pc) =	sbr.rel @!p0 .LBB2_7-.Ltmp4, $2  }
0x9d: {  	_ =	sdelay $0x2  }
0x9e: {  	s10 =	sadd.s32 $0x400, s10;
	s12 =	sadd.s32 $0x1, s12  }
.LBB2_4:
0x9f: {  	_ =	swait.ge [sflag:s8], $0x1000  }
0xa0: {  	[sflag:s8] =	ssyncset.done $0x0  }
0xa1: {  	s13 =	sand.u32 $0x3, s12;
	p0 =	seq.s32 s11, $0xC880;
	[sflag:s8] =	ssyncadd.s32 $0xFFFFF000  }
0xa2: {  	p1 =	sne.s32 @!p0 s13, $0x3;
	_ =	swait.ge [sflag:s8], $0x1000  }
0xa3: {  	p1 =	por p1, p0;
	[sflag:s8] =	ssyncset.done $0x0  }
0xa4: {  	s15 =	simm.s32 @!p1 $0x3;
	[sflag:s8] =	ssyncadd.s32 $0xFFFFF000  }
0xa5: {  	_ =	swait.ge @!p1 [sflag:s15], $0x400  }
.Ltmp5:
0xa6: {  	[sflag:s15] =	ssyncset.done @!p1 $0x0;
	(pc) =	sbr.rel @p0 .LBB2_6-.Ltmp5, $4  }
0xa7: {  	[sflag:s15] =	ssyncadd.s32 @!p1 $0xFFFFFC00  }
0xa8: {  	_ =	swait.ge @!p1 [sflag:s15], $0x400  }
0xa9: {  	[sflag:s15] =	ssyncset.done @!p1 $0x0  }
0xaa: {  	s14 =	sand.u32 $0x1, s12;
	[sflag:s15] =	ssyncadd.s32 @!p1 $0xFFFFFC00  }
0xab: {  	s15 =	sadd.s32 $0xFFFFFF80, s11  }
0xac: {  	s17 =	sand.u32 $0x700, s15  }
0xad: {  	v2 =	vld [tilespmem:s17+$0x0];
	_ =	sdelay $0x3  }
0xae: {  	s18 =	sshll.u32 s14, $0x1  }
0xaf: {  	s15 =	sxor.u32 $0x2, s18;
	v2 =	vshll.u32 v2, $0x1  }
0xb0: {  	s16 =	sshll.u32 s15, $0x7;
	v2 =	vor.u32 v0, v2  }
0xb1: {  	[tilespmem:s16+$0x1000] =	vst v2  }
0xb2: {  	v2 =	vld [tilespmem:s17+$0x10];
	_ =	sdelay $0x4  }
0xb3: {  	v2 =	vshll.u32 v2, $0x1  }
0xb4: {  	v2 =	vor.u32 v0, v2  }
0xb5: {  	[tilespmem:s16+$0x1010] =	vst v2  }
0xb6: {  	v2 =	vld [tilespmem:s17+$0x20];
	_ =	sdelay $0x4  }
0xb7: {  	v2 =	vshll.u32 v2, $0x1  }
0xb8: {  	v2 =	vor.u32 v0, v2  }
0xb9: {  	[tilespmem:s16+$0x1020] =	vst v2  }
0xba: {  	v2 =	vld [tilespmem:s17+$0x30];
	_ =	sdelay $0x4  }
0xbb: {  	v2 =	vshll.u32 v2, $0x1  }
0xbc: {  	v2 =	vor.u32 v0, v2  }
0xbd: {  	[tilespmem:s16+$0x1030] =	vst v2  }
0xbe: {  	v2 =	vld [tilespmem:s17+$0x40];
	_ =	sdelay $0x4  }
0xbf: {  	v2 =	vshll.u32 v2, $0x1  }
0xc0: {  	v2 =	vor.u32 v0, v2  }
0xc1: {  	[tilespmem:s16+$0x1040] =	vst v2  }
0xc2: {  	v2 =	vld [tilespmem:s17+$0x50];
	_ =	sdelay $0x4  }
0xc3: {  	v2 =	vshll.u32 v2, $0x1  }
0xc4: {  	v2 =	vor.u32 v0, v2  }
0xc5: {  	[tilespmem:s16+$0x1050] =	vst v2  }
0xc6: {  	v2 =	vld [tilespmem:s17+$0x60];
	_ =	sdelay $0x4  }
0xc7: {  	v2 =	vshll.u32 v2, $0x1  }
0xc8: {  	v2 =	vor.u32 v0, v2  }
0xc9: {  	[tilespmem:s16+$0x1060] =	vst v2  }
0xca: {  	v2 =	vld [tilespmem:s17+$0x70];
	_ =	sdelay $0x4  }
0xcb: {  	v2 =	vshll.u32 v2, $0x1  }
0xcc: {  	v2 =	vor.u32 v0, v2  }
0xcd: {  	s17 =	sand.u32 $0x780, s11;
	[tilespmem:s16+$0x1070] =	vst v2  }
0xce: {  	v2 =	vld [tilespmem:s17+$0x0];
	_ =	sdelay $0x4  }
0xcf: {  	s18 =	sxor.u32 $0x3, s18;
	v2 =	vshll.u32 v2, $0x1  }
0xd0: {  	s19 =	sshll.u32 s18, $0x7;
	v2 =	vor.u32 v0, v2  }
0xd1: {  	[tilespmem:s19+$0x1000] =	vst v2  }
0xd2: {  	v2 =	vld [tilespmem:s17+$0x10];
	_ =	sdelay $0x4  }
0xd3: {  	v2 =	vshll.u32 v2, $0x1  }
0xd4: {  	v2 =	vor.u32 v0, v2  }
0xd5: {  	[tilespmem:s19+$0x1010] =	vst v2  }
0xd6: {  	v2 =	vld [tilespmem:s17+$0x20];
	_ =	sdelay $0x4  }
0xd7: {  	v2 =	vshll.u32 v2, $0x1  }
0xd8: {  	v2 =	vor.u32 v0, v2  }
0xd9: {  	[tilespmem:s19+$0x1020] =	vst v2  }
0xda: {  	v2 =	vld [tilespmem:s17+$0x30];
	_ =	sdelay $0x4  }
0xdb: {  	v2 =	vshll.u32 v2, $0x1  }
0xdc: {  	v2 =	vor.u32 v0, v2  }
0xdd: {  	[tilespmem:s19+$0x1030] =	vst v2  }
0xde: {  	v2 =	vld [tilespmem:s17+$0x40];
	_ =	sdelay $0x4  }
0xdf: {  	v2 =	vshll.u32 v2, $0x1  }
0xe0: {  	v2 =	vor.u32 v0, v2  }
0xe1: {  	[tilespmem:s19+$0x1040] =	vst v2  }
0xe2: {  	v2 =	vld [tilespmem:s17+$0x50];
	_ =	sdelay $0x4  }
0xe3: {  	v2 =	vshll.u32 v2, $0x1  }
0xe4: {  	v2 =	vor.u32 v0, v2  }
0xe5: {  	[tilespmem:s19+$0x1050] =	vst v2  }
0xe6: {  	v2 =	vld [tilespmem:s17+$0x60];
	_ =	sdelay $0x4  }
0xe7: {  	v2 =	vshll.u32 v2, $0x1  }
0xe8: {  	v2 =	vor.u32 v0, v2  }
0xe9: {  	[tilespmem:s19+$0x1060] =	vst v2  }
0xea: {  	v2 =	vld [tilespmem:s17+$0x70];
	_ =	sdelay $0x4  }
0xeb: {  	v2 =	vshll.u32 v2, $0x1  }
.Ltmp6:
0xec: {  	s15 =	sshll.u32 s15, $0xC;
	v2 =	vor.u32 v0, v2;
	(pc) =	sbr.rel .LBB2_6-.Ltmp6, $4  }
0xed: {  	s18 =	sshll.u32 s18, $0xC;
	s15 =	sadd.s32 $0x1200, s15;
	s16 =	sor.u32 $0x1000, s16;
	[tilespmem:s19+$0x1070] =	vst v2  }
0xee: {  	[tilespmem:s15], [sflag:$0x1] =	stream.indirect.gather [hbm4b:s4+s1], $0x20, s16, s1, $0xb8;
	[tilespmem:$0x1F280] =	vst v63  }
0xef: {  	s19 =	sor.u32 $0x1000, s19;
	s15 =	sadd.s32 $0x1200, s18  }
0xf0: {  	[tilespmem:s15], [sflag:$0x1] =	stream.indirect.gather [hbm4b:s4+s1], $0x20, s19, s1, $0xb8;
	[tilespmem:$0x1F280] =	vst v63  }
.LBB2_8:
0xf1: {  	_ =	sfence.sel $0x180000  }
0xf2: {  	[bflag:$0x0] =	sbarrier.arrive $0xFFFF  }
0xf3: {  	_ =	strace $0x9000004D  }
0xf4: {  	s0 =	stileid.u32;
	[bflag:$0x2] =	sbarrier.arrive $0xFFFF  }
0xf5: {  	p0 =	sne.s32 s0, $0x0;
	s0 =	rddreg [dreg:$0x2]  }
0xf6: {  	s0 =	sadd.s32 @!p0 $0x100000, s0  }
0xf7: {  	[sflag:s0] =	ssyncadd.tile.s32 @!p0 $0x1;
	_ =	shalt  }
.Lfunc_end2:
_tile_overlayer_lowered:
.L_overlay_start_2:
0xf8: {  	(tag) =	ssettag $0x2  }
0xf9: {  	s0 =	rddreg [dreg:$0x0];
	s2 =	stileid.u32  }
0xfa: {  	s1 =	rddreg [dreg:$0x1];
	p0 =	sne.s32 s2, $0x0  }
0xfb: {  	s3 =	rddreg [dreg:$0x2];
	[bflag:$0x3] =	sbarrier.arrive $0xFFFF;
	s2 =	simm.s32 @!p0 $0x1C04  }
0xfc: {  	[timem:s3], [sflag:s2] =	dma.local @!p0 [hbm:s0], s1  }
0xfd: {  	s0 =	simm.s32 @!p0 $0x4  }
0xfe: {  	_ =	swait.ge @!p0 [sflag:s0], s1  }
0xff: {  	s1 =	ssub.s32 @!p0 $0x0, s1;
	[sflag:s0] =	ssyncset.done @!p0 $0x0  }
0x100: {  	[sflag:s0] =	ssyncadd.s32 @!p0 s1  }
0x101: {  	[bflag:$0x3] =	sbarrier.arrive $0xFFFF  }
0x102: {  	_ =	shalt  }

// kernel: kernel.8.cloned.1.call-start
scs
__scs_entry_jumppad:
0x0: {  	(pc) =	sbr.rel $0x88, $3  }
0x1: {  	(tag) =	ssettag $0x0;
	lr =	simm.s32 $0x1  }
0x2: {  	[smem:$0x3F97] =	sst lr;
	_ =	strace $0xD0000000  }
0x3: {  	_ = 	snop  }
0x4: {  	_ = 	snop  }
0x5: {  	_ = 	snop  }
0x6: {  	_ = 	snop  }
0x7: {  	_ = 	snop  }
__scs_overlays_trampoline_lowered:
0x8: {  	[smem:$0x3FA6] =	sst s0  }
0x9: {  	[smem:$0x3FA7] =	sst s1  }
0xa: {  	[smem:$0x3FA8] =	sst s2  }
0xb: {  	[smem:$0x3FA9] =	sst s3  }
0xc: {  	[smem:$0x3FAA] =	sst s4  }
0xd: {  	[smem:$0x3FAB] =	sst s5  }
0xe: {  	[smem:$0x3FAC] =	sst s6  }
0xf: {  	[smem:$0x3FAD] =	sst s7  }
0x10: {  	[smem:$0x3FAE] =	sst s8  }
0x11: {  	[smem:$0x3FAF] =	sst s9;
	s0 =	simm.s32 @!p0 $0x0  }
0x12: {  	s1 =	sld [smem:$0x3F95];
	s0 =	simm.s32 @p0 $0x1  }
0x13: {  	[smem:$0x3FB0] =	sst s0;
	s0 =	simm.s32 @!p1 $0x0  }
0x14: {  	s2 =	sld [smem:$0x3F94];
	s0 =	simm.s32 @p1 $0x1  }
0x15: {  	[smem:$0x3FB1] =	sst s0;
	s0 =	simm.s32 @!p2 $0x0  }
0x16: {  	s3 =	sld [smem:$0x3FDB];
	s0 =	simm.s32 @p2 $0x1  }
0x17: {  	s4 =	simm.s32 $0x1BF5;
	[smem:$0x3FB3] =	sst s0  }
0x18: {  	s0 =	sld [smem:$0x3F96];
	_ =	swait.ge [sflag:s4], $0x0  }
0x19: {  	s7 =	sld [smem:$0x3F97]  }
0x1a: {  	s8 =	sadd.s32 $0xFFFFE003, lr  }
0x1b: {  	s9 =	sadd.s32 $0xFFFFFEF7, lr;
	s5 =	simm.s32 $0xFFFFFFFF;
	p2 =	slt.u32 s8, $0xFFFFF086  }
0x1c: {  	p1 =	slt.u32 s9, $0xF7A;
	s5 =	simm.s32 @!p2 $0x0  }
0x1d: {  	s5 =	simm.s32 @p1 $0x1;
	p0 =	seq.s32 s7, s2  }
0x1e: {  	s7 =	smul.u32 @!p0 $0xF7A, s2;
	p2 =	seq.s32 @!p0 s5, $0x0  }
0x1f: {  	s9 =	smul.u32 $0xF7A, s1;
	s8 =	simm.s32 @!p0 $0x1BF5;
	p2 =	por !p2, p0  }
0x20: {  	[sflag:s8] =	ssyncset.s32 @!p0 $0xFFFFF086;
	s6 =	sadd.s32 @!p0 s3, s7;
	s7 =	simm.s32 @!p0 $0x108  }
0x21: {  	s3 =	sadd.s32 s3, s9;
	s6 =	sadd.s32 @!p0 $0x88, s6;
	s7 =	simm.s32 @p2 $0x1082  }
0x22: {  	[simem:s7], [sflag:s8] =	dma.local @!p0 [hbm:s6], $0xF7A  }
0x23: {  	s9 =	sor.u32 $0xD0000000, s2;
	s6 =	simm.s32 $0x108;
	_ =	swait.ge @!p0 [sflag:s8], $0x0  }
0x24: {  	s3 =	sadd.s32 $0x88, s3;
	s6 =	simm.s32 @!p1 $0x1082;
	[sflag:s4] =	ssyncset.s32 $0xFFFFF086  }
0x25: {  	[simem:s6], [sflag:s4] =	dma.local [hbm:s3], $0xF7A  }
0x26: {  	[smem:$0x3F97] =	sst s1;
	(tag) =	ssettag s2;
	_ =	strace s9  }
0x27: {  	s1 =	sld [smem:$0x3FA7]  }
0x28: {  	s2 =	sld [smem:$0x3FA8]  }
0x29: {  	s4 =	sld [smem:$0x3FAA]  }
0x2a: {  	p0 =	seq.s32 s5, $0x0;
	s5 =	sld [smem:$0x3FAB]  }
0x2b: {  	s6 =	sld [smem:$0x3FAC]  }
0x2c: {  	s7 =	sld [smem:$0x3FAD]  }
0x2d: {  	s3 =	simm.s32 $0x108;
	s8 =	sld [smem:$0x3FAE]  }
0x2e: {  	s3 =	simm.s32 @!p0 $0x1082;
	s9 =	sld [smem:$0x3FAF]  }
0x2f: {  	lr =	sadd.s32 s0, s3;
	s0 =	sld [smem:$0x3FA6]  }
0x30: {  	s3 =	sld [smem:$0x3FA9]  }
0x31: {  	[smem:$0x3FB2] =	sst s10  }
0x32: {  	s10 =	sld [smem:$0x3FB0];
	_ =	sdelay $0x3  }
0x33: {  	p0 =	seq.s32 s10, $0x1;
	s10 =	sld [smem:$0x3FB2];
	_ =	sdelay $0x3  }
0x34: {  	[smem:$0x3FB2] =	sst s10  }
0x35: {  	s10 =	sld [smem:$0x3FB1];
	_ =	sdelay $0x3  }
0x36: {  	p1 =	seq.s32 s10, $0x1;
	s10 =	sld [smem:$0x3FB2];
	_ =	sdelay $0x3  }
0x37: {  	[smem:$0x3FB2] =	sst s10  }
0x38: {  	s10 =	sld [smem:$0x3FB3]  }
0x39: {  	_ = 	snop;
	(pc) =	sbr.ind lr, $3  }
0x3a: {  	_ = 	snop  }
0x3b: {  	_ = 	snop  }
0x3c: {  	p2 =	seq.s32 s10, $0x1;
	s10 =	sld [smem:$0x3FB2]  }
0x3d: {  	_ =	shalt  }
0x3e: {  	_ =	shalt  }
0x3f: {  	_ =	shalt  }
0x40: {  	_ =	shalt  }
0x41: {  	_ =	shalt  }
0x42: {  	_ =	shalt  }
0x43: {  	_ =	shalt  }
0x44: {  	_ =	shalt  }
0x45: {  	_ =	shalt  }
0x46: {  	_ =	shalt  }
0x47: {  	_ =	shalt  }
0x48: {  	_ =	shalt  }
0x49: {  	_ =	shalt  }
0x4a: {  	_ =	shalt  }
0x4b: {  	_ =	shalt  }
0x4c: {  	_ =	shalt  }
0x4d: {  	_ =	shalt  }
0x4e: {  	_ =	shalt  }
0x4f: {  	_ =	shalt  }
0x50: {  	_ =	shalt  }
0x51: {  	_ =	shalt  }
0x52: {  	_ =	shalt  }
0x53: {  	_ =	shalt  }
0x54: {  	_ =	shalt  }
0x55: {  	_ =	shalt  }
0x56: {  	_ =	shalt  }
0x57: {  	_ =	shalt  }
0x58: {  	_ =	shalt  }
0x59: {  	_ =	shalt  }
0x5a: {  	_ =	shalt  }
0x5b: {  	_ =	shalt  }
0x5c: {  	_ =	shalt  }
0x5d: {  	_ =	shalt  }
0x5e: {  	_ =	shalt  }
0x5f: {  	_ =	shalt  }
0x60: {  	_ =	shalt  }
0x61: {  	_ =	shalt  }
0x62: {  	_ =	shalt  }
0x63: {  	_ =	shalt  }
0x64: {  	_ =	shalt  }
0x65: {  	_ =	shalt  }
0x66: {  	_ =	shalt  }
0x67: {  	_ =	shalt  }
0x68: {  	_ =	shalt  }
0x69: {  	_ =	shalt  }
0x6a: {  	_ =	shalt  }
0x6b: {  	_ =	shalt  }
0x6c: {  	_ =	shalt  }
0x6d: {  	_ =	shalt  }
0x6e: {  	_ =	shalt  }
0x6f: {  	_ =	shalt  }
0x70: {  	_ =	shalt  }
0x71: {  	_ =	shalt  }
0x72: {  	_ =	shalt  }
0x73: {  	_ =	shalt  }
0x74: {  	_ =	shalt  }
0x75: {  	_ =	shalt  }
0x76: {  	_ =	shalt  }
0x77: {  	_ =	shalt  }
0x78: {  	_ =	shalt  }
0x79: {  	_ =	shalt  }
0x7a: {  	_ =	shalt  }
0x7b: {  	_ =	shalt  }
0x7c: {  	_ =	shalt  }
0x7d: {  	_ =	shalt  }
0x7e: {  	_ =	shalt  }
0x7f: {  	_ =	shalt  }
0x80: {  	_ =	shalt  }
0x81: {  	_ =	shalt  }
0x82: {  	_ =	shalt  }
0x83: {  	_ =	shalt  }
0x84: {  	_ =	shalt  }
0x85: {  	_ =	shalt  }
0x86: {  	_ =	shalt  }
0x87: {  	_ =	shalt  }
.Lfunc_end0:
.L_simem_size_0:
called_computation_lowered:
.L_overlay_start_0:
0x88: {  	s2 =	sld [smem:$0x3FD9]  }
0x89: {  	s3 =	sld [smem:$0x3FFE];
	_ =	sdelay $0x1  }
0x8a: {  	s1 =	srdreg.scid  }
0x8b: {  	s0 =	sand.u32 $0x1, s1  }
0x8c: {  	s17 =	sshll.u32 s0, $0xA;
	s2 =	sadd.s32 s3, s2  }
0x8d: {  	s2 =	sadd.s32 s2, s17  }
0x8e: {  	[smem:$0x3FBE] =	sst s2  }
0x8f: {  	_ = 	snop  }
0x90: {  	s2 =	sld [smem:$0x3FD0];
	(tm) =	ssettm $0x1  }
0x91: {  	s18 =	sld [smem:$0x3FFB];
	_ =	sdelay $0x3  }
0x92: {  	_ =	strace s18  }
0x93: {  	s3 =	sld [smem:$0x3FFC];
	_ =	sdelay $0x3  }
0x94: {  	_ =	strace s3  }
0x95: {  	s3 =	sld [smem:$0x3FFD];
	_ =	sdelay $0x3  }
0x96: {  	_ =	strace s3  }
0x97: {  	_ =	strace $0x8FFFFFFF  }
0x98: {  	s19 =	sld [smem:$0x3FDB];
	_ =	sdelay $0x1  }
0x99: {  	s4 =	simm.s32 $_scs_section_size  }
0x9a: {  	s5 =	simm.s32 $_size__tile_overlayer_lowered;
	s6 =	simm.s32 $_tile_overlayer_lowered  }
0x9b: {  	s22 =	simm.s32 $0x1BFF;
	s21 =	sshll.u32 s6, $0x1;
	s3 =	sadd.s32 s4, s19  }
0x9c: {  	s7 =	simm.s32 $0x0;
	s20 =	sshll.u32 s5, $0x1;
	s5 =	sadd.s32 s21, s3  }
0x9d: {  	[timem:s7], [sflag:s22] =	dma.local [hbm:s5], s20  }
0x9e: {  	_ =	swait.ge [sflag:s22], s20  }
0x9f: {  	s4 =	ssub.s32 $0x0, s20;
	[sflag:s22] =	ssyncset.done $0x0  }
0xa0: {  	[sflag:s22] =	ssyncadd.s32 s4;
	_ =	sdelay $0x1  }
0xa1: {  	s23 =	simm.s32 $0x1B8B  }
0xa2: {  	_ =	swait.ge [sflag:s23], $0x1  }
0xa3: {  	[sflag:s23] =	ssyncset.done $0x0  }
0xa4: {  	s25 =	simm.s32 $0x1B8E;
	s24 =	sld [smem:$0x3FFE];
	[sflag:s23] =	ssyncadd.s32 $0xFFFFFFFF  }
0xa5: {  	s26 =	simm.s32 $execute0_lowered;
	[smem:$0x3FD2] =	sst s25  }
0xa6: {  	s5 =	sshll.u32 s26, $0x1;
	_ =	strace $0x80000046;
	[dreg:$0x1] =	wrdreg $0xFFFFFFFF  }
0xa7: {  	s28 =	simm.s32 $_size_execute0_lowered;
	s3 =	sadd.s32 s3, s5;
	[dreg:$0x0] =	wrdreg $0x0  }
0xa8: {  	s5 =	sshll.u32 s28, $0x1;
	[dreg:$0x2] =	wrdreg s3  }
0xa9: {  	[dreg:$0x3] =	wrdreg s5  }
0xaa: {  	[dreg:$0x4] =	wrdreg $0xC0  }
0xab: {  	_ =	task [dreg:s7], $0x5FFFF  }
0xac: {  	[dreg:$0x1] =	wrdreg $0xFFFFFFFF  }
0xad: {  	[dreg:$0x0] =	wrdreg $0x60  }
0xae: {  	[dreg:$0x2] =	wrdreg s24  }
0xaf: {  	[dreg:$0x3] =	wrdreg s2  }
0xb0: {  	[dreg:$0x4] =	wrdreg $0x4C400  }
0xb1: {  	[dreg:$0x5] =	wrdreg $0x9  }
0xb2: {  	_ =	task.clear_ibuf [dreg:s7], $0x6FFFF;
	_ =	strace $0x90000046  }
0xb3: {  	s29 =	simm.s32 $0x9;
	_ =	strace $0x80000048  }
0xb4: {  	_ =	swait.ge [sflag:s29], $0x1  }
0xb5: {  	[sflag:s29] =	ssyncadd.s32 $0xFFFFFFFF  }
0xb6: {  	_ =	strace $0x90000048  }
0xb7: {  	_ =	sfence  }
0xb8: {  	s30 =	sld [smem:$0x0];
	_ =	sdelay $0x2  }
0xb9: {  	s31 =	sshll.u32 s1, $0xD;
	s1 =	sshrl.u32 s1, $0x2  }
0xba: {  	s3 =	sand.u32 $0x4000, s31;
	s1 =	sadd.s32 s1, s30  }
0xbb: {  	s0 =	sor.u32 s3, s0;
	s1 =	sshll.u32 s1, $0x11  }
0xbc: {  	s0 =	sor.u32 s1, s0  }
0xbd: {  	s0 =	sadd.s32 $0x8F2B, s0  }
0xbe: {  	[sflag:s0] =	ssyncadd.remote.s32 $0x1  }
0xbf: {  	_ =	sfence.sel $0xFFFF  }
0xc0: {  	[dreg:$0x0] =	wrdreg $0xFFFFFFFF;
	(pc) =	sbr.abs _section_cstart, $3  }
0xc1: {  	[dreg:$0x1] =	wrdreg $0xFFFFFFFF  }
0xc2: {  	_ =	task.clear_ibuf [dreg:s7], $0x2FFFF;
	_ =	strace $0x9FFFFFFF  }
0xc3: {  	(tm) =	ssettm $0x7FFFFFFF  }
tec
execute0_lowered:
.L_overlay_start_1:
0x0: {  	(tag) =	ssettag $0x1  }
0x1: {  	s0 =	rddreg [dreg:$0x0]  }
0x2: {  	s1 =	rddreg [dreg:$0x1]  }
0x3: {  	s3 =	srdreg.scid;
	s11 =	stileid.u32  }
0x4: {  	s2 =	rddreg [dreg:$0x2];
	s6 =	simm.s32 $0x0;
	s12 =	simm.s32 $0x2  }
0x5: {  	s13 =	simm.s32 $0x3800;
	s14 =	simm.s32 $0x80;
	s18 =	simm.s32 $0x3880  }
0x6: {  	s16 =	simm.s32 $0x800;
	s20 =	simm.s32 $0x1000;
	s4 =	smul.u32 $0xC800, s11  }
0x7: {  	s21 =	simm.s32 $0x3980;
	s22 =	simm.s32 $0x1800;
	s24 =	smul.u32 $0x6200, s11  }
0x8: {  	s23 =	simm.s32 $0x3A00;
	s31 =	simm.s32 $0x3B00;
	s8 =	smul.u32 $0xC40, s11  }
0x9: {  	s28 =	simm.s32 $0x1;
	s3 =	sand.u32 $0x1, s3;
	s11 =	smul.u32 $0x620, s11  }
0xa: {  	s29 =	simm.s32 $0x3B80;
	[smem:$0x7FF] =	sst s6;
	s5 =	smul.u32 $0x6400, s3  }
0xb: {  	s30 =	simm.s32 $0x3F80;
	_ =	strace $0x80000047;
	s10 =	smul.u32 $0x3100, s3  }
0xc: {  	s7 =	ssub.s32 $0x2, s3;
	p0 =	seq.s32 s3, $0x1;
	s3 =	smul.u32 $0x310, s3  }
0xd: {  	s9 =	sshrl.u32 s7, $0x1;
	s15 =	sadd.s32 s8, s2;
	s8 =	sshrl.u32 s8, $0x3  }
0xe: {  	s1 =	sadd.s32 s11, s1;
	s11 =	simm.s32 $0x3900;
	s4 =	sadd.s32 s5, s4  }
0xf: {  	s5 =	sadd.s32 s24, s0;
	s7 =	ssub.s32 s7, s9;
	s9 =	simm.s32 $0x36400  }
0x10: {  	s24 =	simm.s32 $0x2000;
	[dreg:$0x4] =	wrdreg s15;
	s25 =	sshrl.u32 s4, $0x3  }
0x11: {  	s4 =	sadd.s32 $0x189400, s0;
	s9 =	simm.s32 @!p0 $0x34A00;
	s7 =	smax.u32 s7, $0x1  }
0x12: {  	s26 =	sadd.s32 s10, s5;
	s5 =	simm.s32 $0x3F00;
	s6 =	sadd.s32 s25, s0  }
0x13: {  	[dreg:$0x5] =	wrdreg s7;
	s0 =	sadd.s32 s9, s0;
	s9 =	sadd.s32 s3, s1  }
0x14: {  	s25 =	simm.s32 $0x3A80;
	s1 =	simm.s32 $0x3000;
	s7 =	simm.s32 $0x3E80  }
0x15: {  	s0 =	sadd.s32 s0, s8;
	s10 =	sadd.s32 $0x2A00, s6;
	s6 =	simm.s32 $0x3E00  }
0x16: {  	s8 =	simm.s32 $0x0;
	[dreg:$0x6] =	wrdreg s0;
	s0 =	sadd.s32 $0x37E00, s26  }
0x17: {  	v0 =	vimm.f32 $0.0e+00;
	v1 =	vimm.f32 $1.000000000e+00;
	s26 =	simm.s32 $0x2800;
	[dreg:$0x7] =	wrdreg s0;
	s0 =	simm.s32 $0x3D80  }
.LBB2_1:
0x18: {  	[dreg:$0x8] =	wrdreg s8;
	s3 =	simm.s32 $0x40;
	s8 =	simm.s32 $0x0  }
.LBB2_2:
0x19: {  	p0 =	sne.s32 s3, $0x30C0;
	[tilespmem:s8+$0x4000] =	vst v0;
	s8 =	smov.u32 s3;
	s3 =	sadd.s32 $0x40, s3  }
.Ltmp0:
0x1a: {  	(pc) =	sbr.rel @p0 .LBB2_2-.Ltmp0, $2  }
0x1b: {  	_ =	sdelay $0x2  }
0x1c: {  	s8 =	sshra.s32 s8, $0x2  }
0x1d: {  	[tilespmem:s8+$0x4000] =	vst v0  }
0x1e: {  	[tilespmem:$0x3F80] =	vst v1  }
0x1f: {  	[tilespmem:$0x3F90] =	vst v1  }
0x20: {  	[tilespmem:$0x3FA0] =	vst v1  }
0x21: {  	[tilespmem:$0x3FB0] =	vst v1  }
0x22: {  	[tilespmem:$0x3FC0] =	vst v1  }
0x23: {  	[tilespmem:$0x3FD0] =	vst v1  }
0x24: {  	[tilespmem:$0x3FE0] =	vst v1  }
0x25: {  	s3 =	simm.s32 $0x4000;
	[tilespmem:$0x3FF0] =	vst v1  }
0x26: {  	[spmem:s15] =	stream.linear.scatter [tilespmem:s3], [sflag:$0x2], $0xC40, $0x38;
	[tilespmem:$0x5880] =	vst v63  }
0x27: {  	_ =	swait.ge [sflag:s12], $0xC40  }
0x28: {  	[sflag:s12] =	ssyncset.done $0x0  }
0x29: {  	[sflag:s12] =	ssyncadd.s32 $0xFFFFF3C0  }
0x2a: {  	s8 =	simm.s32 $0x0;
	s17 =	sadd.s32 $0x0, s9;
	[bflag:$0x0] =	sbarrier.arrive $0xFFFF  }
0x2b: {  	[tilespmem:s13], [sflag:$0x2] =	stream.linear.gather [hbm4b:s17+s8], $0x380, $0x38;
	[tilespmem:$0x5880] =	vst v63  }
0x2c: {  	_ =	swait.ge [sflag:s12], $0x380  }
0x2d: {  	[sflag:s12] =	ssyncset.done $0x0  }
0x2e: {  	[sflag:s12] =	ssyncadd.s32 $0xFFFFFC80  }
0x2f: {  	[tilespmem:s8], [sflag:$0x1] =	stream.indirect.gather [hbm4b:s4+s14], $0x10, s13, s14, $0xb8;
	[tilespmem:$0x5880] =	vst v63  }
0x30: {  	_ = 	snop  }
0x31: {  	[tilespmem:s16], [sflag:$0x1] =	stream.indirect.gather [hbm4b:s4+s14], $0x10, s18, s14, $0xb8;
	[tilespmem:$0x5880] =	vst v63  }
0x32: {  	_ = 	snop  }
0x33: {  	[tilespmem:s20], [sflag:$0x1] =	stream.indirect.gather [hbm4b:s4+s14], $0x10, s11, s14, $0xb8;
	[tilespmem:$0x5880] =	vst v63  }
0x34: {  	_ = 	snop  }
0x35: {  	[tilespmem:s22], [sflag:$0x1] =	stream.indirect.gather [hbm4b:s4+s14], $0x10, s21, s14, $0xb8;
	[tilespmem:$0x5880] =	vst v63  }
0x36: {  	_ = 	snop  }
0x37: {  	[tilespmem:s24], [sflag:$0x1] =	stream.indirect.gather [hbm4b:s4+s14], $0x10, s23, s14, $0xb8;
	[tilespmem:$0x5880] =	vst v63  }
0x38: {  	_ = 	snop  }
0x39: {  	[tilespmem:s26], [sflag:$0x1] =	stream.indirect.gather [hbm4b:s4+s14], $0x10, s25, s14, $0xb8;
	[tilespmem:$0x5880] =	vst v63  }
0x3a: {  	_ = 	snop  }
0x3b: {  	[tilespmem:s1], [sflag:$0x1] =	stream.indirect.gather [hbm4b:s4+s14], $0x10, s31, s14, $0xb8;
	[tilespmem:$0x5880] =	vst v63  }
0x3c: {  	_ =	swait.ge [sflag:s28], $0x800  }
0x3d: {  	[sflag:s28] =	ssyncset.done $0x0  }
0x3e: {  	[sflag:s28] =	ssyncadd.s32 $0xFFFFF800  }
0x3f: {  	_ =	swait.ge [sflag:s28], $0x800  }
0x40: {  	[sflag:s28] =	ssyncset.done $0x0  }
0x41: {  	[sflag:s28] =	ssyncadd.s32 $0xFFFFF800  }
0x42: {  	_ =	swait.ge [sflag:s28], $0x800  }
0x43: {  	[sflag:s28] =	ssyncset.done $0x0  }
0x44: {  	[sflag:s28] =	ssyncadd.s32 $0xFFFFF800  }
0x45: {  	_ =	swait.ge [sflag:s28], $0x800  }
0x46: {  	[sflag:s28] =	ssyncset.done $0x0  }
0x47: {  	[sflag:s28] =	ssyncadd.s32 $0xFFFFF800  }
0x48: {  	_ =	swait.ge [sflag:s28], $0x800  }
0x49: {  	[sflag:s28] =	ssyncset.done $0x0  }
0x4a: {  	[sflag:s28] =	ssyncadd.s32 $0xFFFFF800  }
0x4b: {  	s19 =	simm.s32 $0x800;
	_ =	swait.ge [sflag:s28], $0x800  }
0x4c: {  	s15 =	simm.s32 $0x70;
	s16 =	simm.s32 $0xE0;
	[sflag:s28] =	ssyncset.done $0x0  }
0x4d: {  	s11 =	simm.s32 $0x3000;
	s20 =	simm.s32 $0x3900;
	[sflag:s28] =	ssyncadd.s32 $0xFFFFF800  }
0x4e: {  	s22 =	simm.s32 $0x3980;
	s21 =	simm.s32 $0x1000;
	_ =	swait.ge [sflag:s28], $0x800  }
0x4f: {  	s24 =	simm.s32 $0x3A00;
	s23 =	simm.s32 $0x1800;
	[sflag:s28] =	ssyncset.done $0x0  }
0x50: {  	s26 =	simm.s32 $0x3A80;
	s18 =	rddreg [dreg:$0x7];
	[sflag:s28] =	ssyncadd.s32 $0xFFFFF800  }
0x51: {  	[hbm4b:s18+s8] =	stream.linear.scatter [tilespmem:s8], [sflag:$0x2], $0x3800, $0x38;
	[tilespmem:$0x5880] =	vst v63  }
0x52: {  	s25 =	simm.s32 $0x2000;
	s1 =	simm.s32 $0x3B00;
	_ =	swait.ge [sflag:s12], $0x3800  }
0x53: {  	s31 =	simm.s32 $0x2800;
	s3 =	sadd.s32 $0x700, s18;
	[sflag:s12] =	ssyncset.done $0x0  }
.LBB2_4:
0x54: {  	s18 =	sadd.s32 s15, s9  }
0x55: {  	[sflag:s12] =	ssyncadd.s32 $0xFFFFC800;
	s15 =	smov.u32 s16;
	s17 =	sadd.s32 $0x70, s16  }
0x56: {  	[tilespmem:s13], [sflag:$0x2] =	stream.linear.gather [hbm4b:s18+s8], $0x380, $0x38;
	[tilespmem:$0x5880] =	vst v63  }
0x57: {  	s18 =	simm.s32 $0x3880  }
0x58: {  	p0 =	sne.s32 s16, $0x2A0;
	_ =	swait.ge [sflag:s12], $0x380  }
0x59: {  	[sflag:s12] =	ssyncset.done $0x0  }
0x5a: {  	[sflag:s12] =	ssyncadd.s32 $0xFFFFFC80  }
0x5b: {  	[tilespmem:s8], [sflag:$0x1] =	stream.indirect.gather [hbm4b:s4+s14], $0x10, s13, s14, $0xb8;
	[tilespmem:$0x5880] =	vst v63  }
0x5c: {  	_ = 	snop  }
0x5d: {  	[tilespmem:s19], [sflag:$0x1] =	stream.indirect.gather [hbm4b:s4+s14], $0x10, s18, s14, $0xb8;
	[tilespmem:$0x5880] =	vst v63  }
0x5e: {  	_ = 	snop  }
0x5f: {  	[tilespmem:s21], [sflag:$0x1] =	stream.indirect.gather [hbm4b:s4+s14], $0x10, s20, s14, $0xb8;
	[tilespmem:$0x5880] =	vst v63  }
0x60: {  	_ = 	snop  }
0x61: {  	[tilespmem:s23], [sflag:$0x1] =	stream.indirect.gather [hbm4b:s4+s14], $0x10, s22, s14, $0xb8;
	[tilespmem:$0x5880] =	vst v63  }
0x62: {  	_ = 	snop  }
0x63: {  	[tilespmem:s25], [sflag:$0x1] =	stream.indirect.gather [hbm4b:s4+s14], $0x10, s24, s14, $0xb8;
	[tilespmem:$0x5880] =	vst v63  }
0x64: {  	_ = 	snop  }
0x65: {  	[tilespmem:s31], [sflag:$0x1] =	stream.indirect.gather [hbm4b:s4+s14], $0x10, s26, s14, $0xb8;
	[tilespmem:$0x5880] =	vst v63  }
0x66: {  	_ = 	snop  }
0x67: {  	[tilespmem:s11], [sflag:$0x1] =	stream.indirect.gather [hbm4b:s4+s14], $0x10, s1, s14, $0xb8;
	[tilespmem:$0x5880] =	vst v63  }
0x68: {  	_ =	swait.ge [sflag:s28], $0x800  }
0x69: {  	[sflag:s28] =	ssyncset.done $0x0  }
0x6a: {  	[sflag:s28] =	ssyncadd.s32 $0xFFFFF800  }
0x6b: {  	_ =	swait.ge [sflag:s28], $0x800  }
0x6c: {  	[sflag:s28] =	ssyncset.done $0x0  }
0x6d: {  	[sflag:s28] =	ssyncadd.s32 $0xFFFFF800  }
0x6e: {  	_ =	swait.ge [sflag:s28], $0x800  }
0x6f: {  	[sflag:s28] =	ssyncset.done $0x0  }
0x70: {  	[sflag:s28] =	ssyncadd.s32 $0xFFFFF800  }
0x71: {  	_ =	swait.ge [sflag:s28], $0x800  }
0x72: {  	[sflag:s28] =	ssyncset.done $0x0  }
0x73: {  	[sflag:s28] =	ssyncadd.s32 $0xFFFFF800  }
0x74: {  	_ =	swait.ge [sflag:s28], $0x800  }
0x75: {  	[sflag:s28] =	ssyncset.done $0x0  }
0x76: {  	[sflag:s28] =	ssyncadd.s32 $0xFFFFF800  }
0x77: {  	_ =	swait.ge [sflag:s28], $0x800  }
0x78: {  	[sflag:s28] =	ssyncset.done $0x0  }
0x79: {  	[sflag:s28] =	ssyncadd.s32 $0xFFFFF800  }
0x7a: {  	_ =	swait.ge [sflag:s28], $0x800  }
.Ltmp1:
0x7b: {  	[sflag:s28] =	ssyncset.done $0x0;
	(pc) =	sbr.rel @p0 .LBB2_4-.Ltmp1, $4  }
0x7c: {  	[sflag:s28] =	ssyncadd.s32 $0xFFFFF800  }
0x7d: {  	[hbm4b:s3+s8] =	stream.linear.scatter [tilespmem:s8], [sflag:$0x2], $0x3800, $0x38;
	[tilespmem:$0x5880] =	vst v63  }
0x7e: {  	_ =	swait.ge [sflag:s12], $0x3800  }
0x7f: {  	s16 =	smov.u32 s17;
	s3 =	sadd.s32 $0x700, s3;
	[sflag:s12] =	ssyncset.done $0x0  }
0x80: {  	s15 =	sadd.s32 s15, s9;
	[sflag:s12] =	ssyncadd.s32 $0xFFFFC800  }
0x81: {  	[tilespmem:s13], [sflag:$0x2] =	stream.linear.gather [hbm4b:s15+s8], $0x380, $0x38;
	[tilespmem:$0x5880] =	vst v63  }
0x82: {  	_ =	swait.ge [sflag:s12], $0x380  }
0x83: {  	[sflag:s12] =	ssyncset.done $0x0  }
0x84: {  	[sflag:s12] =	ssyncadd.s32 $0xFFFFFC80  }
0x85: {  	[tilespmem:s8], [sflag:$0x1] =	stream.indirect.gather [hbm4b:s4+s14], $0x10, s13, s14, $0xb8;
	[tilespmem:$0x5880] =	vst v63  }
0x86: {  	_ = 	snop  }
0x87: {  	[tilespmem:s19], [sflag:$0x1] =	stream.indirect.gather [hbm4b:s4+s14], $0x10, s18, s14, $0xb8;
	[tilespmem:$0x5880] =	vst v63  }
0x88: {  	_ = 	snop  }
0x89: {  	[tilespmem:s21], [sflag:$0x1] =	stream.indirect.gather [hbm4b:s4+s14], $0x10, s20, s14, $0xb8;
	[tilespmem:$0x5880] =	vst v63  }
0x8a: {  	_ = 	snop  }
0x8b: {  	[tilespmem:s23], [sflag:$0x1] =	stream.indirect.gather [hbm4b:s4+s14], $0x10, s22, s14, $0xb8;
	[tilespmem:$0x5880] =	vst v63  }
0x8c: {  	_ = 	snop  }
0x8d: {  	[tilespmem:s25], [sflag:$0x1] =	stream.indirect.gather [hbm4b:s4+s14], $0x10, s24, s14, $0xb8;
	[tilespmem:$0x5880] =	vst v63  }
0x8e: {  	_ = 	snop  }
0x8f: {  	[tilespmem:s31], [sflag:$0x1] =	stream.indirect.gather [hbm4b:s4+s14], $0x10, s26, s14, $0xb8;
	[tilespmem:$0x5880] =	vst v63  }
0x90: {  	_ = 	snop  }
0x91: {  	[tilespmem:s11], [sflag:$0x1] =	stream.indirect.gather [hbm4b:s4+s14], $0x10, s1, s14, $0xb8;
	[tilespmem:$0x5880] =	vst v63  }
0x92: {  	_ =	swait.ge [sflag:s28], $0x800  }
0x93: {  	[sflag:s28] =	ssyncset.done $0x0  }
0x94: {  	[sflag:s28] =	ssyncadd.s32 $0xFFFFF800  }
0x95: {  	_ =	swait.ge [sflag:s28], $0x800  }
0x96: {  	[sflag:s28] =	ssyncset.done $0x0  }
0x97: {  	[sflag:s28] =	ssyncadd.s32 $0xFFFFF800  }
0x98: {  	_ =	swait.ge [sflag:s28], $0x800  }
0x99: {  	[sflag:s28] =	ssyncset.done $0x0  }
0x9a: {  	[sflag:s28] =	ssyncadd.s32 $0xFFFFF800  }
0x9b: {  	_ =	swait.ge [sflag:s28], $0x800  }
0x9c: {  	[sflag:s28] =	ssyncset.done $0x0  }
0x9d: {  	[sflag:s28] =	ssyncadd.s32 $0xFFFFF800  }
0x9e: {  	_ =	swait.ge [sflag:s28], $0x800  }
0x9f: {  	[sflag:s28] =	ssyncset.done $0x0  }
0xa0: {  	[sflag:s28] =	ssyncadd.s32 $0xFFFFF800  }
0xa1: {  	_ =	swait.ge [sflag:s28], $0x800  }
0xa2: {  	[sflag:s28] =	ssyncset.done $0x0  }
0xa3: {  	[sflag:s28] =	ssyncadd.s32 $0xFFFFF800  }
0xa4: {  	_ =	swait.ge [sflag:s28], $0x800  }
0xa5: {  	[sflag:s28] =	ssyncset.done $0x0  }
0xa6: {  	[sflag:s28] =	ssyncadd.s32 $0xFFFFF800  }
0xa7: {  	[hbm4b:s3+s8] =	stream.linear.scatter [tilespmem:s8], [sflag:$0x2], $0x3800, $0x38;
	[tilespmem:$0x5880] =	vst v63  }
0xa8: {  	_ =	swait.ge [sflag:s12], $0x3800  }
0xa9: {  	[sflag:s12] =	ssyncset.done $0x0  }
0xaa: {  	s17 =	simm.s32 $0x0;
	s25 =	sadd.s32 $0x0, s10;
	[sflag:s12] =	ssyncadd.s32 $0xFFFFC800  }
0xab: {  	[tilespmem:s29], [sflag:$0x2] =	stream.linear.gather [hbm4b:s25+s17], $0x400, $0x38;
	[tilespmem:$0x5880] =	vst v63  }
0xac: {  	_ =	swait.ge [sflag:s12], $0x400  }
0xad: {  	[sflag:s12] =	ssyncset.done $0x0  }
0xae: {  	[sflag:s12] =	ssyncadd.s32 $0xFFFFFC00  }
0xaf: {  	[spmem:s2] =	stream.indirect.scatter.add.f32 [tilespmem:s30], [sflag:$0x2], $0x1, s29, s14, $0xb8;
	[tilespmem:$0x5880] =	vst v63  }
0xb0: {  	_ =	swait.ge [sflag:s12], $0x80  }
0xb1: {  	[sflag:s12] =	ssyncset.done $0x0  }
0xb2: {  	s11 =	simm.s32 $0x3C00;
	[sflag:s12] =	ssyncadd.s32 $0xFFFFFF80  }
0xb3: {  	[spmem:s2] =	stream.indirect.scatter.add.f32 [tilespmem:s30], [sflag:$0x2], $0x1, s11, s14, $0xb8;
	[tilespmem:$0x5880] =	vst v63  }
0xb4: {  	_ =	swait.ge [sflag:s12], $0x80  }
0xb5: {  	[sflag:s12] =	ssyncset.done $0x0  }
0xb6: {  	s26 =	simm.s32 $0x3C80;
	[sflag:s12] =	ssyncadd.s32 $0xFFFFFF80  }
0xb7: {  	[spmem:s2] =	stream.indirect.scatter.add.f32 [tilespmem:s30], [sflag:$0x2], $0x1, s26, s14, $0xb8;
	[tilespmem:$0x5880] =	vst v63  }
0xb8: {  	_ =	swait.ge [sflag:s12], $0x80  }
0xb9: {  	[sflag:s12] =	ssyncset.done $0x0  }
0xba: {  	s19 =	simm.s32 $0x3D00;
	[sflag:s12] =	ssyncadd.s32 $0xFFFFFF80  }
0xbb: {  	[spmem:s2] =	stream.indirect.scatter.add.f32 [tilespmem:s30], [sflag:$0x2], $0x1, s19, s14, $0xb8;
	[tilespmem:$0x5880] =	vst v63  }
0xbc: {  	_ =	swait.ge [sflag:s12], $0x80  }
0xbd: {  	[sflag:s12] =	ssyncset.done $0x0  }
0xbe: {  	[sflag:s12] =	ssyncadd.s32 $0xFFFFFF80  }
0xbf: {  	[spmem:s2] =	stream.indirect.scatter.add.f32 [tilespmem:s30], [sflag:$0x2], $0x1, s0, s14, $0xb8;
	[tilespmem:$0x5880] =	vst v63  }
0xc0: {  	_ =	swait.ge [sflag:s12], $0x80  }
0xc1: {  	[sflag:s12] =	ssyncset.done $0x0  }
0xc2: {  	[sflag:s12] =	ssyncadd.s32 $0xFFFFFF80  }
0xc3: {  	[spmem:s2] =	stream.indirect.scatter.add.f32 [tilespmem:s30], [sflag:$0x2], $0x1, s6, s14, $0xb8;
	[tilespmem:$0x5880] =	vst v63  }
0xc4: {  	_ =	swait.ge [sflag:s12], $0x80  }
0xc5: {  	[sflag:s12] =	ssyncset.done $0x0  }
0xc6: {  	s15 =	simm.s32 $0x100;
	[sflag:s12] =	ssyncadd.s32 $0xFFFFFF80  }
0xc7: {  	[spmem:s2] =	stream.indirect.scatter.add.f32 [tilespmem:s30], [sflag:$0x2], $0x1, s7, s14, $0xb8;
	[tilespmem:$0x5880] =	vst v63  }
0xc8: {  	s20 =	simm.s32 $0x1000;
	s21 =	simm.s32 $0x3980;
	_ =	swait.ge [sflag:s12], $0x80  }
0xc9: {  	s22 =	simm.s32 $0x1800;
	s23 =	simm.s32 $0x3A00;
	[sflag:s12] =	ssyncset.done $0x0  }
0xca: {  	s24 =	simm.s32 $0x2000;
	s31 =	simm.s32 $0x3B00;
	[sflag:s12] =	ssyncadd.s32 $0xFFFFFF80  }
0xcb: {  	[spmem:s2] =	stream.indirect.scatter.add.f32 [tilespmem:s30], [sflag:$0x2], $0x1, s5, s14, $0xb8;
	[tilespmem:$0x5880] =	vst v63  }
0xcc: {  	s1 =	simm.s32 $0x3000;
	s3 =	simm.s32 $0x80;
	_ =	swait.ge [sflag:s12], $0x80  }
0xcd: {  	s25 =	simm.s32 $0x3A80;
	s26 =	simm.s32 $0x2800;
	[sflag:s12] =	ssyncset.done $0x0  }
.LBB2_6:
0xce: {  	s16 =	sadd.s32 s3, s10  }
0xcf: {  	[sflag:s12] =	ssyncadd.s32 $0xFFFFFF80;
	s3 =	smov.u32 s15;
	s8 =	sadd.s32 $0x80, s15  }
0xd0: {  	[tilespmem:s29], [sflag:$0x2] =	stream.linear.gather [hbm4b:s16+s17], $0x400, $0x38;
	[tilespmem:$0x5880] =	vst v63  }
0xd1: {  	s16 =	simm.s32 $0x3C80  }
0xd2: {  	p0 =	sne.s32 s15, $0xC00;
	_ =	swait.ge [sflag:s12], $0x400  }
0xd3: {  	[sflag:s12] =	ssyncset.done $0x0  }
0xd4: {  	[sflag:s12] =	ssyncadd.s32 $0xFFFFFC00  }
0xd5: {  	[spmem:s2] =	stream.indirect.scatter.add.f32 [tilespmem:s30], [sflag:$0x2], $0x1, s29, s14, $0xb8;
	[tilespmem:$0x5880] =	vst v63  }
0xd6: {  	_ =	swait.ge [sflag:s12], $0x80  }
0xd7: {  	[sflag:s12] =	ssyncset.done $0x0  }
0xd8: {  	[sflag:s12] =	ssyncadd.s32 $0xFFFFFF80  }
0xd9: {  	[spmem:s2] =	stream.indirect.scatter.add.f32 [tilespmem:s30], [sflag:$0x2], $0x1, s11, s14, $0xb8;
	[tilespmem:$0x5880] =	vst v63  }
0xda: {  	_ =	swait.ge [sflag:s12], $0x80  }
0xdb: {  	[sflag:s12] =	ssyncset.done $0x0  }
0xdc: {  	[sflag:s12] =	ssyncadd.s32 $0xFFFFFF80  }
0xdd: {  	[spmem:s2] =	stream.indirect.scatter.add.f32 [tilespmem:s30], [sflag:$0x2], $0x1, s16, s14, $0xb8;
	[tilespmem:$0x5880] =	vst v63  }
0xde: {  	_ =	swait.ge [sflag:s12], $0x80  }
0xdf: {  	[sflag:s12] =	ssyncset.done $0x0  }
0xe0: {  	[sflag:s12] =	ssyncadd.s32 $0xFFFFFF80  }
0xe1: {  	[spmem:s2] =	stream.indirect.scatter.add.f32 [tilespmem:s30], [sflag:$0x2], $0x1, s19, s14, $0xb8;
	[tilespmem:$0x5880] =	vst v63  }
0xe2: {  	_ =	swait.ge [sflag:s12], $0x80  }
0xe3: {  	[sflag:s12] =	ssyncset.done $0x0  }
0xe4: {  	[sflag:s12] =	ssyncadd.s32 $0xFFFFFF80  }
0xe5: {  	[spmem:s2] =	stream.indirect.scatter.add.f32 [tilespmem:s30], [sflag:$0x2], $0x1, s0, s14, $0xb8;
	[tilespmem:$0x5880] =	vst v63  }
0xe6: {  	_ =	swait.ge [sflag:s12], $0x80  }
0xe7: {  	[sflag:s12] =	ssyncset.done $0x0  }
0xe8: {  	[sflag:s12] =	ssyncadd.s32 $0xFFFFFF80  }
0xe9: {  	[spmem:s2] =	stream.indirect.scatter.add.f32 [tilespmem:s30], [sflag:$0x2], $0x1, s6, s14, $0xb8;
	[tilespmem:$0x5880] =	vst v63  }
0xea: {  	_ =	swait.ge [sflag:s12], $0x80  }
0xeb: {  	[sflag:s12] =	ssyncset.done $0x0  }
0xec: {  	[sflag:s12] =	ssyncadd.s32 $0xFFFFFF80  }
0xed: {  	[spmem:s2] =	stream.indirect.scatter.add.f32 [tilespmem:s30], [sflag:$0x2], $0x1, s7, s14, $0xb8;
	[tilespmem:$0x5880] =	vst v63  }
0xee: {  	_ =	swait.ge [sflag:s12], $0x80  }
.Ltmp2:
0xef: {  	[sflag:s12] =	ssyncset.done $0x0;
	(pc) =	sbr.rel @p0 .LBB2_6-.Ltmp2, $4  }
0xf0: {  	[sflag:s12] =	ssyncadd.s32 $0xFFFFFF80  }
0xf1: {  	[spmem:s2] =	stream.indirect.scatter.add.f32 [tilespmem:s30], [sflag:$0x2], $0x1, s5, s14, $0xb8;
	[tilespmem:$0x5880] =	vst v63  }
0xf2: {  	_ =	swait.ge [sflag:s12], $0x80  }
0xf3: {  	s15 =	smov.u32 s8;
	[sflag:s12] =	ssyncset.done $0x0  }
0xf4: {  	s3 =	sadd.s32 s3, s10;
	[sflag:s12] =	ssyncadd.s32 $0xFFFFFF80  }
0xf5: {  	[tilespmem:s29], [sflag:$0x2] =	stream.linear.gather [hbm4b:s3+s17], $0x400, $0x38;
	[tilespmem:$0x5880] =	vst v63  }
0xf6: {  	_ =	swait.ge [sflag:s12], $0x400  }
0xf7: {  	[sflag:s12] =	ssyncset.done $0x0  }
0xf8: {  	[sflag:s12] =	ssyncadd.s32 $0xFFFFFC00  }
0xf9: {  	[spmem:s2] =	stream.indirect.scatter.add.f32 [tilespmem:s30], [sflag:$0x2], $0x1, s29, s14, $0xb8;
	[tilespmem:$0x5880] =	vst v63  }
0xfa: {  	_ =	swait.ge [sflag:s12], $0x80  }
0xfb: {  	[sflag:s12] =	ssyncset.done $0x0  }
0xfc: {  	[sflag:s12] =	ssyncadd.s32 $0xFFFFFF80  }
0xfd: {  	[spmem:s2] =	stream.indirect.scatter.add.f32 [tilespmem:s30], [sflag:$0x2], $0x1, s11, s14, $0xb8;
	[tilespmem:$0x5880] =	vst v63  }
0xfe: {  	_ =	swait.ge [sflag:s12], $0x80  }
0xff: {  	[sflag:s12] =	ssyncset.done $0x0  }
0x100: {  	[sflag:s12] =	ssyncadd.s32 $0xFFFFFF80  }
0x101: {  	[spmem:s2] =	stream.indirect.scatter.add.f32 [tilespmem:s30], [sflag:$0x2], $0x1, s16, s14, $0xb8;
	[tilespmem:$0x5880] =	vst v63  }
0x102: {  	_ =	swait.ge [sflag:s12], $0x80  }
0x103: {  	[sflag:s12] =	ssyncset.done $0x0  }
0x104: {  	[sflag:s12] =	ssyncadd.s32 $0xFFFFFF80  }
0x105: {  	[spmem:s2] =	stream.indirect.scatter.add.f32 [tilespmem:s30], [sflag:$0x2], $0x1, s19, s14, $0xb8;
	[tilespmem:$0x5880] =	vst v63  }
0x106: {  	_ =	swait.ge [sflag:s12], $0x80  }
0x107: {  	[sflag:s12] =	ssyncset.done $0x0  }
0x108: {  	[sflag:s12] =	ssyncadd.s32 $0xFFFFFF80  }
0x109: {  	[spmem:s2] =	stream.indirect.scatter.add.f32 [tilespmem:s30], [sflag:$0x2], $0x1, s0, s14, $0xb8;
	[tilespmem:$0x5880] =	vst v63  }
0x10a: {  	_ =	swait.ge [sflag:s12], $0x80  }
0x10b: {  	[sflag:s12] =	ssyncset.done $0x0  }
0x10c: {  	[sflag:s12] =	ssyncadd.s32 $0xFFFFFF80  }
0x10d: {  	[spmem:s2] =	stream.indirect.scatter.add.f32 [tilespmem:s30], [sflag:$0x2], $0x1, s6, s14, $0xb8;
	[tilespmem:$0x5880] =	vst v63  }
0x10e: {  	_ =	swait.ge [sflag:s12], $0x80  }
0x10f: {  	[sflag:s12] =	ssyncset.done $0x0  }
0x110: {  	[sflag:s12] =	ssyncadd.s32 $0xFFFFFF80  }
0x111: {  	[spmem:s2] =	stream.indirect.scatter.add.f32 [tilespmem:s30], [sflag:$0x2], $0x1, s7, s14, $0xb8;
	[tilespmem:$0x5880] =	vst v63  }
0x112: {  	_ =	swait.ge [sflag:s12], $0x80  }
0x113: {  	[sflag:s12] =	ssyncset.done $0x0  }
0x114: {  	[sflag:s12] =	ssyncadd.s32 $0xFFFFFF80  }
0x115: {  	[spmem:s2] =	stream.indirect.scatter.add.f32 [tilespmem:s30], [sflag:$0x2], $0x1, s5, s14, $0xb8;
	[tilespmem:$0x5880] =	vst v63  }
0x116: {  	_ =	swait.ge [sflag:s12], $0x80  }
0x117: {  	[sflag:s12] =	ssyncset.done $0x0  }
0x118: {  	[sflag:s12] =	ssyncadd.s32 $0xFFFFFF80  }
0x119: {  	s8 =	stileid.u32;
	[bflag:$0x0] =	sbarrier.arrive $0xFFFF  }
0x11a: {  	s3 =	sshll.u32 s8, $0x6;
	s15 =	rddreg [dreg:$0x4]  }
0x11b: {  	s3 =	sor.u32 $0x1C02, s3;
	s11 =	rddreg [dreg:$0x6];
	s8 =	sshrl.u32 s15, $0x3  }
0x11c: {  	[hbm:s11], [sflag:s3] =	dma.local [spmem:s8], $0x188  }
0x11d: {  	_ =	swait.ge [sflag:s12], $0x188  }
0x11e: {  	s17 =	rddreg [dreg:$0x8]  }
0x11f: {  	s19 =	rddreg [dreg:$0x5];
	s8 =	sadd.s32 $0x1, s17  }
0x120: {  	p0 =	sne.s32 s8, s19  }
.Ltmp3:
0x121: {  	_ = 	snop;
	(pc) =	sbr.rel @p0 .LBB2_1-.Ltmp3, $3  }
0x122: {  	_ =	sdelay $0x1  }
0x123: {  	[sflag:s12] =	ssyncset.done $0x0  }
0x124: {  	s16 =	simm.s32 $0x800;
	s11 =	simm.s32 $0x3900;
	[sflag:s12] =	ssyncadd.s32 $0xFFFFFE78  }
0x125: {  	_ =	sfence.sel $0x180000  }
0x126: {  	[bflag:$0x0] =	sbarrier.arrive $0xFFFF  }
0x127: {  	_ =	strace $0x90000047  }
0x128: {  	s0 =	stileid.u32;
	[bflag:$0x2] =	sbarrier.arrive $0xFFFF  }
0x129: {  	p0 =	sne.s32 s0, $0x0;
	s0 =	rddreg [dreg:$0x3]  }
0x12a: {  	s0 =	sadd.s32 @!p0 $0x100000, s0  }
0x12b: {  	[sflag:s0] =	ssyncadd.tile.s32 @!p0 $0x1;
	_ =	shalt  }
.Lfunc_end2:
_tile_overlayer_lowered:
.L_overlay_start_2:
0x12c: {  	(tag) =	ssettag $0x2  }
0x12d: {  	s0 =	rddreg [dreg:$0x0];
	s2 =	stileid.u32  }
0x12e: {  	s1 =	rddreg [dreg:$0x1];
	p0 =	sne.s32 s2, $0x0  }
0x12f: {  	s3 =	rddreg [dreg:$0x2];
	[bflag:$0x3] =	sbarrier.arrive $0xFFFF;
	s2 =	simm.s32 @!p0 $0x1C02  }
0x130: {  	[timem:s3], [sflag:s2] =	dma.local @!p0 [hbm:s0], s1  }
0x131: {  	s0 =	simm.s32 @!p0 $0x2  }
0x132: {  	_ =	swait.ge @!p0 [sflag:s0], s1  }
0x133: {  	s1 =	ssub.s32 @!p0 $0x0, s1;
	[sflag:s0] =	ssyncset.done @!p0 $0x0  }
0x134: {  	[sflag:s0] =	ssyncadd.s32 @!p0 s1  }
0x135: {  	[bflag:$0x3] =	sbarrier.arrive $0xFFFF  }
0x136: {  	_ =	shalt  }

</sc_bundles>
